<compile_context>
chip_gen: v7x
topology: tpu7x:2x2x1
jax: 0.10.2.dev20260603
libtpu: 0.0.44.dev20260713+nightly
codegen_flags: <defaults>
</compile_context>

<pallas_src>
import jax
import jax.numpy as jnp
from jax import lax
from jax.experimental import pallas as pl
from jax.experimental.pallas import tpu as pltpu
from jax.experimental.pallas import tpu_sc as plsc

N = 10000
FEAT = 256
HID = 64
LAT = 128
NPRED = 5
NCLS = 16

NP = 10240
CH = 128
NCORES = 2
NSUB = 16
RPT = NP // NSUB
BM = 400

PREC = lax.Precision.HIGHEST
F32 = jnp.float32
_INTERPRET = False



def _make_sc_scatter(F, n_edges_pad, gather, ch=CH, nbuf=2, split=None):
    total_ch = n_edges_pad // ch
    if split is None:
        n0 = n1 = total_ch // (2 * NSUB)
    else:
        n0, n1 = split
        assert (n0 + n1) * NSUB == total_ch
    nchmax = max(n0, n1)
    mesh = plsc.VectorSubcoreMesh(core_axis_name="c", subcore_axis_name="s",
                                  num_cores=NCORES, num_subcores=NSUB)

    def body(*refs):
        if gather:
            (srcm, dstm, rows_hbm, zrow, out, srcv, dstv, rowsv, acc,
             *sems) = refs
            zstage = rowsv.at[0]
        else:
            dstm, zrow, orow, out, dstv, rowsv, zstage, acc, *sems = refs
        c = lax.axis_index("c")
        s = lax.axis_index("s")
        tile_base = lax.select(c == 0, s * n0, NSUB * n0 + s * n1)
        pltpu.sync_copy(zrow, zstage)
        for j in range(RPT // ch):
            pltpu.sync_copy(zstage, acc.at[pl.ds(s * RPT + j * ch, ch)])
        if gather:
            pltpu.sync_copy(srcm.at[pl.ds(tile_base, nchmax)], srcv)
        pltpu.sync_copy(dstm.at[pl.ds(tile_base, nchmax)], dstv)
        if not gather:
            pltpu.sync_copy(orow, rowsv)
        plsc.subcore_barrier()

        if gather:
            def pipeline(ngrp):
                if ngrp == 0:
                    return
                for b in range(nbuf):
                    pltpu.async_copy(rows_hbm.at[srcv.at[b]], rowsv.at[b],
                                     sems[b])

                def grp(g, carry):
                    base = g * nbuf
                    for b in range(nbuf):
                        pltpu.make_async_copy(
                            rows_hbm.at[srcv.at[base + b]],
                            rowsv.at[b], sems[b]).wait()
                        pltpu.async_copy(rowsv.at[b],
                                         acc.at[dstv.at[base + b]],
                                         sems[nbuf + b], add=True)

                    @pl.when(g < ngrp - 1)
                    def _():
                        for b in range(nbuf):
                            pltpu.make_async_copy(
                                rowsv.at[b], acc.at[dstv.at[base + b]],
                                sems[nbuf + b]).wait()
                            pltpu.async_copy(
                                rows_hbm.at[srcv.at[base + nbuf + b]],
                                rowsv.at[b], sems[b])
                    return carry

                lax.fori_loop(0, ngrp, grp, 0)
                for b in range(nbuf):
                    pltpu.make_async_copy(rowsv.at[b], acc.at[dstv.at[b]],
                                          sems[nbuf + b]).wait()

            if n0 == n1:
                pipeline(n0 // nbuf)
            else:
                pl.when(c == 0)(lambda: pipeline(n0 // nbuf))
                pl.when(c == 1)(lambda: pipeline(n1 // nbuf))
        else:
            def firedrain(nc):
                if nc == 0:
                    return

                def chunk(i, carry):
                    pltpu.async_copy(rowsv, acc.at[dstv.at[i]], sems[0],
                                     add=True)
                    return carry

                lax.fori_loop(0, nc, chunk, 0)

                def drain(i, carry):
                    pltpu.make_async_copy(rowsv, acc.at[dstv.at[0]],
                                          sems[0]).wait()
                    return carry

                lax.fori_loop(0, nc, drain, 0)

            if n0 == n1:
                firedrain(n0)
            else:
                pl.when(c == 0)(lambda: firedrain(n0))
                pl.when(c == 1)(lambda: firedrain(n1))
        plsc.subcore_barrier()
        if gather:
            zstage = rowsv.at[0]
        for j in range(RPT // ch):
            pltpu.sync_copy(acc.at[pl.ds(s * RPT + j * ch, ch)], zstage)
            pltpu.sync_copy(zstage, out.at[c, pl.ds(s * RPT + j * ch, ch)])

    if gather:
        scratch = [
            pltpu.VMEM((nchmax, ch), jnp.int32),
            pltpu.VMEM((nchmax, ch), jnp.int32),
            pltpu.VMEM((nbuf, ch, F), F32),
            pltpu.VMEM_SHARED((NP, F), F32),
        ] + [pltpu.SemaphoreType.DMA] * (2 * nbuf)
    else:
        scratch = [
            pltpu.VMEM((nchmax, ch), jnp.int32),
            pltpu.VMEM((ch, F), F32),
            pltpu.VMEM((ch, F), F32),
            pltpu.VMEM_SHARED((NP, F), F32),
            pltpu.SemaphoreType.DMA,
        ]
    return pl.kernel(
        body,
        out_type=jax.ShapeDtypeStruct((NCORES, NP, F), F32),
        mesh=mesh,
        scratch_types=scratch,
        interpret=_INTERPRET,
    )



def _k1_body(degp, x, w, stats, xw, rows1):
    deg = degp[0, :, 0:1] + degp[1, :, 0:1] + 1.0
    dis = lax.rsqrt(deg)
    v = jnp.dot(x[...], w[...], preferred_element_type=F32, precision=PREC)
    xw[...] = v
    rows1[...] = dis * v
    stats[:, 0:1] = dis
    stats[:, 1:2] = 1.0 / deg


def _k2_body(p, xw, stats, be1, bc1, h_out, rows2):
    dis = stats[:, 0:1]
    selfw = stats[:, 1:2]
    pre = dis * (p[0] + p[1]) + selfw * xw[...]
    h_e1 = jnp.maximum(pre[:, :HID] + be1[...], 0.0)
    h_c1 = jnp.maximum(pre[:, HID:] + bc1[...], 0.0)
    h_out[:, :HID] = h_e1
    h_out[:, HID:] = h_c1
    rows2[:, :HID] = dis * h_e1
    rows2[:, HID:] = dis * h_c1


def _k3_body(p2, h, stats, we2, wc2, be2, bc2, wr, br, noise,
             g0, degree, cout):
    dis = stats[:, 0:1]
    selfw = stats[:, 1:2]
    t = dis * (p2[0] + p2[1]) + selfw * h[...]
    z = jnp.dot(t[:, :HID], we2[...], preferred_element_type=F32,
                precision=PREC)
    z = jnp.maximum(z + be2[...], 0.0)
    cc = jnp.dot(t[:, HID:], wc2[...], preferred_element_type=F32,
                 precision=PREC)
    cout[...] = jnp.maximum(cc + bc2[...], 0.0)
    tt = jnp.sum(z * wr[...], axis=1, keepdims=True) + br[...]
    degree[...] = NPRED * (1.0 / (1.0 + jnp.exp(-tt)))
    g0[...] = z + noise[...]


def _k4_body(g0, wg1, bg1, wg2, bg2, wgf, bgf, out):
    a = jnp.dot(g0[...], wg1[...], preferred_element_type=F32, precision=PREC)
    a = jnp.maximum(a + bg1[...], 0.0)
    b = jnp.dot(a, wg2[...], preferred_element_type=F32, precision=PREC)
    b = jnp.maximum(b + bg2[...], 0.0)
    g = jnp.dot(b, wgf[...], preferred_element_type=F32, precision=PREC)
    out[...] = jnp.tanh(g + bgf[...])


def _row_spec(f):
    return pl.BlockSpec((BM, f), lambda i: (i, 0))


def _full_spec(shape):
    return pl.BlockSpec(shape, lambda i: tuple(0 for _ in shape))


def _part_spec(f):
    return pl.BlockSpec((NCORES, BM, f), lambda i: (0, i, 0))



def kernel(x, edge_index, noise, W_e1, b_e1, W_e2, b_e2, W_r, b_r,
           W_g1, b_g1, W_g2, b_g2, W_gf, b_gf, W_c1, b_c1, W_c2, b_c2):
    E = edge_index.shape[1]
    lanes = NCORES * NSUB * CH
    EE = ((E + lanes - 1) // lanes) * lanes
    src = edge_index[0]
    dst = edge_index[1]
    pad = jnp.full((EE - E,), N, jnp.int32)
    srcp = jnp.concatenate([src, pad])
    dstp = jnp.concatenate([dst, pad])
    padrows = 128
    srcm = jnp.concatenate(
        [srcp.reshape(EE // CH, CH), jnp.full((padrows, CH), N, jnp.int32)])
    dstm = jnp.concatenate(
        [dstp.reshape(EE // CH, CH), jnp.full((padrows, CH), N, jnp.int32)])

    z128 = jnp.zeros((CH, LAT), F32)
    o128 = jnp.ones((CH, LAT), F32)

    degp = _make_sc_scatter(LAT, EE, gather=False)(dstm, z128, o128)

    grid = (N // BM,)
    wcat1 = jnp.concatenate([W_e1, W_c1], axis=1)
    stats, xw, rows1 = pl.pallas_call(
        _k1_body,
        grid=grid,
        interpret=_INTERPRET,
        in_specs=[_part_spec(LAT), _row_spec(FEAT), _full_spec((FEAT, LAT))],
        out_specs=[_row_spec(16), _row_spec(LAT), _row_spec(LAT)],
        out_shape=[jax.ShapeDtypeStruct((N, 16), F32),
                   jax.ShapeDtypeStruct((N, LAT), F32),
                   jax.ShapeDtypeStruct((NP, LAT), F32)],
    )(degp, x, wcat1)

    p1 = _make_sc_scatter(LAT, EE, gather=True)(srcm, dstm, rows1, z128)

    h, rows2 = pl.pallas_call(
        _k2_body,
        grid=grid,
        interpret=_INTERPRET,
        in_specs=[_part_spec(LAT), _row_spec(LAT), _row_spec(16),
                  _full_spec((1, HID)), _full_spec((1, HID))],
        out_specs=[_row_spec(LAT), _row_spec(LAT)],
        out_shape=[jax.ShapeDtypeStruct((N, LAT), F32),
                   jax.ShapeDtypeStruct((NP, LAT), F32)],
    )(p1, xw, stats, b_e1.reshape(1, HID), b_c1.reshape(1, HID))

    p2 = _make_sc_scatter(LAT, EE, gather=True)(srcm, dstm, rows2, z128)

    g0, degree, cout = pl.pallas_call(
        _k3_body,
        grid=grid,
        interpret=_INTERPRET,
        in_specs=[_part_spec(LAT), _row_spec(LAT), _row_spec(16),
                  _full_spec((HID, LAT)), _full_spec((HID, NCLS)),
                  _full_spec((1, LAT)), _full_spec((1, NCLS)),
                  _full_spec((1, LAT)), _full_spec((1, 1)), _row_spec(LAT)],
        out_specs=[_row_spec(LAT), _row_spec(1), _row_spec(NCLS)],
        out_shape=[jax.ShapeDtypeStruct((N, LAT), F32),
                   jax.ShapeDtypeStruct((N, 1), F32),
                   jax.ShapeDtypeStruct((N, NCLS), F32)],
    )(p2, h, stats, W_e2, W_c2, b_e2.reshape(1, LAT),
      b_c2.reshape(1, NCLS), W_r.reshape(1, LAT), b_r.reshape(1, 1), noise)

    gen_feat = pl.pallas_call(
        _k4_body,
        grid=grid,
        interpret=_INTERPRET,
        in_specs=[_row_spec(LAT), _full_spec((LAT, 256)), _full_spec((1, 256)),
                  _full_spec((256, 2048)), _full_spec((1, 2048)),
                  _full_spec((2048, NPRED * FEAT)),
                  _full_spec((1, NPRED * FEAT))],
        out_specs=[_row_spec(NPRED * FEAT)],
        out_shape=[jax.ShapeDtypeStruct((N, NPRED * FEAT), F32)],
    )(g0, W_g1, b_g1.reshape(1, 256), W_g2, b_g2.reshape(1, 2048),
      W_gf, b_gf.reshape(1, NPRED * FEAT))[0]

    return degree, gen_feat, cout

# --- scband reference (transcript-rebuilt; emitter-appended) ---
"""Pipeline reference for scband-local-sage-plus-27650999452054 (READ-ONLY COPY).

The authoritative reference and input builder live on the scoring server;
editing this copy changes nothing except your own understanding.
"""

import jax, jax.numpy as jnp
import numpy as np

N = 10000
E = 160000
FEAT = 256
HID = 64
LAT = 128
NPRED = 5
NCLS = 16


def _glorot(key, shape):
    lim = float(np.sqrt(6.0 / (shape[0] + shape[1])))
    return jax.random.uniform(key, shape, jnp.float32, -lim, lim)


def setup_inputs(seed: int = 0) -> dict:
    key = jax.random.key(seed)
    ks = jax.random.split(key, 20)
    return {
        "x": jax.random.normal(ks[0], (N, FEAT), jnp.float32),
        "edge_index": jax.random.randint(ks[1], (2, E), 0, N, jnp.int32),
        "noise": jax.random.normal(ks[2], (N, LAT), jnp.float32),
        # encoder GNN (GCNConv x2)
        "W_e1": _glorot(ks[3], (FEAT, HID)), "b_e1": jnp.zeros((HID,), jnp.float32),
        "W_e2": _glorot(ks[4], (HID, LAT)), "b_e2": jnp.zeros((LAT,), jnp.float32),
        # reg model
        "W_r": _glorot(ks[5], (LAT, 1)), "b_r": jnp.zeros((1,), jnp.float32),
        # generator
        "W_g1": _glorot(ks[6], (LAT, 256)), "b_g1": jnp.zeros((256,), jnp.float32),
        "W_g2": _glorot(ks[7], (256, 2048)), "b_g2": jnp.zeros((2048,), jnp.float32),
        "W_gf": _glorot(ks[8], (2048, NPRED * FEAT)), "b_gf": jnp.zeros((NPRED * FEAT,), jnp.float32),
        # classifier GNN (GCNConv x2)
        "W_c1": _glorot(ks[9], (FEAT, HID)), "b_c1": jnp.zeros((HID,), jnp.float32),
        "W_c2": _glorot(ks[10], (HID, NCLS)), "b_c2": jnp.zeros((NCLS,), jnp.float32),
    }


def gcn_conv(x, src, dst, ew, W, b, n):
    # PyG GCNConv: symmetric norm with self-loops; edge weights supported
    h = x @ W
    deg = jnp.zeros((n,), x.dtype).at[dst].add(ew) + 1.0  # +1 for self-loop
    dis = jax.lax.rsqrt(deg)
    norm = dis[src] * ew * dis[dst]
    out = jnp.zeros((n, h.shape[1]), x.dtype).at[dst].add(norm[:, None] * h[src])
    out = out + (dis * dis)[:, None] * h  # self-loop contribution
    return out + b


def reference(x, edge_index, noise, W_e1, b_e1, W_e2, b_e2, W_r, b_r,
              W_g1, b_g1, W_g2, b_g2, W_gf, b_gf, W_c1, b_c1, W_c2, b_c2):
    src, dst = edge_index[0], edge_index[1]
    ew = jnp.ones((src.shape[0],), jnp.float32)
    # encoder GNN (dropout inactive in eval)
    h = jax.nn.relu(gcn_conv(x, src, dst, ew, W_e1, b_e1, N))
    z = jax.nn.relu(gcn_conv(h, src, dst, ew, W_e2, b_e2, N))
    # degree regression: num_pred * sigmoid(linear)
    degree = NPRED * jax.nn.sigmoid(z @ W_r + b_r)
    # generator with reparameterized sampling noise
    g = z + noise
    g = jax.nn.relu(g @ W_g1 + b_g1)
    g = jax.nn.relu(g @ W_g2 + b_g2)
    gen_feat = jnp.tanh(g @ W_gf + b_gf)
    # mend graph (no_grad in torch -> stop_gradient)
    pd = jnp.clip(degree[:, 0].astype(jnp.int32), 0, NPRED)
    fill_feats = jnp.vstack([jax.lax.stop_gradient(x),
                             jax.lax.stop_gradient(gen_feat).reshape(-1, FEAT)])
    src_new = jnp.repeat(jnp.arange(N, dtype=src.dtype), NPRED)
    dst_new = N + jnp.arange(N * NPRED, dtype=src.dtype)
    j_idx = jnp.tile(jnp.arange(NPRED, dtype=jnp.int32), N)
    w_new = (j_idx < jnp.repeat(pd, NPRED)).astype(jnp.float32)
    fsrc = jnp.concatenate([src, src_new])
    fdst = jnp.concatenate([dst, dst_new])
    few = jnp.concatenate([ew, w_new])
    M = N * (NPRED + 1)
    c = jax.nn.relu(gcn_conv(fill_feats, fsrc, fdst, few, W_c1, b_c1, M))
    c = jax.nn.relu(gcn_conv(c, fsrc, fdst, few, W_c2, b_c2, M))
    return degree, gen_feat, c[:N]

if __name__ == "__main__":
    import jax
    _d = setup_inputs()
    print(jax.jit(kernel)(*tuple(_d.values())))

</pallas_src>

<mosaic_0001>
#map = affine_map<(d0, d1) -> (0, 0)>
#map1 = affine_map<(d0, d1) -> (0, 0, 0)>
module attributes {stable_mosaic.version = 14 : i64} {
  func.func @body(%arg0: i32, %arg1: i32, %arg2: memref<1408x128xi32, #tpu.memory_space<hbm>>, %arg3: memref<128x128xf32, #tpu.memory_space<hbm>>, %arg4: memref<128x128xf32, #tpu.memory_space<hbm>>, %arg5: memref<2x10240x128xf32, #tpu.memory_space<hbm>>, %arg6: memref<40x128xi32, #tpu.memory_space<vmem>>, %arg7: memref<128x128xf32, #tpu.memory_space<vmem>>, %arg8: memref<128x128xf32, #tpu.memory_space<vmem>>, %arg9: memref<10240x128xf32, #tpu.memory_space<vmem_shared>>, %arg10: memref<!tpu.dma_semaphore, #tpu.memory_space<semaphore_mem>>) attributes {dimension_semantics = [#tpu.dimension_semantics<core_parallel>, #tpu.dimension_semantics<subcore_parallel>], iteration_bounds = array<i64: 2, 16>, scalar_prefetch = 0 : i64, scratch_operands = 5 : i64, tpu.core_type = #tpu.core_type<sc_vector_subcore>, window_params = [{transform_indices = #map}, {transform_indices = #map}, {transform_indices = #map}, {transform_indices = #map1}]} {
    %eq3A = arith.constant 0 : i32
    %eq3A_0 = arith.cmpi eq, %arg0, %eq3A : i32
    %mul3A = arith.constant 40 : i32
    %mul3A_1 = arith.muli %arg1, %mul3A : i32
    %mul3A_2 = arith.constant 40 : i32
    %mul3A_3 = arith.muli %arg1, %mul3A_2 : i32
    %add3A = arith.constant 640 : i32
    %add3A_4 = arith.addi %add3A, %mul3A_3 : i32
    %select_n3A = arith.select %eq3A_0, %mul3A_1, %add3A_4 : i32
    "tpu.region"() ({
      %run_scoped3A = tpu.sem_alloc : memref<!tpu.dma_semaphore, #tpu.memory_space<semaphore_mem>>
      tpu.enqueue_dma source(%arg3 : memref<128x128xf32, #tpu.memory_space<hbm>>) target(%arg8 : memref<128x128xf32, #tpu.memory_space<vmem>>) target_semaphore(%run_scoped3A : memref<!tpu.dma_semaphore, #tpu.memory_space<semaphore_mem>>)
      tpu.wait_dma2 semaphore(%run_scoped3A : memref<!tpu.dma_semaphore, #tpu.memory_space<semaphore_mem>>) src(%arg3 : memref<128x128xf32, #tpu.memory_space<hbm>>) dst(%arg8 : memref<128x128xf32, #tpu.memory_space<vmem>>)
      tpu.yield
    }) : () -> ()
    %mul3A_5 = arith.constant 640 : i32
    %mul3A_6 = arith.muli %arg1, %mul3A_5 : i32
    %add3A_7 = arith.constant 0 : i32
    %add3A_8 = arith.addi %mul3A_6, %add3A_7 : i32
    "tpu.region"() ({
      %run_scoped3A = tpu.sem_alloc : memref<!tpu.dma_semaphore, #tpu.memory_space<semaphore_mem>>
      %dma_start3A = arith.constant 0 : i32
      %dma_start3A_77 = tpu.memref_slice %arg9[%add3A_8, %dma_start3A] : memref<10240x128xf32, #tpu.memory_space<vmem_shared>> -> memref<128x128xf32, #tpu.memory_space<vmem_shared>>
      %dma_start3A_78 = arith.constant 0 : i32
      %dma_start3A_79 = tpu.memref_slice %arg9[%add3A_8, %dma_start3A_78] : memref<10240x128xf32, #tpu.memory_space<vmem_shared>> -> memref<128x128xf32, #tpu.memory_space<vmem_shared>>
      tpu.enqueue_dma source(%arg8 : memref<128x128xf32, #tpu.memory_space<vmem>>) target(%dma_start3A_79 : memref<128x128xf32, #tpu.memory_space<vmem_shared>>) target_semaphore(%run_scoped3A : memref<!tpu.dma_semaphore, #tpu.memory_space<semaphore_mem>>)
      %dma_wait3A = arith.constant 0 : i32
      %dma_wait3A_80 = tpu.memref_slice %arg9[%add3A_8, %dma_wait3A] : memref<10240x128xf32, #tpu.memory_space<vmem_shared>> -> memref<128x128xf32, #tpu.memory_space<vmem_shared>>
      %dma_wait3A_81 = arith.constant 0 : i32
      %dma_wait3A_82 = tpu.memref_slice %arg9[%add3A_8, %dma_wait3A_81] : memref<10240x128xf32, #tpu.memory_space<vmem_shared>> -> memref<128x128xf32, #tpu.memory_space<vmem_shared>>
      tpu.wait_dma2 semaphore(%run_scoped3A : memref<!tpu.dma_semaphore, #tpu.memory_space<semaphore_mem>>) src(%arg8 : memref<128x128xf32, #tpu.memory_space<vmem>>) dst(%dma_wait3A_82 : memref<128x128xf32, #tpu.memory_space<vmem_shared>>)
      tpu.yield
    }) : () -> ()
    %mul3A_9 = arith.constant 640 : i32
    %mul3A_10 = arith.muli %arg1, %mul3A_9 : i32
    %add3A_11 = arith.constant 128 : i32
    %add3A_12 = arith.addi %mul3A_10, %add3A_11 : i32
    "tpu.region"() ({
      %run_scoped3A = tpu.sem_alloc : memref<!tpu.dma_semaphore, #tpu.memory_space<semaphore_mem>>
      %dma_start3A = arith.constant 0 : i32
      %dma_start3A_77 = tpu.memref_slice %arg9[%add3A_12, %dma_start3A] : memref<10240x128xf32, #tpu.memory_space<vmem_shared>> -> memref<128x128xf32, #tpu.memory_space<vmem_shared>>
      %dma_start3A_78 = arith.constant 0 : i32
      %dma_start3A_79 = tpu.memref_slice %arg9[%add3A_12, %dma_start3A_78] : memref<10240x128xf32, #tpu.memory_space<vmem_shared>> -> memref<128x128xf32, #tpu.memory_space<vmem_shared>>
      tpu.enqueue_dma source(%arg8 : memref<128x128xf32, #tpu.memory_space<vmem>>) target(%dma_start3A_79 : memref<128x128xf32, #tpu.memory_space<vmem_shared>>) target_semaphore(%run_scoped3A : memref<!tpu.dma_semaphore, #tpu.memory_space<semaphore_mem>>)
      %dma_wait3A = arith.constant 0 : i32
      %dma_wait3A_80 = tpu.memref_slice %arg9[%add3A_12, %dma_wait3A] : memref<10240x128xf32, #tpu.memory_space<vmem_shared>> -> memref<128x128xf32, #tpu.memory_space<vmem_shared>>
      %dma_wait3A_81 = arith.constant 0 : i32
      %dma_wait3A_82 = tpu.memref_slice %arg9[%add3A_12, %dma_wait3A_81] : memref<10240x128xf32, #tpu.memory_space<vmem_shared>> -> memref<128x128xf32, #tpu.memory_space<vmem_shared>>
      tpu.wait_dma2 semaphore(%run_scoped3A : memref<!tpu.dma_semaphore, #tpu.memory_space<semaphore_mem>>) src(%arg8 : memref<128x128xf32, #tpu.memory_space<vmem>>) dst(%dma_wait3A_82 : memref<128x128xf32, #tpu.memory_space<vmem_shared>>)
      tpu.yield
    }) : () -> ()
    %mul3A_13 = arith.constant 640 : i32
    %mul3A_14 = arith.muli %arg1, %mul3A_13 : i32
    %add3A_15 = arith.constant 256 : i32
    %add3A_16 = arith.addi %mul3A_14, %add3A_15 : i32
    "tpu.region"() ({
      %run_scoped3A = tpu.sem_alloc : memref<!tpu.dma_semaphore, #tpu.memory_space<semaphore_mem>>
      %dma_start3A = arith.constant 0 : i32
      %dma_start3A_77 = tpu.memref_slice %arg9[%add3A_16, %dma_start3A] : memref<10240x128xf32, #tpu.memory_space<vmem_shared>> -> memref<128x128xf32, #tpu.memory_space<vmem_shared>>
      %dma_start3A_78 = arith.constant 0 : i32
      %dma_start3A_79 = tpu.memref_slice %arg9[%add3A_16, %dma_start3A_78] : memref<10240x128xf32, #tpu.memory_space<vmem_shared>> -> memref<128x128xf32, #tpu.memory_space<vmem_shared>>
      tpu.enqueue_dma source(%arg8 : memref<128x128xf32, #tpu.memory_space<vmem>>) target(%dma_start3A_79 : memref<128x128xf32, #tpu.memory_space<vmem_shared>>) target_semaphore(%run_scoped3A : memref<!tpu.dma_semaphore, #tpu.memory_space<semaphore_mem>>)
      %dma_wait3A = arith.constant 0 : i32
      %dma_wait3A_80 = tpu.memref_slice %arg9[%add3A_16, %dma_wait3A] : memref<10240x128xf32, #tpu.memory_space<vmem_shared>> -> memref<128x128xf32, #tpu.memory_space<vmem_shared>>
      %dma_wait3A_81 = arith.constant 0 : i32
      %dma_wait3A_82 = tpu.memref_slice %arg9[%add3A_16, %dma_wait3A_81] : memref<10240x128xf32, #tpu.memory_space<vmem_shared>> -> memref<128x128xf32, #tpu.memory_space<vmem_shared>>
      tpu.wait_dma2 semaphore(%run_scoped3A : memref<!tpu.dma_semaphore, #tpu.memory_space<semaphore_mem>>) src(%arg8 : memref<128x128xf32, #tpu.memory_space<vmem>>) dst(%dma_wait3A_82 : memref<128x128xf32, #tpu.memory_space<vmem_shared>>)
      tpu.yield
    }) : () -> ()
    %mul3A_17 = arith.constant 640 : i32
    %mul3A_18 = arith.muli %arg1, %mul3A_17 : i32
    %add3A_19 = arith.constant 384 : i32
    %add3A_20 = arith.addi %mul3A_18, %add3A_19 : i32
    "tpu.region"() ({
      %run_scoped3A = tpu.sem_alloc : memref<!tpu.dma_semaphore, #tpu.memory_space<semaphore_mem>>
      %dma_start3A = arith.constant 0 : i32
      %dma_start3A_77 = tpu.memref_slice %arg9[%add3A_20, %dma_start3A] : memref<10240x128xf32, #tpu.memory_space<vmem_shared>> -> memref<128x128xf32, #tpu.memory_space<vmem_shared>>
      %dma_start3A_78 = arith.constant 0 : i32
      %dma_start3A_79 = tpu.memref_slice %arg9[%add3A_20, %dma_start3A_78] : memref<10240x128xf32, #tpu.memory_space<vmem_shared>> -> memref<128x128xf32, #tpu.memory_space<vmem_shared>>
      tpu.enqueue_dma source(%arg8 : memref<128x128xf32, #tpu.memory_space<vmem>>) target(%dma_start3A_79 : memref<128x128xf32, #tpu.memory_space<vmem_shared>>) target_semaphore(%run_scoped3A : memref<!tpu.dma_semaphore, #tpu.memory_space<semaphore_mem>>)
      %dma_wait3A = arith.constant 0 : i32
      %dma_wait3A_80 = tpu.memref_slice %arg9[%add3A_20, %dma_wait3A] : memref<10240x128xf32, #tpu.memory_space<vmem_shared>> -> memref<128x128xf32, #tpu.memory_space<vmem_shared>>
      %dma_wait3A_81 = arith.constant 0 : i32
      %dma_wait3A_82 = tpu.memref_slice %arg9[%add3A_20, %dma_wait3A_81] : memref<10240x128xf32, #tpu.memory_space<vmem_shared>> -> memref<128x128xf32, #tpu.memory_space<vmem_shared>>
      tpu.wait_dma2 semaphore(%run_scoped3A : memref<!tpu.dma_semaphore, #tpu.memory_space<semaphore_mem>>) src(%arg8 : memref<128x128xf32, #tpu.memory_space<vmem>>) dst(%dma_wait3A_82 : memref<128x128xf32, #tpu.memory_space<vmem_shared>>)
      tpu.yield
    }) : () -> ()
    %mul3A_21 = arith.constant 640 : i32
    %mul3A_22 = arith.muli %arg1, %mul3A_21 : i32
    %add3A_23 = arith.constant 512 : i32
    %add3A_24 = arith.addi %mul3A_22, %add3A_23 : i32
    "tpu.region"() ({
      %run_scoped3A = tpu.sem_alloc : memref<!tpu.dma_semaphore, #tpu.memory_space<semaphore_mem>>
      %dma_start3A = arith.constant 0 : i32
      %dma_start3A_77 = tpu.memref_slice %arg9[%add3A_24, %dma_start3A] : memref<10240x128xf32, #tpu.memory_space<vmem_shared>> -> memref<128x128xf32, #tpu.memory_space<vmem_shared>>
      %dma_start3A_78 = arith.constant 0 : i32
      %dma_start3A_79 = tpu.memref_slice %arg9[%add3A_24, %dma_start3A_78] : memref<10240x128xf32, #tpu.memory_space<vmem_shared>> -> memref<128x128xf32, #tpu.memory_space<vmem_shared>>
      tpu.enqueue_dma source(%arg8 : memref<128x128xf32, #tpu.memory_space<vmem>>) target(%dma_start3A_79 : memref<128x128xf32, #tpu.memory_space<vmem_shared>>) target_semaphore(%run_scoped3A : memref<!tpu.dma_semaphore, #tpu.memory_space<semaphore_mem>>)
      %dma_wait3A = arith.constant 0 : i32
      %dma_wait3A_80 = tpu.memref_slice %arg9[%add3A_24, %dma_wait3A] : memref<10240x128xf32, #tpu.memory_space<vmem_shared>> -> memref<128x128xf32, #tpu.memory_space<vmem_shared>>
      %dma_wait3A_81 = arith.constant 0 : i32
      %dma_wait3A_82 = tpu.memref_slice %arg9[%add3A_24, %dma_wait3A_81] : memref<10240x128xf32, #tpu.memory_space<vmem_shared>> -> memref<128x128xf32, #tpu.memory_space<vmem_shared>>
      tpu.wait_dma2 semaphore(%run_scoped3A : memref<!tpu.dma_semaphore, #tpu.memory_space<semaphore_mem>>) src(%arg8 : memref<128x128xf32, #tpu.memory_space<vmem>>) dst(%dma_wait3A_82 : memref<128x128xf32, #tpu.memory_space<vmem_shared>>)
      tpu.yield
    }) : () -> ()
    "tpu.region"() ({
      %run_scoped3A = tpu.sem_alloc : memref<!tpu.dma_semaphore, #tpu.memory_space<semaphore_mem>>
      %dma_start3A = arith.constant 0 : i32
      %dma_start3A_77 = tpu.memref_slice %arg2[%select_n3A, %dma_start3A] : memref<1408x128xi32, #tpu.memory_space<hbm>> -> memref<40x128xi32, #tpu.memory_space<hbm>>
      %dma_start3A_78 = arith.constant 0 : i32
      %dma_start3A_79 = tpu.memref_slice %arg2[%select_n3A, %dma_start3A_78] : memref<1408x128xi32, #tpu.memory_space<hbm>> -> memref<40x128xi32, #tpu.memory_space<hbm>>
      tpu.enqueue_dma source(%dma_start3A_79 : memref<40x128xi32, #tpu.memory_space<hbm>>) target(%arg6 : memref<40x128xi32, #tpu.memory_space<vmem>>) target_semaphore(%run_scoped3A : memref<!tpu.dma_semaphore, #tpu.memory_space<semaphore_mem>>)
      %dma_wait3A = arith.constant 0 : i32
      %dma_wait3A_80 = tpu.memref_slice %arg2[%select_n3A, %dma_wait3A] : memref<1408x128xi32, #tpu.memory_space<hbm>> -> memref<40x128xi32, #tpu.memory_space<hbm>>
      %dma_wait3A_81 = arith.constant 0 : i32
      %dma_wait3A_82 = tpu.memref_slice %arg2[%select_n3A, %dma_wait3A_81] : memref<1408x128xi32, #tpu.memory_space<hbm>> -> memref<40x128xi32, #tpu.memory_space<hbm>>
      tpu.wait_dma2 semaphore(%run_scoped3A : memref<!tpu.dma_semaphore, #tpu.memory_space<semaphore_mem>>) src(%dma_wait3A_82 : memref<40x128xi32, #tpu.memory_space<hbm>>) dst(%arg6 : memref<40x128xi32, #tpu.memory_space<vmem>>)
      tpu.yield
    }) : () -> ()
    "tpu.region"() ({
      %run_scoped3A = tpu.sem_alloc : memref<!tpu.dma_semaphore, #tpu.memory_space<semaphore_mem>>
      tpu.enqueue_dma source(%arg4 : memref<128x128xf32, #tpu.memory_space<hbm>>) target(%arg7 : memref<128x128xf32, #tpu.memory_space<vmem>>) target_semaphore(%run_scoped3A : memref<!tpu.dma_semaphore, #tpu.memory_space<semaphore_mem>>)
      tpu.wait_dma2 semaphore(%run_scoped3A : memref<!tpu.dma_semaphore, #tpu.memory_space<semaphore_mem>>) src(%arg4 : memref<128x128xf32, #tpu.memory_space<hbm>>) dst(%arg7 : memref<128x128xf32, #tpu.memory_space<vmem>>)
      tpu.yield
    }) : () -> ()
    %barrier3A = arith.constant 0 : index
    tpu.barrier barrier_id(%barrier3A)
    %scan3A = arith.constant 0 : i32
    %scan3A_25 = arith.constant 0 : i32
    %scan3A_26 = arith.constant 40 : i32
    %scan3A_27 = arith.addi %scan3A_25, %scan3A_26 : i32
    %scan3A_28 = arith.constant 1 : i32
    scf.for %scan3A_77 = %scan3A_25 to %scan3A_27 step %scan3A_28  : i32 {
      %dma_start3A = arith.constant 0 : i32
      %dma_start3A_78 = tpu.memref_slice %arg6[%scan3A_77, %dma_start3A] : memref<40x128xi32, #tpu.memory_space<vmem>> -> memref<1x128xi32, #tpu.memory_space<vmem>>
      %dma_start3A_79 = tpu.memref_squeeze %dma_start3A_78 : memref<1x128xi32, #tpu.memory_space<vmem>> -> memref<128xi32, #tpu.memory_space<vmem>>
      %dma_start3A_80 = arith.constant 0 : i32
      %dma_start3A_81 = arith.constant 0 : i32
      %dma_start3A_82 = tpu.memref_slice %arg9[%dma_start3A_80, %dma_start3A_81] : memref<10240x128xf32, #tpu.memory_space<vmem_shared>> -> memref<10240x128xf32, #tpu.memory_space<vmem_shared>>
      tpu.enqueue_indirect_dma source(%arg7 : memref<128x128xf32, #tpu.memory_space<vmem>>) target(%dma_start3A_82 : memref<10240x128xf32, #tpu.memory_space<vmem_shared>>) offsets(%dma_start3A_79 : memref<128xi32, #tpu.memory_space<vmem>>) semaphore(%arg10 : memref<!tpu.dma_semaphore, #tpu.memory_space<semaphore_mem>>) {add = true}
    }
    %scan3A_29 = arith.constant 40 : i32
    %scan3A_30 = arith.constant 0 : i32
    %scan3A_31 = arith.constant 0 : i32
    %scan3A_32 = arith.constant 40 : i32
    %scan3A_33 = arith.addi %scan3A_31, %scan3A_32 : i32
    %scan3A_34 = arith.constant 1 : i32
    scf.for %scan3A_77 = %scan3A_31 to %scan3A_33 step %scan3A_34  : i32 {
      %dma_wait3A = arith.constant 0 : i32
      %dma_wait3A_78 = arith.constant 0 : i32
      %dma_wait3A_79 = tpu.memref_slice %arg6[%dma_wait3A, %dma_wait3A_78] : memref<40x128xi32, #tpu.memory_space<vmem>> -> memref<1x128xi32, #tpu.memory_space<vmem>>
      %dma_wait3A_80 = tpu.memref_squeeze %dma_wait3A_79 : memref<1x128xi32, #tpu.memory_space<vmem>> -> memref<128xi32, #tpu.memory_space<vmem>>
      %dma_wait3A_81 = arith.constant 0 : i32
      %dma_wait3A_82 = arith.constant 0 : i32
      %dma_wait3A_83 = tpu.memref_slice %arg9[%dma_wait3A_81, %dma_wait3A_82] : memref<10240x128xf32, #tpu.memory_space<vmem_shared>> -> memref<10240x128xf32, #tpu.memory_space<vmem_shared>>
      tpu.wait_indirect_dma semaphore(%arg10 : memref<!tpu.dma_semaphore, #tpu.memory_space<semaphore_mem>>) src(%arg7 : memref<128x128xf32, #tpu.memory_space<vmem>>) dst(%dma_wait3A_83 : memref<10240x128xf32, #tpu.memory_space<vmem_shared>>)
    }
    %scan3A_35 = arith.constant 40 : i32
    %barrier3A_36 = arith.constant 0 : index
    tpu.barrier barrier_id(%barrier3A_36)
    %mul3A_37 = arith.constant 640 : i32
    %mul3A_38 = arith.muli %arg1, %mul3A_37 : i32
    %add3A_39 = arith.constant 0 : i32
    %add3A_40 = arith.addi %mul3A_38, %add3A_39 : i32
    "tpu.region"() ({
      %run_scoped3A = tpu.sem_alloc : memref<!tpu.dma_semaphore, #tpu.memory_space<semaphore_mem>>
      %dma_start3A = arith.constant 0 : i32
      %dma_start3A_77 = tpu.memref_slice %arg9[%add3A_40, %dma_start3A] : memref<10240x128xf32, #tpu.memory_space<vmem_shared>> -> memref<128x128xf32, #tpu.memory_space<vmem_shared>>
      %dma_start3A_78 = arith.constant 0 : i32
      %dma_start3A_79 = tpu.memref_slice %arg9[%add3A_40, %dma_start3A_78] : memref<10240x128xf32, #tpu.memory_space<vmem_shared>> -> memref<128x128xf32, #tpu.memory_space<vmem_shared>>
      tpu.enqueue_dma source(%dma_start3A_79 : memref<128x128xf32, #tpu.memory_space<vmem_shared>>) target(%arg8 : memref<128x128xf32, #tpu.memory_space<vmem>>) target_semaphore(%run_scoped3A : memref<!tpu.dma_semaphore, #tpu.memory_space<semaphore_mem>>)
      %dma_wait3A = arith.constant 0 : i32
      %dma_wait3A_80 = tpu.memref_slice %arg9[%add3A_40, %dma_wait3A] : memref<10240x128xf32, #tpu.memory_space<vmem_shared>> -> memref<128x128xf32, #tpu.memory_space<vmem_shared>>
      %dma_wait3A_81 = arith.constant 0 : i32
      %dma_wait3A_82 = tpu.memref_slice %arg9[%add3A_40, %dma_wait3A_81] : memref<10240x128xf32, #tpu.memory_space<vmem_shared>> -> memref<128x128xf32, #tpu.memory_space<vmem_shared>>
      tpu.wait_dma2 semaphore(%run_scoped3A : memref<!tpu.dma_semaphore, #tpu.memory_space<semaphore_mem>>) src(%dma_wait3A_82 : memref<128x128xf32, #tpu.memory_space<vmem_shared>>) dst(%arg8 : memref<128x128xf32, #tpu.memory_space<vmem>>)
      tpu.yield
    }) : () -> ()
    %mul3A_41 = arith.constant 640 : i32
    %mul3A_42 = arith.muli %arg1, %mul3A_41 : i32
    %add3A_43 = arith.constant 0 : i32
    %add3A_44 = arith.addi %mul3A_42, %add3A_43 : i32
    "tpu.region"() ({
      %run_scoped3A = tpu.sem_alloc : memref<!tpu.dma_semaphore, #tpu.memory_space<semaphore_mem>>
      %dma_start3A = arith.constant 0 : i32
      %dma_start3A_77 = tpu.memref_slice %arg5[%arg0, %add3A_44, %dma_start3A] : memref<2x10240x128xf32, #tpu.memory_space<hbm>> -> memref<1x128x128xf32, #tpu.memory_space<hbm>>
      %dma_start3A_78 = tpu.memref_squeeze %dma_start3A_77 : memref<1x128x128xf32, #tpu.memory_space<hbm>> -> memref<128x128xf32, #tpu.memory_space<hbm>>
      %dma_start3A_79 = arith.constant 0 : i32
      %dma_start3A_80 = tpu.memref_slice %arg5[%arg0, %add3A_44, %dma_start3A_79] : memref<2x10240x128xf32, #tpu.memory_space<hbm>> -> memref<1x128x128xf32, #tpu.memory_space<hbm>>
      %dma_start3A_81 = tpu.memref_squeeze %dma_start3A_80 : memref<1x128x128xf32, #tpu.memory_space<hbm>> -> memref<128x128xf32, #tpu.memory_space<hbm>>
      tpu.enqueue_dma source(%arg8 : memref<128x128xf32, #tpu.memory_space<vmem>>) target(%dma_start3A_81 : memref<128x128xf32, #tpu.memory_space<hbm>>) target_semaphore(%run_scoped3A : memref<!tpu.dma_semaphore, #tpu.memory_space<semaphore_mem>>)
      %dma_wait3A = arith.constant 0 : i32
      %dma_wait3A_82 = tpu.memref_slice %arg5[%arg0, %add3A_44, %dma_wait3A] : memref<2x10240x128xf32, #tpu.memory_space<hbm>> -> memref<1x128x128xf32, #tpu.memory_space<hbm>>
      %dma_wait3A_83 = tpu.memref_squeeze %dma_wait3A_82 : memref<1x128x128xf32, #tpu.memory_space<hbm>> -> memref<128x128xf32, #tpu.memory_space<hbm>>
      %dma_wait3A_84 = arith.constant 0 : i32
      %dma_wait3A_85 = tpu.memref_slice %arg5[%arg0, %add3A_44, %dma_wait3A_84] : memref<2x10240x128xf32, #tpu.memory_space<hbm>> -> memref<1x128x128xf32, #tpu.memory_space<hbm>>
      %dma_wait3A_86 = tpu.memref_squeeze %dma_wait3A_85 : memref<1x128x128xf32, #tpu.memory_space<hbm>> -> memref<128x128xf32, #tpu.memory_space<hbm>>
      tpu.wait_dma2 semaphore(%run_scoped3A : memref<!tpu.dma_semaphore, #tpu.memory_space<semaphore_mem>>) src(%arg8 : memref<128x128xf32, #tpu.memory_space<vmem>>) dst(%dma_wait3A_86 : memref<128x128xf32, #tpu.memory_space<hbm>>)
      tpu.yield
    }) : () -> ()
    %mul3A_45 = arith.constant 640 : i32
    %mul3A_46 = arith.muli %arg1, %mul3A_45 : i32
    %add3A_47 = arith.constant 128 : i32
    %add3A_48 = arith.addi %mul3A_46, %add3A_47 : i32
    "tpu.region"() ({
      %run_scoped3A = tpu.sem_alloc : memref<!tpu.dma_semaphore, #tpu.memory_space<semaphore_mem>>
      %dma_start3A = arith.constant 0 : i32
      %dma_start3A_77 = tpu.memref_slice %arg9[%add3A_48, %dma_start3A] : memref<10240x128xf32, #tpu.memory_space<vmem_shared>> -> memref<128x128xf32, #tpu.memory_space<vmem_shared>>
      %dma_start3A_78 = arith.constant 0 : i32
      %dma_start3A_79 = tpu.memref_slice %arg9[%add3A_48, %dma_start3A_78] : memref<10240x128xf32, #tpu.memory_space<vmem_shared>> -> memref<128x128xf32, #tpu.memory_space<vmem_shared>>
      tpu.enqueue_dma source(%dma_start3A_79 : memref<128x128xf32, #tpu.memory_space<vmem_shared>>) target(%arg8 : memref<128x128xf32, #tpu.memory_space<vmem>>) target_semaphore(%run_scoped3A : memref<!tpu.dma_semaphore, #tpu.memory_space<semaphore_mem>>)
      %dma_wait3A = arith.constant 0 : i32
      %dma_wait3A_80 = tpu.memref_slice %arg9[%add3A_48, %dma_wait3A] : memref<10240x128xf32, #tpu.memory_space<vmem_shared>> -> memref<128x128xf32, #tpu.memory_space<vmem_shared>>
      %dma_wait3A_81 = arith.constant 0 : i32
      %dma_wait3A_82 = tpu.memref_slice %arg9[%add3A_48, %dma_wait3A_81] : memref<10240x128xf32, #tpu.memory_space<vmem_shared>> -> memref<128x128xf32, #tpu.memory_space<vmem_shared>>
      tpu.wait_dma2 semaphore(%run_scoped3A : memref<!tpu.dma_semaphore, #tpu.memory_space<semaphore_mem>>) src(%dma_wait3A_82 : memref<128x128xf32, #tpu.memory_space<vmem_shared>>) dst(%arg8 : memref<128x128xf32, #tpu.memory_space<vmem>>)
      tpu.yield
    }) : () -> ()
    %mul3A_49 = arith.constant 640 : i32
    %mul3A_50 = arith.muli %arg1, %mul3A_49 : i32
    %add3A_51 = arith.constant 128 : i32
    %add3A_52 = arith.addi %mul3A_50, %add3A_51 : i32
    "tpu.region"() ({
      %run_scoped3A = tpu.sem_alloc : memref<!tpu.dma_semaphore, #tpu.memory_space<semaphore_mem>>
      %dma_start3A = arith.constant 0 : i32
      %dma_start3A_77 = tpu.memref_slice %arg5[%arg0, %add3A_52, %dma_start3A] : memref<2x10240x128xf32, #tpu.memory_space<hbm>> -> memref<1x128x128xf32, #tpu.memory_space<hbm>>
      %dma_start3A_78 = tpu.memref_squeeze %dma_start3A_77 : memref<1x128x128xf32, #tpu.memory_space<hbm>> -> memref<128x128xf32, #tpu.memory_space<hbm>>
      %dma_start3A_79 = arith.constant 0 : i32
      %dma_start3A_80 = tpu.memref_slice %arg5[%arg0, %add3A_52, %dma_start3A_79] : memref<2x10240x128xf32, #tpu.memory_space<hbm>> -> memref<1x128x128xf32, #tpu.memory_space<hbm>>
      %dma_start3A_81 = tpu.memref_squeeze %dma_start3A_80 : memref<1x128x128xf32, #tpu.memory_space<hbm>> -> memref<128x128xf32, #tpu.memory_space<hbm>>
      tpu.enqueue_dma source(%arg8 : memref<128x128xf32, #tpu.memory_space<vmem>>) target(%dma_start3A_81 : memref<128x128xf32, #tpu.memory_space<hbm>>) target_semaphore(%run_scoped3A : memref<!tpu.dma_semaphore, #tpu.memory_space<semaphore_mem>>)
      %dma_wait3A = arith.constant 0 : i32
      %dma_wait3A_82 = tpu.memref_slice %arg5[%arg0, %add3A_52, %dma_wait3A] : memref<2x10240x128xf32, #tpu.memory_space<hbm>> -> memref<1x128x128xf32, #tpu.memory_space<hbm>>
      %dma_wait3A_83 = tpu.memref_squeeze %dma_wait3A_82 : memref<1x128x128xf32, #tpu.memory_space<hbm>> -> memref<128x128xf32, #tpu.memory_space<hbm>>
      %dma_wait3A_84 = arith.constant 0 : i32
      %dma_wait3A_85 = tpu.memref_slice %arg5[%arg0, %add3A_52, %dma_wait3A_84] : memref<2x10240x128xf32, #tpu.memory_space<hbm>> -> memref<1x128x128xf32, #tpu.memory_space<hbm>>
      %dma_wait3A_86 = tpu.memref_squeeze %dma_wait3A_85 : memref<1x128x128xf32, #tpu.memory_space<hbm>> -> memref<128x128xf32, #tpu.memory_space<hbm>>
      tpu.wait_dma2 semaphore(%run_scoped3A : memref<!tpu.dma_semaphore, #tpu.memory_space<semaphore_mem>>) src(%arg8 : memref<128x128xf32, #tpu.memory_space<vmem>>) dst(%dma_wait3A_86 : memref<128x128xf32, #tpu.memory_space<hbm>>)
      tpu.yield
    }) : () -> ()
    %mul3A_53 = arith.constant 640 : i32
    %mul3A_54 = arith.muli %arg1, %mul3A_53 : i32
    %add3A_55 = arith.constant 256 : i32
    %add3A_56 = arith.addi %mul3A_54, %add3A_55 : i32
    "tpu.region"() ({
      %run_scoped3A = tpu.sem_alloc : memref<!tpu.dma_semaphore, #tpu.memory_space<semaphore_mem>>
      %dma_start3A = arith.constant 0 : i32
      %dma_start3A_77 = tpu.memref_slice %arg9[%add3A_56, %dma_start3A] : memref<10240x128xf32, #tpu.memory_space<vmem_shared>> -> memref<128x128xf32, #tpu.memory_space<vmem_shared>>
      %dma_start3A_78 = arith.constant 0 : i32
      %dma_start3A_79 = tpu.memref_slice %arg9[%add3A_56, %dma_start3A_78] : memref<10240x128xf32, #tpu.memory_space<vmem_shared>> -> memref<128x128xf32, #tpu.memory_space<vmem_shared>>
      tpu.enqueue_dma source(%dma_start3A_79 : memref<128x128xf32, #tpu.memory_space<vmem_shared>>) target(%arg8 : memref<128x128xf32, #tpu.memory_space<vmem>>) target_semaphore(%run_scoped3A : memref<!tpu.dma_semaphore, #tpu.memory_space<semaphore_mem>>)
      %dma_wait3A = arith.constant 0 : i32
      %dma_wait3A_80 = tpu.memref_slice %arg9[%add3A_56, %dma_wait3A] : memref<10240x128xf32, #tpu.memory_space<vmem_shared>> -> memref<128x128xf32, #tpu.memory_space<vmem_shared>>
      %dma_wait3A_81 = arith.constant 0 : i32
      %dma_wait3A_82 = tpu.memref_slice %arg9[%add3A_56, %dma_wait3A_81] : memref<10240x128xf32, #tpu.memory_space<vmem_shared>> -> memref<128x128xf32, #tpu.memory_space<vmem_shared>>
      tpu.wait_dma2 semaphore(%run_scoped3A : memref<!tpu.dma_semaphore, #tpu.memory_space<semaphore_mem>>) src(%dma_wait3A_82 : memref<128x128xf32, #tpu.memory_space<vmem_shared>>) dst(%arg8 : memref<128x128xf32, #tpu.memory_space<vmem>>)
      tpu.yield
    }) : () -> ()
    %mul3A_57 = arith.constant 640 : i32
    %mul3A_58 = arith.muli %arg1, %mul3A_57 : i32
    %add3A_59 = arith.constant 256 : i32
    %add3A_60 = arith.addi %mul3A_58, %add3A_59 : i32
    "tpu.region"() ({
      %run_scoped3A = tpu.sem_alloc : memref<!tpu.dma_semaphore, #tpu.memory_space<semaphore_mem>>
      %dma_start3A = arith.constant 0 : i32
      %dma_start3A_77 = tpu.memref_slice %arg5[%arg0, %add3A_60, %dma_start3A] : memref<2x10240x128xf32, #tpu.memory_space<hbm>> -> memref<1x128x128xf32, #tpu.memory_space<hbm>>
      %dma_start3A_78 = tpu.memref_squeeze %dma_start3A_77 : memref<1x128x128xf32, #tpu.memory_space<hbm>> -> memref<128x128xf32, #tpu.memory_space<hbm>>
      %dma_start3A_79 = arith.constant 0 : i32
      %dma_start3A_80 = tpu.memref_slice %arg5[%arg0, %add3A_60, %dma_start3A_79] : memref<2x10240x128xf32, #tpu.memory_space<hbm>> -> memref<1x128x128xf32, #tpu.memory_space<hbm>>
      %dma_start3A_81 = tpu.memref_squeeze %dma_start3A_80 : memref<1x128x128xf32, #tpu.memory_space<hbm>> -> memref<128x128xf32, #tpu.memory_space<hbm>>
      tpu.enqueue_dma source(%arg8 : memref<128x128xf32, #tpu.memory_space<vmem>>) target(%dma_start3A_81 : memref<128x128xf32, #tpu.memory_space<hbm>>) target_semaphore(%run_scoped3A : memref<!tpu.dma_semaphore, #tpu.memory_space<semaphore_mem>>)
      %dma_wait3A = arith.constant 0 : i32
      %dma_wait3A_82 = tpu.memref_slice %arg5[%arg0, %add3A_60, %dma_wait3A] : memref<2x10240x128xf32, #tpu.memory_space<hbm>> -> memref<1x128x128xf32, #tpu.memory_space<hbm>>
      %dma_wait3A_83 = tpu.memref_squeeze %dma_wait3A_82 : memref<1x128x128xf32, #tpu.memory_space<hbm>> -> memref<128x128xf32, #tpu.memory_space<hbm>>
      %dma_wait3A_84 = arith.constant 0 : i32
      %dma_wait3A_85 = tpu.memref_slice %arg5[%arg0, %add3A_60, %dma_wait3A_84] : memref<2x10240x128xf32, #tpu.memory_space<hbm>> -> memref<1x128x128xf32, #tpu.memory_space<hbm>>
      %dma_wait3A_86 = tpu.memref_squeeze %dma_wait3A_85 : memref<1x128x128xf32, #tpu.memory_space<hbm>> -> memref<128x128xf32, #tpu.memory_space<hbm>>
      tpu.wait_dma2 semaphore(%run_scoped3A : memref<!tpu.dma_semaphore, #tpu.memory_space<semaphore_mem>>) src(%arg8 : memref<128x128xf32, #tpu.memory_space<vmem>>) dst(%dma_wait3A_86 : memref<128x128xf32, #tpu.memory_space<hbm>>)
      tpu.yield
    }) : () -> ()
    %mul3A_61 = arith.constant 640 : i32
    %mul3A_62 = arith.muli %arg1, %mul3A_61 : i32
    %add3A_63 = arith.constant 384 : i32
    %add3A_64 = arith.addi %mul3A_62, %add3A_63 : i32
    "tpu.region"() ({
      %run_scoped3A = tpu.sem_alloc : memref<!tpu.dma_semaphore, #tpu.memory_space<semaphore_mem>>
      %dma_start3A = arith.constant 0 : i32
      %dma_start3A_77 = tpu.memref_slice %arg9[%add3A_64, %dma_start3A] : memref<10240x128xf32, #tpu.memory_space<vmem_shared>> -> memref<128x128xf32, #tpu.memory_space<vmem_shared>>
      %dma_start3A_78 = arith.constant 0 : i32
      %dma_start3A_79 = tpu.memref_slice %arg9[%add3A_64, %dma_start3A_78] : memref<10240x128xf32, #tpu.memory_space<vmem_shared>> -> memref<128x128xf32, #tpu.memory_space<vmem_shared>>
      tpu.enqueue_dma source(%dma_start3A_79 : memref<128x128xf32, #tpu.memory_space<vmem_shared>>) target(%arg8 : memref<128x128xf32, #tpu.memory_space<vmem>>) target_semaphore(%run_scoped3A : memref<!tpu.dma_semaphore, #tpu.memory_space<semaphore_mem>>)
      %dma_wait3A = arith.constant 0 : i32
      %dma_wait3A_80 = tpu.memref_slice %arg9[%add3A_64, %dma_wait3A] : memref<10240x128xf32, #tpu.memory_space<vmem_shared>> -> memref<128x128xf32, #tpu.memory_space<vmem_shared>>
      %dma_wait3A_81 = arith.constant 0 : i32
      %dma_wait3A_82 = tpu.memref_slice %arg9[%add3A_64, %dma_wait3A_81] : memref<10240x128xf32, #tpu.memory_space<vmem_shared>> -> memref<128x128xf32, #tpu.memory_space<vmem_shared>>
      tpu.wait_dma2 semaphore(%run_scoped3A : memref<!tpu.dma_semaphore, #tpu.memory_space<semaphore_mem>>) src(%dma_wait3A_82 : memref<128x128xf32, #tpu.memory_space<vmem_shared>>) dst(%arg8 : memref<128x128xf32, #tpu.memory_space<vmem>>)
      tpu.yield
    }) : () -> ()
    %mul3A_65 = arith.constant 640 : i32
    %mul3A_66 = arith.muli %arg1, %mul3A_65 : i32
    %add3A_67 = arith.constant 384 : i32
    %add3A_68 = arith.addi %mul3A_66, %add3A_67 : i32
    "tpu.region"() ({
      %run_scoped3A = tpu.sem_alloc : memref<!tpu.dma_semaphore, #tpu.memory_space<semaphore_mem>>
      %dma_start3A = arith.constant 0 : i32
      %dma_start3A_77 = tpu.memref_slice %arg5[%arg0, %add3A_68, %dma_start3A] : memref<2x10240x128xf32, #tpu.memory_space<hbm>> -> memref<1x128x128xf32, #tpu.memory_space<hbm>>
      %dma_start3A_78 = tpu.memref_squeeze %dma_start3A_77 : memref<1x128x128xf32, #tpu.memory_space<hbm>> -> memref<128x128xf32, #tpu.memory_space<hbm>>
      %dma_start3A_79 = arith.constant 0 : i32
      %dma_start3A_80 = tpu.memref_slice %arg5[%arg0, %add3A_68, %dma_start3A_79] : memref<2x10240x128xf32, #tpu.memory_space<hbm>> -> memref<1x128x128xf32, #tpu.memory_space<hbm>>
      %dma_start3A_81 = tpu.memref_squeeze %dma_start3A_80 : memref<1x128x128xf32, #tpu.memory_space<hbm>> -> memref<128x128xf32, #tpu.memory_space<hbm>>
      tpu.enqueue_dma source(%arg8 : memref<128x128xf32, #tpu.memory_space<vmem>>) target(%dma_start3A_81 : memref<128x128xf32, #tpu.memory_space<hbm>>) target_semaphore(%run_scoped3A : memref<!tpu.dma_semaphore, #tpu.memory_space<semaphore_mem>>)
      %dma_wait3A = arith.constant 0 : i32
      %dma_wait3A_82 = tpu.memref_slice %arg5[%arg0, %add3A_68, %dma_wait3A] : memref<2x10240x128xf32, #tpu.memory_space<hbm>> -> memref<1x128x128xf32, #tpu.memory_space<hbm>>
      %dma_wait3A_83 = tpu.memref_squeeze %dma_wait3A_82 : memref<1x128x128xf32, #tpu.memory_space<hbm>> -> memref<128x128xf32, #tpu.memory_space<hbm>>
      %dma_wait3A_84 = arith.constant 0 : i32
      %dma_wait3A_85 = tpu.memref_slice %arg5[%arg0, %add3A_68, %dma_wait3A_84] : memref<2x10240x128xf32, #tpu.memory_space<hbm>> -> memref<1x128x128xf32, #tpu.memory_space<hbm>>
      %dma_wait3A_86 = tpu.memref_squeeze %dma_wait3A_85 : memref<1x128x128xf32, #tpu.memory_space<hbm>> -> memref<128x128xf32, #tpu.memory_space<hbm>>
      tpu.wait_dma2 semaphore(%run_scoped3A : memref<!tpu.dma_semaphore, #tpu.memory_space<semaphore_mem>>) src(%arg8 : memref<128x128xf32, #tpu.memory_space<vmem>>) dst(%dma_wait3A_86 : memref<128x128xf32, #tpu.memory_space<hbm>>)
      tpu.yield
    }) : () -> ()
    %mul3A_69 = arith.constant 640 : i32
    %mul3A_70 = arith.muli %arg1, %mul3A_69 : i32
    %add3A_71 = arith.constant 512 : i32
    %add3A_72 = arith.addi %mul3A_70, %add3A_71 : i32
    "tpu.region"() ({
      %run_scoped3A = tpu.sem_alloc : memref<!tpu.dma_semaphore, #tpu.memory_space<semaphore_mem>>
      %dma_start3A = arith.constant 0 : i32
      %dma_start3A_77 = tpu.memref_slice %arg9[%add3A_72, %dma_start3A] : memref<10240x128xf32, #tpu.memory_space<vmem_shared>> -> memref<128x128xf32, #tpu.memory_space<vmem_shared>>
      %dma_start3A_78 = arith.constant 0 : i32
      %dma_start3A_79 = tpu.memref_slice %arg9[%add3A_72, %dma_start3A_78] : memref<10240x128xf32, #tpu.memory_space<vmem_shared>> -> memref<128x128xf32, #tpu.memory_space<vmem_shared>>
      tpu.enqueue_dma source(%dma_start3A_79 : memref<128x128xf32, #tpu.memory_space<vmem_shared>>) target(%arg8 : memref<128x128xf32, #tpu.memory_space<vmem>>) target_semaphore(%run_scoped3A : memref<!tpu.dma_semaphore, #tpu.memory_space<semaphore_mem>>)
      %dma_wait3A = arith.constant 0 : i32
      %dma_wait3A_80 = tpu.memref_slice %arg9[%add3A_72, %dma_wait3A] : memref<10240x128xf32, #tpu.memory_space<vmem_shared>> -> memref<128x128xf32, #tpu.memory_space<vmem_shared>>
      %dma_wait3A_81 = arith.constant 0 : i32
      %dma_wait3A_82 = tpu.memref_slice %arg9[%add3A_72, %dma_wait3A_81] : memref<10240x128xf32, #tpu.memory_space<vmem_shared>> -> memref<128x128xf32, #tpu.memory_space<vmem_shared>>
      tpu.wait_dma2 semaphore(%run_scoped3A : memref<!tpu.dma_semaphore, #tpu.memory_space<semaphore_mem>>) src(%dma_wait3A_82 : memref<128x128xf32, #tpu.memory_space<vmem_shared>>) dst(%arg8 : memref<128x128xf32, #tpu.memory_space<vmem>>)
      tpu.yield
    }) : () -> ()
    %mul3A_73 = arith.constant 640 : i32
    %mul3A_74 = arith.muli %arg1, %mul3A_73 : i32
    %add3A_75 = arith.constant 512 : i32
    %add3A_76 = arith.addi %mul3A_74, %add3A_75 : i32
    "tpu.region"() ({
      %run_scoped3A = tpu.sem_alloc : memref<!tpu.dma_semaphore, #tpu.memory_space<semaphore_mem>>
      %dma_start3A = arith.constant 0 : i32
      %dma_start3A_77 = tpu.memref_slice %arg5[%arg0, %add3A_76, %dma_start3A] : memref<2x10240x128xf32, #tpu.memory_space<hbm>> -> memref<1x128x128xf32, #tpu.memory_space<hbm>>
      %dma_start3A_78 = tpu.memref_squeeze %dma_start3A_77 : memref<1x128x128xf32, #tpu.memory_space<hbm>> -> memref<128x128xf32, #tpu.memory_space<hbm>>
      %dma_start3A_79 = arith.constant 0 : i32
      %dma_start3A_80 = tpu.memref_slice %arg5[%arg0, %add3A_76, %dma_start3A_79] : memref<2x10240x128xf32, #tpu.memory_space<hbm>> -> memref<1x128x128xf32, #tpu.memory_space<hbm>>
      %dma_start3A_81 = tpu.memref_squeeze %dma_start3A_80 : memref<1x128x128xf32, #tpu.memory_space<hbm>> -> memref<128x128xf32, #tpu.memory_space<hbm>>
      tpu.enqueue_dma source(%arg8 : memref<128x128xf32, #tpu.memory_space<vmem>>) target(%dma_start3A_81 : memref<128x128xf32, #tpu.memory_space<hbm>>) target_semaphore(%run_scoped3A : memref<!tpu.dma_semaphore, #tpu.memory_space<semaphore_mem>>)
      %dma_wait3A = arith.constant 0 : i32
      %dma_wait3A_82 = tpu.memref_slice %arg5[%arg0, %add3A_76, %dma_wait3A] : memref<2x10240x128xf32, #tpu.memory_space<hbm>> -> memref<1x128x128xf32, #tpu.memory_space<hbm>>
      %dma_wait3A_83 = tpu.memref_squeeze %dma_wait3A_82 : memref<1x128x128xf32, #tpu.memory_space<hbm>> -> memref<128x128xf32, #tpu.memory_space<hbm>>
      %dma_wait3A_84 = arith.constant 0 : i32
      %dma_wait3A_85 = tpu.memref_slice %arg5[%arg0, %add3A_76, %dma_wait3A_84] : memref<2x10240x128xf32, #tpu.memory_space<hbm>> -> memref<1x128x128xf32, #tpu.memory_space<hbm>>
      %dma_wait3A_86 = tpu.memref_squeeze %dma_wait3A_85 : memref<1x128x128xf32, #tpu.memory_space<hbm>> -> memref<128x128xf32, #tpu.memory_space<hbm>>
      tpu.wait_dma2 semaphore(%run_scoped3A : memref<!tpu.dma_semaphore, #tpu.memory_space<semaphore_mem>>) src(%arg8 : memref<128x128xf32, #tpu.memory_space<vmem>>) dst(%dma_wait3A_86 : memref<128x128xf32, #tpu.memory_space<hbm>>)
      tpu.yield
    }) : () -> ()
    return
  }
}

#map = affine_map<(d0, d1) -> (0, 0)>
#map1 = affine_map<(d0, d1) -> (0, 0, 0)>
module attributes {stable_mosaic.version = 14 : i64} {
  func.func @body(%arg0: i32, %arg1: i32, %arg2: memref<1408x128xi32, #tpu.memory_space<hbm>>, %arg3: memref<1408x128xi32, #tpu.memory_space<hbm>>, %arg4: memref<10240x128xf32, #tpu.memory_space<hbm>>, %arg5: memref<128x128xf32, #tpu.memory_space<hbm>>, %arg6: memref<2x10240x128xf32, #tpu.memory_space<hbm>>, %arg7: memref<40x128xi32, #tpu.memory_space<vmem>>, %arg8: memref<40x128xi32, #tpu.memory_space<vmem>>, %arg9: memref<2x128x128xf32, #tpu.memory_space<vmem>>, %arg10: memref<10240x128xf32, #tpu.memory_space<vmem_shared>>, %arg11: memref<!tpu.dma_semaphore, #tpu.memory_space<semaphore_mem>>, %arg12: memref<!tpu.dma_semaphore, #tpu.memory_space<semaphore_mem>>, %arg13: memref<!tpu.dma_semaphore, #tpu.memory_space<semaphore_mem>>, %arg14: memref<!tpu.dma_semaphore, #tpu.memory_space<semaphore_mem>>) attributes {dimension_semantics = [#tpu.dimension_semantics<core_parallel>, #tpu.dimension_semantics<subcore_parallel>], iteration_bounds = array<i64: 2, 16>, scalar_prefetch = 0 : i64, scratch_operands = 8 : i64, tpu.core_type = #tpu.core_type<sc_vector_subcore>, window_params = [{transform_indices = #map}, {transform_indices = #map}, {transform_indices = #map}, {transform_indices = #map}, {transform_indices = #map1}]} {
    %eq3A = arith.constant 0 : i32
    %eq3A_0 = arith.cmpi eq, %arg0, %eq3A : i32
    %mul3A = arith.constant 40 : i32
    %mul3A_1 = arith.muli %arg1, %mul3A : i32
    %mul3A_2 = arith.constant 40 : i32
    %mul3A_3 = arith.muli %arg1, %mul3A_2 : i32
    %add3A = arith.constant 640 : i32
    %add3A_4 = arith.addi %add3A, %mul3A_3 : i32
    %select_n3A = arith.select %eq3A_0, %mul3A_1, %add3A_4 : i32
    %run_scoped3A = arith.constant 0 : i32
    "tpu.region"() ({
      %run_scoped3A_132 = tpu.sem_alloc : memref<!tpu.dma_semaphore, #tpu.memory_space<semaphore_mem>>
      %dma_start3A_133 = arith.constant 0 : i32
      %dma_start3A_134 = arith.constant 0 : i32
      %dma_start3A_135 = tpu.memref_slice %arg9[%run_scoped3A, %dma_start3A_133, %dma_start3A_134] : memref<2x128x128xf32, #tpu.memory_space<vmem>> -> memref<1x128x128xf32, #tpu.memory_space<vmem>>
      %dma_start3A_136 = tpu.memref_squeeze %dma_start3A_135 : memref<1x128x128xf32, #tpu.memory_space<vmem>> -> memref<128x128xf32, #tpu.memory_space<vmem>>
      %dma_start3A_137 = arith.constant 0 : i32
      %dma_start3A_138 = arith.constant 0 : i32
      %dma_start3A_139 = tpu.memref_slice %arg9[%run_scoped3A, %dma_start3A_137, %dma_start3A_138] : memref<2x128x128xf32, #tpu.memory_space<vmem>> -> memref<1x128x128xf32, #tpu.memory_space<vmem>>
      %dma_start3A_140 = tpu.memref_squeeze %dma_start3A_139 : memref<1x128x128xf32, #tpu.memory_space<vmem>> -> memref<128x128xf32, #tpu.memory_space<vmem>>
      tpu.enqueue_dma source(%arg5 : memref<128x128xf32, #tpu.memory_space<hbm>>) target(%dma_start3A_140 : memref<128x128xf32, #tpu.memory_space<vmem>>) target_semaphore(%run_scoped3A_132 : memref<!tpu.dma_semaphore, #tpu.memory_space<semaphore_mem>>)
      %dma_wait3A_141 = arith.constant 0 : i32
      %dma_wait3A_142 = arith.constant 0 : i32
      %dma_wait3A_143 = tpu.memref_slice %arg9[%run_scoped3A, %dma_wait3A_141, %dma_wait3A_142] : memref<2x128x128xf32, #tpu.memory_space<vmem>> -> memref<1x128x128xf32, #tpu.memory_space<vmem>>
      %dma_wait3A_144 = tpu.memref_squeeze %dma_wait3A_143 : memref<1x128x128xf32, #tpu.memory_space<vmem>> -> memref<128x128xf32, #tpu.memory_space<vmem>>
      %dma_wait3A_145 = arith.constant 0 : i32
      %dma_wait3A_146 = arith.constant 0 : i32
      %dma_wait3A_147 = tpu.memref_slice %arg9[%run_scoped3A, %dma_wait3A_145, %dma_wait3A_146] : memref<2x128x128xf32, #tpu.memory_space<vmem>> -> memref<1x128x128xf32, #tpu.memory_space<vmem>>
      %dma_wait3A_148 = tpu.memref_squeeze %dma_wait3A_147 : memref<1x128x128xf32, #tpu.memory_space<vmem>> -> memref<128x128xf32, #tpu.memory_space<vmem>>
      tpu.wait_dma2 semaphore(%run_scoped3A_132 : memref<!tpu.dma_semaphore, #tpu.memory_space<semaphore_mem>>) src(%arg5 : memref<128x128xf32, #tpu.memory_space<hbm>>) dst(%dma_wait3A_148 : memref<128x128xf32, #tpu.memory_space<vmem>>)
      tpu.yield
    }) : () -> ()
    %mul3A_5 = arith.constant 640 : i32
    %mul3A_6 = arith.muli %arg1, %mul3A_5 : i32
    %add3A_7 = arith.constant 0 : i32
    %add3A_8 = arith.addi %mul3A_6, %add3A_7 : i32
    %run_scoped3A_9 = arith.constant 0 : i32
    "tpu.region"() ({
      %run_scoped3A_132 = tpu.sem_alloc : memref<!tpu.dma_semaphore, #tpu.memory_space<semaphore_mem>>
      %dma_start3A_133 = arith.constant 0 : i32
      %dma_start3A_134 = arith.constant 0 : i32
      %dma_start3A_135 = tpu.memref_slice %arg9[%run_scoped3A_9, %dma_start3A_133, %dma_start3A_134] : memref<2x128x128xf32, #tpu.memory_space<vmem>> -> memref<1x128x128xf32, #tpu.memory_space<vmem>>
      %dma_start3A_136 = tpu.memref_squeeze %dma_start3A_135 : memref<1x128x128xf32, #tpu.memory_space<vmem>> -> memref<128x128xf32, #tpu.memory_space<vmem>>
      %dma_start3A_137 = arith.constant 0 : i32
      %dma_start3A_138 = tpu.memref_slice %arg10[%add3A_8, %dma_start3A_137] : memref<10240x128xf32, #tpu.memory_space<vmem_shared>> -> memref<128x128xf32, #tpu.memory_space<vmem_shared>>
      %dma_start3A_139 = arith.constant 0 : i32
      %dma_start3A_140 = tpu.memref_slice %arg10[%add3A_8, %dma_start3A_139] : memref<10240x128xf32, #tpu.memory_space<vmem_shared>> -> memref<128x128xf32, #tpu.memory_space<vmem_shared>>
      %dma_start3A_141 = arith.constant 0 : i32
      %dma_start3A_142 = arith.constant 0 : i32
      %dma_start3A_143 = tpu.memref_slice %arg9[%run_scoped3A_9, %dma_start3A_141, %dma_start3A_142] : memref<2x128x128xf32, #tpu.memory_space<vmem>> -> memref<1x128x128xf32, #tpu.memory_space<vmem>>
      %dma_start3A_144 = tpu.memref_squeeze %dma_start3A_143 : memref<1x128x128xf32, #tpu.memory_space<vmem>> -> memref<128x128xf32, #tpu.memory_space<vmem>>
      tpu.enqueue_dma source(%dma_start3A_144 : memref<128x128xf32, #tpu.memory_space<vmem>>) target(%dma_start3A_140 : memref<128x128xf32, #tpu.memory_space<vmem_shared>>) target_semaphore(%run_scoped3A_132 : memref<!tpu.dma_semaphore, #tpu.memory_space<semaphore_mem>>)
      %dma_wait3A_145 = arith.constant 0 : i32
      %dma_wait3A_146 = arith.constant 0 : i32
      %dma_wait3A_147 = tpu.memref_slice %arg9[%run_scoped3A_9, %dma_wait3A_145, %dma_wait3A_146] : memref<2x128x128xf32, #tpu.memory_space<vmem>> -> memref<1x128x128xf32, #tpu.memory_space<vmem>>
      %dma_wait3A_148 = tpu.memref_squeeze %dma_wait3A_147 : memref<1x128x128xf32, #tpu.memory_space<vmem>> -> memref<128x128xf32, #tpu.memory_space<vmem>>
      %dma_wait3A_149 = arith.constant 0 : i32
      %dma_wait3A_150 = tpu.memref_slice %arg10[%add3A_8, %dma_wait3A_149] : memref<10240x128xf32, #tpu.memory_space<vmem_shared>> -> memref<128x128xf32, #tpu.memory_space<vmem_shared>>
      %dma_wait3A_151 = arith.constant 0 : i32
      %dma_wait3A_152 = tpu.memref_slice %arg10[%add3A_8, %dma_wait3A_151] : memref<10240x128xf32, #tpu.memory_space<vmem_shared>> -> memref<128x128xf32, #tpu.memory_space<vmem_shared>>
      %dma_wait3A_153 = arith.constant 0 : i32
      %dma_wait3A_154 = arith.constant 0 : i32
      %dma_wait3A_155 = tpu.memref_slice %arg9[%run_scoped3A_9, %dma_wait3A_153, %dma_wait3A_154] : memref<2x128x128xf32, #tpu.memory_space<vmem>> -> memref<1x128x128xf32, #tpu.memory_space<vmem>>
      %dma_wait3A_156 = tpu.memref_squeeze %dma_wait3A_155 : memref<1x128x128xf32, #tpu.memory_space<vmem>> -> memref<128x128xf32, #tpu.memory_space<vmem>>
      tpu.wait_dma2 semaphore(%run_scoped3A_132 : memref<!tpu.dma_semaphore, #tpu.memory_space<semaphore_mem>>) src(%dma_wait3A_156 : memref<128x128xf32, #tpu.memory_space<vmem>>) dst(%dma_wait3A_152 : memref<128x128xf32, #tpu.memory_space<vmem_shared>>)
      tpu.yield
    }) : () -> ()
    %mul3A_10 = arith.constant 640 : i32
    %mul3A_11 = arith.muli %arg1, %mul3A_10 : i32
    %add3A_12 = arith.constant 128 : i32
    %add3A_13 = arith.addi %mul3A_11, %add3A_12 : i32
    %run_scoped3A_14 = arith.constant 0 : i32
    "tpu.region"() ({
      %run_scoped3A_132 = tpu.sem_alloc : memref<!tpu.dma_semaphore, #tpu.memory_space<semaphore_mem>>
      %dma_start3A_133 = arith.constant 0 : i32
      %dma_start3A_134 = arith.constant 0 : i32
      %dma_start3A_135 = tpu.memref_slice %arg9[%run_scoped3A_14, %dma_start3A_133, %dma_start3A_134] : memref<2x128x128xf32, #tpu.memory_space<vmem>> -> memref<1x128x128xf32, #tpu.memory_space<vmem>>
      %dma_start3A_136 = tpu.memref_squeeze %dma_start3A_135 : memref<1x128x128xf32, #tpu.memory_space<vmem>> -> memref<128x128xf32, #tpu.memory_space<vmem>>
      %dma_start3A_137 = arith.constant 0 : i32
      %dma_start3A_138 = tpu.memref_slice %arg10[%add3A_13, %dma_start3A_137] : memref<10240x128xf32, #tpu.memory_space<vmem_shared>> -> memref<128x128xf32, #tpu.memory_space<vmem_shared>>
      %dma_start3A_139 = arith.constant 0 : i32
      %dma_start3A_140 = tpu.memref_slice %arg10[%add3A_13, %dma_start3A_139] : memref<10240x128xf32, #tpu.memory_space<vmem_shared>> -> memref<128x128xf32, #tpu.memory_space<vmem_shared>>
      %dma_start3A_141 = arith.constant 0 : i32
      %dma_start3A_142 = arith.constant 0 : i32
      %dma_start3A_143 = tpu.memref_slice %arg9[%run_scoped3A_14, %dma_start3A_141, %dma_start3A_142] : memref<2x128x128xf32, #tpu.memory_space<vmem>> -> memref<1x128x128xf32, #tpu.memory_space<vmem>>
      %dma_start3A_144 = tpu.memref_squeeze %dma_start3A_143 : memref<1x128x128xf32, #tpu.memory_space<vmem>> -> memref<128x128xf32, #tpu.memory_space<vmem>>
      tpu.enqueue_dma source(%dma_start3A_144 : memref<128x128xf32, #tpu.memory_space<vmem>>) target(%dma_start3A_140 : memref<128x128xf32, #tpu.memory_space<vmem_shared>>) target_semaphore(%run_scoped3A_132 : memref<!tpu.dma_semaphore, #tpu.memory_space<semaphore_mem>>)
      %dma_wait3A_145 = arith.constant 0 : i32
      %dma_wait3A_146 = arith.constant 0 : i32
      %dma_wait3A_147 = tpu.memref_slice %arg9[%run_scoped3A_14, %dma_wait3A_145, %dma_wait3A_146] : memref<2x128x128xf32, #tpu.memory_space<vmem>> -> memref<1x128x128xf32, #tpu.memory_space<vmem>>
      %dma_wait3A_148 = tpu.memref_squeeze %dma_wait3A_147 : memref<1x128x128xf32, #tpu.memory_space<vmem>> -> memref<128x128xf32, #tpu.memory_space<vmem>>
      %dma_wait3A_149 = arith.constant 0 : i32
      %dma_wait3A_150 = tpu.memref_slice %arg10[%add3A_13, %dma_wait3A_149] : memref<10240x128xf32, #tpu.memory_space<vmem_shared>> -> memref<128x128xf32, #tpu.memory_space<vmem_shared>>
      %dma_wait3A_151 = arith.constant 0 : i32
      %dma_wait3A_152 = tpu.memref_slice %arg10[%add3A_13, %dma_wait3A_151] : memref<10240x128xf32, #tpu.memory_space<vmem_shared>> -> memref<128x128xf32, #tpu.memory_space<vmem_shared>>
      %dma_wait3A_153 = arith.constant 0 : i32
      %dma_wait3A_154 = arith.constant 0 : i32
      %dma_wait3A_155 = tpu.memref_slice %arg9[%run_scoped3A_14, %dma_wait3A_153, %dma_wait3A_154] : memref<2x128x128xf32, #tpu.memory_space<vmem>> -> memref<1x128x128xf32, #tpu.memory_space<vmem>>
      %dma_wait3A_156 = tpu.memref_squeeze %dma_wait3A_155 : memref<1x128x128xf32, #tpu.memory_space<vmem>> -> memref<128x128xf32, #tpu.memory_space<vmem>>
      tpu.wait_dma2 semaphore(%run_scoped3A_132 : memref<!tpu.dma_semaphore, #tpu.memory_space<semaphore_mem>>) src(%dma_wait3A_156 : memref<128x128xf32, #tpu.memory_space<vmem>>) dst(%dma_wait3A_152 : memref<128x128xf32, #tpu.memory_space<vmem_shared>>)
      tpu.yield
    }) : () -> ()
    %mul3A_15 = arith.constant 640 : i32
    %mul3A_16 = arith.muli %arg1, %mul3A_15 : i32
    %add3A_17 = arith.constant 256 : i32
    %add3A_18 = arith.addi %mul3A_16, %add3A_17 : i32
    %run_scoped3A_19 = arith.constant 0 : i32
    "tpu.region"() ({
      %run_scoped3A_132 = tpu.sem_alloc : memref<!tpu.dma_semaphore, #tpu.memory_space<semaphore_mem>>
      %dma_start3A_133 = arith.constant 0 : i32
      %dma_start3A_134 = arith.constant 0 : i32
      %dma_start3A_135 = tpu.memref_slice %arg9[%run_scoped3A_19, %dma_start3A_133, %dma_start3A_134] : memref<2x128x128xf32, #tpu.memory_space<vmem>> -> memref<1x128x128xf32, #tpu.memory_space<vmem>>
      %dma_start3A_136 = tpu.memref_squeeze %dma_start3A_135 : memref<1x128x128xf32, #tpu.memory_space<vmem>> -> memref<128x128xf32, #tpu.memory_space<vmem>>
      %dma_start3A_137 = arith.constant 0 : i32
      %dma_start3A_138 = tpu.memref_slice %arg10[%add3A_18, %dma_start3A_137] : memref<10240x128xf32, #tpu.memory_space<vmem_shared>> -> memref<128x128xf32, #tpu.memory_space<vmem_shared>>
      %dma_start3A_139 = arith.constant 0 : i32
      %dma_start3A_140 = tpu.memref_slice %arg10[%add3A_18, %dma_start3A_139] : memref<10240x128xf32, #tpu.memory_space<vmem_shared>> -> memref<128x128xf32, #tpu.memory_space<vmem_shared>>
      %dma_start3A_141 = arith.constant 0 : i32
      %dma_start3A_142 = arith.constant 0 : i32
      %dma_start3A_143 = tpu.memref_slice %arg9[%run_scoped3A_19, %dma_start3A_141, %dma_start3A_142] : memref<2x128x128xf32, #tpu.memory_space<vmem>> -> memref<1x128x128xf32, #tpu.memory_space<vmem>>
      %dma_start3A_144 = tpu.memref_squeeze %dma_start3A_143 : memref<1x128x128xf32, #tpu.memory_space<vmem>> -> memref<128x128xf32, #tpu.memory_space<vmem>>
      tpu.enqueue_dma source(%dma_start3A_144 : memref<128x128xf32, #tpu.memory_space<vmem>>) target(%dma_start3A_140 : memref<128x128xf32, #tpu.memory_space<vmem_shared>>) target_semaphore(%run_scoped3A_132 : memref<!tpu.dma_semaphore, #tpu.memory_space<semaphore_mem>>)
      %dma_wait3A_145 = arith.constant 0 : i32
      %dma_wait3A_146 = arith.constant 0 : i32
      %dma_wait3A_147 = tpu.memref_slice %arg9[%run_scoped3A_19, %dma_wait3A_145, %dma_wait3A_146] : memref<2x128x128xf32, #tpu.memory_space<vmem>> -> memref<1x128x128xf32, #tpu.memory_space<vmem>>
      %dma_wait3A_148 = tpu.memref_squeeze %dma_wait3A_147 : memref<1x128x128xf32, #tpu.memory_space<vmem>> -> memref<128x128xf32, #tpu.memory_space<vmem>>
      %dma_wait3A_149 = arith.constant 0 : i32
      %dma_wait3A_150 = tpu.memref_slice %arg10[%add3A_18, %dma_wait3A_149] : memref<10240x128xf32, #tpu.memory_space<vmem_shared>> -> memref<128x128xf32, #tpu.memory_space<vmem_shared>>
      %dma_wait3A_151 = arith.constant 0 : i32
      %dma_wait3A_152 = tpu.memref_slice %arg10[%add3A_18, %dma_wait3A_151] : memref<10240x128xf32, #tpu.memory_space<vmem_shared>> -> memref<128x128xf32, #tpu.memory_space<vmem_shared>>
      %dma_wait3A_153 = arith.constant 0 : i32
      %dma_wait3A_154 = arith.constant 0 : i32
      %dma_wait3A_155 = tpu.memref_slice %arg9[%run_scoped3A_19, %dma_wait3A_153, %dma_wait3A_154] : memref<2x128x128xf32, #tpu.memory_space<vmem>> -> memref<1x128x128xf32, #tpu.memory_space<vmem>>
      %dma_wait3A_156 = tpu.memref_squeeze %dma_wait3A_155 : memref<1x128x128xf32, #tpu.memory_space<vmem>> -> memref<128x128xf32, #tpu.memory_space<vmem>>
      tpu.wait_dma2 semaphore(%run_scoped3A_132 : memref<!tpu.dma_semaphore, #tpu.memory_space<semaphore_mem>>) src(%dma_wait3A_156 : memref<128x128xf32, #tpu.memory_space<vmem>>) dst(%dma_wait3A_152 : memref<128x128xf32, #tpu.memory_space<vmem_shared>>)
      tpu.yield
    }) : () -> ()
    %mul3A_20 = arith.constant 640 : i32
    %mul3A_21 = arith.muli %arg1, %mul3A_20 : i32
    %add3A_22 = arith.constant 384 : i32
    %add3A_23 = arith.addi %mul3A_21, %add3A_22 : i32
    %run_scoped3A_24 = arith.constant 0 : i32
    "tpu.region"() ({
      %run_scoped3A_132 = tpu.sem_alloc : memref<!tpu.dma_semaphore, #tpu.memory_space<semaphore_mem>>
      %dma_start3A_133 = arith.constant 0 : i32
      %dma_start3A_134 = arith.constant 0 : i32
      %dma_start3A_135 = tpu.memref_slice %arg9[%run_scoped3A_24, %dma_start3A_133, %dma_start3A_134] : memref<2x128x128xf32, #tpu.memory_space<vmem>> -> memref<1x128x128xf32, #tpu.memory_space<vmem>>
      %dma_start3A_136 = tpu.memref_squeeze %dma_start3A_135 : memref<1x128x128xf32, #tpu.memory_space<vmem>> -> memref<128x128xf32, #tpu.memory_space<vmem>>
      %dma_start3A_137 = arith.constant 0 : i32
      %dma_start3A_138 = tpu.memref_slice %arg10[%add3A_23, %dma_start3A_137] : memref<10240x128xf32, #tpu.memory_space<vmem_shared>> -> memref<128x128xf32, #tpu.memory_space<vmem_shared>>
      %dma_start3A_139 = arith.constant 0 : i32
      %dma_start3A_140 = tpu.memref_slice %arg10[%add3A_23, %dma_start3A_139] : memref<10240x128xf32, #tpu.memory_space<vmem_shared>> -> memref<128x128xf32, #tpu.memory_space<vmem_shared>>
      %dma_start3A_141 = arith.constant 0 : i32
      %dma_start3A_142 = arith.constant 0 : i32
      %dma_start3A_143 = tpu.memref_slice %arg9[%run_scoped3A_24, %dma_start3A_141, %dma_start3A_142] : memref<2x128x128xf32, #tpu.memory_space<vmem>> -> memref<1x128x128xf32, #tpu.memory_space<vmem>>
      %dma_start3A_144 = tpu.memref_squeeze %dma_start3A_143 : memref<1x128x128xf32, #tpu.memory_space<vmem>> -> memref<128x128xf32, #tpu.memory_space<vmem>>
      tpu.enqueue_dma source(%dma_start3A_144 : memref<128x128xf32, #tpu.memory_space<vmem>>) target(%dma_start3A_140 : memref<128x128xf32, #tpu.memory_space<vmem_shared>>) target_semaphore(%run_scoped3A_132 : memref<!tpu.dma_semaphore, #tpu.memory_space<semaphore_mem>>)
      %dma_wait3A_145 = arith.constant 0 : i32
      %dma_wait3A_146 = arith.constant 0 : i32
      %dma_wait3A_147 = tpu.memref_slice %arg9[%run_scoped3A_24, %dma_wait3A_145, %dma_wait3A_146] : memref<2x128x128xf32, #tpu.memory_space<vmem>> -> memref<1x128x128xf32, #tpu.memory_space<vmem>>
      %dma_wait3A_148 = tpu.memref_squeeze %dma_wait3A_147 : memref<1x128x128xf32, #tpu.memory_space<vmem>> -> memref<128x128xf32, #tpu.memory_space<vmem>>
      %dma_wait3A_149 = arith.constant 0 : i32
      %dma_wait3A_150 = tpu.memref_slice %arg10[%add3A_23, %dma_wait3A_149] : memref<10240x128xf32, #tpu.memory_space<vmem_shared>> -> memref<128x128xf32, #tpu.memory_space<vmem_shared>>
      %dma_wait3A_151 = arith.constant 0 : i32
      %dma_wait3A_152 = tpu.memref_slice %arg10[%add3A_23, %dma_wait3A_151] : memref<10240x128xf32, #tpu.memory_space<vmem_shared>> -> memref<128x128xf32, #tpu.memory_space<vmem_shared>>
      %dma_wait3A_153 = arith.constant 0 : i32
      %dma_wait3A_154 = arith.constant 0 : i32
      %dma_wait3A_155 = tpu.memref_slice %arg9[%run_scoped3A_24, %dma_wait3A_153, %dma_wait3A_154] : memref<2x128x128xf32, #tpu.memory_space<vmem>> -> memref<1x128x128xf32, #tpu.memory_space<vmem>>
      %dma_wait3A_156 = tpu.memref_squeeze %dma_wait3A_155 : memref<1x128x128xf32, #tpu.memory_space<vmem>> -> memref<128x128xf32, #tpu.memory_space<vmem>>
      tpu.wait_dma2 semaphore(%run_scoped3A_132 : memref<!tpu.dma_semaphore, #tpu.memory_space<semaphore_mem>>) src(%dma_wait3A_156 : memref<128x128xf32, #tpu.memory_space<vmem>>) dst(%dma_wait3A_152 : memref<128x128xf32, #tpu.memory_space<vmem_shared>>)
      tpu.yield
    }) : () -> ()
    %mul3A_25 = arith.constant 640 : i32
    %mul3A_26 = arith.muli %arg1, %mul3A_25 : i32
    %add3A_27 = arith.constant 512 : i32
    %add3A_28 = arith.addi %mul3A_26, %add3A_27 : i32
    %run_scoped3A_29 = arith.constant 0 : i32
    "tpu.region"() ({
      %run_scoped3A_132 = tpu.sem_alloc : memref<!tpu.dma_semaphore, #tpu.memory_space<semaphore_mem>>
      %dma_start3A_133 = arith.constant 0 : i32
      %dma_start3A_134 = arith.constant 0 : i32
      %dma_start3A_135 = tpu.memref_slice %arg9[%run_scoped3A_29, %dma_start3A_133, %dma_start3A_134] : memref<2x128x128xf32, #tpu.memory_space<vmem>> -> memref<1x128x128xf32, #tpu.memory_space<vmem>>
      %dma_start3A_136 = tpu.memref_squeeze %dma_start3A_135 : memref<1x128x128xf32, #tpu.memory_space<vmem>> -> memref<128x128xf32, #tpu.memory_space<vmem>>
      %dma_start3A_137 = arith.constant 0 : i32
      %dma_start3A_138 = tpu.memref_slice %arg10[%add3A_28, %dma_start3A_137] : memref<10240x128xf32, #tpu.memory_space<vmem_shared>> -> memref<128x128xf32, #tpu.memory_space<vmem_shared>>
      %dma_start3A_139 = arith.constant 0 : i32
      %dma_start3A_140 = tpu.memref_slice %arg10[%add3A_28, %dma_start3A_139] : memref<10240x128xf32, #tpu.memory_space<vmem_shared>> -> memref<128x128xf32, #tpu.memory_space<vmem_shared>>
      %dma_start3A_141 = arith.constant 0 : i32
      %dma_start3A_142 = arith.constant 0 : i32
      %dma_start3A_143 = tpu.memref_slice %arg9[%run_scoped3A_29, %dma_start3A_141, %dma_start3A_142] : memref<2x128x128xf32, #tpu.memory_space<vmem>> -> memref<1x128x128xf32, #tpu.memory_space<vmem>>
      %dma_start3A_144 = tpu.memref_squeeze %dma_start3A_143 : memref<1x128x128xf32, #tpu.memory_space<vmem>> -> memref<128x128xf32, #tpu.memory_space<vmem>>
      tpu.enqueue_dma source(%dma_start3A_144 : memref<128x128xf32, #tpu.memory_space<vmem>>) target(%dma_start3A_140 : memref<128x128xf32, #tpu.memory_space<vmem_shared>>) target_semaphore(%run_scoped3A_132 : memref<!tpu.dma_semaphore, #tpu.memory_space<semaphore_mem>>)
      %dma_wait3A_145 = arith.constant 0 : i32
      %dma_wait3A_146 = arith.constant 0 : i32
      %dma_wait3A_147 = tpu.memref_slice %arg9[%run_scoped3A_29, %dma_wait3A_145, %dma_wait3A_146] : memref<2x128x128xf32, #tpu.memory_space<vmem>> -> memref<1x128x128xf32, #tpu.memory_space<vmem>>
      %dma_wait3A_148 = tpu.memref_squeeze %dma_wait3A_147 : memref<1x128x128xf32, #tpu.memory_space<vmem>> -> memref<128x128xf32, #tpu.memory_space<vmem>>
      %dma_wait3A_149 = arith.constant 0 : i32
      %dma_wait3A_150 = tpu.memref_slice %arg10[%add3A_28, %dma_wait3A_149] : memref<10240x128xf32, #tpu.memory_space<vmem_shared>> -> memref<128x128xf32, #tpu.memory_space<vmem_shared>>
      %dma_wait3A_151 = arith.constant 0 : i32
      %dma_wait3A_152 = tpu.memref_slice %arg10[%add3A_28, %dma_wait3A_151] : memref<10240x128xf32, #tpu.memory_space<vmem_shared>> -> memref<128x128xf32, #tpu.memory_space<vmem_shared>>
      %dma_wait3A_153 = arith.constant 0 : i32
      %dma_wait3A_154 = arith.constant 0 : i32
      %dma_wait3A_155 = tpu.memref_slice %arg9[%run_scoped3A_29, %dma_wait3A_153, %dma_wait3A_154] : memref<2x128x128xf32, #tpu.memory_space<vmem>> -> memref<1x128x128xf32, #tpu.memory_space<vmem>>
      %dma_wait3A_156 = tpu.memref_squeeze %dma_wait3A_155 : memref<1x128x128xf32, #tpu.memory_space<vmem>> -> memref<128x128xf32, #tpu.memory_space<vmem>>
      tpu.wait_dma2 semaphore(%run_scoped3A_132 : memref<!tpu.dma_semaphore, #tpu.memory_space<semaphore_mem>>) src(%dma_wait3A_156 : memref<128x128xf32, #tpu.memory_space<vmem>>) dst(%dma_wait3A_152 : memref<128x128xf32, #tpu.memory_space<vmem_shared>>)
      tpu.yield
    }) : () -> ()
    "tpu.region"() ({
      %run_scoped3A_132 = tpu.sem_alloc : memref<!tpu.dma_semaphore, #tpu.memory_space<semaphore_mem>>
      %dma_start3A_133 = arith.constant 0 : i32
      %dma_start3A_134 = tpu.memref_slice %arg2[%select_n3A, %dma_start3A_133] : memref<1408x128xi32, #tpu.memory_space<hbm>> -> memref<40x128xi32, #tpu.memory_space<hbm>>
      %dma_start3A_135 = arith.constant 0 : i32
      %dma_start3A_136 = tpu.memref_slice %arg2[%select_n3A, %dma_start3A_135] : memref<1408x128xi32, #tpu.memory_space<hbm>> -> memref<40x128xi32, #tpu.memory_space<hbm>>
      tpu.enqueue_dma source(%dma_start3A_136 : memref<40x128xi32, #tpu.memory_space<hbm>>) target(%arg7 : memref<40x128xi32, #tpu.memory_space<vmem>>) target_semaphore(%run_scoped3A_132 : memref<!tpu.dma_semaphore, #tpu.memory_space<semaphore_mem>>)
      %dma_wait3A_137 = arith.constant 0 : i32
      %dma_wait3A_138 = tpu.memref_slice %arg2[%select_n3A, %dma_wait3A_137] : memref<1408x128xi32, #tpu.memory_space<hbm>> -> memref<40x128xi32, #tpu.memory_space<hbm>>
      %dma_wait3A_139 = arith.constant 0 : i32
      %dma_wait3A_140 = tpu.memref_slice %arg2[%select_n3A, %dma_wait3A_139] : memref<1408x128xi32, #tpu.memory_space<hbm>> -> memref<40x128xi32, #tpu.memory_space<hbm>>
      tpu.wait_dma2 semaphore(%run_scoped3A_132 : memref<!tpu.dma_semaphore, #tpu.memory_space<semaphore_mem>>) src(%dma_wait3A_140 : memref<40x128xi32, #tpu.memory_space<hbm>>) dst(%arg7 : memref<40x128xi32, #tpu.memory_space<vmem>>)
      tpu.yield
    }) : () -> ()
    "tpu.region"() ({
      %run_scoped3A_132 = tpu.sem_alloc : memref<!tpu.dma_semaphore, #tpu.memory_space<semaphore_mem>>
      %dma_start3A_133 = arith.constant 0 : i32
      %dma_start3A_134 = tpu.memref_slice %arg3[%select_n3A, %dma_start3A_133] : memref<1408x128xi32, #tpu.memory_space<hbm>> -> memref<40x128xi32, #tpu.memory_space<hbm>>
      %dma_start3A_135 = arith.constant 0 : i32
      %dma_start3A_136 = tpu.memref_slice %arg3[%select_n3A, %dma_start3A_135] : memref<1408x128xi32, #tpu.memory_space<hbm>> -> memref<40x128xi32, #tpu.memory_space<hbm>>
      tpu.enqueue_dma source(%dma_start3A_136 : memref<40x128xi32, #tpu.memory_space<hbm>>) target(%arg8 : memref<40x128xi32, #tpu.memory_space<vmem>>) target_semaphore(%run_scoped3A_132 : memref<!tpu.dma_semaphore, #tpu.memory_space<semaphore_mem>>)
      %dma_wait3A_137 = arith.constant 0 : i32
      %dma_wait3A_138 = tpu.memref_slice %arg3[%select_n3A, %dma_wait3A_137] : memref<1408x128xi32, #tpu.memory_space<hbm>> -> memref<40x128xi32, #tpu.memory_space<hbm>>
      %dma_wait3A_139 = arith.constant 0 : i32
      %dma_wait3A_140 = tpu.memref_slice %arg3[%select_n3A, %dma_wait3A_139] : memref<1408x128xi32, #tpu.memory_space<hbm>> -> memref<40x128xi32, #tpu.memory_space<hbm>>
      tpu.wait_dma2 semaphore(%run_scoped3A_132 : memref<!tpu.dma_semaphore, #tpu.memory_space<semaphore_mem>>) src(%dma_wait3A_140 : memref<40x128xi32, #tpu.memory_space<hbm>>) dst(%arg8 : memref<40x128xi32, #tpu.memory_space<vmem>>)
      tpu.yield
    }) : () -> ()
    %barrier3A = arith.constant 0 : index
    tpu.barrier barrier_id(%barrier3A)
    %dma_start3A = arith.constant 0 : i32
    %dma_start3A_30 = arith.constant 0 : i32
    %dma_start3A_31 = arith.constant 0 : i32
    %dma_start3A_32 = arith.constant 0 : i32
    %dma_start3A_33 = tpu.memref_slice %arg9[%dma_start3A_30, %dma_start3A_31, %dma_start3A_32] : memref<2x128x128xf32, #tpu.memory_space<vmem>> -> memref<1x128x128xf32, #tpu.memory_space<vmem>>
    %dma_start3A_34 = tpu.memref_squeeze %dma_start3A_33 : memref<1x128x128xf32, #tpu.memory_space<vmem>> -> memref<128x128xf32, #tpu.memory_space<vmem>>
    %dma_start3A_35 = arith.constant 0 : i32
    %dma_start3A_36 = tpu.memref_slice %arg7[%dma_start3A, %dma_start3A_35] : memref<40x128xi32, #tpu.memory_space<vmem>> -> memref<1x128xi32, #tpu.memory_space<vmem>>
    %dma_start3A_37 = tpu.memref_squeeze %dma_start3A_36 : memref<1x128xi32, #tpu.memory_space<vmem>> -> memref<128xi32, #tpu.memory_space<vmem>>
    %dma_start3A_38 = arith.constant 0 : i32
    %dma_start3A_39 = arith.constant 0 : i32
    %dma_start3A_40 = tpu.memref_slice %arg4[%dma_start3A_38, %dma_start3A_39] : memref<10240x128xf32, #tpu.memory_space<hbm>> -> memref<10240x128xf32, #tpu.memory_space<hbm>>
    tpu.enqueue_indirect_dma source(%dma_start3A_40 : memref<10240x128xf32, #tpu.memory_space<hbm>>) target(%dma_start3A_34 : memref<128x128xf32, #tpu.memory_space<vmem>>) offsets(%dma_start3A_37 : memref<128xi32, #tpu.memory_space<vmem>>) semaphore(%arg11 : memref<!tpu.dma_semaphore, #tpu.memory_space<semaphore_mem>>)
    %dma_start3A_41 = arith.constant 1 : i32
    %dma_start3A_42 = arith.constant 1 : i32
    %dma_start3A_43 = arith.constant 0 : i32
    %dma_start3A_44 = arith.constant 0 : i32
    %dma_start3A_45 = tpu.memref_slice %arg9[%dma_start3A_42, %dma_start3A_43, %dma_start3A_44] : memref<2x128x128xf32, #tpu.memory_space<vmem>> -> memref<1x128x128xf32, #tpu.memory_space<vmem>>
    %dma_start3A_46 = tpu.memref_squeeze %dma_start3A_45 : memref<1x128x128xf32, #tpu.memory_space<vmem>> -> memref<128x128xf32, #tpu.memory_space<vmem>>
    %dma_start3A_47 = arith.constant 0 : i32
    %dma_start3A_48 = tpu.memref_slice %arg7[%dma_start3A_41, %dma_start3A_47] : memref<40x128xi32, #tpu.memory_space<vmem>> -> memref<1x128xi32, #tpu.memory_space<vmem>>
    %dma_start3A_49 = tpu.memref_squeeze %dma_start3A_48 : memref<1x128xi32, #tpu.memory_space<vmem>> -> memref<128xi32, #tpu.memory_space<vmem>>
    %dma_start3A_50 = arith.constant 0 : i32
    %dma_start3A_51 = arith.constant 0 : i32
    %dma_start3A_52 = tpu.memref_slice %arg4[%dma_start3A_50, %dma_start3A_51] : memref<10240x128xf32, #tpu.memory_space<hbm>> -> memref<10240x128xf32, #tpu.memory_space<hbm>>
    tpu.enqueue_indirect_dma source(%dma_start3A_52 : memref<10240x128xf32, #tpu.memory_space<hbm>>) target(%dma_start3A_46 : memref<128x128xf32, #tpu.memory_space<vmem>>) offsets(%dma_start3A_49 : memref<128xi32, #tpu.memory_space<vmem>>) semaphore(%arg12 : memref<!tpu.dma_semaphore, #tpu.memory_space<semaphore_mem>>)
    %scan3A = arith.constant 0 : i32
    %scan3A_53 = arith.constant 0 : i32
    %scan3A_54 = arith.constant 20 : i32
    %scan3A_55 = arith.addi %scan3A_53, %scan3A_54 : i32
    %scan3A_56 = arith.constant 1 : i32
    scf.for %scan3A_132 = %scan3A_53 to %scan3A_55 step %scan3A_56  : i32 {
      %mul3A_133 = arith.constant 2 : i32
      %mul3A_134 = arith.muli %scan3A_132, %mul3A_133 : i32
      %add3A_135 = arith.constant 0 : i32
      %add3A_136 = arith.addi %mul3A_134, %add3A_135 : i32
      %dma_wait3A_137 = arith.constant 0 : i32
      %dma_wait3A_138 = arith.constant 0 : i32
      %dma_wait3A_139 = arith.constant 0 : i32
      %dma_wait3A_140 = tpu.memref_slice %arg9[%dma_wait3A_137, %dma_wait3A_138, %dma_wait3A_139] : memref<2x128x128xf32, #tpu.memory_space<vmem>> -> memref<1x128x128xf32, #tpu.memory_space<vmem>>
      %dma_wait3A_141 = tpu.memref_squeeze %dma_wait3A_140 : memref<1x128x128xf32, #tpu.memory_space<vmem>> -> memref<128x128xf32, #tpu.memory_space<vmem>>
      %dma_wait3A_142 = arith.constant 0 : i32
      %dma_wait3A_143 = tpu.memref_slice %arg7[%add3A_136, %dma_wait3A_142] : memref<40x128xi32, #tpu.memory_space<vmem>> -> memref<1x128xi32, #tpu.memory_space<vmem>>
      %dma_wait3A_144 = tpu.memref_squeeze %dma_wait3A_143 : memref<1x128xi32, #tpu.memory_space<vmem>> -> memref<128xi32, #tpu.memory_space<vmem>>
      %dma_wait3A_145 = arith.constant 0 : i32
      %dma_wait3A_146 = arith.constant 0 : i32
      %dma_wait3A_147 = tpu.memref_slice %arg4[%dma_wait3A_145, %dma_wait3A_146] : memref<10240x128xf32, #tpu.memory_space<hbm>> -> memref<10240x128xf32, #tpu.memory_space<hbm>>
      tpu.wait_indirect_dma semaphore(%arg11 : memref<!tpu.dma_semaphore, #tpu.memory_space<semaphore_mem>>) src(%dma_wait3A_147 : memref<10240x128xf32, #tpu.memory_space<hbm>>) dst(%dma_wait3A_141 : memref<128x128xf32, #tpu.memory_space<vmem>>)
      %add3A_148 = arith.constant 0 : i32
      %add3A_149 = arith.addi %mul3A_134, %add3A_148 : i32
      %dma_start3A_150 = arith.constant 0 : i32
      %dma_start3A_151 = arith.constant 0 : i32
      %dma_start3A_152 = arith.constant 0 : i32
      %dma_start3A_153 = tpu.memref_slice %arg9[%dma_start3A_150, %dma_start3A_151, %dma_start3A_152] : memref<2x128x128xf32, #tpu.memory_space<vmem>> -> memref<1x128x128xf32, #tpu.memory_space<vmem>>
      %dma_start3A_154 = tpu.memref_squeeze %dma_start3A_153 : memref<1x128x128xf32, #tpu.memory_space<vmem>> -> memref<128x128xf32, #tpu.memory_space<vmem>>
      %dma_start3A_155 = arith.constant 0 : i32
      %dma_start3A_156 = tpu.memref_slice %arg8[%add3A_149, %dma_start3A_155] : memref<40x128xi32, #tpu.memory_space<vmem>> -> memref<1x128xi32, #tpu.memory_space<vmem>>
      %dma_start3A_157 = tpu.memref_squeeze %dma_start3A_156 : memref<1x128xi32, #tpu.memory_space<vmem>> -> memref<128xi32, #tpu.memory_space<vmem>>
      %dma_start3A_158 = arith.constant 0 : i32
      %dma_start3A_159 = arith.constant 0 : i32
      %dma_start3A_160 = tpu.memref_slice %arg10[%dma_start3A_158, %dma_start3A_159] : memref<10240x128xf32, #tpu.memory_space<vmem_shared>> -> memref<10240x128xf32, #tpu.memory_space<vmem_shared>>
      tpu.enqueue_indirect_dma source(%dma_start3A_154 : memref<128x128xf32, #tpu.memory_space<vmem>>) target(%dma_start3A_160 : memref<10240x128xf32, #tpu.memory_space<vmem_shared>>) offsets(%dma_start3A_157 : memref<128xi32, #tpu.memory_space<vmem>>) semaphore(%arg13 : memref<!tpu.dma_semaphore, #tpu.memory_space<semaphore_mem>>) {add = true}
      %add3A_161 = arith.constant 1 : i32
      %add3A_162 = arith.addi %mul3A_134, %add3A_161 : i32
      %dma_wait3A_163 = arith.constant 1 : i32
      %dma_wait3A_164 = arith.constant 0 : i32
      %dma_wait3A_165 = arith.constant 0 : i32
      %dma_wait3A_166 = tpu.memref_slice %arg9[%dma_wait3A_163, %dma_wait3A_164, %dma_wait3A_165] : memref<2x128x128xf32, #tpu.memory_space<vmem>> -> memref<1x128x128xf32, #tpu.memory_space<vmem>>
      %dma_wait3A_167 = tpu.memref_squeeze %dma_wait3A_166 : memref<1x128x128xf32, #tpu.memory_space<vmem>> -> memref<128x128xf32, #tpu.memory_space<vmem>>
      %dma_wait3A_168 = arith.constant 0 : i32
      %dma_wait3A_169 = tpu.memref_slice %arg7[%add3A_162, %dma_wait3A_168] : memref<40x128xi32, #tpu.memory_space<vmem>> -> memref<1x128xi32, #tpu.memory_space<vmem>>
      %dma_wait3A_170 = tpu.memref_squeeze %dma_wait3A_169 : memref<1x128xi32, #tpu.memory_space<vmem>> -> memref<128xi32, #tpu.memory_space<vmem>>
      %dma_wait3A_171 = arith.constant 0 : i32
      %dma_wait3A_172 = arith.constant 0 : i32
      %dma_wait3A_173 = tpu.memref_slice %arg4[%dma_wait3A_171, %dma_wait3A_172] : memref<10240x128xf32, #tpu.memory_space<hbm>> -> memref<10240x128xf32, #tpu.memory_space<hbm>>
      tpu.wait_indirect_dma semaphore(%arg12 : memref<!tpu.dma_semaphore, #tpu.memory_space<semaphore_mem>>) src(%dma_wait3A_173 : memref<10240x128xf32, #tpu.memory_space<hbm>>) dst(%dma_wait3A_167 : memref<128x128xf32, #tpu.memory_space<vmem>>)
      %add3A_174 = arith.constant 1 : i32
      %add3A_175 = arith.addi %mul3A_134, %add3A_174 : i32
      %dma_start3A_176 = arith.constant 1 : i32
      %dma_start3A_177 = arith.constant 0 : i32
      %dma_start3A_178 = arith.constant 0 : i32
      %dma_start3A_179 = tpu.memref_slice %arg9[%dma_start3A_176, %dma_start3A_177, %dma_start3A_178] : memref<2x128x128xf32, #tpu.memory_space<vmem>> -> memref<1x128x128xf32, #tpu.memory_space<vmem>>
      %dma_start3A_180 = tpu.memref_squeeze %dma_start3A_179 : memref<1x128x128xf32, #tpu.memory_space<vmem>> -> memref<128x128xf32, #tpu.memory_space<vmem>>
      %dma_start3A_181 = arith.constant 0 : i32
      %dma_start3A_182 = tpu.memref_slice %arg8[%add3A_175, %dma_start3A_181] : memref<40x128xi32, #tpu.memory_space<vmem>> -> memref<1x128xi32, #tpu.memory_space<vmem>>
      %dma_start3A_183 = tpu.memref_squeeze %dma_start3A_182 : memref<1x128xi32, #tpu.memory_space<vmem>> -> memref<128xi32, #tpu.memory_space<vmem>>
      %dma_start3A_184 = arith.constant 0 : i32
      %dma_start3A_185 = arith.constant 0 : i32
      %dma_start3A_186 = tpu.memref_slice %arg10[%dma_start3A_184, %dma_start3A_185] : memref<10240x128xf32, #tpu.memory_space<vmem_shared>> -> memref<10240x128xf32, #tpu.memory_space<vmem_shared>>
      tpu.enqueue_indirect_dma source(%dma_start3A_180 : memref<128x128xf32, #tpu.memory_space<vmem>>) target(%dma_start3A_186 : memref<10240x128xf32, #tpu.memory_space<vmem_shared>>) offsets(%dma_start3A_183 : memref<128xi32, #tpu.memory_space<vmem>>) semaphore(%arg14 : memref<!tpu.dma_semaphore, #tpu.memory_space<semaphore_mem>>) {add = true}
      %lt3A = arith.constant 19 : i32
      %lt3A_187 = arith.cmpi slt, %scan3A_132, %lt3A : i32
      %convert_element_type3A = arith.extui %lt3A_187 : i1 to i32
      %cond3A = arith.constant 0 : i32
      %cond3A_188 = arith.cmpi ne, %convert_element_type3A, %cond3A : i32
      scf.if %cond3A_188 {
        %add3A_189 = arith.constant 0 : i32
        %add3A_190 = arith.addi %mul3A_134, %add3A_189 : i32
        %dma_wait3A_191 = arith.constant 0 : i32
        %dma_wait3A_192 = arith.constant 0 : i32
        %dma_wait3A_193 = arith.constant 0 : i32
        %dma_wait3A_194 = tpu.memref_slice %arg9[%dma_wait3A_191, %dma_wait3A_192, %dma_wait3A_193] : memref<2x128x128xf32, #tpu.memory_space<vmem>> -> memref<1x128x128xf32, #tpu.memory_space<vmem>>
        %dma_wait3A_195 = tpu.memref_squeeze %dma_wait3A_194 : memref<1x128x128xf32, #tpu.memory_space<vmem>> -> memref<128x128xf32, #tpu.memory_space<vmem>>
        %dma_wait3A_196 = arith.constant 0 : i32
        %dma_wait3A_197 = tpu.memref_slice %arg8[%add3A_190, %dma_wait3A_196] : memref<40x128xi32, #tpu.memory_space<vmem>> -> memref<1x128xi32, #tpu.memory_space<vmem>>
        %dma_wait3A_198 = tpu.memref_squeeze %dma_wait3A_197 : memref<1x128xi32, #tpu.memory_space<vmem>> -> memref<128xi32, #tpu.memory_space<vmem>>
        %dma_wait3A_199 = arith.constant 0 : i32
        %dma_wait3A_200 = arith.constant 0 : i32
        %dma_wait3A_201 = tpu.memref_slice %arg10[%dma_wait3A_199, %dma_wait3A_200] : memref<10240x128xf32, #tpu.memory_space<vmem_shared>> -> memref<10240x128xf32, #tpu.memory_space<vmem_shared>>
        tpu.wait_indirect_dma semaphore(%arg13 : memref<!tpu.dma_semaphore, #tpu.memory_space<semaphore_mem>>) src(%dma_wait3A_195 : memref<128x128xf32, #tpu.memory_space<vmem>>) dst(%dma_wait3A_201 : memref<10240x128xf32, #tpu.memory_space<vmem_shared>>)
        %add3A_202 = arith.constant 2 : i32
        %add3A_203 = arith.addi %mul3A_134, %add3A_202 : i32
        %add3A_204 = arith.constant 0 : i32
        %add3A_205 = arith.addi %add3A_203, %add3A_204 : i32
        %dma_start3A_206 = arith.constant 0 : i32
        %dma_start3A_207 = arith.constant 0 : i32
        %dma_start3A_208 = arith.constant 0 : i32
        %dma_start3A_209 = tpu.memref_slice %arg9[%dma_start3A_206, %dma_start3A_207, %dma_start3A_208] : memref<2x128x128xf32, #tpu.memory_space<vmem>> -> memref<1x128x128xf32, #tpu.memory_space<vmem>>
        %dma_start3A_210 = tpu.memref_squeeze %dma_start3A_209 : memref<1x128x128xf32, #tpu.memory_space<vmem>> -> memref<128x128xf32, #tpu.memory_space<vmem>>
        %dma_start3A_211 = arith.constant 0 : i32
        %dma_start3A_212 = tpu.memref_slice %arg7[%add3A_205, %dma_start3A_211] : memref<40x128xi32, #tpu.memory_space<vmem>> -> memref<1x128xi32, #tpu.memory_space<vmem>>
        %dma_start3A_213 = tpu.memref_squeeze %dma_start3A_212 : memref<1x128xi32, #tpu.memory_space<vmem>> -> memref<128xi32, #tpu.memory_space<vmem>>
        %dma_start3A_214 = arith.constant 0 : i32
        %dma_start3A_215 = arith.constant 0 : i32
        %dma_start3A_216 = tpu.memref_slice %arg4[%dma_start3A_214, %dma_start3A_215] : memref<10240x128xf32, #tpu.memory_space<hbm>> -> memref<10240x128xf32, #tpu.memory_space<hbm>>
        tpu.enqueue_indirect_dma source(%dma_start3A_216 : memref<10240x128xf32, #tpu.memory_space<hbm>>) target(%dma_start3A_210 : memref<128x128xf32, #tpu.memory_space<vmem>>) offsets(%dma_start3A_213 : memref<128xi32, #tpu.memory_space<vmem>>) semaphore(%arg11 : memref<!tpu.dma_semaphore, #tpu.memory_space<semaphore_mem>>)
        %add3A_217 = arith.constant 1 : i32
        %add3A_218 = arith.addi %mul3A_134, %add3A_217 : i32
        %dma_wait3A_219 = arith.constant 1 : i32
        %dma_wait3A_220 = arith.constant 0 : i32
        %dma_wait3A_221 = arith.constant 0 : i32
        %dma_wait3A_222 = tpu.memref_slice %arg9[%dma_wait3A_219, %dma_wait3A_220, %dma_wait3A_221] : memref<2x128x128xf32, #tpu.memory_space<vmem>> -> memref<1x128x128xf32, #tpu.memory_space<vmem>>
        %dma_wait3A_223 = tpu.memref_squeeze %dma_wait3A_222 : memref<1x128x128xf32, #tpu.memory_space<vmem>> -> memref<128x128xf32, #tpu.memory_space<vmem>>
        %dma_wait3A_224 = arith.constant 0 : i32
        %dma_wait3A_225 = tpu.memref_slice %arg8[%add3A_218, %dma_wait3A_224] : memref<40x128xi32, #tpu.memory_space<vmem>> -> memref<1x128xi32, #tpu.memory_space<vmem>>
        %dma_wait3A_226 = tpu.memref_squeeze %dma_wait3A_225 : memref<1x128xi32, #tpu.memory_space<vmem>> -> memref<128xi32, #tpu.memory_space<vmem>>
        %dma_wait3A_227 = arith.constant 0 : i32
        %dma_wait3A_228 = arith.constant 0 : i32
        %dma_wait3A_229 = tpu.memref_slice %arg10[%dma_wait3A_227, %dma_wait3A_228] : memref<10240x128xf32, #tpu.memory_space<vmem_shared>> -> memref<10240x128xf32, #tpu.memory_space<vmem_shared>>
        tpu.wait_indirect_dma semaphore(%arg14 : memref<!tpu.dma_semaphore, #tpu.memory_space<semaphore_mem>>) src(%dma_wait3A_223 : memref<128x128xf32, #tpu.memory_space<vmem>>) dst(%dma_wait3A_229 : memref<10240x128xf32, #tpu.memory_space<vmem_shared>>)
        %add3A_230 = arith.constant 2 : i32
        %add3A_231 = arith.addi %mul3A_134, %add3A_230 : i32
        %add3A_232 = arith.constant 1 : i32
        %add3A_233 = arith.addi %add3A_231, %add3A_232 : i32
        %dma_start3A_234 = arith.constant 1 : i32
        %dma_start3A_235 = arith.constant 0 : i32
        %dma_start3A_236 = arith.constant 0 : i32
        %dma_start3A_237 = tpu.memref_slice %arg9[%dma_start3A_234, %dma_start3A_235, %dma_start3A_236] : memref<2x128x128xf32, #tpu.memory_space<vmem>> -> memref<1x128x128xf32, #tpu.memory_space<vmem>>
        %dma_start3A_238 = tpu.memref_squeeze %dma_start3A_237 : memref<1x128x128xf32, #tpu.memory_space<vmem>> -> memref<128x128xf32, #tpu.memory_space<vmem>>
        %dma_start3A_239 = arith.constant 0 : i32
        %dma_start3A_240 = tpu.memref_slice %arg7[%add3A_233, %dma_start3A_239] : memref<40x128xi32, #tpu.memory_space<vmem>> -> memref<1x128xi32, #tpu.memory_space<vmem>>
        %dma_start3A_241 = tpu.memref_squeeze %dma_start3A_240 : memref<1x128xi32, #tpu.memory_space<vmem>> -> memref<128xi32, #tpu.memory_space<vmem>>
        %dma_start3A_242 = arith.constant 0 : i32
        %dma_start3A_243 = arith.constant 0 : i32
        %dma_start3A_244 = tpu.memref_slice %arg4[%dma_start3A_242, %dma_start3A_243] : memref<10240x128xf32, #tpu.memory_space<hbm>> -> memref<10240x128xf32, #tpu.memory_space<hbm>>
        tpu.enqueue_indirect_dma source(%dma_start3A_244 : memref<10240x128xf32, #tpu.memory_space<hbm>>) target(%dma_start3A_238 : memref<128x128xf32, #tpu.memory_space<vmem>>) offsets(%dma_start3A_241 : memref<128xi32, #tpu.memory_space<vmem>>) semaphore(%arg12 : memref<!tpu.dma_semaphore, #tpu.memory_space<semaphore_mem>>)
      } else {
      }
    }
    %scan3A_57 = arith.constant 20 : i32
    %dma_wait3A = arith.constant 0 : i32
    %dma_wait3A_58 = arith.constant 0 : i32
    %dma_wait3A_59 = arith.constant 0 : i32
    %dma_wait3A_60 = arith.constant 0 : i32
    %dma_wait3A_61 = tpu.memref_slice %arg9[%dma_wait3A, %dma_wait3A_59, %dma_wait3A_60] : memref<2x128x128xf32, #tpu.memory_space<vmem>> -> memref<1x128x128xf32, #tpu.memory_space<vmem>>
    %dma_wait3A_62 = tpu.memref_squeeze %dma_wait3A_61 : memref<1x128x128xf32, #tpu.memory_space<vmem>> -> memref<128x128xf32, #tpu.memory_space<vmem>>
    %dma_wait3A_63 = arith.constant 0 : i32
    %dma_wait3A_64 = tpu.memref_slice %arg8[%dma_wait3A_58, %dma_wait3A_63] : memref<40x128xi32, #tpu.memory_space<vmem>> -> memref<1x128xi32, #tpu.memory_space<vmem>>
    %dma_wait3A_65 = tpu.memref_squeeze %dma_wait3A_64 : memref<1x128xi32, #tpu.memory_space<vmem>> -> memref<128xi32, #tpu.memory_space<vmem>>
    %dma_wait3A_66 = arith.constant 0 : i32
    %dma_wait3A_67 = arith.constant 0 : i32
    %dma_wait3A_68 = tpu.memref_slice %arg10[%dma_wait3A_66, %dma_wait3A_67] : memref<10240x128xf32, #tpu.memory_space<vmem_shared>> -> memref<10240x128xf32, #tpu.memory_space<vmem_shared>>
    tpu.wait_indirect_dma semaphore(%arg13 : memref<!tpu.dma_semaphore, #tpu.memory_space<semaphore_mem>>) src(%dma_wait3A_62 : memref<128x128xf32, #tpu.memory_space<vmem>>) dst(%dma_wait3A_68 : memref<10240x128xf32, #tpu.memory_space<vmem_shared>>)
    %dma_wait3A_69 = arith.constant 1 : i32
    %dma_wait3A_70 = arith.constant 1 : i32
    %dma_wait3A_71 = arith.constant 0 : i32
    %dma_wait3A_72 = arith.constant 0 : i32
    %dma_wait3A_73 = tpu.memref_slice %arg9[%dma_wait3A_69, %dma_wait3A_71, %dma_wait3A_72] : memref<2x128x128xf32, #tpu.memory_space<vmem>> -> memref<1x128x128xf32, #tpu.memory_space<vmem>>
    %dma_wait3A_74 = tpu.memref_squeeze %dma_wait3A_73 : memref<1x128x128xf32, #tpu.memory_space<vmem>> -> memref<128x128xf32, #tpu.memory_space<vmem>>
    %dma_wait3A_75 = arith.constant 0 : i32
    %dma_wait3A_76 = tpu.memref_slice %arg8[%dma_wait3A_70, %dma_wait3A_75] : memref<40x128xi32, #tpu.memory_space<vmem>> -> memref<1x128xi32, #tpu.memory_space<vmem>>
    %dma_wait3A_77 = tpu.memref_squeeze %dma_wait3A_76 : memref<1x128xi32, #tpu.memory_space<vmem>> -> memref<128xi32, #tpu.memory_space<vmem>>
    %dma_wait3A_78 = arith.constant 0 : i32
    %dma_wait3A_79 = arith.constant 0 : i32
    %dma_wait3A_80 = tpu.memref_slice %arg10[%dma_wait3A_78, %dma_wait3A_79] : memref<10240x128xf32, #tpu.memory_space<vmem_shared>> -> memref<10240x128xf32, #tpu.memory_space<vmem_shared>>
    tpu.wait_indirect_dma semaphore(%arg14 : memref<!tpu.dma_semaphore, #tpu.memory_space<semaphore_mem>>) src(%dma_wait3A_74 : memref<128x128xf32, #tpu.memory_space<vmem>>) dst(%dma_wait3A_80 : memref<10240x128xf32, #tpu.memory_space<vmem_shared>>)
    %barrier3A_81 = arith.constant 0 : index
    tpu.barrier barrier_id(%barrier3A_81)
    %mul3A_82 = arith.constant 640 : i32
    %mul3A_83 = arith.muli %arg1, %mul3A_82 : i32
    %add3A_84 = arith.constant 0 : i32
    %add3A_85 = arith.addi %mul3A_83, %add3A_84 : i32
    %run_scoped3A_86 = arith.constant 0 : i32
    "tpu.region"() ({
      %run_scoped3A_132 = tpu.sem_alloc : memref<!tpu.dma_semaphore, #tpu.memory_space<semaphore_mem>>
      %dma_start3A_133 = arith.constant 0 : i32
      %dma_start3A_134 = arith.constant 0 : i32
      %dma_start3A_135 = tpu.memref_slice %arg9[%run_scoped3A_86, %dma_start3A_133, %dma_start3A_134] : memref<2x128x128xf32, #tpu.memory_space<vmem>> -> memref<1x128x128xf32, #tpu.memory_space<vmem>>
      %dma_start3A_136 = tpu.memref_squeeze %dma_start3A_135 : memref<1x128x128xf32, #tpu.memory_space<vmem>> -> memref<128x128xf32, #tpu.memory_space<vmem>>
      %dma_start3A_137 = arith.constant 0 : i32
      %dma_start3A_138 = tpu.memref_slice %arg10[%add3A_85, %dma_start3A_137] : memref<10240x128xf32, #tpu.memory_space<vmem_shared>> -> memref<128x128xf32, #tpu.memory_space<vmem_shared>>
      %dma_start3A_139 = arith.constant 0 : i32
      %dma_start3A_140 = arith.constant 0 : i32
      %dma_start3A_141 = tpu.memref_slice %arg9[%run_scoped3A_86, %dma_start3A_139, %dma_start3A_140] : memref<2x128x128xf32, #tpu.memory_space<vmem>> -> memref<1x128x128xf32, #tpu.memory_space<vmem>>
      %dma_start3A_142 = tpu.memref_squeeze %dma_start3A_141 : memref<1x128x128xf32, #tpu.memory_space<vmem>> -> memref<128x128xf32, #tpu.memory_space<vmem>>
      %dma_start3A_143 = arith.constant 0 : i32
      %dma_start3A_144 = tpu.memref_slice %arg10[%add3A_85, %dma_start3A_143] : memref<10240x128xf32, #tpu.memory_space<vmem_shared>> -> memref<128x128xf32, #tpu.memory_space<vmem_shared>>
      tpu.enqueue_dma source(%dma_start3A_144 : memref<128x128xf32, #tpu.memory_space<vmem_shared>>) target(%dma_start3A_142 : memref<128x128xf32, #tpu.memory_space<vmem>>) target_semaphore(%run_scoped3A_132 : memref<!tpu.dma_semaphore, #tpu.memory_space<semaphore_mem>>)
      %dma_wait3A_145 = arith.constant 0 : i32
      %dma_wait3A_146 = arith.constant 0 : i32
      %dma_wait3A_147 = tpu.memref_slice %arg9[%run_scoped3A_86, %dma_wait3A_145, %dma_wait3A_146] : memref<2x128x128xf32, #tpu.memory_space<vmem>> -> memref<1x128x128xf32, #tpu.memory_space<vmem>>
      %dma_wait3A_148 = tpu.memref_squeeze %dma_wait3A_147 : memref<1x128x128xf32, #tpu.memory_space<vmem>> -> memref<128x128xf32, #tpu.memory_space<vmem>>
      %dma_wait3A_149 = arith.constant 0 : i32
      %dma_wait3A_150 = tpu.memref_slice %arg10[%add3A_85, %dma_wait3A_149] : memref<10240x128xf32, #tpu.memory_space<vmem_shared>> -> memref<128x128xf32, #tpu.memory_space<vmem_shared>>
      %dma_wait3A_151 = arith.constant 0 : i32
      %dma_wait3A_152 = arith.constant 0 : i32
      %dma_wait3A_153 = tpu.memref_slice %arg9[%run_scoped3A_86, %dma_wait3A_151, %dma_wait3A_152] : memref<2x128x128xf32, #tpu.memory_space<vmem>> -> memref<1x128x128xf32, #tpu.memory_space<vmem>>
      %dma_wait3A_154 = tpu.memref_squeeze %dma_wait3A_153 : memref<1x128x128xf32, #tpu.memory_space<vmem>> -> memref<128x128xf32, #tpu.memory_space<vmem>>
      %dma_wait3A_155 = arith.constant 0 : i32
      %dma_wait3A_156 = tpu.memref_slice %arg10[%add3A_85, %dma_wait3A_155] : memref<10240x128xf32, #tpu.memory_space<vmem_shared>> -> memref<128x128xf32, #tpu.memory_space<vmem_shared>>
      tpu.wait_dma2 semaphore(%run_scoped3A_132 : memref<!tpu.dma_semaphore, #tpu.memory_space<semaphore_mem>>) src(%dma_wait3A_156 : memref<128x128xf32, #tpu.memory_space<vmem_shared>>) dst(%dma_wait3A_154 : memref<128x128xf32, #tpu.memory_space<vmem>>)
      tpu.yield
    }) : () -> ()
    %mul3A_87 = arith.constant 640 : i32
    %mul3A_88 = arith.muli %arg1, %mul3A_87 : i32
    %add3A_89 = arith.constant 0 : i32
    %add3A_90 = arith.addi %mul3A_88, %add3A_89 : i32
    %run_scoped3A_91 = arith.constant 0 : i32
    "tpu.region"() ({
      %run_scoped3A_132 = tpu.sem_alloc : memref<!tpu.dma_semaphore, #tpu.memory_space<semaphore_mem>>
      %dma_start3A_133 = arith.constant 0 : i32
      %dma_start3A_134 = arith.constant 0 : i32
      %dma_start3A_135 = tpu.memref_slice %arg9[%run_scoped3A_91, %dma_start3A_133, %dma_start3A_134] : memref<2x128x128xf32, #tpu.memory_space<vmem>> -> memref<1x128x128xf32, #tpu.memory_space<vmem>>
      %dma_start3A_136 = tpu.memref_squeeze %dma_start3A_135 : memref<1x128x128xf32, #tpu.memory_space<vmem>> -> memref<128x128xf32, #tpu.memory_space<vmem>>
      %dma_start3A_137 = arith.constant 0 : i32
      %dma_start3A_138 = tpu.memref_slice %arg6[%arg0, %add3A_90, %dma_start3A_137] : memref<2x10240x128xf32, #tpu.memory_space<hbm>> -> memref<1x128x128xf32, #tpu.memory_space<hbm>>
      %dma_start3A_139 = tpu.memref_squeeze %dma_start3A_138 : memref<1x128x128xf32, #tpu.memory_space<hbm>> -> memref<128x128xf32, #tpu.memory_space<hbm>>
      %dma_start3A_140 = arith.constant 0 : i32
      %dma_start3A_141 = tpu.memref_slice %arg6[%arg0, %add3A_90, %dma_start3A_140] : memref<2x10240x128xf32, #tpu.memory_space<hbm>> -> memref<1x128x128xf32, #tpu.memory_space<hbm>>
      %dma_start3A_142 = tpu.memref_squeeze %dma_start3A_141 : memref<1x128x128xf32, #tpu.memory_space<hbm>> -> memref<128x128xf32, #tpu.memory_space<hbm>>
      %dma_start3A_143 = arith.constant 0 : i32
      %dma_start3A_144 = arith.constant 0 : i32
      %dma_start3A_145 = tpu.memref_slice %arg9[%run_scoped3A_91, %dma_start3A_143, %dma_start3A_144] : memref<2x128x128xf32, #tpu.memory_space<vmem>> -> memref<1x128x128xf32, #tpu.memory_space<vmem>>
      %dma_start3A_146 = tpu.memref_squeeze %dma_start3A_145 : memref<1x128x128xf32, #tpu.memory_space<vmem>> -> memref<128x128xf32, #tpu.memory_space<vmem>>
      tpu.enqueue_dma source(%dma_start3A_146 : memref<128x128xf32, #tpu.memory_space<vmem>>) target(%dma_start3A_142 : memref<128x128xf32, #tpu.memory_space<hbm>>) target_semaphore(%run_scoped3A_132 : memref<!tpu.dma_semaphore, #tpu.memory_space<semaphore_mem>>)
      %dma_wait3A_147 = arith.constant 0 : i32
      %dma_wait3A_148 = arith.constant 0 : i32
      %dma_wait3A_149 = tpu.memref_slice %arg9[%run_scoped3A_91, %dma_wait3A_147, %dma_wait3A_148] : memref<2x128x128xf32, #tpu.memory_space<vmem>> -> memref<1x128x128xf32, #tpu.memory_space<vmem>>
      %dma_wait3A_150 = tpu.memref_squeeze %dma_wait3A_149 : memref<1x128x128xf32, #tpu.memory_space<vmem>> -> memref<128x128xf32, #tpu.memory_space<vmem>>
      %dma_wait3A_151 = arith.constant 0 : i32
      %dma_wait3A_152 = tpu.memref_slice %arg6[%arg0, %add3A_90, %dma_wait3A_151] : memref<2x10240x128xf32, #tpu.memory_space<hbm>> -> memref<1x128x128xf32, #tpu.memory_space<hbm>>
      %dma_wait3A_153 = tpu.memref_squeeze %dma_wait3A_152 : memref<1x128x128xf32, #tpu.memory_space<hbm>> -> memref<128x128xf32, #tpu.memory_space<hbm>>
      %dma_wait3A_154 = arith.constant 0 : i32
      %dma_wait3A_155 = tpu.memref_slice %arg6[%arg0, %add3A_90, %dma_wait3A_154] : memref<2x10240x128xf32, #tpu.memory_space<hbm>> -> memref<1x128x128xf32, #tpu.memory_space<hbm>>
      %dma_wait3A_156 = tpu.memref_squeeze %dma_wait3A_155 : memref<1x128x128xf32, #tpu.memory_space<hbm>> -> memref<128x128xf32, #tpu.memory_space<hbm>>
      %dma_wait3A_157 = arith.constant 0 : i32
      %dma_wait3A_158 = arith.constant 0 : i32
      %dma_wait3A_159 = tpu.memref_slice %arg9[%run_scoped3A_91, %dma_wait3A_157, %dma_wait3A_158] : memref<2x128x128xf32, #tpu.memory_space<vmem>> -> memref<1x128x128xf32, #tpu.memory_space<vmem>>
      %dma_wait3A_160 = tpu.memref_squeeze %dma_wait3A_159 : memref<1x128x128xf32, #tpu.memory_space<vmem>> -> memref<128x128xf32, #tpu.memory_space<vmem>>
      tpu.wait_dma2 semaphore(%run_scoped3A_132 : memref<!tpu.dma_semaphore, #tpu.memory_space<semaphore_mem>>) src(%dma_wait3A_160 : memref<128x128xf32, #tpu.memory_space<vmem>>) dst(%dma_wait3A_156 : memref<128x128xf32, #tpu.memory_space<hbm>>)
      tpu.yield
    }) : () -> ()
    %mul3A_92 = arith.constant 640 : i32
    %mul3A_93 = arith.muli %arg1, %mul3A_92 : i32
    %add3A_94 = arith.constant 128 : i32
    %add3A_95 = arith.addi %mul3A_93, %add3A_94 : i32
    %run_scoped3A_96 = arith.constant 0 : i32
    "tpu.region"() ({
      %run_scoped3A_132 = tpu.sem_alloc : memref<!tpu.dma_semaphore, #tpu.memory_space<semaphore_mem>>
      %dma_start3A_133 = arith.constant 0 : i32
      %dma_start3A_134 = arith.constant 0 : i32
      %dma_start3A_135 = tpu.memref_slice %arg9[%run_scoped3A_96, %dma_start3A_133, %dma_start3A_134] : memref<2x128x128xf32, #tpu.memory_space<vmem>> -> memref<1x128x128xf32, #tpu.memory_space<vmem>>
      %dma_start3A_136 = tpu.memref_squeeze %dma_start3A_135 : memref<1x128x128xf32, #tpu.memory_space<vmem>> -> memref<128x128xf32, #tpu.memory_space<vmem>>
      %dma_start3A_137 = arith.constant 0 : i32
      %dma_start3A_138 = tpu.memref_slice %arg10[%add3A_95, %dma_start3A_137] : memref<10240x128xf32, #tpu.memory_space<vmem_shared>> -> memref<128x128xf32, #tpu.memory_space<vmem_shared>>
      %dma_start3A_139 = arith.constant 0 : i32
      %dma_start3A_140 = arith.constant 0 : i32
      %dma_start3A_141 = tpu.memref_slice %arg9[%run_scoped3A_96, %dma_start3A_139, %dma_start3A_140] : memref<2x128x128xf32, #tpu.memory_space<vmem>> -> memref<1x128x128xf32, #tpu.memory_space<vmem>>
      %dma_start3A_142 = tpu.memref_squeeze %dma_start3A_141 : memref<1x128x128xf32, #tpu.memory_space<vmem>> -> memref<128x128xf32, #tpu.memory_space<vmem>>
      %dma_start3A_143 = arith.constant 0 : i32
      %dma_start3A_144 = tpu.memref_slice %arg10[%add3A_95, %dma_start3A_143] : memref<10240x128xf32, #tpu.memory_space<vmem_shared>> -> memref<128x128xf32, #tpu.memory_space<vmem_shared>>
      tpu.enqueue_dma source(%dma_start3A_144 : memref<128x128xf32, #tpu.memory_space<vmem_shared>>) target(%dma_start3A_142 : memref<128x128xf32, #tpu.memory_space<vmem>>) target_semaphore(%run_scoped3A_132 : memref<!tpu.dma_semaphore, #tpu.memory_space<semaphore_mem>>)
      %dma_wait3A_145 = arith.constant 0 : i32
      %dma_wait3A_146 = arith.constant 0 : i32
      %dma_wait3A_147 = tpu.memref_slice %arg9[%run_scoped3A_96, %dma_wait3A_145, %dma_wait3A_146] : memref<2x128x128xf32, #tpu.memory_space<vmem>> -> memref<1x128x128xf32, #tpu.memory_space<vmem>>
      %dma_wait3A_148 = tpu.memref_squeeze %dma_wait3A_147 : memref<1x128x128xf32, #tpu.memory_space<vmem>> -> memref<128x128xf32, #tpu.memory_space<vmem>>
      %dma_wait3A_149 = arith.constant 0 : i32
      %dma_wait3A_150 = tpu.memref_slice %arg10[%add3A_95, %dma_wait3A_149] : memref<10240x128xf32, #tpu.memory_space<vmem_shared>> -> memref<128x128xf32, #tpu.memory_space<vmem_shared>>
      %dma_wait3A_151 = arith.constant 0 : i32
      %dma_wait3A_152 = arith.constant 0 : i32
      %dma_wait3A_153 = tpu.memref_slice %arg9[%run_scoped3A_96, %dma_wait3A_151, %dma_wait3A_152] : memref<2x128x128xf32, #tpu.memory_space<vmem>> -> memref<1x128x128xf32, #tpu.memory_space<vmem>>
      %dma_wait3A_154 = tpu.memref_squeeze %dma_wait3A_153 : memref<1x128x128xf32, #tpu.memory_space<vmem>> -> memref<128x128xf32, #tpu.memory_space<vmem>>
      %dma_wait3A_155 = arith.constant 0 : i32
      %dma_wait3A_156 = tpu.memref_slice %arg10[%add3A_95, %dma_wait3A_155] : memref<10240x128xf32, #tpu.memory_space<vmem_shared>> -> memref<128x128xf32, #tpu.memory_space<vmem_shared>>
      tpu.wait_dma2 semaphore(%run_scoped3A_132 : memref<!tpu.dma_semaphore, #tpu.memory_space<semaphore_mem>>) src(%dma_wait3A_156 : memref<128x128xf32, #tpu.memory_space<vmem_shared>>) dst(%dma_wait3A_154 : memref<128x128xf32, #tpu.memory_space<vmem>>)
      tpu.yield
    }) : () -> ()
    %mul3A_97 = arith.constant 640 : i32
    %mul3A_98 = arith.muli %arg1, %mul3A_97 : i32
    %add3A_99 = arith.constant 128 : i32
    %add3A_100 = arith.addi %mul3A_98, %add3A_99 : i32
    %run_scoped3A_101 = arith.constant 0 : i32
    "tpu.region"() ({
      %run_scoped3A_132 = tpu.sem_alloc : memref<!tpu.dma_semaphore, #tpu.memory_space<semaphore_mem>>
      %dma_start3A_133 = arith.constant 0 : i32
      %dma_start3A_134 = arith.constant 0 : i32
      %dma_start3A_135 = tpu.memref_slice %arg9[%run_scoped3A_101, %dma_start3A_133, %dma_start3A_134] : memref<2x128x128xf32, #tpu.memory_space<vmem>> -> memref<1x128x128xf32, #tpu.memory_space<vmem>>
      %dma_start3A_136 = tpu.memref_squeeze %dma_start3A_135 : memref<1x128x128xf32, #tpu.memory_space<vmem>> -> memref<128x128xf32, #tpu.memory_space<vmem>>
      %dma_start3A_137 = arith.constant 0 : i32
      %dma_start3A_138 = tpu.memref_slice %arg6[%arg0, %add3A_100, %dma_start3A_137] : memref<2x10240x128xf32, #tpu.memory_space<hbm>> -> memref<1x128x128xf32, #tpu.memory_space<hbm>>
      %dma_start3A_139 = tpu.memref_squeeze %dma_start3A_138 : memref<1x128x128xf32, #tpu.memory_space<hbm>> -> memref<128x128xf32, #tpu.memory_space<hbm>>
      %dma_start3A_140 = arith.constant 0 : i32
      %dma_start3A_141 = tpu.memref_slice %arg6[%arg0, %add3A_100, %dma_start3A_140] : memref<2x10240x128xf32, #tpu.memory_space<hbm>> -> memref<1x128x128xf32, #tpu.memory_space<hbm>>
      %dma_start3A_142 = tpu.memref_squeeze %dma_start3A_141 : memref<1x128x128xf32, #tpu.memory_space<hbm>> -> memref<128x128xf32, #tpu.memory_space<hbm>>
      %dma_start3A_143 = arith.constant 0 : i32
      %dma_start3A_144 = arith.constant 0 : i32
      %dma_start3A_145 = tpu.memref_slice %arg9[%run_scoped3A_101, %dma_start3A_143, %dma_start3A_144] : memref<2x128x128xf32, #tpu.memory_space<vmem>> -> memref<1x128x128xf32, #tpu.memory_space<vmem>>
      %dma_start3A_146 = tpu.memref_squeeze %dma_start3A_145 : memref<1x128x128xf32, #tpu.memory_space<vmem>> -> memref<128x128xf32, #tpu.memory_space<vmem>>
      tpu.enqueue_dma source(%dma_start3A_146 : memref<128x128xf32, #tpu.memory_space<vmem>>) target(%dma_start3A_142 : memref<128x128xf32, #tpu.memory_space<hbm>>) target_semaphore(%run_scoped3A_132 : memref<!tpu.dma_semaphore, #tpu.memory_space<semaphore_mem>>)
      %dma_wait3A_147 = arith.constant 0 : i32
      %dma_wait3A_148 = arith.constant 0 : i32
      %dma_wait3A_149 = tpu.memref_slice %arg9[%run_scoped3A_101, %dma_wait3A_147, %dma_wait3A_148] : memref<2x128x128xf32, #tpu.memory_space<vmem>> -> memref<1x128x128xf32, #tpu.memory_space<vmem>>
      %dma_wait3A_150 = tpu.memref_squeeze %dma_wait3A_149 : memref<1x128x128xf32, #tpu.memory_space<vmem>> -> memref<128x128xf32, #tpu.memory_space<vmem>>
      %dma_wait3A_151 = arith.constant 0 : i32
      %dma_wait3A_152 = tpu.memref_slice %arg6[%arg0, %add3A_100, %dma_wait3A_151] : memref<2x10240x128xf32, #tpu.memory_space<hbm>> -> memref<1x128x128xf32, #tpu.memory_space<hbm>>
      %dma_wait3A_153 = tpu.memref_squeeze %dma_wait3A_152 : memref<1x128x128xf32, #tpu.memory_space<hbm>> -> memref<128x128xf32, #tpu.memory_space<hbm>>
      %dma_wait3A_154 = arith.constant 0 : i32
      %dma_wait3A_155 = tpu.memref_slice %arg6[%arg0, %add3A_100, %dma_wait3A_154] : memref<2x10240x128xf32, #tpu.memory_space<hbm>> -> memref<1x128x128xf32, #tpu.memory_space<hbm>>
      %dma_wait3A_156 = tpu.memref_squeeze %dma_wait3A_155 : memref<1x128x128xf32, #tpu.memory_space<hbm>> -> memref<128x128xf32, #tpu.memory_space<hbm>>
      %dma_wait3A_157 = arith.constant 0 : i32
      %dma_wait3A_158 = arith.constant 0 : i32
      %dma_wait3A_159 = tpu.memref_slice %arg9[%run_scoped3A_101, %dma_wait3A_157, %dma_wait3A_158] : memref<2x128x128xf32, #tpu.memory_space<vmem>> -> memref<1x128x128xf32, #tpu.memory_space<vmem>>
      %dma_wait3A_160 = tpu.memref_squeeze %dma_wait3A_159 : memref<1x128x128xf32, #tpu.memory_space<vmem>> -> memref<128x128xf32, #tpu.memory_space<vmem>>
      tpu.wait_dma2 semaphore(%run_scoped3A_132 : memref<!tpu.dma_semaphore, #tpu.memory_space<semaphore_mem>>) src(%dma_wait3A_160 : memref<128x128xf32, #tpu.memory_space<vmem>>) dst(%dma_wait3A_156 : memref<128x128xf32, #tpu.memory_space<hbm>>)
      tpu.yield
    }) : () -> ()
    %mul3A_102 = arith.constant 640 : i32
    %mul3A_103 = arith.muli %arg1, %mul3A_102 : i32
    %add3A_104 = arith.constant 256 : i32
    %add3A_105 = arith.addi %mul3A_103, %add3A_104 : i32
    %run_scoped3A_106 = arith.constant 0 : i32
    "tpu.region"() ({
      %run_scoped3A_132 = tpu.sem_alloc : memref<!tpu.dma_semaphore, #tpu.memory_space<semaphore_mem>>
      %dma_start3A_133 = arith.constant 0 : i32
      %dma_start3A_134 = arith.constant 0 : i32
      %dma_start3A_135 = tpu.memref_slice %arg9[%run_scoped3A_106, %dma_start3A_133, %dma_start3A_134] : memref<2x128x128xf32, #tpu.memory_space<vmem>> -> memref<1x128x128xf32, #tpu.memory_space<vmem>>
      %dma_start3A_136 = tpu.memref_squeeze %dma_start3A_135 : memref<1x128x128xf32, #tpu.memory_space<vmem>> -> memref<128x128xf32, #tpu.memory_space<vmem>>
      %dma_start3A_137 = arith.constant 0 : i32
      %dma_start3A_138 = tpu.memref_slice %arg10[%add3A_105, %dma_start3A_137] : memref<10240x128xf32, #tpu.memory_space<vmem_shared>> -> memref<128x128xf32, #tpu.memory_space<vmem_shared>>
      %dma_start3A_139 = arith.constant 0 : i32
      %dma_start3A_140 = arith.constant 0 : i32
      %dma_start3A_141 = tpu.memref_slice %arg9[%run_scoped3A_106, %dma_start3A_139, %dma_start3A_140] : memref<2x128x128xf32, #tpu.memory_space<vmem>> -> memref<1x128x128xf32, #tpu.memory_space<vmem>>
      %dma_start3A_142 = tpu.memref_squeeze %dma_start3A_141 : memref<1x128x128xf32, #tpu.memory_space<vmem>> -> memref<128x128xf32, #tpu.memory_space<vmem>>
      %dma_start3A_143 = arith.constant 0 : i32
      %dma_start3A_144 = tpu.memref_slice %arg10[%add3A_105, %dma_start3A_143] : memref<10240x128xf32, #tpu.memory_space<vmem_shared>> -> memref<128x128xf32, #tpu.memory_space<vmem_shared>>
      tpu.enqueue_dma source(%dma_start3A_144 : memref<128x128xf32, #tpu.memory_space<vmem_shared>>) target(%dma_start3A_142 : memref<128x128xf32, #tpu.memory_space<vmem>>) target_semaphore(%run_scoped3A_132 : memref<!tpu.dma_semaphore, #tpu.memory_space<semaphore_mem>>)
      %dma_wait3A_145 = arith.constant 0 : i32
      %dma_wait3A_146 = arith.constant 0 : i32
      %dma_wait3A_147 = tpu.memref_slice %arg9[%run_scoped3A_106, %dma_wait3A_145, %dma_wait3A_146] : memref<2x128x128xf32, #tpu.memory_space<vmem>> -> memref<1x128x128xf32, #tpu.memory_space<vmem>>
      %dma_wait3A_148 = tpu.memref_squeeze %dma_wait3A_147 : memref<1x128x128xf32, #tpu.memory_space<vmem>> -> memref<128x128xf32, #tpu.memory_space<vmem>>
      %dma_wait3A_149 = arith.constant 0 : i32
      %dma_wait3A_150 = tpu.memref_slice %arg10[%add3A_105, %dma_wait3A_149] : memref<10240x128xf32, #tpu.memory_space<vmem_shared>> -> memref<128x128xf32, #tpu.memory_space<vmem_shared>>
      %dma_wait3A_151 = arith.constant 0 : i32
      %dma_wait3A_152 = arith.constant 0 : i32
      %dma_wait3A_153 = tpu.memref_slice %arg9[%run_scoped3A_106, %dma_wait3A_151, %dma_wait3A_152] : memref<2x128x128xf32, #tpu.memory_space<vmem>> -> memref<1x128x128xf32, #tpu.memory_space<vmem>>
      %dma_wait3A_154 = tpu.memref_squeeze %dma_wait3A_153 : memref<1x128x128xf32, #tpu.memory_space<vmem>> -> memref<128x128xf32, #tpu.memory_space<vmem>>
      %dma_wait3A_155 = arith.constant 0 : i32
      %dma_wait3A_156 = tpu.memref_slice %arg10[%add3A_105, %dma_wait3A_155] : memref<10240x128xf32, #tpu.memory_space<vmem_shared>> -> memref<128x128xf32, #tpu.memory_space<vmem_shared>>
      tpu.wait_dma2 semaphore(%run_scoped3A_132 : memref<!tpu.dma_semaphore, #tpu.memory_space<semaphore_mem>>) src(%dma_wait3A_156 : memref<128x128xf32, #tpu.memory_space<vmem_shared>>) dst(%dma_wait3A_154 : memref<128x128xf32, #tpu.memory_space<vmem>>)
      tpu.yield
    }) : () -> ()
    %mul3A_107 = arith.constant 640 : i32
    %mul3A_108 = arith.muli %arg1, %mul3A_107 : i32
    %add3A_109 = arith.constant 256 : i32
    %add3A_110 = arith.addi %mul3A_108, %add3A_109 : i32
    %run_scoped3A_111 = arith.constant 0 : i32
    "tpu.region"() ({
      %run_scoped3A_132 = tpu.sem_alloc : memref<!tpu.dma_semaphore, #tpu.memory_space<semaphore_mem>>
      %dma_start3A_133 = arith.constant 0 : i32
      %dma_start3A_134 = arith.constant 0 : i32
      %dma_start3A_135 = tpu.memref_slice %arg9[%run_scoped3A_111, %dma_start3A_133, %dma_start3A_134] : memref<2x128x128xf32, #tpu.memory_space<vmem>> -> memref<1x128x128xf32, #tpu.memory_space<vmem>>
      %dma_start3A_136 = tpu.memref_squeeze %dma_start3A_135 : memref<1x128x128xf32, #tpu.memory_space<vmem>> -> memref<128x128xf32, #tpu.memory_space<vmem>>
      %dma_start3A_137 = arith.constant 0 : i32
      %dma_start3A_138 = tpu.memref_slice %arg6[%arg0, %add3A_110, %dma_start3A_137] : memref<2x10240x128xf32, #tpu.memory_space<hbm>> -> memref<1x128x128xf32, #tpu.memory_space<hbm>>
      %dma_start3A_139 = tpu.memref_squeeze %dma_start3A_138 : memref<1x128x128xf32, #tpu.memory_space<hbm>> -> memref<128x128xf32, #tpu.memory_space<hbm>>
      %dma_start3A_140 = arith.constant 0 : i32
      %dma_start3A_141 = tpu.memref_slice %arg6[%arg0, %add3A_110, %dma_start3A_140] : memref<2x10240x128xf32, #tpu.memory_space<hbm>> -> memref<1x128x128xf32, #tpu.memory_space<hbm>>
      %dma_start3A_142 = tpu.memref_squeeze %dma_start3A_141 : memref<1x128x128xf32, #tpu.memory_space<hbm>> -> memref<128x128xf32, #tpu.memory_space<hbm>>
      %dma_start3A_143 = arith.constant 0 : i32
      %dma_start3A_144 = arith.constant 0 : i32
      %dma_start3A_145 = tpu.memref_slice %arg9[%run_scoped3A_111, %dma_start3A_143, %dma_start3A_144] : memref<2x128x128xf32, #tpu.memory_space<vmem>> -> memref<1x128x128xf32, #tpu.memory_space<vmem>>
      %dma_start3A_146 = tpu.memref_squeeze %dma_start3A_145 : memref<1x128x128xf32, #tpu.memory_space<vmem>> -> memref<128x128xf32, #tpu.memory_space<vmem>>
      tpu.enqueue_dma source(%dma_start3A_146 : memref<128x128xf32, #tpu.memory_space<vmem>>) target(%dma_start3A_142 : memref<128x128xf32, #tpu.memory_space<hbm>>) target_semaphore(%run_scoped3A_132 : memref<!tpu.dma_semaphore, #tpu.memory_space<semaphore_mem>>)
      %dma_wait3A_147 = arith.constant 0 : i32
      %dma_wait3A_148 = arith.constant 0 : i32
      %dma_wait3A_149 = tpu.memref_slice %arg9[%run_scoped3A_111, %dma_wait3A_147, %dma_wait3A_148] : memref<2x128x128xf32, #tpu.memory_space<vmem>> -> memref<1x128x128xf32, #tpu.memory_space<vmem>>
      %dma_wait3A_150 = tpu.memref_squeeze %dma_wait3A_149 : memref<1x128x128xf32, #tpu.memory_space<vmem>> -> memref<128x128xf32, #tpu.memory_space<vmem>>
      %dma_wait3A_151 = arith.constant 0 : i32
      %dma_wait3A_152 = tpu.memref_slice %arg6[%arg0, %add3A_110, %dma_wait3A_151] : memref<2x10240x128xf32, #tpu.memory_space<hbm>> -> memref<1x128x128xf32, #tpu.memory_space<hbm>>
      %dma_wait3A_153 = tpu.memref_squeeze %dma_wait3A_152 : memref<1x128x128xf32, #tpu.memory_space<hbm>> -> memref<128x128xf32, #tpu.memory_space<hbm>>
      %dma_wait3A_154 = arith.constant 0 : i32
      %dma_wait3A_155 = tpu.memref_slice %arg6[%arg0, %add3A_110, %dma_wait3A_154] : memref<2x10240x128xf32, #tpu.memory_space<hbm>> -> memref<1x128x128xf32, #tpu.memory_space<hbm>>
      %dma_wait3A_156 = tpu.memref_squeeze %dma_wait3A_155 : memref<1x128x128xf32, #tpu.memory_space<hbm>> -> memref<128x128xf32, #tpu.memory_space<hbm>>
      %dma_wait3A_157 = arith.constant 0 : i32
      %dma_wait3A_158 = arith.constant 0 : i32
      %dma_wait3A_159 = tpu.memref_slice %arg9[%run_scoped3A_111, %dma_wait3A_157, %dma_wait3A_158] : memref<2x128x128xf32, #tpu.memory_space<vmem>> -> memref<1x128x128xf32, #tpu.memory_space<vmem>>
      %dma_wait3A_160 = tpu.memref_squeeze %dma_wait3A_159 : memref<1x128x128xf32, #tpu.memory_space<vmem>> -> memref<128x128xf32, #tpu.memory_space<vmem>>
      tpu.wait_dma2 semaphore(%run_scoped3A_132 : memref<!tpu.dma_semaphore, #tpu.memory_space<semaphore_mem>>) src(%dma_wait3A_160 : memref<128x128xf32, #tpu.memory_space<vmem>>) dst(%dma_wait3A_156 : memref<128x128xf32, #tpu.memory_space<hbm>>)
      tpu.yield
    }) : () -> ()
    %mul3A_112 = arith.constant 640 : i32
    %mul3A_113 = arith.muli %arg1, %mul3A_112 : i32
    %add3A_114 = arith.constant 384 : i32
    %add3A_115 = arith.addi %mul3A_113, %add3A_114 : i32
    %run_scoped3A_116 = arith.constant 0 : i32
    "tpu.region"() ({
      %run_scoped3A_132 = tpu.sem_alloc : memref<!tpu.dma_semaphore, #tpu.memory_space<semaphore_mem>>
      %dma_start3A_133 = arith.constant 0 : i32
      %dma_start3A_134 = arith.constant 0 : i32
      %dma_start3A_135 = tpu.memref_slice %arg9[%run_scoped3A_116, %dma_start3A_133, %dma_start3A_134] : memref<2x128x128xf32, #tpu.memory_space<vmem>> -> memref<1x128x128xf32, #tpu.memory_space<vmem>>
      %dma_start3A_136 = tpu.memref_squeeze %dma_start3A_135 : memref<1x128x128xf32, #tpu.memory_space<vmem>> -> memref<128x128xf32, #tpu.memory_space<vmem>>
      %dma_start3A_137 = arith.constant 0 : i32
      %dma_start3A_138 = tpu.memref_slice %arg10[%add3A_115, %dma_start3A_137] : memref<10240x128xf32, #tpu.memory_space<vmem_shared>> -> memref<128x128xf32, #tpu.memory_space<vmem_shared>>
      %dma_start3A_139 = arith.constant 0 : i32
      %dma_start3A_140 = arith.constant 0 : i32
      %dma_start3A_141 = tpu.memref_slice %arg9[%run_scoped3A_116, %dma_start3A_139, %dma_start3A_140] : memref<2x128x128xf32, #tpu.memory_space<vmem>> -> memref<1x128x128xf32, #tpu.memory_space<vmem>>
      %dma_start3A_142 = tpu.memref_squeeze %dma_start3A_141 : memref<1x128x128xf32, #tpu.memory_space<vmem>> -> memref<128x128xf32, #tpu.memory_space<vmem>>
      %dma_start3A_143 = arith.constant 0 : i32
      %dma_start3A_144 = tpu.memref_slice %arg10[%add3A_115, %dma_start3A_143] : memref<10240x128xf32, #tpu.memory_space<vmem_shared>> -> memref<128x128xf32, #tpu.memory_space<vmem_shared>>
      tpu.enqueue_dma source(%dma_start3A_144 : memref<128x128xf32, #tpu.memory_space<vmem_shared>>) target(%dma_start3A_142 : memref<128x128xf32, #tpu.memory_space<vmem>>) target_semaphore(%run_scoped3A_132 : memref<!tpu.dma_semaphore, #tpu.memory_space<semaphore_mem>>)
      %dma_wait3A_145 = arith.constant 0 : i32
      %dma_wait3A_146 = arith.constant 0 : i32
      %dma_wait3A_147 = tpu.memref_slice %arg9[%run_scoped3A_116, %dma_wait3A_145, %dma_wait3A_146] : memref<2x128x128xf32, #tpu.memory_space<vmem>> -> memref<1x128x128xf32, #tpu.memory_space<vmem>>
      %dma_wait3A_148 = tpu.memref_squeeze %dma_wait3A_147 : memref<1x128x128xf32, #tpu.memory_space<vmem>> -> memref<128x128xf32, #tpu.memory_space<vmem>>
      %dma_wait3A_149 = arith.constant 0 : i32
      %dma_wait3A_150 = tpu.memref_slice %arg10[%add3A_115, %dma_wait3A_149] : memref<10240x128xf32, #tpu.memory_space<vmem_shared>> -> memref<128x128xf32, #tpu.memory_space<vmem_shared>>
      %dma_wait3A_151 = arith.constant 0 : i32
      %dma_wait3A_152 = arith.constant 0 : i32
      %dma_wait3A_153 = tpu.memref_slice %arg9[%run_scoped3A_116, %dma_wait3A_151, %dma_wait3A_152] : memref<2x128x128xf32, #tpu.memory_space<vmem>> -> memref<1x128x128xf32, #tpu.memory_space<vmem>>
      %dma_wait3A_154 = tpu.memref_squeeze %dma_wait3A_153 : memref<1x128x128xf32, #tpu.memory_space<vmem>> -> memref<128x128xf32, #tpu.memory_space<vmem>>
      %dma_wait3A_155 = arith.constant 0 : i32
      %dma_wait3A_156 = tpu.memref_slice %arg10[%add3A_115, %dma_wait3A_155] : memref<10240x128xf32, #tpu.memory_space<vmem_shared>> -> memref<128x128xf32, #tpu.memory_space<vmem_shared>>
      tpu.wait_dma2 semaphore(%run_scoped3A_132 : memref<!tpu.dma_semaphore, #tpu.memory_space<semaphore_mem>>) src(%dma_wait3A_156 : memref<128x128xf32, #tpu.memory_space<vmem_shared>>) dst(%dma_wait3A_154 : memref<128x128xf32, #tpu.memory_space<vmem>>)
      tpu.yield
    }) : () -> ()
    %mul3A_117 = arith.constant 640 : i32
    %mul3A_118 = arith.muli %arg1, %mul3A_117 : i32
    %add3A_119 = arith.constant 384 : i32
    %add3A_120 = arith.addi %mul3A_118, %add3A_119 : i32
    %run_scoped3A_121 = arith.constant 0 : i32
    "tpu.region"() ({
      %run_scoped3A_132 = tpu.sem_alloc : memref<!tpu.dma_semaphore, #tpu.memory_space<semaphore_mem>>
      %dma_start3A_133 = arith.constant 0 : i32
      %dma_start3A_134 = arith.constant 0 : i32
      %dma_start3A_135 = tpu.memref_slice %arg9[%run_scoped3A_121, %dma_start3A_133, %dma_start3A_134] : memref<2x128x128xf32, #tpu.memory_space<vmem>> -> memref<1x128x128xf32, #tpu.memory_space<vmem>>
      %dma_start3A_136 = tpu.memref_squeeze %dma_start3A_135 : memref<1x128x128xf32, #tpu.memory_space<vmem>> -> memref<128x128xf32, #tpu.memory_space<vmem>>
      %dma_start3A_137 = arith.constant 0 : i32
      %dma_start3A_138 = tpu.memref_slice %arg6[%arg0, %add3A_120, %dma_start3A_137] : memref<2x10240x128xf32, #tpu.memory_space<hbm>> -> memref<1x128x128xf32, #tpu.memory_space<hbm>>
      %dma_start3A_139 = tpu.memref_squeeze %dma_start3A_138 : memref<1x128x128xf32, #tpu.memory_space<hbm>> -> memref<128x128xf32, #tpu.memory_space<hbm>>
      %dma_start3A_140 = arith.constant 0 : i32
      %dma_start3A_141 = tpu.memref_slice %arg6[%arg0, %add3A_120, %dma_start3A_140] : memref<2x10240x128xf32, #tpu.memory_space<hbm>> -> memref<1x128x128xf32, #tpu.memory_space<hbm>>
      %dma_start3A_142 = tpu.memref_squeeze %dma_start3A_141 : memref<1x128x128xf32, #tpu.memory_space<hbm>> -> memref<128x128xf32, #tpu.memory_space<hbm>>
      %dma_start3A_143 = arith.constant 0 : i32
      %dma_start3A_144 = arith.constant 0 : i32
      %dma_start3A_145 = tpu.memref_slice %arg9[%run_scoped3A_121, %dma_start3A_143, %dma_start3A_144] : memref<2x128x128xf32, #tpu.memory_space<vmem>> -> memref<1x128x128xf32, #tpu.memory_space<vmem>>
      %dma_start3A_146 = tpu.memref_squeeze %dma_start3A_145 : memref<1x128x128xf32, #tpu.memory_space<vmem>> -> memref<128x128xf32, #tpu.memory_space<vmem>>
      tpu.enqueue_dma source(%dma_start3A_146 : memref<128x128xf32, #tpu.memory_space<vmem>>) target(%dma_start3A_142 : memref<128x128xf32, #tpu.memory_space<hbm>>) target_semaphore(%run_scoped3A_132 : memref<!tpu.dma_semaphore, #tpu.memory_space<semaphore_mem>>)
      %dma_wait3A_147 = arith.constant 0 : i32
      %dma_wait3A_148 = arith.constant 0 : i32
      %dma_wait3A_149 = tpu.memref_slice %arg9[%run_scoped3A_121, %dma_wait3A_147, %dma_wait3A_148] : memref<2x128x128xf32, #tpu.memory_space<vmem>> -> memref<1x128x128xf32, #tpu.memory_space<vmem>>
      %dma_wait3A_150 = tpu.memref_squeeze %dma_wait3A_149 : memref<1x128x128xf32, #tpu.memory_space<vmem>> -> memref<128x128xf32, #tpu.memory_space<vmem>>
      %dma_wait3A_151 = arith.constant 0 : i32
      %dma_wait3A_152 = tpu.memref_slice %arg6[%arg0, %add3A_120, %dma_wait3A_151] : memref<2x10240x128xf32, #tpu.memory_space<hbm>> -> memref<1x128x128xf32, #tpu.memory_space<hbm>>
      %dma_wait3A_153 = tpu.memref_squeeze %dma_wait3A_152 : memref<1x128x128xf32, #tpu.memory_space<hbm>> -> memref<128x128xf32, #tpu.memory_space<hbm>>
      %dma_wait3A_154 = arith.constant 0 : i32
      %dma_wait3A_155 = tpu.memref_slice %arg6[%arg0, %add3A_120, %dma_wait3A_154] : memref<2x10240x128xf32, #tpu.memory_space<hbm>> -> memref<1x128x128xf32, #tpu.memory_space<hbm>>
      %dma_wait3A_156 = tpu.memref_squeeze %dma_wait3A_155 : memref<1x128x128xf32, #tpu.memory_space<hbm>> -> memref<128x128xf32, #tpu.memory_space<hbm>>
      %dma_wait3A_157 = arith.constant 0 : i32
      %dma_wait3A_158 = arith.constant 0 : i32
      %dma_wait3A_159 = tpu.memref_slice %arg9[%run_scoped3A_121, %dma_wait3A_157, %dma_wait3A_158] : memref<2x128x128xf32, #tpu.memory_space<vmem>> -> memref<1x128x128xf32, #tpu.memory_space<vmem>>
      %dma_wait3A_160 = tpu.memref_squeeze %dma_wait3A_159 : memref<1x128x128xf32, #tpu.memory_space<vmem>> -> memref<128x128xf32, #tpu.memory_space<vmem>>
      tpu.wait_dma2 semaphore(%run_scoped3A_132 : memref<!tpu.dma_semaphore, #tpu.memory_space<semaphore_mem>>) src(%dma_wait3A_160 : memref<128x128xf32, #tpu.memory_space<vmem>>) dst(%dma_wait3A_156 : memref<128x128xf32, #tpu.memory_space<hbm>>)
      tpu.yield
    }) : () -> ()
    %mul3A_122 = arith.constant 640 : i32
    %mul3A_123 = arith.muli %arg1, %mul3A_122 : i32
    %add3A_124 = arith.constant 512 : i32
    %add3A_125 = arith.addi %mul3A_123, %add3A_124 : i32
    %run_scoped3A_126 = arith.constant 0 : i32
    "tpu.region"() ({
      %run_scoped3A_132 = tpu.sem_alloc : memref<!tpu.dma_semaphore, #tpu.memory_space<semaphore_mem>>
      %dma_start3A_133 = arith.constant 0 : i32
      %dma_start3A_134 = arith.constant 0 : i32
      %dma_start3A_135 = tpu.memref_slice %arg9[%run_scoped3A_126, %dma_start3A_133, %dma_start3A_134] : memref<2x128x128xf32, #tpu.memory_space<vmem>> -> memref<1x128x128xf32, #tpu.memory_space<vmem>>
      %dma_start3A_136 = tpu.memref_squeeze %dma_start3A_135 : memref<1x128x128xf32, #tpu.memory_space<vmem>> -> memref<128x128xf32, #tpu.memory_space<vmem>>
      %dma_start3A_137 = arith.constant 0 : i32
      %dma_start3A_138 = tpu.memref_slice %arg10[%add3A_125, %dma_start3A_137] : memref<10240x128xf32, #tpu.memory_space<vmem_shared>> -> memref<128x128xf32, #tpu.memory_space<vmem_shared>>
      %dma_start3A_139 = arith.constant 0 : i32
      %dma_start3A_140 = arith.constant 0 : i32
      %dma_start3A_141 = tpu.memref_slice %arg9[%run_scoped3A_126, %dma_start3A_139, %dma_start3A_140] : memref<2x128x128xf32, #tpu.memory_space<vmem>> -> memref<1x128x128xf32, #tpu.memory_space<vmem>>
      %dma_start3A_142 = tpu.memref_squeeze %dma_start3A_141 : memref<1x128x128xf32, #tpu.memory_space<vmem>> -> memref<128x128xf32, #tpu.memory_space<vmem>>
      %dma_start3A_143 = arith.constant 0 : i32
      %dma_start3A_144 = tpu.memref_slice %arg10[%add3A_125, %dma_start3A_143] : memref<10240x128xf32, #tpu.memory_space<vmem_shared>> -> memref<128x128xf32, #tpu.memory_space<vmem_shared>>
      tpu.enqueue_dma source(%dma_start3A_144 : memref<128x128xf32, #tpu.memory_space<vmem_shared>>) target(%dma_start3A_142 : memref<128x128xf32, #tpu.memory_space<vmem>>) target_semaphore(%run_scoped3A_132 : memref<!tpu.dma_semaphore, #tpu.memory_space<semaphore_mem>>)
      %dma_wait3A_145 = arith.constant 0 : i32
      %dma_wait3A_146 = arith.constant 0 : i32
      %dma_wait3A_147 = tpu.memref_slice %arg9[%run_scoped3A_126, %dma_wait3A_145, %dma_wait3A_146] : memref<2x128x128xf32, #tpu.memory_space<vmem>> -> memref<1x128x128xf32, #tpu.memory_space<vmem>>
      %dma_wait3A_148 = tpu.memref_squeeze %dma_wait3A_147 : memref<1x128x128xf32, #tpu.memory_space<vmem>> -> memref<128x128xf32, #tpu.memory_space<vmem>>
      %dma_wait3A_149 = arith.constant 0 : i32
      %dma_wait3A_150 = tpu.memref_slice %arg10[%add3A_125, %dma_wait3A_149] : memref<10240x128xf32, #tpu.memory_space<vmem_shared>> -> memref<128x128xf32, #tpu.memory_space<vmem_shared>>
      %dma_wait3A_151 = arith.constant 0 : i32
      %dma_wait3A_152 = arith.constant 0 : i32
      %dma_wait3A_153 = tpu.memref_slice %arg9[%run_scoped3A_126, %dma_wait3A_151, %dma_wait3A_152] : memref<2x128x128xf32, #tpu.memory_space<vmem>> -> memref<1x128x128xf32, #tpu.memory_space<vmem>>
      %dma_wait3A_154 = tpu.memref_squeeze %dma_wait3A_153 : memref<1x128x128xf32, #tpu.memory_space<vmem>> -> memref<128x128xf32, #tpu.memory_space<vmem>>
      %dma_wait3A_155 = arith.constant 0 : i32
      %dma_wait3A_156 = tpu.memref_slice %arg10[%add3A_125, %dma_wait3A_155] : memref<10240x128xf32, #tpu.memory_space<vmem_shared>> -> memref<128x128xf32, #tpu.memory_space<vmem_shared>>
      tpu.wait_dma2 semaphore(%run_scoped3A_132 : memref<!tpu.dma_semaphore, #tpu.memory_space<semaphore_mem>>) src(%dma_wait3A_156 : memref<128x128xf32, #tpu.memory_space<vmem_shared>>) dst(%dma_wait3A_154 : memref<128x128xf32, #tpu.memory_space<vmem>>)
      tpu.yield
    }) : () -> ()
    %mul3A_127 = arith.constant 640 : i32
    %mul3A_128 = arith.muli %arg1, %mul3A_127 : i32
    %add3A_129 = arith.constant 512 : i32
    %add3A_130 = arith.addi %mul3A_128, %add3A_129 : i32
    %run_scoped3A_131 = arith.constant 0 : i32
    "tpu.region"() ({
      %run_scoped3A_132 = tpu.sem_alloc : memref<!tpu.dma_semaphore, #tpu.memory_space<semaphore_mem>>
      %dma_start3A_133 = arith.constant 0 : i32
      %dma_start3A_134 = arith.constant 0 : i32
      %dma_start3A_135 = tpu.memref_slice %arg9[%run_scoped3A_131, %dma_start3A_133, %dma_start3A_134] : memref<2x128x128xf32, #tpu.memory_space<vmem>> -> memref<1x128x128xf32, #tpu.memory_space<vmem>>
      %dma_start3A_136 = tpu.memref_squeeze %dma_start3A_135 : memref<1x128x128xf32, #tpu.memory_space<vmem>> -> memref<128x128xf32, #tpu.memory_space<vmem>>
      %dma_start3A_137 = arith.constant 0 : i32
      %dma_start3A_138 = tpu.memref_slice %arg6[%arg0, %add3A_130, %dma_start3A_137] : memref<2x10240x128xf32, #tpu.memory_space<hbm>> -> memref<1x128x128xf32, #tpu.memory_space<hbm>>
      %dma_start3A_139 = tpu.memref_squeeze %dma_start3A_138 : memref<1x128x128xf32, #tpu.memory_space<hbm>> -> memref<128x128xf32, #tpu.memory_space<hbm>>
      %dma_start3A_140 = arith.constant 0 : i32
      %dma_start3A_141 = tpu.memref_slice %arg6[%arg0, %add3A_130, %dma_start3A_140] : memref<2x10240x128xf32, #tpu.memory_space<hbm>> -> memref<1x128x128xf32, #tpu.memory_space<hbm>>
      %dma_start3A_142 = tpu.memref_squeeze %dma_start3A_141 : memref<1x128x128xf32, #tpu.memory_space<hbm>> -> memref<128x128xf32, #tpu.memory_space<hbm>>
      %dma_start3A_143 = arith.constant 0 : i32
      %dma_start3A_144 = arith.constant 0 : i32
      %dma_start3A_145 = tpu.memref_slice %arg9[%run_scoped3A_131, %dma_start3A_143, %dma_start3A_144] : memref<2x128x128xf32, #tpu.memory_space<vmem>> -> memref<1x128x128xf32, #tpu.memory_space<vmem>>
      %dma_start3A_146 = tpu.memref_squeeze %dma_start3A_145 : memref<1x128x128xf32, #tpu.memory_space<vmem>> -> memref<128x128xf32, #tpu.memory_space<vmem>>
      tpu.enqueue_dma source(%dma_start3A_146 : memref<128x128xf32, #tpu.memory_space<vmem>>) target(%dma_start3A_142 : memref<128x128xf32, #tpu.memory_space<hbm>>) target_semaphore(%run_scoped3A_132 : memref<!tpu.dma_semaphore, #tpu.memory_space<semaphore_mem>>)
      %dma_wait3A_147 = arith.constant 0 : i32
      %dma_wait3A_148 = arith.constant 0 : i32
      %dma_wait3A_149 = tpu.memref_slice %arg9[%run_scoped3A_131, %dma_wait3A_147, %dma_wait3A_148] : memref<2x128x128xf32, #tpu.memory_space<vmem>> -> memref<1x128x128xf32, #tpu.memory_space<vmem>>
      %dma_wait3A_150 = tpu.memref_squeeze %dma_wait3A_149 : memref<1x128x128xf32, #tpu.memory_space<vmem>> -> memref<128x128xf32, #tpu.memory_space<vmem>>
      %dma_wait3A_151 = arith.constant 0 : i32
      %dma_wait3A_152 = tpu.memref_slice %arg6[%arg0, %add3A_130, %dma_wait3A_151] : memref<2x10240x128xf32, #tpu.memory_space<hbm>> -> memref<1x128x128xf32, #tpu.memory_space<hbm>>
      %dma_wait3A_153 = tpu.memref_squeeze %dma_wait3A_152 : memref<1x128x128xf32, #tpu.memory_space<hbm>> -> memref<128x128xf32, #tpu.memory_space<hbm>>
      %dma_wait3A_154 = arith.constant 0 : i32
      %dma_wait3A_155 = tpu.memref_slice %arg6[%arg0, %add3A_130, %dma_wait3A_154] : memref<2x10240x128xf32, #tpu.memory_space<hbm>> -> memref<1x128x128xf32, #tpu.memory_space<hbm>>
      %dma_wait3A_156 = tpu.memref_squeeze %dma_wait3A_155 : memref<1x128x128xf32, #tpu.memory_space<hbm>> -> memref<128x128xf32, #tpu.memory_space<hbm>>
      %dma_wait3A_157 = arith.constant 0 : i32
      %dma_wait3A_158 = arith.constant 0 : i32
      %dma_wait3A_159 = tpu.memref_slice %arg9[%run_scoped3A_131, %dma_wait3A_157, %dma_wait3A_158] : memref<2x128x128xf32, #tpu.memory_space<vmem>> -> memref<1x128x128xf32, #tpu.memory_space<vmem>>
      %dma_wait3A_160 = tpu.memref_squeeze %dma_wait3A_159 : memref<1x128x128xf32, #tpu.memory_space<vmem>> -> memref<128x128xf32, #tpu.memory_space<vmem>>
      tpu.wait_dma2 semaphore(%run_scoped3A_132 : memref<!tpu.dma_semaphore, #tpu.memory_space<semaphore_mem>>) src(%dma_wait3A_160 : memref<128x128xf32, #tpu.memory_space<vmem>>) dst(%dma_wait3A_156 : memref<128x128xf32, #tpu.memory_space<hbm>>)
      tpu.yield
    }) : () -> ()
    return
  }
}

#map = affine_map<(d0, d1) -> (0, 0)>
#map1 = affine_map<(d0, d1) -> (0, 0, 0)>
module attributes {stable_mosaic.version = 14 : i64} {
  func.func @body(%arg0: i32, %arg1: i32, %arg2: memref<1408x128xi32, #tpu.memory_space<hbm>>, %arg3: memref<1408x128xi32, #tpu.memory_space<hbm>>, %arg4: memref<10240x128xf32, #tpu.memory_space<hbm>>, %arg5: memref<128x128xf32, #tpu.memory_space<hbm>>, %arg6: memref<2x10240x128xf32, #tpu.memory_space<hbm>>, %arg7: memref<40x128xi32, #tpu.memory_space<vmem>>, %arg8: memref<40x128xi32, #tpu.memory_space<vmem>>, %arg9: memref<2x128x128xf32, #tpu.memory_space<vmem>>, %arg10: memref<10240x128xf32, #tpu.memory_space<vmem_shared>>, %arg11: memref<!tpu.dma_semaphore, #tpu.memory_space<semaphore_mem>>, %arg12: memref<!tpu.dma_semaphore, #tpu.memory_space<semaphore_mem>>, %arg13: memref<!tpu.dma_semaphore, #tpu.memory_space<semaphore_mem>>, %arg14: memref<!tpu.dma_semaphore, #tpu.memory_space<semaphore_mem>>) attributes {dimension_semantics = [#tpu.dimension_semantics<core_parallel>, #tpu.dimension_semantics<subcore_parallel>], iteration_bounds = array<i64: 2, 16>, scalar_prefetch = 0 : i64, scratch_operands = 8 : i64, tpu.core_type = #tpu.core_type<sc_vector_subcore>, window_params = [{transform_indices = #map}, {transform_indices = #map}, {transform_indices = #map}, {transform_indices = #map}, {transform_indices = #map1}]} {
    %eq3A = arith.constant 0 : i32
    %eq3A_0 = arith.cmpi eq, %arg0, %eq3A : i32
    %mul3A = arith.constant 40 : i32
    %mul3A_1 = arith.muli %arg1, %mul3A : i32
    %mul3A_2 = arith.constant 40 : i32
    %mul3A_3 = arith.muli %arg1, %mul3A_2 : i32
    %add3A = arith.constant 640 : i32
    %add3A_4 = arith.addi %add3A, %mul3A_3 : i32
    %select_n3A = arith.select %eq3A_0, %mul3A_1, %add3A_4 : i32
    %run_scoped3A = arith.constant 0 : i32
    "tpu.region"() ({
      %run_scoped3A_132 = tpu.sem_alloc : memref<!tpu.dma_semaphore, #tpu.memory_space<semaphore_mem>>
      %dma_start3A_133 = arith.constant 0 : i32
      %dma_start3A_134 = arith.constant 0 : i32
      %dma_start3A_135 = tpu.memref_slice %arg9[%run_scoped3A, %dma_start3A_133, %dma_start3A_134] : memref<2x128x128xf32, #tpu.memory_space<vmem>> -> memref<1x128x128xf32, #tpu.memory_space<vmem>>
      %dma_start3A_136 = tpu.memref_squeeze %dma_start3A_135 : memref<1x128x128xf32, #tpu.memory_space<vmem>> -> memref<128x128xf32, #tpu.memory_space<vmem>>
      %dma_start3A_137 = arith.constant 0 : i32
      %dma_start3A_138 = arith.constant 0 : i32
      %dma_start3A_139 = tpu.memref_slice %arg9[%run_scoped3A, %dma_start3A_137, %dma_start3A_138] : memref<2x128x128xf32, #tpu.memory_space<vmem>> -> memref<1x128x128xf32, #tpu.memory_space<vmem>>
      %dma_start3A_140 = tpu.memref_squeeze %dma_start3A_139 : memref<1x128x128xf32, #tpu.memory_space<vmem>> -> memref<128x128xf32, #tpu.memory_space<vmem>>
      tpu.enqueue_dma source(%arg5 : memref<128x128xf32, #tpu.memory_space<hbm>>) target(%dma_start3A_140 : memref<128x128xf32, #tpu.memory_space<vmem>>) target_semaphore(%run_scoped3A_132 : memref<!tpu.dma_semaphore, #tpu.memory_space<semaphore_mem>>)
      %dma_wait3A_141 = arith.constant 0 : i32
      %dma_wait3A_142 = arith.constant 0 : i32
      %dma_wait3A_143 = tpu.memref_slice %arg9[%run_scoped3A, %dma_wait3A_141, %dma_wait3A_142] : memref<2x128x128xf32, #tpu.memory_space<vmem>> -> memref<1x128x128xf32, #tpu.memory_space<vmem>>
      %dma_wait3A_144 = tpu.memref_squeeze %dma_wait3A_143 : memref<1x128x128xf32, #tpu.memory_space<vmem>> -> memref<128x128xf32, #tpu.memory_space<vmem>>
      %dma_wait3A_145 = arith.constant 0 : i32
      %dma_wait3A_146 = arith.constant 0 : i32
      %dma_wait3A_147 = tpu.memref_slice %arg9[%run_scoped3A, %dma_wait3A_145, %dma_wait3A_146] : memref<2x128x128xf32, #tpu.memory_space<vmem>> -> memref<1x128x128xf32, #tpu.memory_space<vmem>>
      %dma_wait3A_148 = tpu.memref_squeeze %dma_wait3A_147 : memref<1x128x128xf32, #tpu.memory_space<vmem>> -> memref<128x128xf32, #tpu.memory_space<vmem>>
      tpu.wait_dma2 semaphore(%run_scoped3A_132 : memref<!tpu.dma_semaphore, #tpu.memory_space<semaphore_mem>>) src(%arg5 : memref<128x128xf32, #tpu.memory_space<hbm>>) dst(%dma_wait3A_148 : memref<128x128xf32, #tpu.memory_space<vmem>>)
      tpu.yield
    }) : () -> ()
    %mul3A_5 = arith.constant 640 : i32
    %mul3A_6 = arith.muli %arg1, %mul3A_5 : i32
    %add3A_7 = arith.constant 0 : i32
    %add3A_8 = arith.addi %mul3A_6, %add3A_7 : i32
    %run_scoped3A_9 = arith.constant 0 : i32
    "tpu.region"() ({
      %run_scoped3A_132 = tpu.sem_alloc : memref<!tpu.dma_semaphore, #tpu.memory_space<semaphore_mem>>
      %dma_start3A_133 = arith.constant 0 : i32
      %dma_start3A_134 = arith.constant 0 : i32
      %dma_start3A_135 = tpu.memref_slice %arg9[%run_scoped3A_9, %dma_start3A_133, %dma_start3A_134] : memref<2x128x128xf32, #tpu.memory_space<vmem>> -> memref<1x128x128xf32, #tpu.memory_space<vmem>>
      %dma_start3A_136 = tpu.memref_squeeze %dma_start3A_135 : memref<1x128x128xf32, #tpu.memory_space<vmem>> -> memref<128x128xf32, #tpu.memory_space<vmem>>
      %dma_start3A_137 = arith.constant 0 : i32
      %dma_start3A_138 = tpu.memref_slice %arg10[%add3A_8, %dma_start3A_137] : memref<10240x128xf32, #tpu.memory_space<vmem_shared>> -> memref<128x128xf32, #tpu.memory_space<vmem_shared>>
      %dma_start3A_139 = arith.constant 0 : i32
      %dma_start3A_140 = tpu.memref_slice %arg10[%add3A_8, %dma_start3A_139] : memref<10240x128xf32, #tpu.memory_space<vmem_shared>> -> memref<128x128xf32, #tpu.memory_space<vmem_shared>>
      %dma_start3A_141 = arith.constant 0 : i32
      %dma_start3A_142 = arith.constant 0 : i32
      %dma_start3A_143 = tpu.memref_slice %arg9[%run_scoped3A_9, %dma_start3A_141, %dma_start3A_142] : memref<2x128x128xf32, #tpu.memory_space<vmem>> -> memref<1x128x128xf32, #tpu.memory_space<vmem>>
      %dma_start3A_144 = tpu.memref_squeeze %dma_start3A_143 : memref<1x128x128xf32, #tpu.memory_space<vmem>> -> memref<128x128xf32, #tpu.memory_space<vmem>>
      tpu.enqueue_dma source(%dma_start3A_144 : memref<128x128xf32, #tpu.memory_space<vmem>>) target(%dma_start3A_140 : memref<128x128xf32, #tpu.memory_space<vmem_shared>>) target_semaphore(%run_scoped3A_132 : memref<!tpu.dma_semaphore, #tpu.memory_space<semaphore_mem>>)
      %dma_wait3A_145 = arith.constant 0 : i32
      %dma_wait3A_146 = arith.constant 0 : i32
      %dma_wait3A_147 = tpu.memref_slice %arg9[%run_scoped3A_9, %dma_wait3A_145, %dma_wait3A_146] : memref<2x128x128xf32, #tpu.memory_space<vmem>> -> memref<1x128x128xf32, #tpu.memory_space<vmem>>
      %dma_wait3A_148 = tpu.memref_squeeze %dma_wait3A_147 : memref<1x128x128xf32, #tpu.memory_space<vmem>> -> memref<128x128xf32, #tpu.memory_space<vmem>>
      %dma_wait3A_149 = arith.constant 0 : i32
      %dma_wait3A_150 = tpu.memref_slice %arg10[%add3A_8, %dma_wait3A_149] : memref<10240x128xf32, #tpu.memory_space<vmem_shared>> -> memref<128x128xf32, #tpu.memory_space<vmem_shared>>
      %dma_wait3A_151 = arith.constant 0 : i32
      %dma_wait3A_152 = tpu.memref_slice %arg10[%add3A_8, %dma_wait3A_151] : memref<10240x128xf32, #tpu.memory_space<vmem_shared>> -> memref<128x128xf32, #tpu.memory_space<vmem_shared>>
      %dma_wait3A_153 = arith.constant 0 : i32
      %dma_wait3A_154 = arith.constant 0 : i32
      %dma_wait3A_155 = tpu.memref_slice %arg9[%run_scoped3A_9, %dma_wait3A_153, %dma_wait3A_154] : memref<2x128x128xf32, #tpu.memory_space<vmem>> -> memref<1x128x128xf32, #tpu.memory_space<vmem>>
      %dma_wait3A_156 = tpu.memref_squeeze %dma_wait3A_155 : memref<1x128x128xf32, #tpu.memory_space<vmem>> -> memref<128x128xf32, #tpu.memory_space<vmem>>
      tpu.wait_dma2 semaphore(%run_scoped3A_132 : memref<!tpu.dma_semaphore, #tpu.memory_space<semaphore_mem>>) src(%dma_wait3A_156 : memref<128x128xf32, #tpu.memory_space<vmem>>) dst(%dma_wait3A_152 : memref<128x128xf32, #tpu.memory_space<vmem_shared>>)
      tpu.yield
    }) : () -> ()
    %mul3A_10 = arith.constant 640 : i32
    %mul3A_11 = arith.muli %arg1, %mul3A_10 : i32
    %add3A_12 = arith.constant 128 : i32
    %add3A_13 = arith.addi %mul3A_11, %add3A_12 : i32
    %run_scoped3A_14 = arith.constant 0 : i32
    "tpu.region"() ({
      %run_scoped3A_132 = tpu.sem_alloc : memref<!tpu.dma_semaphore, #tpu.memory_space<semaphore_mem>>
      %dma_start3A_133 = arith.constant 0 : i32
      %dma_start3A_134 = arith.constant 0 : i32
      %dma_start3A_135 = tpu.memref_slice %arg9[%run_scoped3A_14, %dma_start3A_133, %dma_start3A_134] : memref<2x128x128xf32, #tpu.memory_space<vmem>> -> memref<1x128x128xf32, #tpu.memory_space<vmem>>
      %dma_start3A_136 = tpu.memref_squeeze %dma_start3A_135 : memref<1x128x128xf32, #tpu.memory_space<vmem>> -> memref<128x128xf32, #tpu.memory_space<vmem>>
      %dma_start3A_137 = arith.constant 0 : i32
      %dma_start3A_138 = tpu.memref_slice %arg10[%add3A_13, %dma_start3A_137] : memref<10240x128xf32, #tpu.memory_space<vmem_shared>> -> memref<128x128xf32, #tpu.memory_space<vmem_shared>>
      %dma_start3A_139 = arith.constant 0 : i32
      %dma_start3A_140 = tpu.memref_slice %arg10[%add3A_13, %dma_start3A_139] : memref<10240x128xf32, #tpu.memory_space<vmem_shared>> -> memref<128x128xf32, #tpu.memory_space<vmem_shared>>
      %dma_start3A_141 = arith.constant 0 : i32
      %dma_start3A_142 = arith.constant 0 : i32
      %dma_start3A_143 = tpu.memref_slice %arg9[%run_scoped3A_14, %dma_start3A_141, %dma_start3A_142] : memref<2x128x128xf32, #tpu.memory_space<vmem>> -> memref<1x128x128xf32, #tpu.memory_space<vmem>>
      %dma_start3A_144 = tpu.memref_squeeze %dma_start3A_143 : memref<1x128x128xf32, #tpu.memory_space<vmem>> -> memref<128x128xf32, #tpu.memory_space<vmem>>
      tpu.enqueue_dma source(%dma_start3A_144 : memref<128x128xf32, #tpu.memory_space<vmem>>) target(%dma_start3A_140 : memref<128x128xf32, #tpu.memory_space<vmem_shared>>) target_semaphore(%run_scoped3A_132 : memref<!tpu.dma_semaphore, #tpu.memory_space<semaphore_mem>>)
      %dma_wait3A_145 = arith.constant 0 : i32
      %dma_wait3A_146 = arith.constant 0 : i32
      %dma_wait3A_147 = tpu.memref_slice %arg9[%run_scoped3A_14, %dma_wait3A_145, %dma_wait3A_146] : memref<2x128x128xf32, #tpu.memory_space<vmem>> -> memref<1x128x128xf32, #tpu.memory_space<vmem>>
      %dma_wait3A_148 = tpu.memref_squeeze %dma_wait3A_147 : memref<1x128x128xf32, #tpu.memory_space<vmem>> -> memref<128x128xf32, #tpu.memory_space<vmem>>
      %dma_wait3A_149 = arith.constant 0 : i32
      %dma_wait3A_150 = tpu.memref_slice %arg10[%add3A_13, %dma_wait3A_149] : memref<10240x128xf32, #tpu.memory_space<vmem_shared>> -> memref<128x128xf32, #tpu.memory_space<vmem_shared>>
      %dma_wait3A_151 = arith.constant 0 : i32
      %dma_wait3A_152 = tpu.memref_slice %arg10[%add3A_13, %dma_wait3A_151] : memref<10240x128xf32, #tpu.memory_space<vmem_shared>> -> memref<128x128xf32, #tpu.memory_space<vmem_shared>>
      %dma_wait3A_153 = arith.constant 0 : i32
      %dma_wait3A_154 = arith.constant 0 : i32
      %dma_wait3A_155 = tpu.memref_slice %arg9[%run_scoped3A_14, %dma_wait3A_153, %dma_wait3A_154] : memref<2x128x128xf32, #tpu.memory_space<vmem>> -> memref<1x128x128xf32, #tpu.memory_space<vmem>>
      %dma_wait3A_156 = tpu.memref_squeeze %dma_wait3A_155 : memref<1x128x128xf32, #tpu.memory_space<vmem>> -> memref<128x128xf32, #tpu.memory_space<vmem>>
      tpu.wait_dma2 semaphore(%run_scoped3A_132 : memref<!tpu.dma_semaphore, #tpu.memory_space<semaphore_mem>>) src(%dma_wait3A_156 : memref<128x128xf32, #tpu.memory_space<vmem>>) dst(%dma_wait3A_152 : memref<128x128xf32, #tpu.memory_space<vmem_shared>>)
      tpu.yield
    }) : () -> ()
    %mul3A_15 = arith.constant 640 : i32
    %mul3A_16 = arith.muli %arg1, %mul3A_15 : i32
    %add3A_17 = arith.constant 256 : i32
    %add3A_18 = arith.addi %mul3A_16, %add3A_17 : i32
    %run_scoped3A_19 = arith.constant 0 : i32
    "tpu.region"() ({
      %run_scoped3A_132 = tpu.sem_alloc : memref<!tpu.dma_semaphore, #tpu.memory_space<semaphore_mem>>
      %dma_start3A_133 = arith.constant 0 : i32
      %dma_start3A_134 = arith.constant 0 : i32
      %dma_start3A_135 = tpu.memref_slice %arg9[%run_scoped3A_19, %dma_start3A_133, %dma_start3A_134] : memref<2x128x128xf32, #tpu.memory_space<vmem>> -> memref<1x128x128xf32, #tpu.memory_space<vmem>>
      %dma_start3A_136 = tpu.memref_squeeze %dma_start3A_135 : memref<1x128x128xf32, #tpu.memory_space<vmem>> -> memref<128x128xf32, #tpu.memory_space<vmem>>
      %dma_start3A_137 = arith.constant 0 : i32
      %dma_start3A_138 = tpu.memref_slice %arg10[%add3A_18, %dma_start3A_137] : memref<10240x128xf32, #tpu.memory_space<vmem_shared>> -> memref<128x128xf32, #tpu.memory_space<vmem_shared>>
      %dma_start3A_139 = arith.constant 0 : i32
      %dma_start3A_140 = tpu.memref_slice %arg10[%add3A_18, %dma_start3A_139] : memref<10240x128xf32, #tpu.memory_space<vmem_shared>> -> memref<128x128xf32, #tpu.memory_space<vmem_shared>>
      %dma_start3A_141 = arith.constant 0 : i32
      %dma_start3A_142 = arith.constant 0 : i32
      %dma_start3A_143 = tpu.memref_slice %arg9[%run_scoped3A_19, %dma_start3A_141, %dma_start3A_142] : memref<2x128x128xf32, #tpu.memory_space<vmem>> -> memref<1x128x128xf32, #tpu.memory_space<vmem>>
      %dma_start3A_144 = tpu.memref_squeeze %dma_start3A_143 : memref<1x128x128xf32, #tpu.memory_space<vmem>> -> memref<128x128xf32, #tpu.memory_space<vmem>>
      tpu.enqueue_dma source(%dma_start3A_144 : memref<128x128xf32, #tpu.memory_space<vmem>>) target(%dma_start3A_140 : memref<128x128xf32, #tpu.memory_space<vmem_shared>>) target_semaphore(%run_scoped3A_132 : memref<!tpu.dma_semaphore, #tpu.memory_space<semaphore_mem>>)
      %dma_wait3A_145 = arith.constant 0 : i32
      %dma_wait3A_146 = arith.constant 0 : i32
      %dma_wait3A_147 = tpu.memref_slice %arg9[%run_scoped3A_19, %dma_wait3A_145, %dma_wait3A_146] : memref<2x128x128xf32, #tpu.memory_space<vmem>> -> memref<1x128x128xf32, #tpu.memory_space<vmem>>
      %dma_wait3A_148 = tpu.memref_squeeze %dma_wait3A_147 : memref<1x128x128xf32, #tpu.memory_space<vmem>> -> memref<128x128xf32, #tpu.memory_space<vmem>>
      %dma_wait3A_149 = arith.constant 0 : i32
      %dma_wait3A_150 = tpu.memref_slice %arg10[%add3A_18, %dma_wait3A_149] : memref<10240x128xf32, #tpu.memory_space<vmem_shared>> -> memref<128x128xf32, #tpu.memory_space<vmem_shared>>
      %dma_wait3A_151 = arith.constant 0 : i32
      %dma_wait3A_152 = tpu.memref_slice %arg10[%add3A_18, %dma_wait3A_151] : memref<10240x128xf32, #tpu.memory_space<vmem_shared>> -> memref<128x128xf32, #tpu.memory_space<vmem_shared>>
      %dma_wait3A_153 = arith.constant 0 : i32
      %dma_wait3A_154 = arith.constant 0 : i32
      %dma_wait3A_155 = tpu.memref_slice %arg9[%run_scoped3A_19, %dma_wait3A_153, %dma_wait3A_154] : memref<2x128x128xf32, #tpu.memory_space<vmem>> -> memref<1x128x128xf32, #tpu.memory_space<vmem>>
      %dma_wait3A_156 = tpu.memref_squeeze %dma_wait3A_155 : memref<1x128x128xf32, #tpu.memory_space<vmem>> -> memref<128x128xf32, #tpu.memory_space<vmem>>
      tpu.wait_dma2 semaphore(%run_scoped3A_132 : memref<!tpu.dma_semaphore, #tpu.memory_space<semaphore_mem>>) src(%dma_wait3A_156 : memref<128x128xf32, #tpu.memory_space<vmem>>) dst(%dma_wait3A_152 : memref<128x128xf32, #tpu.memory_space<vmem_shared>>)
      tpu.yield
    }) : () -> ()
    %mul3A_20 = arith.constant 640 : i32
    %mul3A_21 = arith.muli %arg1, %mul3A_20 : i32
    %add3A_22 = arith.constant 384 : i32
    %add3A_23 = arith.addi %mul3A_21, %add3A_22 : i32
    %run_scoped3A_24 = arith.constant 0 : i32
    "tpu.region"() ({
      %run_scoped3A_132 = tpu.sem_alloc : memref<!tpu.dma_semaphore, #tpu.memory_space<semaphore_mem>>
      %dma_start3A_133 = arith.constant 0 : i32
      %dma_start3A_134 = arith.constant 0 : i32
      %dma_start3A_135 = tpu.memref_slice %arg9[%run_scoped3A_24, %dma_start3A_133, %dma_start3A_134] : memref<2x128x128xf32, #tpu.memory_space<vmem>> -> memref<1x128x128xf32, #tpu.memory_space<vmem>>
      %dma_start3A_136 = tpu.memref_squeeze %dma_start3A_135 : memref<1x128x128xf32, #tpu.memory_space<vmem>> -> memref<128x128xf32, #tpu.memory_space<vmem>>
      %dma_start3A_137 = arith.constant 0 : i32
      %dma_start3A_138 = tpu.memref_slice %arg10[%add3A_23, %dma_start3A_137] : memref<10240x128xf32, #tpu.memory_space<vmem_shared>> -> memref<128x128xf32, #tpu.memory_space<vmem_shared>>
      %dma_start3A_139 = arith.constant 0 : i32
      %dma_start3A_140 = tpu.memref_slice %arg10[%add3A_23, %dma_start3A_139] : memref<10240x128xf32, #tpu.memory_space<vmem_shared>> -> memref<128x128xf32, #tpu.memory_space<vmem_shared>>
      %dma_start3A_141 = arith.constant 0 : i32
      %dma_start3A_142 = arith.constant 0 : i32
      %dma_start3A_143 = tpu.memref_slice %arg9[%run_scoped3A_24, %dma_start3A_141, %dma_start3A_142] : memref<2x128x128xf32, #tpu.memory_space<vmem>> -> memref<1x128x128xf32, #tpu.memory_space<vmem>>
      %dma_start3A_144 = tpu.memref_squeeze %dma_start3A_143 : memref<1x128x128xf32, #tpu.memory_space<vmem>> -> memref<128x128xf32, #tpu.memory_space<vmem>>
      tpu.enqueue_dma source(%dma_start3A_144 : memref<128x128xf32, #tpu.memory_space<vmem>>) target(%dma_start3A_140 : memref<128x128xf32, #tpu.memory_space<vmem_shared>>) target_semaphore(%run_scoped3A_132 : memref<!tpu.dma_semaphore, #tpu.memory_space<semaphore_mem>>)
      %dma_wait3A_145 = arith.constant 0 : i32
      %dma_wait3A_146 = arith.constant 0 : i32
      %dma_wait3A_147 = tpu.memref_slice %arg9[%run_scoped3A_24, %dma_wait3A_145, %dma_wait3A_146] : memref<2x128x128xf32, #tpu.memory_space<vmem>> -> memref<1x128x128xf32, #tpu.memory_space<vmem>>
      %dma_wait3A_148 = tpu.memref_squeeze %dma_wait3A_147 : memref<1x128x128xf32, #tpu.memory_space<vmem>> -> memref<128x128xf32, #tpu.memory_space<vmem>>
      %dma_wait3A_149 = arith.constant 0 : i32
      %dma_wait3A_150 = tpu.memref_slice %arg10[%add3A_23, %dma_wait3A_149] : memref<10240x128xf32, #tpu.memory_space<vmem_shared>> -> memref<128x128xf32, #tpu.memory_space<vmem_shared>>
      %dma_wait3A_151 = arith.constant 0 : i32
      %dma_wait3A_152 = tpu.memref_slice %arg10[%add3A_23, %dma_wait3A_151] : memref<10240x128xf32, #tpu.memory_space<vmem_shared>> -> memref<128x128xf32, #tpu.memory_space<vmem_shared>>
      %dma_wait3A_153 = arith.constant 0 : i32
      %dma_wait3A_154 = arith.constant 0 : i32
      %dma_wait3A_155 = tpu.memref_slice %arg9[%run_scoped3A_24, %dma_wait3A_153, %dma_wait3A_154] : memref<2x128x128xf32, #tpu.memory_space<vmem>> -> memref<1x128x128xf32, #tpu.memory_space<vmem>>
      %dma_wait3A_156 = tpu.memref_squeeze %dma_wait3A_155 : memref<1x128x128xf32, #tpu.memory_space<vmem>> -> memref<128x128xf32, #tpu.memory_space<vmem>>
      tpu.wait_dma2 semaphore(%run_scoped3A_132 : memref<!tpu.dma_semaphore, #tpu.memory_space<semaphore_mem>>) src(%dma_wait3A_156 : memref<128x128xf32, #tpu.memory_space<vmem>>) dst(%dma_wait3A_152 : memref<128x128xf32, #tpu.memory_space<vmem_shared>>)
      tpu.yield
    }) : () -> ()
    %mul3A_25 = arith.constant 640 : i32
    %mul3A_26 = arith.muli %arg1, %mul3A_25 : i32
    %add3A_27 = arith.constant 512 : i32
    %add3A_28 = arith.addi %mul3A_26, %add3A_27 : i32
    %run_scoped3A_29 = arith.constant 0 : i32
    "tpu.region"() ({
      %run_scoped3A_132 = tpu.sem_alloc : memref<!tpu.dma_semaphore, #tpu.memory_space<semaphore_mem>>
      %dma_start3A_133 = arith.constant 0 : i32
      %dma_start3A_134 = arith.constant 0 : i32
      %dma_start3A_135 = tpu.memref_slice %arg9[%run_scoped3A_29, %dma_start3A_133, %dma_start3A_134] : memref<2x128x128xf32, #tpu.memory_space<vmem>> -> memref<1x128x128xf32, #tpu.memory_space<vmem>>
      %dma_start3A_136 = tpu.memref_squeeze %dma_start3A_135 : memref<1x128x128xf32, #tpu.memory_space<vmem>> -> memref<128x128xf32, #tpu.memory_space<vmem>>
      %dma_start3A_137 = arith.constant 0 : i32
      %dma_start3A_138 = tpu.memref_slice %arg10[%add3A_28, %dma_start3A_137] : memref<10240x128xf32, #tpu.memory_space<vmem_shared>> -> memref<128x128xf32, #tpu.memory_space<vmem_shared>>
      %dma_start3A_139 = arith.constant 0 : i32
      %dma_start3A_140 = tpu.memref_slice %arg10[%add3A_28, %dma_start3A_139] : memref<10240x128xf32, #tpu.memory_space<vmem_shared>> -> memref<128x128xf32, #tpu.memory_space<vmem_shared>>
      %dma_start3A_141 = arith.constant 0 : i32
      %dma_start3A_142 = arith.constant 0 : i32
      %dma_start3A_143 = tpu.memref_slice %arg9[%run_scoped3A_29, %dma_start3A_141, %dma_start3A_142] : memref<2x128x128xf32, #tpu.memory_space<vmem>> -> memref<1x128x128xf32, #tpu.memory_space<vmem>>
      %dma_start3A_144 = tpu.memref_squeeze %dma_start3A_143 : memref<1x128x128xf32, #tpu.memory_space<vmem>> -> memref<128x128xf32, #tpu.memory_space<vmem>>
      tpu.enqueue_dma source(%dma_start3A_144 : memref<128x128xf32, #tpu.memory_space<vmem>>) target(%dma_start3A_140 : memref<128x128xf32, #tpu.memory_space<vmem_shared>>) target_semaphore(%run_scoped3A_132 : memref<!tpu.dma_semaphore, #tpu.memory_space<semaphore_mem>>)
      %dma_wait3A_145 = arith.constant 0 : i32
      %dma_wait3A_146 = arith.constant 0 : i32
      %dma_wait3A_147 = tpu.memref_slice %arg9[%run_scoped3A_29, %dma_wait3A_145, %dma_wait3A_146] : memref<2x128x128xf32, #tpu.memory_space<vmem>> -> memref<1x128x128xf32, #tpu.memory_space<vmem>>
      %dma_wait3A_148 = tpu.memref_squeeze %dma_wait3A_147 : memref<1x128x128xf32, #tpu.memory_space<vmem>> -> memref<128x128xf32, #tpu.memory_space<vmem>>
      %dma_wait3A_149 = arith.constant 0 : i32
      %dma_wait3A_150 = tpu.memref_slice %arg10[%add3A_28, %dma_wait3A_149] : memref<10240x128xf32, #tpu.memory_space<vmem_shared>> -> memref<128x128xf32, #tpu.memory_space<vmem_shared>>
      %dma_wait3A_151 = arith.constant 0 : i32
      %dma_wait3A_152 = tpu.memref_slice %arg10[%add3A_28, %dma_wait3A_151] : memref<10240x128xf32, #tpu.memory_space<vmem_shared>> -> memref<128x128xf32, #tpu.memory_space<vmem_shared>>
      %dma_wait3A_153 = arith.constant 0 : i32
      %dma_wait3A_154 = arith.constant 0 : i32
      %dma_wait3A_155 = tpu.memref_slice %arg9[%run_scoped3A_29, %dma_wait3A_153, %dma_wait3A_154] : memref<2x128x128xf32, #tpu.memory_space<vmem>> -> memref<1x128x128xf32, #tpu.memory_space<vmem>>
      %dma_wait3A_156 = tpu.memref_squeeze %dma_wait3A_155 : memref<1x128x128xf32, #tpu.memory_space<vmem>> -> memref<128x128xf32, #tpu.memory_space<vmem>>
      tpu.wait_dma2 semaphore(%run_scoped3A_132 : memref<!tpu.dma_semaphore, #tpu.memory_space<semaphore_mem>>) src(%dma_wait3A_156 : memref<128x128xf32, #tpu.memory_space<vmem>>) dst(%dma_wait3A_152 : memref<128x128xf32, #tpu.memory_space<vmem_shared>>)
      tpu.yield
    }) : () -> ()
    "tpu.region"() ({
      %run_scoped3A_132 = tpu.sem_alloc : memref<!tpu.dma_semaphore, #tpu.memory_space<semaphore_mem>>
      %dma_start3A_133 = arith.constant 0 : i32
      %dma_start3A_134 = tpu.memref_slice %arg2[%select_n3A, %dma_start3A_133] : memref<1408x128xi32, #tpu.memory_space<hbm>> -> memref<40x128xi32, #tpu.memory_space<hbm>>
      %dma_start3A_135 = arith.constant 0 : i32
      %dma_start3A_136 = tpu.memref_slice %arg2[%select_n3A, %dma_start3A_135] : memref<1408x128xi32, #tpu.memory_space<hbm>> -> memref<40x128xi32, #tpu.memory_space<hbm>>
      tpu.enqueue_dma source(%dma_start3A_136 : memref<40x128xi32, #tpu.memory_space<hbm>>) target(%arg7 : memref<40x128xi32, #tpu.memory_space<vmem>>) target_semaphore(%run_scoped3A_132 : memref<!tpu.dma_semaphore, #tpu.memory_space<semaphore_mem>>)
      %dma_wait3A_137 = arith.constant 0 : i32
      %dma_wait3A_138 = tpu.memref_slice %arg2[%select_n3A, %dma_wait3A_137] : memref<1408x128xi32, #tpu.memory_space<hbm>> -> memref<40x128xi32, #tpu.memory_space<hbm>>
      %dma_wait3A_139 = arith.constant 0 : i32
      %dma_wait3A_140 = tpu.memref_slice %arg2[%select_n3A, %dma_wait3A_139] : memref<1408x128xi32, #tpu.memory_space<hbm>> -> memref<40x128xi32, #tpu.memory_space<hbm>>
      tpu.wait_dma2 semaphore(%run_scoped3A_132 : memref<!tpu.dma_semaphore, #tpu.memory_space<semaphore_mem>>) src(%dma_wait3A_140 : memref<40x128xi32, #tpu.memory_space<hbm>>) dst(%arg7 : memref<40x128xi32, #tpu.memory_space<vmem>>)
      tpu.yield
    }) : () -> ()
    "tpu.region"() ({
      %run_scoped3A_132 = tpu.sem_alloc : memref<!tpu.dma_semaphore, #tpu.memory_space<semaphore_mem>>
      %dma_start3A_133 = arith.constant 0 : i32
      %dma_start3A_134 = tpu.memref_slice %arg3[%select_n3A, %dma_start3A_133] : memref<1408x128xi32, #tpu.memory_space<hbm>> -> memref<40x128xi32, #tpu.memory_space<hbm>>
      %dma_start3A_135 = arith.constant 0 : i32
      %dma_start3A_136 = tpu.memref_slice %arg3[%select_n3A, %dma_start3A_135] : memref<1408x128xi32, #tpu.memory_space<hbm>> -> memref<40x128xi32, #tpu.memory_space<hbm>>
      tpu.enqueue_dma source(%dma_start3A_136 : memref<40x128xi32, #tpu.memory_space<hbm>>) target(%arg8 : memref<40x128xi32, #tpu.memory_space<vmem>>) target_semaphore(%run_scoped3A_132 : memref<!tpu.dma_semaphore, #tpu.memory_space<semaphore_mem>>)
      %dma_wait3A_137 = arith.constant 0 : i32
      %dma_wait3A_138 = tpu.memref_slice %arg3[%select_n3A, %dma_wait3A_137] : memref<1408x128xi32, #tpu.memory_space<hbm>> -> memref<40x128xi32, #tpu.memory_space<hbm>>
      %dma_wait3A_139 = arith.constant 0 : i32
      %dma_wait3A_140 = tpu.memref_slice %arg3[%select_n3A, %dma_wait3A_139] : memref<1408x128xi32, #tpu.memory_space<hbm>> -> memref<40x128xi32, #tpu.memory_space<hbm>>
      tpu.wait_dma2 semaphore(%run_scoped3A_132 : memref<!tpu.dma_semaphore, #tpu.memory_space<semaphore_mem>>) src(%dma_wait3A_140 : memref<40x128xi32, #tpu.memory_space<hbm>>) dst(%arg8 : memref<40x128xi32, #tpu.memory_space<vmem>>)
      tpu.yield
    }) : () -> ()
    %barrier3A = arith.constant 0 : index
    tpu.barrier barrier_id(%barrier3A)
    %dma_start3A = arith.constant 0 : i32
    %dma_start3A_30 = arith.constant 0 : i32
    %dma_start3A_31 = arith.constant 0 : i32
    %dma_start3A_32 = arith.constant 0 : i32
    %dma_start3A_33 = tpu.memref_slice %arg9[%dma_start3A_30, %dma_start3A_31, %dma_start3A_32] : memref<2x128x128xf32, #tpu.memory_space<vmem>> -> memref<1x128x128xf32, #tpu.memory_space<vmem>>
    %dma_start3A_34 = tpu.memref_squeeze %dma_start3A_33 : memref<1x128x128xf32, #tpu.memory_space<vmem>> -> memref<128x128xf32, #tpu.memory_space<vmem>>
    %dma_start3A_35 = arith.constant 0 : i32
    %dma_start3A_36 = tpu.memref_slice %arg7[%dma_start3A, %dma_start3A_35] : memref<40x128xi32, #tpu.memory_space<vmem>> -> memref<1x128xi32, #tpu.memory_space<vmem>>
    %dma_start3A_37 = tpu.memref_squeeze %dma_start3A_36 : memref<1x128xi32, #tpu.memory_space<vmem>> -> memref<128xi32, #tpu.memory_space<vmem>>
    %dma_start3A_38 = arith.constant 0 : i32
    %dma_start3A_39 = arith.constant 0 : i32
    %dma_start3A_40 = tpu.memref_slice %arg4[%dma_start3A_38, %dma_start3A_39] : memref<10240x128xf32, #tpu.memory_space<hbm>> -> memref<10240x128xf32, #tpu.memory_space<hbm>>
    tpu.enqueue_indirect_dma source(%dma_start3A_40 : memref<10240x128xf32, #tpu.memory_space<hbm>>) target(%dma_start3A_34 : memref<128x128xf32, #tpu.memory_space<vmem>>) offsets(%dma_start3A_37 : memref<128xi32, #tpu.memory_space<vmem>>) semaphore(%arg11 : memref<!tpu.dma_semaphore, #tpu.memory_space<semaphore_mem>>)
    %dma_start3A_41 = arith.constant 1 : i32
    %dma_start3A_42 = arith.constant 1 : i32
    %dma_start3A_43 = arith.constant 0 : i32
    %dma_start3A_44 = arith.constant 0 : i32
    %dma_start3A_45 = tpu.memref_slice %arg9[%dma_start3A_42, %dma_start3A_43, %dma_start3A_44] : memref<2x128x128xf32, #tpu.memory_space<vmem>> -> memref<1x128x128xf32, #tpu.memory_space<vmem>>
    %dma_start3A_46 = tpu.memref_squeeze %dma_start3A_45 : memref<1x128x128xf32, #tpu.memory_space<vmem>> -> memref<128x128xf32, #tpu.memory_space<vmem>>
    %dma_start3A_47 = arith.constant 0 : i32
    %dma_start3A_48 = tpu.memref_slice %arg7[%dma_start3A_41, %dma_start3A_47] : memref<40x128xi32, #tpu.memory_space<vmem>> -> memref<1x128xi32, #tpu.memory_space<vmem>>
    %dma_start3A_49 = tpu.memref_squeeze %dma_start3A_48 : memref<1x128xi32, #tpu.memory_space<vmem>> -> memref<128xi32, #tpu.memory_space<vmem>>
    %dma_start3A_50 = arith.constant 0 : i32
    %dma_start3A_51 = arith.constant 0 : i32
    %dma_start3A_52 = tpu.memref_slice %arg4[%dma_start3A_50, %dma_start3A_51] : memref<10240x128xf32, #tpu.memory_space<hbm>> -> memref<10240x128xf32, #tpu.memory_space<hbm>>
    tpu.enqueue_indirect_dma source(%dma_start3A_52 : memref<10240x128xf32, #tpu.memory_space<hbm>>) target(%dma_start3A_46 : memref<128x128xf32, #tpu.memory_space<vmem>>) offsets(%dma_start3A_49 : memref<128xi32, #tpu.memory_space<vmem>>) semaphore(%arg12 : memref<!tpu.dma_semaphore, #tpu.memory_space<semaphore_mem>>)
    %scan3A = arith.constant 0 : i32
    %scan3A_53 = arith.constant 0 : i32
    %scan3A_54 = arith.constant 20 : i32
    %scan3A_55 = arith.addi %scan3A_53, %scan3A_54 : i32
    %scan3A_56 = arith.constant 1 : i32
    scf.for %scan3A_132 = %scan3A_53 to %scan3A_55 step %scan3A_56  : i32 {
      %mul3A_133 = arith.constant 2 : i32
      %mul3A_134 = arith.muli %scan3A_132, %mul3A_133 : i32
      %add3A_135 = arith.constant 0 : i32
      %add3A_136 = arith.addi %mul3A_134, %add3A_135 : i32
      %dma_wait3A_137 = arith.constant 0 : i32
      %dma_wait3A_138 = arith.constant 0 : i32
      %dma_wait3A_139 = arith.constant 0 : i32
      %dma_wait3A_140 = tpu.memref_slice %arg9[%dma_wait3A_137, %dma_wait3A_138, %dma_wait3A_139] : memref<2x128x128xf32, #tpu.memory_space<vmem>> -> memref<1x128x128xf32, #tpu.memory_space<vmem>>
      %dma_wait3A_141 = tpu.memref_squeeze %dma_wait3A_140 : memref<1x128x128xf32, #tpu.memory_space<vmem>> -> memref<128x128xf32, #tpu.memory_space<vmem>>
      %dma_wait3A_142 = arith.constant 0 : i32
      %dma_wait3A_143 = tpu.memref_slice %arg7[%add3A_136, %dma_wait3A_142] : memref<40x128xi32, #tpu.memory_space<vmem>> -> memref<1x128xi32, #tpu.memory_space<vmem>>
      %dma_wait3A_144 = tpu.memref_squeeze %dma_wait3A_143 : memref<1x128xi32, #tpu.memory_space<vmem>> -> memref<128xi32, #tpu.memory_space<vmem>>
      %dma_wait3A_145 = arith.constant 0 : i32
      %dma_wait3A_146 = arith.constant 0 : i32
      %dma_wait3A_147 = tpu.memref_slice %arg4[%dma_wait3A_145, %dma_wait3A_146] : memref<10240x128xf32, #tpu.memory_space<hbm>> -> memref<10240x128xf32, #tpu.memory_space<hbm>>
      tpu.wait_indirect_dma semaphore(%arg11 : memref<!tpu.dma_semaphore, #tpu.memory_space<semaphore_mem>>) src(%dma_wait3A_147 : memref<10240x128xf32, #tpu.memory_space<hbm>>) dst(%dma_wait3A_141 : memref<128x128xf32, #tpu.memory_space<vmem>>)
      %add3A_148 = arith.constant 0 : i32
      %add3A_149 = arith.addi %mul3A_134, %add3A_148 : i32
      %dma_start3A_150 = arith.constant 0 : i32
      %dma_start3A_151 = arith.constant 0 : i32
      %dma_start3A_152 = arith.constant 0 : i32
      %dma_start3A_153 = tpu.memref_slice %arg9[%dma_start3A_150, %dma_start3A_151, %dma_start3A_152] : memref<2x128x128xf32, #tpu.memory_space<vmem>> -> memref<1x128x128xf32, #tpu.memory_space<vmem>>
      %dma_start3A_154 = tpu.memref_squeeze %dma_start3A_153 : memref<1x128x128xf32, #tpu.memory_space<vmem>> -> memref<128x128xf32, #tpu.memory_space<vmem>>
      %dma_start3A_155 = arith.constant 0 : i32
      %dma_start3A_156 = tpu.memref_slice %arg8[%add3A_149, %dma_start3A_155] : memref<40x128xi32, #tpu.memory_space<vmem>> -> memref<1x128xi32, #tpu.memory_space<vmem>>
      %dma_start3A_157 = tpu.memref_squeeze %dma_start3A_156 : memref<1x128xi32, #tpu.memory_space<vmem>> -> memref<128xi32, #tpu.memory_space<vmem>>
      %dma_start3A_158 = arith.constant 0 : i32
      %dma_start3A_159 = arith.constant 0 : i32
      %dma_start3A_160 = tpu.memref_slice %arg10[%dma_start3A_158, %dma_start3A_159] : memref<10240x128xf32, #tpu.memory_space<vmem_shared>> -> memref<10240x128xf32, #tpu.memory_space<vmem_shared>>
      tpu.enqueue_indirect_dma source(%dma_start3A_154 : memref<128x128xf32, #tpu.memory_space<vmem>>) target(%dma_start3A_160 : memref<10240x128xf32, #tpu.memory_space<vmem_shared>>) offsets(%dma_start3A_157 : memref<128xi32, #tpu.memory_space<vmem>>) semaphore(%arg13 : memref<!tpu.dma_semaphore, #tpu.memory_space<semaphore_mem>>) {add = true}
      %add3A_161 = arith.constant 1 : i32
      %add3A_162 = arith.addi %mul3A_134, %add3A_161 : i32
      %dma_wait3A_163 = arith.constant 1 : i32
      %dma_wait3A_164 = arith.constant 0 : i32
      %dma_wait3A_165 = arith.constant 0 : i32
      %dma_wait3A_166 = tpu.memref_slice %arg9[%dma_wait3A_163, %dma_wait3A_164, %dma_wait3A_165] : memref<2x128x128xf32, #tpu.memory_space<vmem>> -> memref<1x128x128xf32, #tpu.memory_space<vmem>>
      %dma_wait3A_167 = tpu.memref_squeeze %dma_wait3A_166 : memref<1x128x128xf32, #tpu.memory_space<vmem>> -> memref<128x128xf32, #tpu.memory_space<vmem>>
      %dma_wait3A_168 = arith.constant 0 : i32
      %dma_wait3A_169 = tpu.memref_slice %arg7[%add3A_162, %dma_wait3A_168] : memref<40x128xi32, #tpu.memory_space<vmem>> -> memref<1x128xi32, #tpu.memory_space<vmem>>
      %dma_wait3A_170 = tpu.memref_squeeze %dma_wait3A_169 : memref<1x128xi32, #tpu.memory_space<vmem>> -> memref<128xi32, #tpu.memory_space<vmem>>
      %dma_wait3A_171 = arith.constant 0 : i32
      %dma_wait3A_172 = arith.constant 0 : i32
      %dma_wait3A_173 = tpu.memref_slice %arg4[%dma_wait3A_171, %dma_wait3A_172] : memref<10240x128xf32, #tpu.memory_space<hbm>> -> memref<10240x128xf32, #tpu.memory_space<hbm>>
      tpu.wait_indirect_dma semaphore(%arg12 : memref<!tpu.dma_semaphore, #tpu.memory_space<semaphore_mem>>) src(%dma_wait3A_173 : memref<10240x128xf32, #tpu.memory_space<hbm>>) dst(%dma_wait3A_167 : memref<128x128xf32, #tpu.memory_space<vmem>>)
      %add3A_174 = arith.constant 1 : i32
      %add3A_175 = arith.addi %mul3A_134, %add3A_174 : i32
      %dma_start3A_176 = arith.constant 1 : i32
      %dma_start3A_177 = arith.constant 0 : i32
      %dma_start3A_178 = arith.constant 0 : i32
      %dma_start3A_179 = tpu.memref_slice %arg9[%dma_start3A_176, %dma_start3A_177, %dma_start3A_178] : memref<2x128x128xf32, #tpu.memory_space<vmem>> -> memref<1x128x128xf32, #tpu.memory_space<vmem>>
      %dma_start3A_180 = tpu.memref_squeeze %dma_start3A_179 : memref<1x128x128xf32, #tpu.memory_space<vmem>> -> memref<128x128xf32, #tpu.memory_space<vmem>>
      %dma_start3A_181 = arith.constant 0 : i32
      %dma_start3A_182 = tpu.memref_slice %arg8[%add3A_175, %dma_start3A_181] : memref<40x128xi32, #tpu.memory_space<vmem>> -> memref<1x128xi32, #tpu.memory_space<vmem>>
      %dma_start3A_183 = tpu.memref_squeeze %dma_start3A_182 : memref<1x128xi32, #tpu.memory_space<vmem>> -> memref<128xi32, #tpu.memory_space<vmem>>
      %dma_start3A_184 = arith.constant 0 : i32
      %dma_start3A_185 = arith.constant 0 : i32
      %dma_start3A_186 = tpu.memref_slice %arg10[%dma_start3A_184, %dma_start3A_185] : memref<10240x128xf32, #tpu.memory_space<vmem_shared>> -> memref<10240x128xf32, #tpu.memory_space<vmem_shared>>
      tpu.enqueue_indirect_dma source(%dma_start3A_180 : memref<128x128xf32, #tpu.memory_space<vmem>>) target(%dma_start3A_186 : memref<10240x128xf32, #tpu.memory_space<vmem_shared>>) offsets(%dma_start3A_183 : memref<128xi32, #tpu.memory_space<vmem>>) semaphore(%arg14 : memref<!tpu.dma_semaphore, #tpu.memory_space<semaphore_mem>>) {add = true}
      %lt3A = arith.constant 19 : i32
      %lt3A_187 = arith.cmpi slt, %scan3A_132, %lt3A : i32
      %convert_element_type3A = arith.extui %lt3A_187 : i1 to i32
      %cond3A = arith.constant 0 : i32
      %cond3A_188 = arith.cmpi ne, %convert_element_type3A, %cond3A : i32
      scf.if %cond3A_188 {
        %add3A_189 = arith.constant 0 : i32
        %add3A_190 = arith.addi %mul3A_134, %add3A_189 : i32
        %dma_wait3A_191 = arith.constant 0 : i32
        %dma_wait3A_192 = arith.constant 0 : i32
        %dma_wait3A_193 = arith.constant 0 : i32
        %dma_wait3A_194 = tpu.memref_slice %arg9[%dma_wait3A_191, %dma_wait3A_192, %dma_wait3A_193] : memref<2x128x128xf32, #tpu.memory_space<vmem>> -> memref<1x128x128xf32, #tpu.memory_space<vmem>>
        %dma_wait3A_195 = tpu.memref_squeeze %dma_wait3A_194 : memref<1x128x128xf32, #tpu.memory_space<vmem>> -> memref<128x128xf32, #tpu.memory_space<vmem>>
        %dma_wait3A_196 = arith.constant 0 : i32
        %dma_wait3A_197 = tpu.memref_slice %arg8[%add3A_190, %dma_wait3A_196] : memref<40x128xi32, #tpu.memory_space<vmem>> -> memref<1x128xi32, #tpu.memory_space<vmem>>
        %dma_wait3A_198 = tpu.memref_squeeze %dma_wait3A_197 : memref<1x128xi32, #tpu.memory_space<vmem>> -> memref<128xi32, #tpu.memory_space<vmem>>
        %dma_wait3A_199 = arith.constant 0 : i32
        %dma_wait3A_200 = arith.constant 0 : i32
        %dma_wait3A_201 = tpu.memref_slice %arg10[%dma_wait3A_199, %dma_wait3A_200] : memref<10240x128xf32, #tpu.memory_space<vmem_shared>> -> memref<10240x128xf32, #tpu.memory_space<vmem_shared>>
        tpu.wait_indirect_dma semaphore(%arg13 : memref<!tpu.dma_semaphore, #tpu.memory_space<semaphore_mem>>) src(%dma_wait3A_195 : memref<128x128xf32, #tpu.memory_space<vmem>>) dst(%dma_wait3A_201 : memref<10240x128xf32, #tpu.memory_space<vmem_shared>>)
        %add3A_202 = arith.constant 2 : i32
        %add3A_203 = arith.addi %mul3A_134, %add3A_202 : i32
        %add3A_204 = arith.constant 0 : i32
        %add3A_205 = arith.addi %add3A_203, %add3A_204 : i32
        %dma_start3A_206 = arith.constant 0 : i32
        %dma_start3A_207 = arith.constant 0 : i32
        %dma_start3A_208 = arith.constant 0 : i32
        %dma_start3A_209 = tpu.memref_slice %arg9[%dma_start3A_206, %dma_start3A_207, %dma_start3A_208] : memref<2x128x128xf32, #tpu.memory_space<vmem>> -> memref<1x128x128xf32, #tpu.memory_space<vmem>>
        %dma_start3A_210 = tpu.memref_squeeze %dma_start3A_209 : memref<1x128x128xf32, #tpu.memory_space<vmem>> -> memref<128x128xf32, #tpu.memory_space<vmem>>
        %dma_start3A_211 = arith.constant 0 : i32
        %dma_start3A_212 = tpu.memref_slice %arg7[%add3A_205, %dma_start3A_211] : memref<40x128xi32, #tpu.memory_space<vmem>> -> memref<1x128xi32, #tpu.memory_space<vmem>>
        %dma_start3A_213 = tpu.memref_squeeze %dma_start3A_212 : memref<1x128xi32, #tpu.memory_space<vmem>> -> memref<128xi32, #tpu.memory_space<vmem>>
        %dma_start3A_214 = arith.constant 0 : i32
        %dma_start3A_215 = arith.constant 0 : i32
        %dma_start3A_216 = tpu.memref_slice %arg4[%dma_start3A_214, %dma_start3A_215] : memref<10240x128xf32, #tpu.memory_space<hbm>> -> memref<10240x128xf32, #tpu.memory_space<hbm>>
        tpu.enqueue_indirect_dma source(%dma_start3A_216 : memref<10240x128xf32, #tpu.memory_space<hbm>>) target(%dma_start3A_210 : memref<128x128xf32, #tpu.memory_space<vmem>>) offsets(%dma_start3A_213 : memref<128xi32, #tpu.memory_space<vmem>>) semaphore(%arg11 : memref<!tpu.dma_semaphore, #tpu.memory_space<semaphore_mem>>)
        %add3A_217 = arith.constant 1 : i32
        %add3A_218 = arith.addi %mul3A_134, %add3A_217 : i32
        %dma_wait3A_219 = arith.constant 1 : i32
        %dma_wait3A_220 = arith.constant 0 : i32
        %dma_wait3A_221 = arith.constant 0 : i32
        %dma_wait3A_222 = tpu.memref_slice %arg9[%dma_wait3A_219, %dma_wait3A_220, %dma_wait3A_221] : memref<2x128x128xf32, #tpu.memory_space<vmem>> -> memref<1x128x128xf32, #tpu.memory_space<vmem>>
        %dma_wait3A_223 = tpu.memref_squeeze %dma_wait3A_222 : memref<1x128x128xf32, #tpu.memory_space<vmem>> -> memref<128x128xf32, #tpu.memory_space<vmem>>
        %dma_wait3A_224 = arith.constant 0 : i32
        %dma_wait3A_225 = tpu.memref_slice %arg8[%add3A_218, %dma_wait3A_224] : memref<40x128xi32, #tpu.memory_space<vmem>> -> memref<1x128xi32, #tpu.memory_space<vmem>>
        %dma_wait3A_226 = tpu.memref_squeeze %dma_wait3A_225 : memref<1x128xi32, #tpu.memory_space<vmem>> -> memref<128xi32, #tpu.memory_space<vmem>>
        %dma_wait3A_227 = arith.constant 0 : i32
        %dma_wait3A_228 = arith.constant 0 : i32
        %dma_wait3A_229 = tpu.memref_slice %arg10[%dma_wait3A_227, %dma_wait3A_228] : memref<10240x128xf32, #tpu.memory_space<vmem_shared>> -> memref<10240x128xf32, #tpu.memory_space<vmem_shared>>
        tpu.wait_indirect_dma semaphore(%arg14 : memref<!tpu.dma_semaphore, #tpu.memory_space<semaphore_mem>>) src(%dma_wait3A_223 : memref<128x128xf32, #tpu.memory_space<vmem>>) dst(%dma_wait3A_229 : memref<10240x128xf32, #tpu.memory_space<vmem_shared>>)
        %add3A_230 = arith.constant 2 : i32
        %add3A_231 = arith.addi %mul3A_134, %add3A_230 : i32
        %add3A_232 = arith.constant 1 : i32
        %add3A_233 = arith.addi %add3A_231, %add3A_232 : i32
        %dma_start3A_234 = arith.constant 1 : i32
        %dma_start3A_235 = arith.constant 0 : i32
        %dma_start3A_236 = arith.constant 0 : i32
        %dma_start3A_237 = tpu.memref_slice %arg9[%dma_start3A_234, %dma_start3A_235, %dma_start3A_236] : memref<2x128x128xf32, #tpu.memory_space<vmem>> -> memref<1x128x128xf32, #tpu.memory_space<vmem>>
        %dma_start3A_238 = tpu.memref_squeeze %dma_start3A_237 : memref<1x128x128xf32, #tpu.memory_space<vmem>> -> memref<128x128xf32, #tpu.memory_space<vmem>>
        %dma_start3A_239 = arith.constant 0 : i32
        %dma_start3A_240 = tpu.memref_slice %arg7[%add3A_233, %dma_start3A_239] : memref<40x128xi32, #tpu.memory_space<vmem>> -> memref<1x128xi32, #tpu.memory_space<vmem>>
        %dma_start3A_241 = tpu.memref_squeeze %dma_start3A_240 : memref<1x128xi32, #tpu.memory_space<vmem>> -> memref<128xi32, #tpu.memory_space<vmem>>
        %dma_start3A_242 = arith.constant 0 : i32
        %dma_start3A_243 = arith.constant 0 : i32
        %dma_start3A_244 = tpu.memref_slice %arg4[%dma_start3A_242, %dma_start3A_243] : memref<10240x128xf32, #tpu.memory_space<hbm>> -> memref<10240x128xf32, #tpu.memory_space<hbm>>
        tpu.enqueue_indirect_dma source(%dma_start3A_244 : memref<10240x128xf32, #tpu.memory_space<hbm>>) target(%dma_start3A_238 : memref<128x128xf32, #tpu.memory_space<vmem>>) offsets(%dma_start3A_241 : memref<128xi32, #tpu.memory_space<vmem>>) semaphore(%arg12 : memref<!tpu.dma_semaphore, #tpu.memory_space<semaphore_mem>>)
      } else {
      }
    }
    %scan3A_57 = arith.constant 20 : i32
    %dma_wait3A = arith.constant 0 : i32
    %dma_wait3A_58 = arith.constant 0 : i32
    %dma_wait3A_59 = arith.constant 0 : i32
    %dma_wait3A_60 = arith.constant 0 : i32
    %dma_wait3A_61 = tpu.memref_slice %arg9[%dma_wait3A, %dma_wait3A_59, %dma_wait3A_60] : memref<2x128x128xf32, #tpu.memory_space<vmem>> -> memref<1x128x128xf32, #tpu.memory_space<vmem>>
    %dma_wait3A_62 = tpu.memref_squeeze %dma_wait3A_61 : memref<1x128x128xf32, #tpu.memory_space<vmem>> -> memref<128x128xf32, #tpu.memory_space<vmem>>
    %dma_wait3A_63 = arith.constant 0 : i32
    %dma_wait3A_64 = tpu.memref_slice %arg8[%dma_wait3A_58, %dma_wait3A_63] : memref<40x128xi32, #tpu.memory_space<vmem>> -> memref<1x128xi32, #tpu.memory_space<vmem>>
    %dma_wait3A_65 = tpu.memref_squeeze %dma_wait3A_64 : memref<1x128xi32, #tpu.memory_space<vmem>> -> memref<128xi32, #tpu.memory_space<vmem>>
    %dma_wait3A_66 = arith.constant 0 : i32
    %dma_wait3A_67 = arith.constant 0 : i32
    %dma_wait3A_68 = tpu.memref_slice %arg10[%dma_wait3A_66, %dma_wait3A_67] : memref<10240x128xf32, #tpu.memory_space<vmem_shared>> -> memref<10240x128xf32, #tpu.memory_space<vmem_shared>>
    tpu.wait_indirect_dma semaphore(%arg13 : memref<!tpu.dma_semaphore, #tpu.memory_space<semaphore_mem>>) src(%dma_wait3A_62 : memref<128x128xf32, #tpu.memory_space<vmem>>) dst(%dma_wait3A_68 : memref<10240x128xf32, #tpu.memory_space<vmem_shared>>)
    %dma_wait3A_69 = arith.constant 1 : i32
    %dma_wait3A_70 = arith.constant 1 : i32
    %dma_wait3A_71 = arith.constant 0 : i32
    %dma_wait3A_72 = arith.constant 0 : i32
    %dma_wait3A_73 = tpu.memref_slice %arg9[%dma_wait3A_69, %dma_wait3A_71, %dma_wait3A_72] : memref<2x128x128xf32, #tpu.memory_space<vmem>> -> memref<1x128x128xf32, #tpu.memory_space<vmem>>
    %dma_wait3A_74 = tpu.memref_squeeze %dma_wait3A_73 : memref<1x128x128xf32, #tpu.memory_space<vmem>> -> memref<128x128xf32, #tpu.memory_space<vmem>>
    %dma_wait3A_75 = arith.constant 0 : i32
    %dma_wait3A_76 = tpu.memref_slice %arg8[%dma_wait3A_70, %dma_wait3A_75] : memref<40x128xi32, #tpu.memory_space<vmem>> -> memref<1x128xi32, #tpu.memory_space<vmem>>
    %dma_wait3A_77 = tpu.memref_squeeze %dma_wait3A_76 : memref<1x128xi32, #tpu.memory_space<vmem>> -> memref<128xi32, #tpu.memory_space<vmem>>
    %dma_wait3A_78 = arith.constant 0 : i32
    %dma_wait3A_79 = arith.constant 0 : i32
    %dma_wait3A_80 = tpu.memref_slice %arg10[%dma_wait3A_78, %dma_wait3A_79] : memref<10240x128xf32, #tpu.memory_space<vmem_shared>> -> memref<10240x128xf32, #tpu.memory_space<vmem_shared>>
    tpu.wait_indirect_dma semaphore(%arg14 : memref<!tpu.dma_semaphore, #tpu.memory_space<semaphore_mem>>) src(%dma_wait3A_74 : memref<128x128xf32, #tpu.memory_space<vmem>>) dst(%dma_wait3A_80 : memref<10240x128xf32, #tpu.memory_space<vmem_shared>>)
    %barrier3A_81 = arith.constant 0 : index
    tpu.barrier barrier_id(%barrier3A_81)
    %mul3A_82 = arith.constant 640 : i32
    %mul3A_83 = arith.muli %arg1, %mul3A_82 : i32
    %add3A_84 = arith.constant 0 : i32
    %add3A_85 = arith.addi %mul3A_83, %add3A_84 : i32
    %run_scoped3A_86 = arith.constant 0 : i32
    "tpu.region"() ({
      %run_scoped3A_132 = tpu.sem_alloc : memref<!tpu.dma_semaphore, #tpu.memory_space<semaphore_mem>>
      %dma_start3A_133 = arith.constant 0 : i32
      %dma_start3A_134 = arith.constant 0 : i32
      %dma_start3A_135 = tpu.memref_slice %arg9[%run_scoped3A_86, %dma_start3A_133, %dma_start3A_134] : memref<2x128x128xf32, #tpu.memory_space<vmem>> -> memref<1x128x128xf32, #tpu.memory_space<vmem>>
      %dma_start3A_136 = tpu.memref_squeeze %dma_start3A_135 : memref<1x128x128xf32, #tpu.memory_space<vmem>> -> memref<128x128xf32, #tpu.memory_space<vmem>>
      %dma_start3A_137 = arith.constant 0 : i32
      %dma_start3A_138 = tpu.memref_slice %arg10[%add3A_85, %dma_start3A_137] : memref<10240x128xf32, #tpu.memory_space<vmem_shared>> -> memref<128x128xf32, #tpu.memory_space<vmem_shared>>
      %dma_start3A_139 = arith.constant 0 : i32
      %dma_start3A_140 = arith.constant 0 : i32
      %dma_start3A_141 = tpu.memref_slice %arg9[%run_scoped3A_86, %dma_start3A_139, %dma_start3A_140] : memref<2x128x128xf32, #tpu.memory_space<vmem>> -> memref<1x128x128xf32, #tpu.memory_space<vmem>>
      %dma_start3A_142 = tpu.memref_squeeze %dma_start3A_141 : memref<1x128x128xf32, #tpu.memory_space<vmem>> -> memref<128x128xf32, #tpu.memory_space<vmem>>
      %dma_start3A_143 = arith.constant 0 : i32
      %dma_start3A_144 = tpu.memref_slice %arg10[%add3A_85, %dma_start3A_143] : memref<10240x128xf32, #tpu.memory_space<vmem_shared>> -> memref<128x128xf32, #tpu.memory_space<vmem_shared>>
      tpu.enqueue_dma source(%dma_start3A_144 : memref<128x128xf32, #tpu.memory_space<vmem_shared>>) target(%dma_start3A_142 : memref<128x128xf32, #tpu.memory_space<vmem>>) target_semaphore(%run_scoped3A_132 : memref<!tpu.dma_semaphore, #tpu.memory_space<semaphore_mem>>)
      %dma_wait3A_145 = arith.constant 0 : i32
      %dma_wait3A_146 = arith.constant 0 : i32
      %dma_wait3A_147 = tpu.memref_slice %arg9[%run_scoped3A_86, %dma_wait3A_145, %dma_wait3A_146] : memref<2x128x128xf32, #tpu.memory_space<vmem>> -> memref<1x128x128xf32, #tpu.memory_space<vmem>>
      %dma_wait3A_148 = tpu.memref_squeeze %dma_wait3A_147 : memref<1x128x128xf32, #tpu.memory_space<vmem>> -> memref<128x128xf32, #tpu.memory_space<vmem>>
      %dma_wait3A_149 = arith.constant 0 : i32
      %dma_wait3A_150 = tpu.memref_slice %arg10[%add3A_85, %dma_wait3A_149] : memref<10240x128xf32, #tpu.memory_space<vmem_shared>> -> memref<128x128xf32, #tpu.memory_space<vmem_shared>>
      %dma_wait3A_151 = arith.constant 0 : i32
      %dma_wait3A_152 = arith.constant 0 : i32
      %dma_wait3A_153 = tpu.memref_slice %arg9[%run_scoped3A_86, %dma_wait3A_151, %dma_wait3A_152] : memref<2x128x128xf32, #tpu.memory_space<vmem>> -> memref<1x128x128xf32, #tpu.memory_space<vmem>>
      %dma_wait3A_154 = tpu.memref_squeeze %dma_wait3A_153 : memref<1x128x128xf32, #tpu.memory_space<vmem>> -> memref<128x128xf32, #tpu.memory_space<vmem>>
      %dma_wait3A_155 = arith.constant 0 : i32
      %dma_wait3A_156 = tpu.memref_slice %arg10[%add3A_85, %dma_wait3A_155] : memref<10240x128xf32, #tpu.memory_space<vmem_shared>> -> memref<128x128xf32, #tpu.memory_space<vmem_shared>>
      tpu.wait_dma2 semaphore(%run_scoped3A_132 : memref<!tpu.dma_semaphore, #tpu.memory_space<semaphore_mem>>) src(%dma_wait3A_156 : memref<128x128xf32, #tpu.memory_space<vmem_shared>>) dst(%dma_wait3A_154 : memref<128x128xf32, #tpu.memory_space<vmem>>)
      tpu.yield
    }) : () -> ()
    %mul3A_87 = arith.constant 640 : i32
    %mul3A_88 = arith.muli %arg1, %mul3A_87 : i32
    %add3A_89 = arith.constant 0 : i32
    %add3A_90 = arith.addi %mul3A_88, %add3A_89 : i32
    %run_scoped3A_91 = arith.constant 0 : i32
    "tpu.region"() ({
      %run_scoped3A_132 = tpu.sem_alloc : memref<!tpu.dma_semaphore, #tpu.memory_space<semaphore_mem>>
      %dma_start3A_133 = arith.constant 0 : i32
      %dma_start3A_134 = arith.constant 0 : i32
      %dma_start3A_135 = tpu.memref_slice %arg9[%run_scoped3A_91, %dma_start3A_133, %dma_start3A_134] : memref<2x128x128xf32, #tpu.memory_space<vmem>> -> memref<1x128x128xf32, #tpu.memory_space<vmem>>
      %dma_start3A_136 = tpu.memref_squeeze %dma_start3A_135 : memref<1x128x128xf32, #tpu.memory_space<vmem>> -> memref<128x128xf32, #tpu.memory_space<vmem>>
      %dma_start3A_137 = arith.constant 0 : i32
      %dma_start3A_138 = tpu.memref_slice %arg6[%arg0, %add3A_90, %dma_start3A_137] : memref<2x10240x128xf32, #tpu.memory_space<hbm>> -> memref<1x128x128xf32, #tpu.memory_space<hbm>>
      %dma_start3A_139 = tpu.memref_squeeze %dma_start3A_138 : memref<1x128x128xf32, #tpu.memory_space<hbm>> -> memref<128x128xf32, #tpu.memory_space<hbm>>
      %dma_start3A_140 = arith.constant 0 : i32
      %dma_start3A_141 = tpu.memref_slice %arg6[%arg0, %add3A_90, %dma_start3A_140] : memref<2x10240x128xf32, #tpu.memory_space<hbm>> -> memref<1x128x128xf32, #tpu.memory_space<hbm>>
      %dma_start3A_142 = tpu.memref_squeeze %dma_start3A_141 : memref<1x128x128xf32, #tpu.memory_space<hbm>> -> memref<128x128xf32, #tpu.memory_space<hbm>>
      %dma_start3A_143 = arith.constant 0 : i32
      %dma_start3A_144 = arith.constant 0 : i32
      %dma_start3A_145 = tpu.memref_slice %arg9[%run_scoped3A_91, %dma_start3A_143, %dma_start3A_144] : memref<2x128x128xf32, #tpu.memory_space<vmem>> -> memref<1x128x128xf32, #tpu.memory_space<vmem>>
      %dma_start3A_146 = tpu.memref_squeeze %dma_start3A_145 : memref<1x128x128xf32, #tpu.memory_space<vmem>> -> memref<128x128xf32, #tpu.memory_space<vmem>>
      tpu.enqueue_dma source(%dma_start3A_146 : memref<128x128xf32, #tpu.memory_space<vmem>>) target(%dma_start3A_142 : memref<128x128xf32, #tpu.memory_space<hbm>>) target_semaphore(%run_scoped3A_132 : memref<!tpu.dma_semaphore, #tpu.memory_space<semaphore_mem>>)
      %dma_wait3A_147 = arith.constant 0 : i32
      %dma_wait3A_148 = arith.constant 0 : i32
      %dma_wait3A_149 = tpu.memref_slice %arg9[%run_scoped3A_91, %dma_wait3A_147, %dma_wait3A_148] : memref<2x128x128xf32, #tpu.memory_space<vmem>> -> memref<1x128x128xf32, #tpu.memory_space<vmem>>
      %dma_wait3A_150 = tpu.memref_squeeze %dma_wait3A_149 : memref<1x128x128xf32, #tpu.memory_space<vmem>> -> memref<128x128xf32, #tpu.memory_space<vmem>>
      %dma_wait3A_151 = arith.constant 0 : i32
      %dma_wait3A_152 = tpu.memref_slice %arg6[%arg0, %add3A_90, %dma_wait3A_151] : memref<2x10240x128xf32, #tpu.memory_space<hbm>> -> memref<1x128x128xf32, #tpu.memory_space<hbm>>
      %dma_wait3A_153 = tpu.memref_squeeze %dma_wait3A_152 : memref<1x128x128xf32, #tpu.memory_space<hbm>> -> memref<128x128xf32, #tpu.memory_space<hbm>>
      %dma_wait3A_154 = arith.constant 0 : i32
      %dma_wait3A_155 = tpu.memref_slice %arg6[%arg0, %add3A_90, %dma_wait3A_154] : memref<2x10240x128xf32, #tpu.memory_space<hbm>> -> memref<1x128x128xf32, #tpu.memory_space<hbm>>
      %dma_wait3A_156 = tpu.memref_squeeze %dma_wait3A_155 : memref<1x128x128xf32, #tpu.memory_space<hbm>> -> memref<128x128xf32, #tpu.memory_space<hbm>>
      %dma_wait3A_157 = arith.constant 0 : i32
      %dma_wait3A_158 = arith.constant 0 : i32
      %dma_wait3A_159 = tpu.memref_slice %arg9[%run_scoped3A_91, %dma_wait3A_157, %dma_wait3A_158] : memref<2x128x128xf32, #tpu.memory_space<vmem>> -> memref<1x128x128xf32, #tpu.memory_space<vmem>>
      %dma_wait3A_160 = tpu.memref_squeeze %dma_wait3A_159 : memref<1x128x128xf32, #tpu.memory_space<vmem>> -> memref<128x128xf32, #tpu.memory_space<vmem>>
      tpu.wait_dma2 semaphore(%run_scoped3A_132 : memref<!tpu.dma_semaphore, #tpu.memory_space<semaphore_mem>>) src(%dma_wait3A_160 : memref<128x128xf32, #tpu.memory_space<vmem>>) dst(%dma_wait3A_156 : memref<128x128xf32, #tpu.memory_space<hbm>>)
      tpu.yield
    }) : () -> ()
    %mul3A_92 = arith.constant 640 : i32
    %mul3A_93 = arith.muli %arg1, %mul3A_92 : i32
    %add3A_94 = arith.constant 128 : i32
    %add3A_95 = arith.addi %mul3A_93, %add3A_94 : i32
    %run_scoped3A_96 = arith.constant 0 : i32
    "tpu.region"() ({
      %run_scoped3A_132 = tpu.sem_alloc : memref<!tpu.dma_semaphore, #tpu.memory_space<semaphore_mem>>
      %dma_start3A_133 = arith.constant 0 : i32
      %dma_start3A_134 = arith.constant 0 : i32
      %dma_start3A_135 = tpu.memref_slice %arg9[%run_scoped3A_96, %dma_start3A_133, %dma_start3A_134] : memref<2x128x128xf32, #tpu.memory_space<vmem>> -> memref<1x128x128xf32, #tpu.memory_space<vmem>>
      %dma_start3A_136 = tpu.memref_squeeze %dma_start3A_135 : memref<1x128x128xf32, #tpu.memory_space<vmem>> -> memref<128x128xf32, #tpu.memory_space<vmem>>
      %dma_start3A_137 = arith.constant 0 : i32
      %dma_start3A_138 = tpu.memref_slice %arg10[%add3A_95, %dma_start3A_137] : memref<10240x128xf32, #tpu.memory_space<vmem_shared>> -> memref<128x128xf32, #tpu.memory_space<vmem_shared>>
      %dma_start3A_139 = arith.constant 0 : i32
      %dma_start3A_140 = arith.constant 0 : i32
      %dma_start3A_141 = tpu.memref_slice %arg9[%run_scoped3A_96, %dma_start3A_139, %dma_start3A_140] : memref<2x128x128xf32, #tpu.memory_space<vmem>> -> memref<1x128x128xf32, #tpu.memory_space<vmem>>
      %dma_start3A_142 = tpu.memref_squeeze %dma_start3A_141 : memref<1x128x128xf32, #tpu.memory_space<vmem>> -> memref<128x128xf32, #tpu.memory_space<vmem>>
      %dma_start3A_143 = arith.constant 0 : i32
      %dma_start3A_144 = tpu.memref_slice %arg10[%add3A_95, %dma_start3A_143] : memref<10240x128xf32, #tpu.memory_space<vmem_shared>> -> memref<128x128xf32, #tpu.memory_space<vmem_shared>>
      tpu.enqueue_dma source(%dma_start3A_144 : memref<128x128xf32, #tpu.memory_space<vmem_shared>>) target(%dma_start3A_142 : memref<128x128xf32, #tpu.memory_space<vmem>>) target_semaphore(%run_scoped3A_132 : memref<!tpu.dma_semaphore, #tpu.memory_space<semaphore_mem>>)
      %dma_wait3A_145 = arith.constant 0 : i32
      %dma_wait3A_146 = arith.constant 0 : i32
      %dma_wait3A_147 = tpu.memref_slice %arg9[%run_scoped3A_96, %dma_wait3A_145, %dma_wait3A_146] : memref<2x128x128xf32, #tpu.memory_space<vmem>> -> memref<1x128x128xf32, #tpu.memory_space<vmem>>
      %dma_wait3A_148 = tpu.memref_squeeze %dma_wait3A_147 : memref<1x128x128xf32, #tpu.memory_space<vmem>> -> memref<128x128xf32, #tpu.memory_space<vmem>>
      %dma_wait3A_149 = arith.constant 0 : i32
      %dma_wait3A_150 = tpu.memref_slice %arg10[%add3A_95, %dma_wait3A_149] : memref<10240x128xf32, #tpu.memory_space<vmem_shared>> -> memref<128x128xf32, #tpu.memory_space<vmem_shared>>
      %dma_wait3A_151 = arith.constant 0 : i32
      %dma_wait3A_152 = arith.constant 0 : i32
      %dma_wait3A_153 = tpu.memref_slice %arg9[%run_scoped3A_96, %dma_wait3A_151, %dma_wait3A_152] : memref<2x128x128xf32, #tpu.memory_space<vmem>> -> memref<1x128x128xf32, #tpu.memory_space<vmem>>
      %dma_wait3A_154 = tpu.memref_squeeze %dma_wait3A_153 : memref<1x128x128xf32, #tpu.memory_space<vmem>> -> memref<128x128xf32, #tpu.memory_space<vmem>>
      %dma_wait3A_155 = arith.constant 0 : i32
      %dma_wait3A_156 = tpu.memref_slice %arg10[%add3A_95, %dma_wait3A_155] : memref<10240x128xf32, #tpu.memory_space<vmem_shared>> -> memref<128x128xf32, #tpu.memory_space<vmem_shared>>
      tpu.wait_dma2 semaphore(%run_scoped3A_132 : memref<!tpu.dma_semaphore, #tpu.memory_space<semaphore_mem>>) src(%dma_wait3A_156 : memref<128x128xf32, #tpu.memory_space<vmem_shared>>) dst(%dma_wait3A_154 : memref<128x128xf32, #tpu.memory_space<vmem>>)
      tpu.yield
    }) : () -> ()
    %mul3A_97 = arith.constant 640 : i32
    %mul3A_98 = arith.muli %arg1, %mul3A_97 : i32
    %add3A_99 = arith.constant 128 : i32
    %add3A_100 = arith.addi %mul3A_98, %add3A_99 : i32
    %run_scoped3A_101 = arith.constant 0 : i32
    "tpu.region"() ({
      %run_scoped3A_132 = tpu.sem_alloc : memref<!tpu.dma_semaphore, #tpu.memory_space<semaphore_mem>>
      %dma_start3A_133 = arith.constant 0 : i32
      %dma_start3A_134 = arith.constant 0 : i32
      %dma_start3A_135 = tpu.memref_slice %arg9[%run_scoped3A_101, %dma_start3A_133, %dma_start3A_134] : memref<2x128x128xf32, #tpu.memory_space<vmem>> -> memref<1x128x128xf32, #tpu.memory_space<vmem>>
      %dma_start3A_136 = tpu.memref_squeeze %dma_start3A_135 : memref<1x128x128xf32, #tpu.memory_space<vmem>> -> memref<128x128xf32, #tpu.memory_space<vmem>>
      %dma_start3A_137 = arith.constant 0 : i32
      %dma_start3A_138 = tpu.memref_slice %arg6[%arg0, %add3A_100, %dma_start3A_137] : memref<2x10240x128xf32, #tpu.memory_space<hbm>> -> memref<1x128x128xf32, #tpu.memory_space<hbm>>
      %dma_start3A_139 = tpu.memref_squeeze %dma_start3A_138 : memref<1x128x128xf32, #tpu.memory_space<hbm>> -> memref<128x128xf32, #tpu.memory_space<hbm>>
      %dma_start3A_140 = arith.constant 0 : i32
      %dma_start3A_141 = tpu.memref_slice %arg6[%arg0, %add3A_100, %dma_start3A_140] : memref<2x10240x128xf32, #tpu.memory_space<hbm>> -> memref<1x128x128xf32, #tpu.memory_space<hbm>>
      %dma_start3A_142 = tpu.memref_squeeze %dma_start3A_141 : memref<1x128x128xf32, #tpu.memory_space<hbm>> -> memref<128x128xf32, #tpu.memory_space<hbm>>
      %dma_start3A_143 = arith.constant 0 : i32
      %dma_start3A_144 = arith.constant 0 : i32
      %dma_start3A_145 = tpu.memref_slice %arg9[%run_scoped3A_101, %dma_start3A_143, %dma_start3A_144] : memref<2x128x128xf32, #tpu.memory_space<vmem>> -> memref<1x128x128xf32, #tpu.memory_space<vmem>>
      %dma_start3A_146 = tpu.memref_squeeze %dma_start3A_145 : memref<1x128x128xf32, #tpu.memory_space<vmem>> -> memref<128x128xf32, #tpu.memory_space<vmem>>
      tpu.enqueue_dma source(%dma_start3A_146 : memref<128x128xf32, #tpu.memory_space<vmem>>) target(%dma_start3A_142 : memref<128x128xf32, #tpu.memory_space<hbm>>) target_semaphore(%run_scoped3A_132 : memref<!tpu.dma_semaphore, #tpu.memory_space<semaphore_mem>>)
      %dma_wait3A_147 = arith.constant 0 : i32
      %dma_wait3A_148 = arith.constant 0 : i32
      %dma_wait3A_149 = tpu.memref_slice %arg9[%run_scoped3A_101, %dma_wait3A_147, %dma_wait3A_148] : memref<2x128x128xf32, #tpu.memory_space<vmem>> -> memref<1x128x128xf32, #tpu.memory_space<vmem>>
      %dma_wait3A_150 = tpu.memref_squeeze %dma_wait3A_149 : memref<1x128x128xf32, #tpu.memory_space<vmem>> -> memref<128x128xf32, #tpu.memory_space<vmem>>
      %dma_wait3A_151 = arith.constant 0 : i32
      %dma_wait3A_152 = tpu.memref_slice %arg6[%arg0, %add3A_100, %dma_wait3A_151] : memref<2x10240x128xf32, #tpu.memory_space<hbm>> -> memref<1x128x128xf32, #tpu.memory_space<hbm>>
      %dma_wait3A_153 = tpu.memref_squeeze %dma_wait3A_152 : memref<1x128x128xf32, #tpu.memory_space<hbm>> -> memref<128x128xf32, #tpu.memory_space<hbm>>
      %dma_wait3A_154 = arith.constant 0 : i32
      %dma_wait3A_155 = tpu.memref_slice %arg6[%arg0, %add3A_100, %dma_wait3A_154] : memref<2x10240x128xf32, #tpu.memory_space<hbm>> -> memref<1x128x128xf32, #tpu.memory_space<hbm>>
      %dma_wait3A_156 = tpu.memref_squeeze %dma_wait3A_155 : memref<1x128x128xf32, #tpu.memory_space<hbm>> -> memref<128x128xf32, #tpu.memory_space<hbm>>
      %dma_wait3A_157 = arith.constant 0 : i32
      %dma_wait3A_158 = arith.constant 0 : i32
      %dma_wait3A_159 = tpu.memref_slice %arg9[%run_scoped3A_101, %dma_wait3A_157, %dma_wait3A_158] : memref<2x128x128xf32, #tpu.memory_space<vmem>> -> memref<1x128x128xf32, #tpu.memory_space<vmem>>
      %dma_wait3A_160 = tpu.memref_squeeze %dma_wait3A_159 : memref<1x128x128xf32, #tpu.memory_space<vmem>> -> memref<128x128xf32, #tpu.memory_space<vmem>>
      tpu.wait_dma2 semaphore(%run_scoped3A_132 : memref<!tpu.dma_semaphore, #tpu.memory_space<semaphore_mem>>) src(%dma_wait3A_160 : memref<128x128xf32, #tpu.memory_space<vmem>>) dst(%dma_wait3A_156 : memref<128x128xf32, #tpu.memory_space<hbm>>)
      tpu.yield
    }) : () -> ()
    %mul3A_102 = arith.constant 640 : i32
    %mul3A_103 = arith.muli %arg1, %mul3A_102 : i32
    %add3A_104 = arith.constant 256 : i32
    %add3A_105 = arith.addi %mul3A_103, %add3A_104 : i32
    %run_scoped3A_106 = arith.constant 0 : i32
    "tpu.region"() ({
      %run_scoped3A_132 = tpu.sem_alloc : memref<!tpu.dma_semaphore, #tpu.memory_space<semaphore_mem>>
      %dma_start3A_133 = arith.constant 0 : i32
      %dma_start3A_134 = arith.constant 0 : i32
      %dma_start3A_135 = tpu.memref_slice %arg9[%run_scoped3A_106, %dma_start3A_133, %dma_start3A_134] : memref<2x128x128xf32, #tpu.memory_space<vmem>> -> memref<1x128x128xf32, #tpu.memory_space<vmem>>
      %dma_start3A_136 = tpu.memref_squeeze %dma_start3A_135 : memref<1x128x128xf32, #tpu.memory_space<vmem>> -> memref<128x128xf32, #tpu.memory_space<vmem>>
      %dma_start3A_137 = arith.constant 0 : i32
      %dma_start3A_138 = tpu.memref_slice %arg10[%add3A_105, %dma_start3A_137] : memref<10240x128xf32, #tpu.memory_space<vmem_shared>> -> memref<128x128xf32, #tpu.memory_space<vmem_shared>>
      %dma_start3A_139 = arith.constant 0 : i32
      %dma_start3A_140 = arith.constant 0 : i32
      %dma_start3A_141 = tpu.memref_slice %arg9[%run_scoped3A_106, %dma_start3A_139, %dma_start3A_140] : memref<2x128x128xf32, #tpu.memory_space<vmem>> -> memref<1x128x128xf32, #tpu.memory_space<vmem>>
      %dma_start3A_142 = tpu.memref_squeeze %dma_start3A_141 : memref<1x128x128xf32, #tpu.memory_space<vmem>> -> memref<128x128xf32, #tpu.memory_space<vmem>>
      %dma_start3A_143 = arith.constant 0 : i32
      %dma_start3A_144 = tpu.memref_slice %arg10[%add3A_105, %dma_start3A_143] : memref<10240x128xf32, #tpu.memory_space<vmem_shared>> -> memref<128x128xf32, #tpu.memory_space<vmem_shared>>
      tpu.enqueue_dma source(%dma_start3A_144 : memref<128x128xf32, #tpu.memory_space<vmem_shared>>) target(%dma_start3A_142 : memref<128x128xf32, #tpu.memory_space<vmem>>) target_semaphore(%run_scoped3A_132 : memref<!tpu.dma_semaphore, #tpu.memory_space<semaphore_mem>>)
      %dma_wait3A_145 = arith.constant 0 : i32
      %dma_wait3A_146 = arith.constant 0 : i32
      %dma_wait3A_147 = tpu.memref_slice %arg9[%run_scoped3A_106, %dma_wait3A_145, %dma_wait3A_146] : memref<2x128x128xf32, #tpu.memory_space<vmem>> -> memref<1x128x128xf32, #tpu.memory_space<vmem>>
      %dma_wait3A_148 = tpu.memref_squeeze %dma_wait3A_147 : memref<1x128x128xf32, #tpu.memory_space<vmem>> -> memref<128x128xf32, #tpu.memory_space<vmem>>
      %dma_wait3A_149 = arith.constant 0 : i32
      %dma_wait3A_150 = tpu.memref_slice %arg10[%add3A_105, %dma_wait3A_149] : memref<10240x128xf32, #tpu.memory_space<vmem_shared>> -> memref<128x128xf32, #tpu.memory_space<vmem_shared>>
      %dma_wait3A_151 = arith.constant 0 : i32
      %dma_wait3A_152 = arith.constant 0 : i32
      %dma_wait3A_153 = tpu.memref_slice %arg9[%run_scoped3A_106, %dma_wait3A_151, %dma_wait3A_152] : memref<2x128x128xf32, #tpu.memory_space<vmem>> -> memref<1x128x128xf32, #tpu.memory_space<vmem>>
      %dma_wait3A_154 = tpu.memref_squeeze %dma_wait3A_153 : memref<1x128x128xf32, #tpu.memory_space<vmem>> -> memref<128x128xf32, #tpu.memory_space<vmem>>
      %dma_wait3A_155 = arith.constant 0 : i32
      %dma_wait3A_156 = tpu.memref_slice %arg10[%add3A_105, %dma_wait3A_155] : memref<10240x128xf32, #tpu.memory_space<vmem_shared>> -> memref<128x128xf32, #tpu.memory_space<vmem_shared>>
      tpu.wait_dma2 semaphore(%run_scoped3A_132 : memref<!tpu.dma_semaphore, #tpu.memory_space<semaphore_mem>>) src(%dma_wait3A_156 : memref<128x128xf32, #tpu.memory_space<vmem_shared>>) dst(%dma_wait3A_154 : memref<128x128xf32, #tpu.memory_space<vmem>>)
      tpu.yield
    }) : () -> ()
    %mul3A_107 = arith.constant 640 : i32
    %mul3A_108 = arith.muli %arg1, %mul3A_107 : i32
    %add3A_109 = arith.constant 256 : i32
    %add3A_110 = arith.addi %mul3A_108, %add3A_109 : i32
    %run_scoped3A_111 = arith.constant 0 : i32
    "tpu.region"() ({
      %run_scoped3A_132 = tpu.sem_alloc : memref<!tpu.dma_semaphore, #tpu.memory_space<semaphore_mem>>
      %dma_start3A_133 = arith.constant 0 : i32
      %dma_start3A_134 = arith.constant 0 : i32
      %dma_start3A_135 = tpu.memref_slice %arg9[%run_scoped3A_111, %dma_start3A_133, %dma_start3A_134] : memref<2x128x128xf32, #tpu.memory_space<vmem>> -> memref<1x128x128xf32, #tpu.memory_space<vmem>>
      %dma_start3A_136 = tpu.memref_squeeze %dma_start3A_135 : memref<1x128x128xf32, #tpu.memory_space<vmem>> -> memref<128x128xf32, #tpu.memory_space<vmem>>
      %dma_start3A_137 = arith.constant 0 : i32
      %dma_start3A_138 = tpu.memref_slice %arg6[%arg0, %add3A_110, %dma_start3A_137] : memref<2x10240x128xf32, #tpu.memory_space<hbm>> -> memref<1x128x128xf32, #tpu.memory_space<hbm>>
      %dma_start3A_139 = tpu.memref_squeeze %dma_start3A_138 : memref<1x128x128xf32, #tpu.memory_space<hbm>> -> memref<128x128xf32, #tpu.memory_space<hbm>>
      %dma_start3A_140 = arith.constant 0 : i32
      %dma_start3A_141 = tpu.memref_slice %arg6[%arg0, %add3A_110, %dma_start3A_140] : memref<2x10240x128xf32, #tpu.memory_space<hbm>> -> memref<1x128x128xf32, #tpu.memory_space<hbm>>
      %dma_start3A_142 = tpu.memref_squeeze %dma_start3A_141 : memref<1x128x128xf32, #tpu.memory_space<hbm>> -> memref<128x128xf32, #tpu.memory_space<hbm>>
      %dma_start3A_143 = arith.constant 0 : i32
      %dma_start3A_144 = arith.constant 0 : i32
      %dma_start3A_145 = tpu.memref_slice %arg9[%run_scoped3A_111, %dma_start3A_143, %dma_start3A_144] : memref<2x128x128xf32, #tpu.memory_space<vmem>> -> memref<1x128x128xf32, #tpu.memory_space<vmem>>
      %dma_start3A_146 = tpu.memref_squeeze %dma_start3A_145 : memref<1x128x128xf32, #tpu.memory_space<vmem>> -> memref<128x128xf32, #tpu.memory_space<vmem>>
      tpu.enqueue_dma source(%dma_start3A_146 : memref<128x128xf32, #tpu.memory_space<vmem>>) target(%dma_start3A_142 : memref<128x128xf32, #tpu.memory_space<hbm>>) target_semaphore(%run_scoped3A_132 : memref<!tpu.dma_semaphore, #tpu.memory_space<semaphore_mem>>)
      %dma_wait3A_147 = arith.constant 0 : i32
      %dma_wait3A_148 = arith.constant 0 : i32
      %dma_wait3A_149 = tpu.memref_slice %arg9[%run_scoped3A_111, %dma_wait3A_147, %dma_wait3A_148] : memref<2x128x128xf32, #tpu.memory_space<vmem>> -> memref<1x128x128xf32, #tpu.memory_space<vmem>>
      %dma_wait3A_150 = tpu.memref_squeeze %dma_wait3A_149 : memref<1x128x128xf32, #tpu.memory_space<vmem>> -> memref<128x128xf32, #tpu.memory_space<vmem>>
      %dma_wait3A_151 = arith.constant 0 : i32
      %dma_wait3A_152 = tpu.memref_slice %arg6[%arg0, %add3A_110, %dma_wait3A_151] : memref<2x10240x128xf32, #tpu.memory_space<hbm>> -> memref<1x128x128xf32, #tpu.memory_space<hbm>>
      %dma_wait3A_153 = tpu.memref_squeeze %dma_wait3A_152 : memref<1x128x128xf32, #tpu.memory_space<hbm>> -> memref<128x128xf32, #tpu.memory_space<hbm>>
      %dma_wait3A_154 = arith.constant 0 : i32
      %dma_wait3A_155 = tpu.memref_slice %arg6[%arg0, %add3A_110, %dma_wait3A_154] : memref<2x10240x128xf32, #tpu.memory_space<hbm>> -> memref<1x128x128xf32, #tpu.memory_space<hbm>>
      %dma_wait3A_156 = tpu.memref_squeeze %dma_wait3A_155 : memref<1x128x128xf32, #tpu.memory_space<hbm>> -> memref<128x128xf32, #tpu.memory_space<hbm>>
      %dma_wait3A_157 = arith.constant 0 : i32
      %dma_wait3A_158 = arith.constant 0 : i32
      %dma_wait3A_159 = tpu.memref_slice %arg9[%run_scoped3A_111, %dma_wait3A_157, %dma_wait3A_158] : memref<2x128x128xf32, #tpu.memory_space<vmem>> -> memref<1x128x128xf32, #tpu.memory_space<vmem>>
      %dma_wait3A_160 = tpu.memref_squeeze %dma_wait3A_159 : memref<1x128x128xf32, #tpu.memory_space<vmem>> -> memref<128x128xf32, #tpu.memory_space<vmem>>
      tpu.wait_dma2 semaphore(%run_scoped3A_132 : memref<!tpu.dma_semaphore, #tpu.memory_space<semaphore_mem>>) src(%dma_wait3A_160 : memref<128x128xf32, #tpu.memory_space<vmem>>) dst(%dma_wait3A_156 : memref<128x128xf32, #tpu.memory_space<hbm>>)
      tpu.yield
    }) : () -> ()
    %mul3A_112 = arith.constant 640 : i32
    %mul3A_113 = arith.muli %arg1, %mul3A_112 : i32
    %add3A_114 = arith.constant 384 : i32
    %add3A_115 = arith.addi %mul3A_113, %add3A_114 : i32
    %run_scoped3A_116 = arith.constant 0 : i32
    "tpu.region"() ({
      %run_scoped3A_132 = tpu.sem_alloc : memref<!tpu.dma_semaphore, #tpu.memory_space<semaphore_mem>>
      %dma_start3A_133 = arith.constant 0 : i32
      %dma_start3A_134 = arith.constant 0 : i32
      %dma_start3A_135 = tpu.memref_slice %arg9[%run_scoped3A_116, %dma_start3A_133, %dma_start3A_134] : memref<2x128x128xf32, #tpu.memory_space<vmem>> -> memref<1x128x128xf32, #tpu.memory_space<vmem>>
      %dma_start3A_136 = tpu.memref_squeeze %dma_start3A_135 : memref<1x128x128xf32, #tpu.memory_space<vmem>> -> memref<128x128xf32, #tpu.memory_space<vmem>>
      %dma_start3A_137 = arith.constant 0 : i32
      %dma_start3A_138 = tpu.memref_slice %arg10[%add3A_115, %dma_start3A_137] : memref<10240x128xf32, #tpu.memory_space<vmem_shared>> -> memref<128x128xf32, #tpu.memory_space<vmem_shared>>
      %dma_start3A_139 = arith.constant 0 : i32
      %dma_start3A_140 = arith.constant 0 : i32
      %dma_start3A_141 = tpu.memref_slice %arg9[%run_scoped3A_116, %dma_start3A_139, %dma_start3A_140] : memref<2x128x128xf32, #tpu.memory_space<vmem>> -> memref<1x128x128xf32, #tpu.memory_space<vmem>>
      %dma_start3A_142 = tpu.memref_squeeze %dma_start3A_141 : memref<1x128x128xf32, #tpu.memory_space<vmem>> -> memref<128x128xf32, #tpu.memory_space<vmem>>
      %dma_start3A_143 = arith.constant 0 : i32
      %dma_start3A_144 = tpu.memref_slice %arg10[%add3A_115, %dma_start3A_143] : memref<10240x128xf32, #tpu.memory_space<vmem_shared>> -> memref<128x128xf32, #tpu.memory_space<vmem_shared>>
      tpu.enqueue_dma source(%dma_start3A_144 : memref<128x128xf32, #tpu.memory_space<vmem_shared>>) target(%dma_start3A_142 : memref<128x128xf32, #tpu.memory_space<vmem>>) target_semaphore(%run_scoped3A_132 : memref<!tpu.dma_semaphore, #tpu.memory_space<semaphore_mem>>)
      %dma_wait3A_145 = arith.constant 0 : i32
      %dma_wait3A_146 = arith.constant 0 : i32
      %dma_wait3A_147 = tpu.memref_slice %arg9[%run_scoped3A_116, %dma_wait3A_145, %dma_wait3A_146] : memref<2x128x128xf32, #tpu.memory_space<vmem>> -> memref<1x128x128xf32, #tpu.memory_space<vmem>>
      %dma_wait3A_148 = tpu.memref_squeeze %dma_wait3A_147 : memref<1x128x128xf32, #tpu.memory_space<vmem>> -> memref<128x128xf32, #tpu.memory_space<vmem>>
      %dma_wait3A_149 = arith.constant 0 : i32
      %dma_wait3A_150 = tpu.memref_slice %arg10[%add3A_115, %dma_wait3A_149] : memref<10240x128xf32, #tpu.memory_space<vmem_shared>> -> memref<128x128xf32, #tpu.memory_space<vmem_shared>>
      %dma_wait3A_151 = arith.constant 0 : i32
      %dma_wait3A_152 = arith.constant 0 : i32
      %dma_wait3A_153 = tpu.memref_slice %arg9[%run_scoped3A_116, %dma_wait3A_151, %dma_wait3A_152] : memref<2x128x128xf32, #tpu.memory_space<vmem>> -> memref<1x128x128xf32, #tpu.memory_space<vmem>>
      %dma_wait3A_154 = tpu.memref_squeeze %dma_wait3A_153 : memref<1x128x128xf32, #tpu.memory_space<vmem>> -> memref<128x128xf32, #tpu.memory_space<vmem>>
      %dma_wait3A_155 = arith.constant 0 : i32
      %dma_wait3A_156 = tpu.memref_slice %arg10[%add3A_115, %dma_wait3A_155] : memref<10240x128xf32, #tpu.memory_space<vmem_shared>> -> memref<128x128xf32, #tpu.memory_space<vmem_shared>>
      tpu.wait_dma2 semaphore(%run_scoped3A_132 : memref<!tpu.dma_semaphore, #tpu.memory_space<semaphore_mem>>) src(%dma_wait3A_156 : memref<128x128xf32, #tpu.memory_space<vmem_shared>>) dst(%dma_wait3A_154 : memref<128x128xf32, #tpu.memory_space<vmem>>)
      tpu.yield
    }) : () -> ()
    %mul3A_117 = arith.constant 640 : i32
    %mul3A_118 = arith.muli %arg1, %mul3A_117 : i32
    %add3A_119 = arith.constant 384 : i32
    %add3A_120 = arith.addi %mul3A_118, %add3A_119 : i32
    %run_scoped3A_121 = arith.constant 0 : i32
    "tpu.region"() ({
      %run_scoped3A_132 = tpu.sem_alloc : memref<!tpu.dma_semaphore, #tpu.memory_space<semaphore_mem>>
      %dma_start3A_133 = arith.constant 0 : i32
      %dma_start3A_134 = arith.constant 0 : i32
      %dma_start3A_135 = tpu.memref_slice %arg9[%run_scoped3A_121, %dma_start3A_133, %dma_start3A_134] : memref<2x128x128xf32, #tpu.memory_space<vmem>> -> memref<1x128x128xf32, #tpu.memory_space<vmem>>
      %dma_start3A_136 = tpu.memref_squeeze %dma_start3A_135 : memref<1x128x128xf32, #tpu.memory_space<vmem>> -> memref<128x128xf32, #tpu.memory_space<vmem>>
      %dma_start3A_137 = arith.constant 0 : i32
      %dma_start3A_138 = tpu.memref_slice %arg6[%arg0, %add3A_120, %dma_start3A_137] : memref<2x10240x128xf32, #tpu.memory_space<hbm>> -> memref<1x128x128xf32, #tpu.memory_space<hbm>>
      %dma_start3A_139 = tpu.memref_squeeze %dma_start3A_138 : memref<1x128x128xf32, #tpu.memory_space<hbm>> -> memref<128x128xf32, #tpu.memory_space<hbm>>
      %dma_start3A_140 = arith.constant 0 : i32
      %dma_start3A_141 = tpu.memref_slice %arg6[%arg0, %add3A_120, %dma_start3A_140] : memref<2x10240x128xf32, #tpu.memory_space<hbm>> -> memref<1x128x128xf32, #tpu.memory_space<hbm>>
      %dma_start3A_142 = tpu.memref_squeeze %dma_start3A_141 : memref<1x128x128xf32, #tpu.memory_space<hbm>> -> memref<128x128xf32, #tpu.memory_space<hbm>>
      %dma_start3A_143 = arith.constant 0 : i32
      %dma_start3A_144 = arith.constant 0 : i32
      %dma_start3A_145 = tpu.memref_slice %arg9[%run_scoped3A_121, %dma_start3A_143, %dma_start3A_144] : memref<2x128x128xf32, #tpu.memory_space<vmem>> -> memref<1x128x128xf32, #tpu.memory_space<vmem>>
      %dma_start3A_146 = tpu.memref_squeeze %dma_start3A_145 : memref<1x128x128xf32, #tpu.memory_space<vmem>> -> memref<128x128xf32, #tpu.memory_space<vmem>>
      tpu.enqueue_dma source(%dma_start3A_146 : memref<128x128xf32, #tpu.memory_space<vmem>>) target(%dma_start3A_142 : memref<128x128xf32, #tpu.memory_space<hbm>>) target_semaphore(%run_scoped3A_132 : memref<!tpu.dma_semaphore, #tpu.memory_space<semaphore_mem>>)
      %dma_wait3A_147 = arith.constant 0 : i32
      %dma_wait3A_148 = arith.constant 0 : i32
      %dma_wait3A_149 = tpu.memref_slice %arg9[%run_scoped3A_121, %dma_wait3A_147, %dma_wait3A_148] : memref<2x128x128xf32, #tpu.memory_space<vmem>> -> memref<1x128x128xf32, #tpu.memory_space<vmem>>
      %dma_wait3A_150 = tpu.memref_squeeze %dma_wait3A_149 : memref<1x128x128xf32, #tpu.memory_space<vmem>> -> memref<128x128xf32, #tpu.memory_space<vmem>>
      %dma_wait3A_151 = arith.constant 0 : i32
      %dma_wait3A_152 = tpu.memref_slice %arg6[%arg0, %add3A_120, %dma_wait3A_151] : memref<2x10240x128xf32, #tpu.memory_space<hbm>> -> memref<1x128x128xf32, #tpu.memory_space<hbm>>
      %dma_wait3A_153 = tpu.memref_squeeze %dma_wait3A_152 : memref<1x128x128xf32, #tpu.memory_space<hbm>> -> memref<128x128xf32, #tpu.memory_space<hbm>>
      %dma_wait3A_154 = arith.constant 0 : i32
      %dma_wait3A_155 = tpu.memref_slice %arg6[%arg0, %add3A_120, %dma_wait3A_154] : memref<2x10240x128xf32, #tpu.memory_space<hbm>> -> memref<1x128x128xf32, #tpu.memory_space<hbm>>
      %dma_wait3A_156 = tpu.memref_squeeze %dma_wait3A_155 : memref<1x128x128xf32, #tpu.memory_space<hbm>> -> memref<128x128xf32, #tpu.memory_space<hbm>>
      %dma_wait3A_157 = arith.constant 0 : i32
      %dma_wait3A_158 = arith.constant 0 : i32
      %dma_wait3A_159 = tpu.memref_slice %arg9[%run_scoped3A_121, %dma_wait3A_157, %dma_wait3A_158] : memref<2x128x128xf32, #tpu.memory_space<vmem>> -> memref<1x128x128xf32, #tpu.memory_space<vmem>>
      %dma_wait3A_160 = tpu.memref_squeeze %dma_wait3A_159 : memref<1x128x128xf32, #tpu.memory_space<vmem>> -> memref<128x128xf32, #tpu.memory_space<vmem>>
      tpu.wait_dma2 semaphore(%run_scoped3A_132 : memref<!tpu.dma_semaphore, #tpu.memory_space<semaphore_mem>>) src(%dma_wait3A_160 : memref<128x128xf32, #tpu.memory_space<vmem>>) dst(%dma_wait3A_156 : memref<128x128xf32, #tpu.memory_space<hbm>>)
      tpu.yield
    }) : () -> ()
    %mul3A_122 = arith.constant 640 : i32
    %mul3A_123 = arith.muli %arg1, %mul3A_122 : i32
    %add3A_124 = arith.constant 512 : i32
    %add3A_125 = arith.addi %mul3A_123, %add3A_124 : i32
    %run_scoped3A_126 = arith.constant 0 : i32
    "tpu.region"() ({
      %run_scoped3A_132 = tpu.sem_alloc : memref<!tpu.dma_semaphore, #tpu.memory_space<semaphore_mem>>
      %dma_start3A_133 = arith.constant 0 : i32
      %dma_start3A_134 = arith.constant 0 : i32
      %dma_start3A_135 = tpu.memref_slice %arg9[%run_scoped3A_126, %dma_start3A_133, %dma_start3A_134] : memref<2x128x128xf32, #tpu.memory_space<vmem>> -> memref<1x128x128xf32, #tpu.memory_space<vmem>>
      %dma_start3A_136 = tpu.memref_squeeze %dma_start3A_135 : memref<1x128x128xf32, #tpu.memory_space<vmem>> -> memref<128x128xf32, #tpu.memory_space<vmem>>
      %dma_start3A_137 = arith.constant 0 : i32
      %dma_start3A_138 = tpu.memref_slice %arg10[%add3A_125, %dma_start3A_137] : memref<10240x128xf32, #tpu.memory_space<vmem_shared>> -> memref<128x128xf32, #tpu.memory_space<vmem_shared>>
      %dma_start3A_139 = arith.constant 0 : i32
      %dma_start3A_140 = arith.constant 0 : i32
      %dma_start3A_141 = tpu.memref_slice %arg9[%run_scoped3A_126, %dma_start3A_139, %dma_start3A_140] : memref<2x128x128xf32, #tpu.memory_space<vmem>> -> memref<1x128x128xf32, #tpu.memory_space<vmem>>
      %dma_start3A_142 = tpu.memref_squeeze %dma_start3A_141 : memref<1x128x128xf32, #tpu.memory_space<vmem>> -> memref<128x128xf32, #tpu.memory_space<vmem>>
      %dma_start3A_143 = arith.constant 0 : i32
      %dma_start3A_144 = tpu.memref_slice %arg10[%add3A_125, %dma_start3A_143] : memref<10240x128xf32, #tpu.memory_space<vmem_shared>> -> memref<128x128xf32, #tpu.memory_space<vmem_shared>>
      tpu.enqueue_dma source(%dma_start3A_144 : memref<128x128xf32, #tpu.memory_space<vmem_shared>>) target(%dma_start3A_142 : memref<128x128xf32, #tpu.memory_space<vmem>>) target_semaphore(%run_scoped3A_132 : memref<!tpu.dma_semaphore, #tpu.memory_space<semaphore_mem>>)
      %dma_wait3A_145 = arith.constant 0 : i32
      %dma_wait3A_146 = arith.constant 0 : i32
      %dma_wait3A_147 = tpu.memref_slice %arg9[%run_scoped3A_126, %dma_wait3A_145, %dma_wait3A_146] : memref<2x128x128xf32, #tpu.memory_space<vmem>> -> memref<1x128x128xf32, #tpu.memory_space<vmem>>
      %dma_wait3A_148 = tpu.memref_squeeze %dma_wait3A_147 : memref<1x128x128xf32, #tpu.memory_space<vmem>> -> memref<128x128xf32, #tpu.memory_space<vmem>>
      %dma_wait3A_149 = arith.constant 0 : i32
      %dma_wait3A_150 = tpu.memref_slice %arg10[%add3A_125, %dma_wait3A_149] : memref<10240x128xf32, #tpu.memory_space<vmem_shared>> -> memref<128x128xf32, #tpu.memory_space<vmem_shared>>
      %dma_wait3A_151 = arith.constant 0 : i32
      %dma_wait3A_152 = arith.constant 0 : i32
      %dma_wait3A_153 = tpu.memref_slice %arg9[%run_scoped3A_126, %dma_wait3A_151, %dma_wait3A_152] : memref<2x128x128xf32, #tpu.memory_space<vmem>> -> memref<1x128x128xf32, #tpu.memory_space<vmem>>
      %dma_wait3A_154 = tpu.memref_squeeze %dma_wait3A_153 : memref<1x128x128xf32, #tpu.memory_space<vmem>> -> memref<128x128xf32, #tpu.memory_space<vmem>>
      %dma_wait3A_155 = arith.constant 0 : i32
      %dma_wait3A_156 = tpu.memref_slice %arg10[%add3A_125, %dma_wait3A_155] : memref<10240x128xf32, #tpu.memory_space<vmem_shared>> -> memref<128x128xf32, #tpu.memory_space<vmem_shared>>
      tpu.wait_dma2 semaphore(%run_scoped3A_132 : memref<!tpu.dma_semaphore, #tpu.memory_space<semaphore_mem>>) src(%dma_wait3A_156 : memref<128x128xf32, #tpu.memory_space<vmem_shared>>) dst(%dma_wait3A_154 : memref<128x128xf32, #tpu.memory_space<vmem>>)
      tpu.yield
    }) : () -> ()
    %mul3A_127 = arith.constant 640 : i32
    %mul3A_128 = arith.muli %arg1, %mul3A_127 : i32
    %add3A_129 = arith.constant 512 : i32
    %add3A_130 = arith.addi %mul3A_128, %add3A_129 : i32
    %run_scoped3A_131 = arith.constant 0 : i32
    "tpu.region"() ({
      %run_scoped3A_132 = tpu.sem_alloc : memref<!tpu.dma_semaphore, #tpu.memory_space<semaphore_mem>>
      %dma_start3A_133 = arith.constant 0 : i32
      %dma_start3A_134 = arith.constant 0 : i32
      %dma_start3A_135 = tpu.memref_slice %arg9[%run_scoped3A_131, %dma_start3A_133, %dma_start3A_134] : memref<2x128x128xf32, #tpu.memory_space<vmem>> -> memref<1x128x128xf32, #tpu.memory_space<vmem>>
      %dma_start3A_136 = tpu.memref_squeeze %dma_start3A_135 : memref<1x128x128xf32, #tpu.memory_space<vmem>> -> memref<128x128xf32, #tpu.memory_space<vmem>>
      %dma_start3A_137 = arith.constant 0 : i32
      %dma_start3A_138 = tpu.memref_slice %arg6[%arg0, %add3A_130, %dma_start3A_137] : memref<2x10240x128xf32, #tpu.memory_space<hbm>> -> memref<1x128x128xf32, #tpu.memory_space<hbm>>
      %dma_start3A_139 = tpu.memref_squeeze %dma_start3A_138 : memref<1x128x128xf32, #tpu.memory_space<hbm>> -> memref<128x128xf32, #tpu.memory_space<hbm>>
      %dma_start3A_140 = arith.constant 0 : i32
      %dma_start3A_141 = tpu.memref_slice %arg6[%arg0, %add3A_130, %dma_start3A_140] : memref<2x10240x128xf32, #tpu.memory_space<hbm>> -> memref<1x128x128xf32, #tpu.memory_space<hbm>>
      %dma_start3A_142 = tpu.memref_squeeze %dma_start3A_141 : memref<1x128x128xf32, #tpu.memory_space<hbm>> -> memref<128x128xf32, #tpu.memory_space<hbm>>
      %dma_start3A_143 = arith.constant 0 : i32
      %dma_start3A_144 = arith.constant 0 : i32
      %dma_start3A_145 = tpu.memref_slice %arg9[%run_scoped3A_131, %dma_start3A_143, %dma_start3A_144] : memref<2x128x128xf32, #tpu.memory_space<vmem>> -> memref<1x128x128xf32, #tpu.memory_space<vmem>>
      %dma_start3A_146 = tpu.memref_squeeze %dma_start3A_145 : memref<1x128x128xf32, #tpu.memory_space<vmem>> -> memref<128x128xf32, #tpu.memory_space<vmem>>
      tpu.enqueue_dma source(%dma_start3A_146 : memref<128x128xf32, #tpu.memory_space<vmem>>) target(%dma_start3A_142 : memref<128x128xf32, #tpu.memory_space<hbm>>) target_semaphore(%run_scoped3A_132 : memref<!tpu.dma_semaphore, #tpu.memory_space<semaphore_mem>>)
      %dma_wait3A_147 = arith.constant 0 : i32
      %dma_wait3A_148 = arith.constant 0 : i32
      %dma_wait3A_149 = tpu.memref_slice %arg9[%run_scoped3A_131, %dma_wait3A_147, %dma_wait3A_148] : memref<2x128x128xf32, #tpu.memory_space<vmem>> -> memref<1x128x128xf32, #tpu.memory_space<vmem>>
      %dma_wait3A_150 = tpu.memref_squeeze %dma_wait3A_149 : memref<1x128x128xf32, #tpu.memory_space<vmem>> -> memref<128x128xf32, #tpu.memory_space<vmem>>
      %dma_wait3A_151 = arith.constant 0 : i32
      %dma_wait3A_152 = tpu.memref_slice %arg6[%arg0, %add3A_130, %dma_wait3A_151] : memref<2x10240x128xf32, #tpu.memory_space<hbm>> -> memref<1x128x128xf32, #tpu.memory_space<hbm>>
      %dma_wait3A_153 = tpu.memref_squeeze %dma_wait3A_152 : memref<1x128x128xf32, #tpu.memory_space<hbm>> -> memref<128x128xf32, #tpu.memory_space<hbm>>
      %dma_wait3A_154 = arith.constant 0 : i32
      %dma_wait3A_155 = tpu.memref_slice %arg6[%arg0, %add3A_130, %dma_wait3A_154] : memref<2x10240x128xf32, #tpu.memory_space<hbm>> -> memref<1x128x128xf32, #tpu.memory_space<hbm>>
      %dma_wait3A_156 = tpu.memref_squeeze %dma_wait3A_155 : memref<1x128x128xf32, #tpu.memory_space<hbm>> -> memref<128x128xf32, #tpu.memory_space<hbm>>
      %dma_wait3A_157 = arith.constant 0 : i32
      %dma_wait3A_158 = arith.constant 0 : i32
      %dma_wait3A_159 = tpu.memref_slice %arg9[%run_scoped3A_131, %dma_wait3A_157, %dma_wait3A_158] : memref<2x128x128xf32, #tpu.memory_space<vmem>> -> memref<1x128x128xf32, #tpu.memory_space<vmem>>
      %dma_wait3A_160 = tpu.memref_squeeze %dma_wait3A_159 : memref<1x128x128xf32, #tpu.memory_space<vmem>> -> memref<128x128xf32, #tpu.memory_space<vmem>>
      tpu.wait_dma2 semaphore(%run_scoped3A_132 : memref<!tpu.dma_semaphore, #tpu.memory_space<semaphore_mem>>) src(%dma_wait3A_160 : memref<128x128xf32, #tpu.memory_space<vmem>>) dst(%dma_wait3A_156 : memref<128x128xf32, #tpu.memory_space<hbm>>)
      tpu.yield
    }) : () -> ()
    return
  }
}

module attributes {stable_mosaic.version = 14 : i64} {
  func.func @_k2_body(%arg0: i32, %arg1: memref<2x400x128xf32, #tpu.memory_space<vmem>>, %arg2: memref<400x128xf32, #tpu.memory_space<vmem>>, %arg3: memref<400x16xf32, #tpu.memory_space<vmem>>, %arg4: memref<1x64xf32, #tpu.memory_space<vmem>>, %arg5: memref<1x64xf32, #tpu.memory_space<vmem>>, %arg6: memref<400x128xf32, #tpu.memory_space<vmem>>, %arg7: memref<400x128xf32, #tpu.memory_space<vmem>>) attributes {dimension_semantics = [#tpu.dimension_semantics<arbitrary>], iteration_bounds = array<i64: 25>, scalar_prefetch = 0 : i64, scratch_operands = 0 : i64, tpu.core_type = #tpu.core_type<tc>, window_params = [{transform_indices = @transform_0, window_bounds = array<i64: 2, 400, 128>}, {transform_indices = @transform_1, window_bounds = array<i64: 400, 128>}, {transform_indices = @transform_2, window_bounds = array<i64: 400, 16>}, {pipeline_mode = #tpu.pipeline_mode<synchronous>, transform_indices = @transform_3, window_bounds = array<i64: 1, 64>}, {pipeline_mode = #tpu.pipeline_mode<synchronous>, transform_indices = @transform_4, window_bounds = array<i64: 1, 64>}, {transform_indices = @transform_5, window_bounds = array<i64: 400, 128>}, {transform_indices = @transform_6, window_bounds = array<i64: 400, 128>}]} {
    %get3A = arith.constant 0 : index
    %get3A_0 = arith.constant 0 : index
    %get3A_1 = vector.load %arg3[%get3A, %get3A_0] : memref<400x16xf32, #tpu.memory_space<vmem>>, vector<400x1xf32>
    %get3A_2 = arith.constant 0 : index
    %get3A_3 = arith.constant 1 : index
    %get3A_4 = vector.load %arg3[%get3A_2, %get3A_3] : memref<400x16xf32, #tpu.memory_space<vmem>>, vector<400x1xf32>
    %get3A_5 = arith.constant 0 : index
    %get3A_6 = arith.constant 0 : index
    %get3A_7 = arith.constant 0 : index
    %get3A_8 = vector.load %arg1[%get3A_5, %get3A_6, %get3A_7] : memref<2x400x128xf32, #tpu.memory_space<vmem>>, vector<1x400x128xf32>
    %get3A_9 = vector.shape_cast %get3A_8 : vector<1x400x128xf32> to vector<400x128xf32>
    %get3A_10 = arith.constant 1 : index
    %get3A_11 = arith.constant 0 : index
    %get3A_12 = arith.constant 0 : index
    %get3A_13 = vector.load %arg1[%get3A_10, %get3A_11, %get3A_12] : memref<2x400x128xf32, #tpu.memory_space<vmem>>, vector<1x400x128xf32>
    %get3A_14 = vector.shape_cast %get3A_13 : vector<1x400x128xf32> to vector<400x128xf32>
    %add3A = arith.addf %get3A_9, %get3A_14 : vector<400x128xf32>
    %mul3A = vector.broadcast %get3A_1 : vector<400x1xf32> to vector<400x128xf32>
    %mul3A_15 = arith.mulf %mul3A, %add3A : vector<400x128xf32>
    %get3A_16 = arith.constant 0 : index
    %get3A_17 = arith.constant 0 : index
    %get3A_18 = vector.load %arg2[%get3A_16, %get3A_17] : memref<400x128xf32, #tpu.memory_space<vmem>>, vector<400x128xf32>
    %mul3A_19 = vector.broadcast %get3A_4 : vector<400x1xf32> to vector<400x128xf32>
    %mul3A_20 = arith.mulf %mul3A_19, %get3A_18 : vector<400x128xf32>
    %add3A_21 = arith.addf %mul3A_15, %mul3A_20 : vector<400x128xf32>
    %slice3A = vector.extract_strided_slice %add3A_21 {offsets = [0, 0], sizes = [400, 64], strides = [1, 1]} : vector<400x128xf32> to vector<400x64xf32>
    %get3A_22 = arith.constant 0 : index
    %get3A_23 = arith.constant 0 : index
    %get3A_24 = vector.load %arg4[%get3A_22, %get3A_23] : memref<1x64xf32, #tpu.memory_space<vmem>>, vector<1x64xf32>
    %add3A_25 = vector.broadcast %get3A_24 : vector<1x64xf32> to vector<400x64xf32>
    %add3A_26 = arith.addf %slice3A, %add3A_25 : vector<400x64xf32>
    %max3A = arith.constant 0.000000e+00 : f32
    %max3A_27 = vector.broadcast %max3A : f32 to vector<400x64xf32>
    %max3A_28 = arith.maximumf %add3A_26, %max3A_27 : vector<400x64xf32>
    %slice3A_29 = vector.extract_strided_slice %add3A_21 {offsets = [0, 64], sizes = [400, 64], strides = [1, 1]} : vector<400x128xf32> to vector<400x64xf32>
    %get3A_30 = arith.constant 0 : index
    %get3A_31 = arith.constant 0 : index
    %get3A_32 = vector.load %arg5[%get3A_30, %get3A_31] : memref<1x64xf32, #tpu.memory_space<vmem>>, vector<1x64xf32>
    %add3A_33 = vector.broadcast %get3A_32 : vector<1x64xf32> to vector<400x64xf32>
    %add3A_34 = arith.addf %slice3A_29, %add3A_33 : vector<400x64xf32>
    %max3A_35 = arith.constant 0.000000e+00 : f32
    %max3A_36 = vector.broadcast %max3A_35 : f32 to vector<400x64xf32>
    %max3A_37 = arith.maximumf %add3A_34, %max3A_36 : vector<400x64xf32>
    %swap3A = arith.constant 0 : index
    %swap3A_38 = arith.constant 0 : index
    %swap3A_39 = vector.load %arg6[%swap3A, %swap3A_38] : memref<400x128xf32, #tpu.memory_space<vmem>>, vector<400x64xf32>
    tpu.vector_store %arg6[%swap3A, %swap3A_38], %max3A_28 {strides = array<i32>} : memref<400x128xf32, #tpu.memory_space<vmem>>, vector<400x64xf32>,
    %swap3A_40 = arith.constant 0 : index
    %swap3A_41 = arith.constant 64 : index
    %swap3A_42 = vector.load %arg6[%swap3A_40, %swap3A_41] : memref<400x128xf32, #tpu.memory_space<vmem>>, vector<400x64xf32>
    tpu.vector_store %arg6[%swap3A_40, %swap3A_41], %max3A_37 {strides = array<i32>} : memref<400x128xf32, #tpu.memory_space<vmem>>, vector<400x64xf32>,
    %mul3A_43 = vector.broadcast %get3A_1 : vector<400x1xf32> to vector<400x64xf32>
    %mul3A_44 = arith.mulf %mul3A_43, %max3A_28 : vector<400x64xf32>
    %swap3A_45 = arith.constant 0 : index
    %swap3A_46 = arith.constant 0 : index
    %swap3A_47 = vector.load %arg7[%swap3A_45, %swap3A_46] : memref<400x128xf32, #tpu.memory_space<vmem>>, vector<400x64xf32>
    tpu.vector_store %arg7[%swap3A_45, %swap3A_46], %mul3A_44 {strides = array<i32>} : memref<400x128xf32, #tpu.memory_space<vmem>>, vector<400x64xf32>,
    %mul3A_48 = vector.broadcast %get3A_1 : vector<400x1xf32> to vector<400x64xf32>
    %mul3A_49 = arith.mulf %mul3A_48, %max3A_37 : vector<400x64xf32>
    %swap3A_50 = arith.constant 0 : index
    %swap3A_51 = arith.constant 64 : index
    %swap3A_52 = vector.load %arg7[%swap3A_50, %swap3A_51] : memref<400x128xf32, #tpu.memory_space<vmem>>, vector<400x64xf32>
    tpu.vector_store %arg7[%swap3A_50, %swap3A_51], %mul3A_49 {strides = array<i32>} : memref<400x128xf32, #tpu.memory_space<vmem>>, vector<400x64xf32>,
    return
  }
  func.func @transform_0(%arg0: i32) -> (i32, i32, i32) {
    %c0_i32 = arith.constant 0 : i32
    %c0_i32_0 = arith.constant 0 : i32
    %c0_i32_1 = arith.constant 0 : i32
    return %c0_i32, %arg0, %c0_i32_0 : i32, i32, i32
  }
  func.func @transform_1(%arg0: i32) -> (i32, i32) {
    %c0_i32 = arith.constant 0 : i32
    %c0_i32_0 = arith.constant 0 : i32
    return %arg0, %c0_i32 : i32, i32
  }
  func.func @transform_2(%arg0: i32) -> (i32, i32) {
    %c0_i32 = arith.constant 0 : i32
    %c0_i32_0 = arith.constant 0 : i32
    return %arg0, %c0_i32 : i32, i32
  }
  func.func @transform_3(%arg0: i32) -> (i32, i32) {
    %c0_i32 = arith.constant 0 : i32
    %c0_i32_0 = arith.constant 0 : i32
    %c0_i32_1 = arith.constant 0 : i32
    return %c0_i32, %c0_i32_0 : i32, i32
  }
  func.func @transform_4(%arg0: i32) -> (i32, i32) {
    %c0_i32 = arith.constant 0 : i32
    %c0_i32_0 = arith.constant 0 : i32
    %c0_i32_1 = arith.constant 0 : i32
    return %c0_i32, %c0_i32_0 : i32, i32
  }
  func.func @transform_5(%arg0: i32) -> (i32, i32) {
    %c0_i32 = arith.constant 0 : i32
    %c0_i32_0 = arith.constant 0 : i32
    return %arg0, %c0_i32 : i32, i32
  }
  func.func @transform_6(%arg0: i32) -> (i32, i32) {
    %c0_i32 = arith.constant 0 : i32
    %c0_i32_0 = arith.constant 0 : i32
    return %arg0, %c0_i32 : i32, i32
  }
}

module attributes {stable_mosaic.version = 14 : i64} {
  func.func @_k1_body(%arg0: i32, %arg1: memref<2x400x128xf32, #tpu.memory_space<vmem>>, %arg2: memref<400x256xf32, #tpu.memory_space<vmem>>, %arg3: memref<256x128xf32, #tpu.memory_space<vmem>>, %arg4: memref<400x16xf32, #tpu.memory_space<vmem>>, %arg5: memref<400x128xf32, #tpu.memory_space<vmem>>, %arg6: memref<400x128xf32, #tpu.memory_space<vmem>>) attributes {dimension_semantics = [#tpu.dimension_semantics<arbitrary>], iteration_bounds = array<i64: 25>, scalar_prefetch = 0 : i64, scratch_operands = 0 : i64, tpu.core_type = #tpu.core_type<tc>, window_params = [{transform_indices = @transform_0, window_bounds = array<i64: 2, 400, 128>}, {transform_indices = @transform_1, window_bounds = array<i64: 400, 256>}, {pipeline_mode = #tpu.pipeline_mode<synchronous>, transform_indices = @transform_2, window_bounds = array<i64: 256, 128>}, {transform_indices = @transform_3, window_bounds = array<i64: 400, 16>}, {transform_indices = @transform_4, window_bounds = array<i64: 400, 128>}, {transform_indices = @transform_5, window_bounds = array<i64: 400, 128>}]} {
    %get3A = arith.constant 0 : index
    %get3A_0 = arith.constant 0 : index
    %get3A_1 = arith.constant 0 : index
    %get3A_2 = vector.load %arg1[%get3A, %get3A_0, %get3A_1] : memref<2x400x128xf32, #tpu.memory_space<vmem>>, vector<1x400x1xf32>
    %get3A_3 = vector.shape_cast %get3A_2 : vector<1x400x1xf32> to vector<400x1xf32>
    %get3A_4 = arith.constant 1 : index
    %get3A_5 = arith.constant 0 : index
    %get3A_6 = arith.constant 0 : index
    %get3A_7 = vector.load %arg1[%get3A_4, %get3A_5, %get3A_6] : memref<2x400x128xf32, #tpu.memory_space<vmem>>, vector<1x400x1xf32>
    %get3A_8 = vector.shape_cast %get3A_7 : vector<1x400x1xf32> to vector<400x1xf32>
    %add3A = arith.addf %get3A_3, %get3A_8 : vector<400x1xf32>
    %add3A_9 = arith.constant 1.000000e+00 : f32
    %add3A_10 = vector.broadcast %add3A_9 : f32 to vector<400x1xf32>
    %add3A_11 = arith.addf %add3A, %add3A_10 : vector<400x1xf32>
    %rsqrt3A = math.rsqrt %add3A_11 : vector<400x1xf32>
    %get3A_12 = arith.constant 0 : index
    %get3A_13 = arith.constant 0 : index
    %get3A_14 = vector.load %arg2[%get3A_12, %get3A_13] : memref<400x256xf32, #tpu.memory_space<vmem>>, vector<400x256xf32>
    %get3A_15 = arith.constant 0 : index
    %get3A_16 = arith.constant 0 : index
    %get3A_17 = vector.load %arg3[%get3A_15, %get3A_16] : memref<256x128xf32, #tpu.memory_space<vmem>>, vector<256x128xf32>
    %dot_general3A = arith.constant dense<0.000000e+00> : vector<400x128xf32>
    %dot_general3A_18 = tpu.matmul %get3A_14, %get3A_17, %dot_general3A {dimension_numbers = #tpu.dot_dimension_numbers<[1], [0], [0], [1], [0, 0, 1, 1], [], []>, precision = #tpu.contract_precision<fp32>, transpose_lhs_hint = false} : vector<400x256xf32>, vector<256x128xf32>, vector<400x128xf32> -> vector<400x128xf32>
    %swap3A = arith.constant 0 : index
    %swap3A_19 = arith.constant 0 : index
    %swap3A_20 = vector.load %arg5[%swap3A, %swap3A_19] : memref<400x128xf32, #tpu.memory_space<vmem>>, vector<400x128xf32>
    tpu.vector_store %arg5[%swap3A, %swap3A_19], %dot_general3A_18 {strides = array<i32>} : memref<400x128xf32, #tpu.memory_space<vmem>>, vector<400x128xf32>,
    %mul3A = vector.broadcast %rsqrt3A : vector<400x1xf32> to vector<400x128xf32>
    %mul3A_21 = arith.mulf %mul3A, %dot_general3A_18 : vector<400x128xf32>
    %swap3A_22 = arith.constant 0 : index
    %swap3A_23 = arith.constant 0 : index
    %swap3A_24 = vector.load %arg6[%swap3A_22, %swap3A_23] : memref<400x128xf32, #tpu.memory_space<vmem>>, vector<400x128xf32>
    tpu.vector_store %arg6[%swap3A_22, %swap3A_23], %mul3A_21 {strides = array<i32>} : memref<400x128xf32, #tpu.memory_space<vmem>>, vector<400x128xf32>,
    %swap3A_25 = arith.constant 0 : index
    %swap3A_26 = arith.constant 0 : index
    %swap3A_27 = vector.load %arg4[%swap3A_25, %swap3A_26] : memref<400x16xf32, #tpu.memory_space<vmem>>, vector<400x1xf32>
    tpu.vector_store %arg4[%swap3A_25, %swap3A_26], %rsqrt3A {strides = array<i32>} : memref<400x16xf32, #tpu.memory_space<vmem>>, vector<400x1xf32>,
    %div3A = arith.constant 1.000000e+00 : f32
    %div3A_28 = vector.broadcast %div3A : f32 to vector<400x1xf32>
    %div3A_29 = arith.divf %div3A_28, %add3A_11 : vector<400x1xf32>
    %swap3A_30 = arith.constant 0 : index
    %swap3A_31 = arith.constant 1 : index
    %swap3A_32 = vector.load %arg4[%swap3A_30, %swap3A_31] : memref<400x16xf32, #tpu.memory_space<vmem>>, vector<400x1xf32>
    tpu.vector_store %arg4[%swap3A_30, %swap3A_31], %div3A_29 {strides = array<i32>} : memref<400x16xf32, #tpu.memory_space<vmem>>, vector<400x1xf32>,
    return
  }
  func.func @transform_0(%arg0: i32) -> (i32, i32, i32) {
    %c0_i32 = arith.constant 0 : i32
    %c0_i32_0 = arith.constant 0 : i32
    %c0_i32_1 = arith.constant 0 : i32
    return %c0_i32, %arg0, %c0_i32_0 : i32, i32, i32
  }
  func.func @transform_1(%arg0: i32) -> (i32, i32) {
    %c0_i32 = arith.constant 0 : i32
    %c0_i32_0 = arith.constant 0 : i32
    return %arg0, %c0_i32 : i32, i32
  }
  func.func @transform_2(%arg0: i32) -> (i32, i32) {
    %c0_i32 = arith.constant 0 : i32
    %c0_i32_0 = arith.constant 0 : i32
    %c0_i32_1 = arith.constant 0 : i32
    return %c0_i32, %c0_i32_0 : i32, i32
  }
  func.func @transform_3(%arg0: i32) -> (i32, i32) {
    %c0_i32 = arith.constant 0 : i32
    %c0_i32_0 = arith.constant 0 : i32
    return %arg0, %c0_i32 : i32, i32
  }
  func.func @transform_4(%arg0: i32) -> (i32, i32) {
    %c0_i32 = arith.constant 0 : i32
    %c0_i32_0 = arith.constant 0 : i32
    return %arg0, %c0_i32 : i32, i32
  }
  func.func @transform_5(%arg0: i32) -> (i32, i32) {
    %c0_i32 = arith.constant 0 : i32
    %c0_i32_0 = arith.constant 0 : i32
    return %arg0, %c0_i32 : i32, i32
  }
}

module attributes {stable_mosaic.version = 14 : i64} {
  func.func @_k3_body(%arg0: i32, %arg1: memref<2x400x128xf32, #tpu.memory_space<vmem>>, %arg2: memref<400x128xf32, #tpu.memory_space<vmem>>, %arg3: memref<400x16xf32, #tpu.memory_space<vmem>>, %arg4: memref<64x128xf32, #tpu.memory_space<vmem>>, %arg5: memref<64x16xf32, #tpu.memory_space<vmem>>, %arg6: memref<1x128xf32, #tpu.memory_space<vmem>>, %arg7: memref<1x16xf32, #tpu.memory_space<vmem>>, %arg8: memref<1x128xf32, #tpu.memory_space<vmem>>, %arg9: memref<1x1xf32, #tpu.memory_space<vmem>>, %arg10: memref<400x128xf32, #tpu.memory_space<vmem>>, %arg11: memref<400x128xf32, #tpu.memory_space<vmem>>, %arg12: memref<400x1xf32, #tpu.memory_space<vmem>>, %arg13: memref<400x16xf32, #tpu.memory_space<vmem>>) attributes {dimension_semantics = [#tpu.dimension_semantics<arbitrary>], iteration_bounds = array<i64: 25>, scalar_prefetch = 0 : i64, scratch_operands = 0 : i64, tpu.core_type = #tpu.core_type<tc>, window_params = [{transform_indices = @transform_0, window_bounds = array<i64: 2, 400, 128>}, {transform_indices = @transform_1, window_bounds = array<i64: 400, 128>}, {transform_indices = @transform_2, window_bounds = array<i64: 400, 16>}, {pipeline_mode = #tpu.pipeline_mode<synchronous>, transform_indices = @transform_3, window_bounds = array<i64: 64, 128>}, {pipeline_mode = #tpu.pipeline_mode<synchronous>, transform_indices = @transform_4, window_bounds = array<i64: 64, 16>}, {pipeline_mode = #tpu.pipeline_mode<synchronous>, transform_indices = @transform_5, window_bounds = array<i64: 1, 128>}, {pipeline_mode = #tpu.pipeline_mode<synchronous>, transform_indices = @transform_6, window_bounds = array<i64: 1, 16>}, {pipeline_mode = #tpu.pipeline_mode<synchronous>, transform_indices = @transform_7, window_bounds = array<i64: 1, 128>}, {pipeline_mode = #tpu.pipeline_mode<synchronous>, transform_indices = @transform_8, window_bounds = array<i64: 1, 1>}, {transform_indices = @transform_9, window_bounds = array<i64: 400, 128>}, {transform_indices = @transform_10, window_bounds = array<i64: 400, 128>}, {transform_indices = @transform_11, window_bounds = array<i64: 400, 1>}, {transform_indices = @transform_12, window_bounds = array<i64: 400, 16>}]} {
    %get3A = arith.constant 0 : index
    %get3A_0 = arith.constant 0 : index
    %get3A_1 = vector.load %arg3[%get3A, %get3A_0] : memref<400x16xf32, #tpu.memory_space<vmem>>, vector<400x1xf32>
    %get3A_2 = arith.constant 0 : index
    %get3A_3 = arith.constant 1 : index
    %get3A_4 = vector.load %arg3[%get3A_2, %get3A_3] : memref<400x16xf32, #tpu.memory_space<vmem>>, vector<400x1xf32>
    %get3A_5 = arith.constant 0 : index
    %get3A_6 = arith.constant 0 : index
    %get3A_7 = arith.constant 0 : index
    %get3A_8 = vector.load %arg1[%get3A_5, %get3A_6, %get3A_7] : memref<2x400x128xf32, #tpu.memory_space<vmem>>, vector<1x400x128xf32>
    %get3A_9 = vector.shape_cast %get3A_8 : vector<1x400x128xf32> to vector<400x128xf32>
    %get3A_10 = arith.constant 1 : index
    %get3A_11 = arith.constant 0 : index
    %get3A_12 = arith.constant 0 : index
    %get3A_13 = vector.load %arg1[%get3A_10, %get3A_11, %get3A_12] : memref<2x400x128xf32, #tpu.memory_space<vmem>>, vector<1x400x128xf32>
    %get3A_14 = vector.shape_cast %get3A_13 : vector<1x400x128xf32> to vector<400x128xf32>
    %add3A = arith.addf %get3A_9, %get3A_14 : vector<400x128xf32>
    %mul3A = vector.broadcast %get3A_1 : vector<400x1xf32> to vector<400x128xf32>
    %mul3A_15 = arith.mulf %mul3A, %add3A : vector<400x128xf32>
    %get3A_16 = arith.constant 0 : index
    %get3A_17 = arith.constant 0 : index
    %get3A_18 = vector.load %arg2[%get3A_16, %get3A_17] : memref<400x128xf32, #tpu.memory_space<vmem>>, vector<400x128xf32>
    %mul3A_19 = vector.broadcast %get3A_4 : vector<400x1xf32> to vector<400x128xf32>
    %mul3A_20 = arith.mulf %mul3A_19, %get3A_18 : vector<400x128xf32>
    %add3A_21 = arith.addf %mul3A_15, %mul3A_20 : vector<400x128xf32>
    %slice3A = vector.extract_strided_slice %add3A_21 {offsets = [0, 0], sizes = [400, 64], strides = [1, 1]} : vector<400x128xf32> to vector<400x64xf32>
    %get3A_22 = arith.constant 0 : index
    %get3A_23 = arith.constant 0 : index
    %get3A_24 = vector.load %arg4[%get3A_22, %get3A_23] : memref<64x128xf32, #tpu.memory_space<vmem>>, vector<64x128xf32>
    %dot_general3A = arith.constant dense<0.000000e+00> : vector<400x128xf32>
    %dot_general3A_25 = tpu.matmul %slice3A, %get3A_24, %dot_general3A {dimension_numbers = #tpu.dot_dimension_numbers<[1], [0], [0], [1], [0, 0, 1, 1], [], []>, precision = #tpu.contract_precision<fp32>, transpose_lhs_hint = false} : vector<400x64xf32>, vector<64x128xf32>, vector<400x128xf32> -> vector<400x128xf32>
    %get3A_26 = arith.constant 0 : index
    %get3A_27 = arith.constant 0 : index
    %get3A_28 = vector.load %arg6[%get3A_26, %get3A_27] : memref<1x128xf32, #tpu.memory_space<vmem>>, vector<1x128xf32>
    %add3A_29 = vector.broadcast %get3A_28 : vector<1x128xf32> to vector<400x128xf32>
    %add3A_30 = arith.addf %dot_general3A_25, %add3A_29 : vector<400x128xf32>
    %max3A = arith.constant 0.000000e+00 : f32
    %max3A_31 = vector.broadcast %max3A : f32 to vector<400x128xf32>
    %max3A_32 = arith.maximumf %add3A_30, %max3A_31 : vector<400x128xf32>
    %slice3A_33 = vector.extract_strided_slice %add3A_21 {offsets = [0, 64], sizes = [400, 64], strides = [1, 1]} : vector<400x128xf32> to vector<400x64xf32>
    %get3A_34 = arith.constant 0 : index
    %get3A_35 = arith.constant 0 : index
    %get3A_36 = vector.load %arg5[%get3A_34, %get3A_35] : memref<64x16xf32, #tpu.memory_space<vmem>>, vector<64x16xf32>
    %dot_general3A_37 = arith.constant dense<0.000000e+00> : vector<400x16xf32>
    %dot_general3A_38 = tpu.matmul %slice3A_33, %get3A_36, %dot_general3A_37 {dimension_numbers = #tpu.dot_dimension_numbers<[1], [0], [0], [1], [0, 0, 1, 1], [], []>, precision = #tpu.contract_precision<fp32>, transpose_lhs_hint = false} : vector<400x64xf32>, vector<64x16xf32>, vector<400x16xf32> -> vector<400x16xf32>
    %get3A_39 = arith.constant 0 : index
    %get3A_40 = arith.constant 0 : index
    %get3A_41 = vector.load %arg7[%get3A_39, %get3A_40] : memref<1x16xf32, #tpu.memory_space<vmem>>, vector<1x16xf32>
    %add3A_42 = vector.broadcast %get3A_41 : vector<1x16xf32> to vector<400x16xf32>
    %add3A_43 = arith.addf %dot_general3A_38, %add3A_42 : vector<400x16xf32>
    %max3A_44 = arith.constant 0.000000e+00 : f32
    %max3A_45 = vector.broadcast %max3A_44 : f32 to vector<400x16xf32>
    %max3A_46 = arith.maximumf %add3A_43, %max3A_45 : vector<400x16xf32>
    %swap3A = arith.constant 0 : index
    %swap3A_47 = arith.constant 0 : index
    %swap3A_48 = vector.load %arg13[%swap3A, %swap3A_47] : memref<400x16xf32, #tpu.memory_space<vmem>>, vector<400x16xf32>
    tpu.vector_store %arg13[%swap3A, %swap3A_47], %max3A_46 {strides = array<i32>} : memref<400x16xf32, #tpu.memory_space<vmem>>, vector<400x16xf32>,
    %get3A_49 = arith.constant 0 : index
    %get3A_50 = arith.constant 0 : index
    %get3A_51 = vector.load %arg8[%get3A_49, %get3A_50] : memref<1x128xf32, #tpu.memory_space<vmem>>, vector<1x128xf32>
    %mul3A_52 = vector.broadcast %get3A_51 : vector<1x128xf32> to vector<400x128xf32>
    %mul3A_53 = arith.mulf %max3A_32, %mul3A_52 : vector<400x128xf32>
    %reduce_sum3A = arith.constant dense<0.000000e+00> : vector<400xf32>
    %reduce_sum3A_54 = vector.multi_reduction <add>, %mul3A_53, %reduce_sum3A [1] : vector<400x128xf32> to vector<400xf32>
    %broadcast_in_dim3A = vector.shape_cast %reduce_sum3A_54 : vector<400xf32> to vector<400x1xf32>
    %get3A_55 = arith.constant 0 : index
    %get3A_56 = arith.constant 0 : index
    %get3A_57 = vector.load %arg9[%get3A_55, %get3A_56] : memref<1x1xf32, #tpu.memory_space<vmem>>, vector<1x1xf32>
    %add3A_58 = vector.broadcast %get3A_57 : vector<1x1xf32> to vector<400x1xf32>
    %add3A_59 = arith.addf %broadcast_in_dim3A, %add3A_58 : vector<400x1xf32>
    %neg3A = arith.constant 0.000000e+00 : f32
    %neg3A_60 = vector.broadcast %neg3A : f32 to vector<400x1xf32>
    %neg3A_61 = arith.subf %neg3A_60, %add3A_59 : vector<400x1xf32>
    %exp3A = math.exp %neg3A_61 : vector<400x1xf32>
    %add3A_62 = arith.constant 1.000000e+00 : f32
    %add3A_63 = vector.broadcast %add3A_62 : f32 to vector<400x1xf32>
    %add3A_64 = arith.addf %add3A_63, %exp3A : vector<400x1xf32>
    %div3A = arith.constant 1.000000e+00 : f32
    %div3A_65 = vector.broadcast %div3A : f32 to vector<400x1xf32>
    %div3A_66 = arith.divf %div3A_65, %add3A_64 : vector<400x1xf32>
    %mul3A_67 = arith.constant 5.000000e+00 : f32
    %mul3A_68 = vector.broadcast %mul3A_67 : f32 to vector<400x1xf32>
    %mul3A_69 = arith.mulf %mul3A_68, %div3A_66 : vector<400x1xf32>
    %swap3A_70 = arith.constant 0 : index
    %swap3A_71 = arith.constant 0 : index
    %swap3A_72 = vector.load %arg12[%swap3A_70, %swap3A_71] : memref<400x1xf32, #tpu.memory_space<vmem>>, vector<400x1xf32>
    tpu.vector_store %arg12[%swap3A_70, %swap3A_71], %mul3A_69 {strides = array<i32>} : memref<400x1xf32, #tpu.memory_space<vmem>>, vector<400x1xf32>,
    %get3A_73 = arith.constant 0 : index
    %get3A_74 = arith.constant 0 : index
    %get3A_75 = vector.load %arg10[%get3A_73, %get3A_74] : memref<400x128xf32, #tpu.memory_space<vmem>>, vector<400x128xf32>
    %add3A_76 = arith.addf %max3A_32, %get3A_75 : vector<400x128xf32>
    %swap3A_77 = arith.constant 0 : index
    %swap3A_78 = arith.constant 0 : index
    %swap3A_79 = vector.load %arg11[%swap3A_77, %swap3A_78] : memref<400x128xf32, #tpu.memory_space<vmem>>, vector<400x128xf32>
    tpu.vector_store %arg11[%swap3A_77, %swap3A_78], %add3A_76 {strides = array<i32>} : memref<400x128xf32, #tpu.memory_space<vmem>>, vector<400x128xf32>,
    return
  }
  func.func @transform_0(%arg0: i32) -> (i32, i32, i32) {
    %c0_i32 = arith.constant 0 : i32
    %c0_i32_0 = arith.constant 0 : i32
    %c0_i32_1 = arith.constant 0 : i32
    return %c0_i32, %arg0, %c0_i32_0 : i32, i32, i32
  }
  func.func @transform_1(%arg0: i32) -> (i32, i32) {
    %c0_i32 = arith.constant 0 : i32
    %c0_i32_0 = arith.constant 0 : i32
    return %arg0, %c0_i32 : i32, i32
  }
  func.func @transform_2(%arg0: i32) -> (i32, i32) {
    %c0_i32 = arith.constant 0 : i32
    %c0_i32_0 = arith.constant 0 : i32
    return %arg0, %c0_i32 : i32, i32
  }
  func.func @transform_3(%arg0: i32) -> (i32, i32) {
    %c0_i32 = arith.constant 0 : i32
    %c0_i32_0 = arith.constant 0 : i32
    %c0_i32_1 = arith.constant 0 : i32
    return %c0_i32, %c0_i32_0 : i32, i32
  }
  func.func @transform_4(%arg0: i32) -> (i32, i32) {
    %c0_i32 = arith.constant 0 : i32
    %c0_i32_0 = arith.constant 0 : i32
    %c0_i32_1 = arith.constant 0 : i32
    return %c0_i32, %c0_i32_0 : i32, i32
  }
  func.func @transform_5(%arg0: i32) -> (i32, i32) {
    %c0_i32 = arith.constant 0 : i32
    %c0_i32_0 = arith.constant 0 : i32
    %c0_i32_1 = arith.constant 0 : i32
    return %c0_i32, %c0_i32_0 : i32, i32
  }
  func.func @transform_6(%arg0: i32) -> (i32, i32) {
    %c0_i32 = arith.constant 0 : i32
    %c0_i32_0 = arith.constant 0 : i32
    %c0_i32_1 = arith.constant 0 : i32
    return %c0_i32, %c0_i32_0 : i32, i32
  }
  func.func @transform_7(%arg0: i32) -> (i32, i32) {
    %c0_i32 = arith.constant 0 : i32
    %c0_i32_0 = arith.constant 0 : i32
    %c0_i32_1 = arith.constant 0 : i32
    return %c0_i32, %c0_i32_0 : i32, i32
  }
  func.func @transform_8(%arg0: i32) -> (i32, i32) {
    %c0_i32 = arith.constant 0 : i32
    %c0_i32_0 = arith.constant 0 : i32
    %c0_i32_1 = arith.constant 0 : i32
    return %c0_i32, %c0_i32_0 : i32, i32
  }
  func.func @transform_9(%arg0: i32) -> (i32, i32) {
    %c0_i32 = arith.constant 0 : i32
    %c0_i32_0 = arith.constant 0 : i32
    return %arg0, %c0_i32 : i32, i32
  }
  func.func @transform_10(%arg0: i32) -> (i32, i32) {
    %c0_i32 = arith.constant 0 : i32
    %c0_i32_0 = arith.constant 0 : i32
    return %arg0, %c0_i32 : i32, i32
  }
  func.func @transform_11(%arg0: i32) -> (i32, i32) {
    %c0_i32 = arith.constant 0 : i32
    %c0_i32_0 = arith.constant 0 : i32
    return %arg0, %c0_i32 : i32, i32
  }
  func.func @transform_12(%arg0: i32) -> (i32, i32) {
    %c0_i32 = arith.constant 0 : i32
    %c0_i32_0 = arith.constant 0 : i32
    return %arg0, %c0_i32 : i32, i32
  }
}

module attributes {stable_mosaic.version = 14 : i64} {
  func.func @_k4_body(%arg0: i32, %arg1: memref<400x128xf32, #tpu.memory_space<vmem>>, %arg2: memref<128x256xf32, #tpu.memory_space<vmem>>, %arg3: memref<1x256xf32, #tpu.memory_space<vmem>>, %arg4: memref<256x2048xf32, #tpu.memory_space<vmem>>, %arg5: memref<1x2048xf32, #tpu.memory_space<vmem>>, %arg6: memref<2048x1280xf32, #tpu.memory_space<vmem>>, %arg7: memref<1x1280xf32, #tpu.memory_space<vmem>>, %arg8: memref<400x1280xf32, #tpu.memory_space<vmem>>) attributes {dimension_semantics = [#tpu.dimension_semantics<arbitrary>], iteration_bounds = array<i64: 25>, scalar_prefetch = 0 : i64, scratch_operands = 0 : i64, tpu.core_type = #tpu.core_type<tc>, window_params = [{transform_indices = @transform_0, window_bounds = array<i64: 400, 128>}, {pipeline_mode = #tpu.pipeline_mode<synchronous>, transform_indices = @transform_1, window_bounds = array<i64: 128, 256>}, {pipeline_mode = #tpu.pipeline_mode<synchronous>, transform_indices = @transform_2, window_bounds = array<i64: 1, 256>}, {pipeline_mode = #tpu.pipeline_mode<synchronous>, transform_indices = @transform_3, window_bounds = array<i64: 256, 2048>}, {pipeline_mode = #tpu.pipeline_mode<synchronous>, transform_indices = @transform_4, window_bounds = array<i64: 1, 2048>}, {pipeline_mode = #tpu.pipeline_mode<synchronous>, transform_indices = @transform_5, window_bounds = array<i64: 2048, 1280>}, {pipeline_mode = #tpu.pipeline_mode<synchronous>, transform_indices = @transform_6, window_bounds = array<i64: 1, 1280>}, {transform_indices = @transform_7, window_bounds = array<i64: 400, 1280>}]} {
    %get3A = arith.constant 0 : index
    %get3A_0 = arith.constant 0 : index
    %get3A_1 = vector.load %arg1[%get3A, %get3A_0] : memref<400x128xf32, #tpu.memory_space<vmem>>, vector<400x128xf32>
    %get3A_2 = arith.constant 0 : index
    %get3A_3 = arith.constant 0 : index
    %get3A_4 = vector.load %arg2[%get3A_2, %get3A_3] : memref<128x256xf32, #tpu.memory_space<vmem>>, vector<128x256xf32>
    %dot_general3A = arith.constant dense<0.000000e+00> : vector<400x256xf32>
    %dot_general3A_5 = tpu.matmul %get3A_1, %get3A_4, %dot_general3A {dimension_numbers = #tpu.dot_dimension_numbers<[1], [0], [0], [1], [0, 0, 1, 1], [], []>, precision = #tpu.contract_precision<fp32>, transpose_lhs_hint = false} : vector<400x128xf32>, vector<128x256xf32>, vector<400x256xf32> -> vector<400x256xf32>
    %get3A_6 = arith.constant 0 : index
    %get3A_7 = arith.constant 0 : index
    %get3A_8 = vector.load %arg3[%get3A_6, %get3A_7] : memref<1x256xf32, #tpu.memory_space<vmem>>, vector<1x256xf32>
    %add3A = vector.broadcast %get3A_8 : vector<1x256xf32> to vector<400x256xf32>
    %add3A_9 = arith.addf %dot_general3A_5, %add3A : vector<400x256xf32>
    %max3A = arith.constant 0.000000e+00 : f32
    %max3A_10 = vector.broadcast %max3A : f32 to vector<400x256xf32>
    %max3A_11 = arith.maximumf %add3A_9, %max3A_10 : vector<400x256xf32>
    %get3A_12 = arith.constant 0 : index
    %get3A_13 = arith.constant 0 : index
    %get3A_14 = vector.load %arg4[%get3A_12, %get3A_13] : memref<256x2048xf32, #tpu.memory_space<vmem>>, vector<256x2048xf32>
    %dot_general3A_15 = arith.constant dense<0.000000e+00> : vector<400x2048xf32>
    %dot_general3A_16 = tpu.matmul %max3A_11, %get3A_14, %dot_general3A_15 {dimension_numbers = #tpu.dot_dimension_numbers<[1], [0], [0], [1], [0, 0, 1, 1], [], []>, precision = #tpu.contract_precision<fp32>, transpose_lhs_hint = false} : vector<400x256xf32>, vector<256x2048xf32>, vector<400x2048xf32> -> vector<400x2048xf32>
    %get3A_17 = arith.constant 0 : index
    %get3A_18 = arith.constant 0 : index
    %get3A_19 = vector.load %arg5[%get3A_17, %get3A_18] : memref<1x2048xf32, #tpu.memory_space<vmem>>, vector<1x2048xf32>
    %add3A_20 = vector.broadcast %get3A_19 : vector<1x2048xf32> to vector<400x2048xf32>
    %add3A_21 = arith.addf %dot_general3A_16, %add3A_20 : vector<400x2048xf32>
    %max3A_22 = arith.constant 0.000000e+00 : f32
    %max3A_23 = vector.broadcast %max3A_22 : f32 to vector<400x2048xf32>
    %max3A_24 = arith.maximumf %add3A_21, %max3A_23 : vector<400x2048xf32>
    %get3A_25 = arith.constant 0 : index
    %get3A_26 = arith.constant 0 : index
    %get3A_27 = vector.load %arg6[%get3A_25, %get3A_26] : memref<2048x1280xf32, #tpu.memory_space<vmem>>, vector<2048x1280xf32>
    %dot_general3A_28 = arith.constant dense<0.000000e+00> : vector<400x1280xf32>
    %dot_general3A_29 = tpu.matmul %max3A_24, %get3A_27, %dot_general3A_28 {dimension_numbers = #tpu.dot_dimension_numbers<[1], [0], [0], [1], [0, 0, 1, 1], [], []>, precision = #tpu.contract_precision<fp32>, transpose_lhs_hint = false} : vector<400x2048xf32>, vector<2048x1280xf32>, vector<400x1280xf32> -> vector<400x1280xf32>
    %get3A_30 = arith.constant 0 : index
    %get3A_31 = arith.constant 0 : index
    %get3A_32 = vector.load %arg7[%get3A_30, %get3A_31] : memref<1x1280xf32, #tpu.memory_space<vmem>>, vector<1x1280xf32>
    %add3A_33 = vector.broadcast %get3A_32 : vector<1x1280xf32> to vector<400x1280xf32>
    %add3A_34 = arith.addf %dot_general3A_29, %add3A_33 : vector<400x1280xf32>
    %tanh3A = math.tanh %add3A_34 : vector<400x1280xf32>
    %swap3A = arith.constant 0 : index
    %swap3A_35 = arith.constant 0 : index
    %swap3A_36 = vector.load %arg8[%swap3A, %swap3A_35] : memref<400x1280xf32, #tpu.memory_space<vmem>>, vector<400x1280xf32>
    tpu.vector_store %arg8[%swap3A, %swap3A_35], %tanh3A {strides = array<i32>} : memref<400x1280xf32, #tpu.memory_space<vmem>>, vector<400x1280xf32>,
    return
  }
  func.func @transform_0(%arg0: i32) -> (i32, i32) {
    %c0_i32 = arith.constant 0 : i32
    %c0_i32_0 = arith.constant 0 : i32
    return %arg0, %c0_i32 : i32, i32
  }
  func.func @transform_1(%arg0: i32) -> (i32, i32) {
    %c0_i32 = arith.constant 0 : i32
    %c0_i32_0 = arith.constant 0 : i32
    %c0_i32_1 = arith.constant 0 : i32
    return %c0_i32, %c0_i32_0 : i32, i32
  }
  func.func @transform_2(%arg0: i32) -> (i32, i32) {
    %c0_i32 = arith.constant 0 : i32
    %c0_i32_0 = arith.constant 0 : i32
    %c0_i32_1 = arith.constant 0 : i32
    return %c0_i32, %c0_i32_0 : i32, i32
  }
  func.func @transform_3(%arg0: i32) -> (i32, i32) {
    %c0_i32 = arith.constant 0 : i32
    %c0_i32_0 = arith.constant 0 : i32
    %c0_i32_1 = arith.constant 0 : i32
    return %c0_i32, %c0_i32_0 : i32, i32
  }
  func.func @transform_4(%arg0: i32) -> (i32, i32) {
    %c0_i32 = arith.constant 0 : i32
    %c0_i32_0 = arith.constant 0 : i32
    %c0_i32_1 = arith.constant 0 : i32
    return %c0_i32, %c0_i32_0 : i32, i32
  }
  func.func @transform_5(%arg0: i32) -> (i32, i32) {
    %c0_i32 = arith.constant 0 : i32
    %c0_i32_0 = arith.constant 0 : i32
    %c0_i32_1 = arith.constant 0 : i32
    return %c0_i32, %c0_i32_0 : i32, i32
  }
  func.func @transform_6(%arg0: i32) -> (i32, i32) {
    %c0_i32 = arith.constant 0 : i32
    %c0_i32_0 = arith.constant 0 : i32
    %c0_i32_1 = arith.constant 0 : i32
    return %c0_i32, %c0_i32_0 : i32, i32
  }
  func.func @transform_7(%arg0: i32) -> (i32, i32) {
    %c0_i32 = arith.constant 0 : i32
    %c0_i32_0 = arith.constant 0 : i32
    return %arg0, %c0_i32 : i32, i32
  }
}

</mosaic_0001>

<sc_bundles>
// kernel: kernel.12.cloned.1.call-start
scs
__scs_entry_jumppad:
0x0: {  	(pc) =	sbr.rel $0x88, $3  }
0x1: {  	(tag) =	ssettag $0x0;
	lr =	simm.s32 $0x1  }
0x2: {  	[smem:$0x3F8E] =	sst lr;
	_ =	strace $0xD0000000  }
0x3: {  	_ = 	snop  }
0x4: {  	_ = 	snop  }
0x5: {  	_ = 	snop  }
0x6: {  	_ = 	snop  }
0x7: {  	_ = 	snop  }
__scs_overlays_trampoline_lowered:
0x8: {  	[smem:$0x3F9D] =	sst s0  }
0x9: {  	[smem:$0x3F9E] =	sst s1  }
0xa: {  	[smem:$0x3F9F] =	sst s2  }
0xb: {  	[smem:$0x3FA0] =	sst s3  }
0xc: {  	[smem:$0x3FA1] =	sst s4  }
0xd: {  	[smem:$0x3FA2] =	sst s5  }
0xe: {  	[smem:$0x3FA3] =	sst s6  }
0xf: {  	[smem:$0x3FA4] =	sst s7  }
0x10: {  	[smem:$0x3FA5] =	sst s8  }
0x11: {  	[smem:$0x3FA6] =	sst s9;
	s0 =	simm.s32 @!p0 $0x0  }
0x12: {  	s1 =	sld [smem:$0x3F8C];
	s0 =	simm.s32 @p0 $0x1  }
0x13: {  	[smem:$0x3FA7] =	sst s0;
	s0 =	simm.s32 @!p1 $0x0  }
0x14: {  	s2 =	sld [smem:$0x3F8B];
	s0 =	simm.s32 @p1 $0x1  }
0x15: {  	[smem:$0x3FA8] =	sst s0;
	s0 =	simm.s32 @!p2 $0x0  }
0x16: {  	s3 =	sld [smem:$0x3FDB];
	s0 =	simm.s32 @p2 $0x1  }
0x17: {  	s4 =	simm.s32 $0x1BF5;
	[smem:$0x3FAA] =	sst s0  }
0x18: {  	s0 =	sld [smem:$0x3F8D];
	_ =	swait.ge [sflag:s4], $0x0  }
0x19: {  	s7 =	sld [smem:$0x3F8E]  }
0x1a: {  	s8 =	sadd.s32 $0xFFFFE003, lr  }
0x1b: {  	s9 =	sadd.s32 $0xFFFFFEF7, lr;
	s5 =	simm.s32 $0xFFFFFFFF;
	p2 =	slt.u32 s8, $0xFFFFF086  }
0x1c: {  	p1 =	slt.u32 s9, $0xF7A;
	s5 =	simm.s32 @!p2 $0x0  }
0x1d: {  	s5 =	simm.s32 @p1 $0x1;
	p0 =	seq.s32 s7, s2  }
0x1e: {  	s7 =	smul.u32 @!p0 $0xF7A, s2;
	p2 =	seq.s32 @!p0 s5, $0x0  }
0x1f: {  	s9 =	smul.u32 $0xF7A, s1;
	s8 =	simm.s32 @!p0 $0x1BF5;
	p2 =	por !p2, p0  }
0x20: {  	[sflag:s8] =	ssyncset.s32 @!p0 $0xFFFFF086;
	s6 =	sadd.s32 @!p0 s3, s7;
	s7 =	simm.s32 @!p0 $0x108  }
0x21: {  	s3 =	sadd.s32 s3, s9;
	s6 =	sadd.s32 @!p0 $0x88, s6;
	s7 =	simm.s32 @p2 $0x1082  }
0x22: {  	[simem:s7], [sflag:s8] =	dma.local @!p0 [hbm:s6], $0xF7A  }
0x23: {  	s9 =	sor.u32 $0xD0000000, s2;
	s6 =	simm.s32 $0x108;
	_ =	swait.ge @!p0 [sflag:s8], $0x0  }
0x24: {  	s3 =	sadd.s32 $0x88, s3;
	s6 =	simm.s32 @!p1 $0x1082;
	[sflag:s4] =	ssyncset.s32 $0xFFFFF086  }
0x25: {  	[simem:s6], [sflag:s4] =	dma.local [hbm:s3], $0xF7A  }
0x26: {  	[smem:$0x3F8E] =	sst s1;
	(tag) =	ssettag s2;
	_ =	strace s9  }
0x27: {  	s1 =	sld [smem:$0x3F9E]  }
0x28: {  	s2 =	sld [smem:$0x3F9F]  }
0x29: {  	s4 =	sld [smem:$0x3FA1]  }
0x2a: {  	p0 =	seq.s32 s5, $0x0;
	s5 =	sld [smem:$0x3FA2]  }
0x2b: {  	s6 =	sld [smem:$0x3FA3]  }
0x2c: {  	s7 =	sld [smem:$0x3FA4]  }
0x2d: {  	s3 =	simm.s32 $0x108;
	s8 =	sld [smem:$0x3FA5]  }
0x2e: {  	s3 =	simm.s32 @!p0 $0x1082;
	s9 =	sld [smem:$0x3FA6]  }
0x2f: {  	lr =	sadd.s32 s0, s3;
	s0 =	sld [smem:$0x3F9D]  }
0x30: {  	s3 =	sld [smem:$0x3FA0]  }
0x31: {  	[smem:$0x3FA9] =	sst s10  }
0x32: {  	s10 =	sld [smem:$0x3FA7];
	_ =	sdelay $0x3  }
0x33: {  	p0 =	seq.s32 s10, $0x1;
	s10 =	sld [smem:$0x3FA9];
	_ =	sdelay $0x3  }
0x34: {  	[smem:$0x3FA9] =	sst s10  }
0x35: {  	s10 =	sld [smem:$0x3FA8];
	_ =	sdelay $0x3  }
0x36: {  	p1 =	seq.s32 s10, $0x1;
	s10 =	sld [smem:$0x3FA9];
	_ =	sdelay $0x3  }
0x37: {  	[smem:$0x3FA9] =	sst s10  }
0x38: {  	s10 =	sld [smem:$0x3FAA]  }
0x39: {  	_ = 	snop;
	(pc) =	sbr.ind lr, $3  }
0x3a: {  	_ = 	snop  }
0x3b: {  	_ = 	snop  }
0x3c: {  	p2 =	seq.s32 s10, $0x1;
	s10 =	sld [smem:$0x3FA9]  }
0x3d: {  	_ =	shalt  }
0x3e: {  	_ =	shalt  }
0x3f: {  	_ =	shalt  }
0x40: {  	_ =	shalt  }
0x41: {  	_ =	shalt  }
0x42: {  	_ =	shalt  }
0x43: {  	_ =	shalt  }
0x44: {  	_ =	shalt  }
0x45: {  	_ =	shalt  }
0x46: {  	_ =	shalt  }
0x47: {  	_ =	shalt  }
0x48: {  	_ =	shalt  }
0x49: {  	_ =	shalt  }
0x4a: {  	_ =	shalt  }
0x4b: {  	_ =	shalt  }
0x4c: {  	_ =	shalt  }
0x4d: {  	_ =	shalt  }
0x4e: {  	_ =	shalt  }
0x4f: {  	_ =	shalt  }
0x50: {  	_ =	shalt  }
0x51: {  	_ =	shalt  }
0x52: {  	_ =	shalt  }
0x53: {  	_ =	shalt  }
0x54: {  	_ =	shalt  }
0x55: {  	_ =	shalt  }
0x56: {  	_ =	shalt  }
0x57: {  	_ =	shalt  }
0x58: {  	_ =	shalt  }
0x59: {  	_ =	shalt  }
0x5a: {  	_ =	shalt  }
0x5b: {  	_ =	shalt  }
0x5c: {  	_ =	shalt  }
0x5d: {  	_ =	shalt  }
0x5e: {  	_ =	shalt  }
0x5f: {  	_ =	shalt  }
0x60: {  	_ =	shalt  }
0x61: {  	_ =	shalt  }
0x62: {  	_ =	shalt  }
0x63: {  	_ =	shalt  }
0x64: {  	_ =	shalt  }
0x65: {  	_ =	shalt  }
0x66: {  	_ =	shalt  }
0x67: {  	_ =	shalt  }
0x68: {  	_ =	shalt  }
0x69: {  	_ =	shalt  }
0x6a: {  	_ =	shalt  }
0x6b: {  	_ =	shalt  }
0x6c: {  	_ =	shalt  }
0x6d: {  	_ =	shalt  }
0x6e: {  	_ =	shalt  }
0x6f: {  	_ =	shalt  }
0x70: {  	_ =	shalt  }
0x71: {  	_ =	shalt  }
0x72: {  	_ =	shalt  }
0x73: {  	_ =	shalt  }
0x74: {  	_ =	shalt  }
0x75: {  	_ =	shalt  }
0x76: {  	_ =	shalt  }
0x77: {  	_ =	shalt  }
0x78: {  	_ =	shalt  }
0x79: {  	_ =	shalt  }
0x7a: {  	_ =	shalt  }
0x7b: {  	_ =	shalt  }
0x7c: {  	_ =	shalt  }
0x7d: {  	_ =	shalt  }
0x7e: {  	_ =	shalt  }
0x7f: {  	_ =	shalt  }
0x80: {  	_ =	shalt  }
0x81: {  	_ =	shalt  }
0x82: {  	_ =	shalt  }
0x83: {  	_ =	shalt  }
0x84: {  	_ =	shalt  }
0x85: {  	_ =	shalt  }
0x86: {  	_ =	shalt  }
0x87: {  	_ =	shalt  }
.Lfunc_end0:
.L_simem_size_0:
called_computation.1_lowered:
.L_overlay_start_0:
0x88: {  	s2 =	sld [smem:$0x3FD9]  }
0x89: {  	s3 =	sld [smem:$0x3FFE];
	_ =	sdelay $0x1  }
0x8a: {  	s1 =	srdreg.scid  }
0x8b: {  	s0 =	sand.u32 $0x1, s1  }
0x8c: {  	s14 =	sshll.u32 s0, $0xA;
	s2 =	sadd.s32 s3, s2  }
0x8d: {  	s2 =	sadd.s32 s2, s14  }
0x8e: {  	[smem:$0x3FB5] =	sst s2  }
0x8f: {  	_ = 	snop  }
0x90: {  	s2 =	sld [smem:$0x3FD0];
	_ =	sdelay $0x2  }
0x91: {  	s15 =	simm.s32 $0xA;
	s4 =	simm.s32 $0x10  }
0x92: {  	[smem:s4], [sflag:s15] =	dma.local [hbm:s2], $0x1  }
0x93: {  	_ =	swait.eq [sflag:s15], $0x1  }
0x94: {  	[sflag:s15] =	ssyncset.done $0x0  }
0x95: {  	s16 =	sld [smem:$0x11];
	[sflag:s15] =	ssyncadd.s32 $0xFFFFFFFF  }
0x96: {  	s17 =	sld [smem:$0x12];
	(tm) =	ssettm $0x1  }
0x97: {  	s18 =	sld [smem:$0x3FFB];
	_ =	sdelay $0x3  }
0x98: {  	_ =	strace s18  }
0x99: {  	s4 =	sld [smem:$0x3FFC];
	_ =	sdelay $0x3  }
0x9a: {  	_ =	strace s4  }
0x9b: {  	s4 =	sld [smem:$0x3FFD];
	_ =	sdelay $0x3  }
0x9c: {  	_ =	strace s4  }
0x9d: {  	_ =	strace $0x8FFFFFFF  }
0x9e: {  	s19 =	sld [smem:$0x3FDB];
	_ =	sdelay $0x1  }
0x9f: {  	s5 =	simm.s32 $_scs_section_size  }
0xa0: {  	s6 =	simm.s32 $_size__tile_overlayer_lowered;
	s7 =	simm.s32 $_tile_overlayer_lowered  }
0xa1: {  	s22 =	simm.s32 $0x1BFF;
	s21 =	sshll.u32 s7, $0x1;
	s4 =	sadd.s32 s5, s19  }
0xa2: {  	s8 =	simm.s32 $0x0;
	s20 =	sshll.u32 s6, $0x1;
	s6 =	sadd.s32 s21, s4  }
0xa3: {  	[timem:s8], [sflag:s22] =	dma.local [hbm:s6], s20  }
0xa4: {  	_ =	swait.ge [sflag:s22], s20  }
0xa5: {  	s5 =	ssub.s32 $0x0, s20;
	[sflag:s22] =	ssyncset.done $0x0  }
0xa6: {  	[sflag:s22] =	ssyncadd.s32 s5;
	_ =	sdelay $0x1  }
0xa7: {  	s23 =	simm.s32 $0x1B8B  }
0xa8: {  	_ =	swait.ge [sflag:s23], $0x1  }
0xa9: {  	[sflag:s23] =	ssyncset.done $0x0  }
0xaa: {  	s25 =	simm.s32 $0x1B8E;
	s24 =	sld [smem:$0x3FFE];
	[sflag:s23] =	ssyncadd.s32 $0xFFFFFFFF  }
0xab: {  	s26 =	simm.s32 $execute0_lowered;
	[smem:$0x3FD2] =	sst s25  }
0xac: {  	s6 =	sshll.u32 s26, $0x1;
	_ =	strace $0x80000049;
	[dreg:$0x1] =	wrdreg $0xFFFFFFFF  }
0xad: {  	s28 =	simm.s32 $_size_execute0_lowered;
	s4 =	sadd.s32 s4, s6;
	[dreg:$0x0] =	wrdreg $0x0  }
0xae: {  	s6 =	sshll.u32 s28, $0x1;
	[dreg:$0x2] =	wrdreg s4  }
0xaf: {  	[dreg:$0x3] =	wrdreg s6  }
0xb0: {  	[dreg:$0x4] =	wrdreg $0xC0  }
0xb1: {  	_ =	task [dreg:s8], $0x5FFFF  }
0xb2: {  	[dreg:$0x1] =	wrdreg $0xFFFFFFFF  }
0xb3: {  	[dreg:$0x0] =	wrdreg $0x60  }
0xb4: {  	[dreg:$0x2] =	wrdreg s24  }
0xb5: {  	[dreg:$0x3] =	wrdreg s17  }
0xb6: {  	[dreg:$0x4] =	wrdreg s16  }
0xb7: {  	[dreg:$0x5] =	wrdreg $0xA8000  }
0xb8: {  	[dreg:$0x6] =	wrdreg $0x9  }
0xb9: {  	_ =	task.clear_ibuf [dreg:s8], $0x7FFFF;
	_ =	strace $0x90000049  }
0xba: {  	s29 =	simm.s32 $0x9;
	_ =	strace $0x8000004B  }
0xbb: {  	_ =	swait.ge [sflag:s29], $0x1  }
0xbc: {  	[sflag:s29] =	ssyncadd.s32 $0xFFFFFFFF  }
0xbd: {  	_ =	strace $0x9000004B  }
0xbe: {  	_ =	sfence  }
0xbf: {  	s30 =	sld [smem:$0x0];
	_ =	sdelay $0x2  }
0xc0: {  	s31 =	sshll.u32 s1, $0xD;
	s1 =	sshrl.u32 s1, $0x2  }
0xc1: {  	s3 =	sand.u32 $0x4000, s31;
	s1 =	sadd.s32 s1, s30  }
0xc2: {  	s0 =	sor.u32 s3, s0;
	s1 =	sshll.u32 s1, $0x11  }
0xc3: {  	s0 =	sor.u32 s1, s0  }
0xc4: {  	s0 =	sadd.s32 $0x8F2B, s0  }
0xc5: {  	[sflag:s0] =	ssyncadd.remote.s32 $0x1  }
0xc6: {  	_ =	sfence.sel $0xFFFF  }
0xc7: {  	[dreg:$0x0] =	wrdreg $0xFFFFFFFF;
	(pc) =	sbr.abs _section_cstart, $3  }
0xc8: {  	[dreg:$0x1] =	wrdreg $0xFFFFFFFF  }
0xc9: {  	_ =	task.clear_ibuf [dreg:s8], $0x2FFFF;
	_ =	strace $0x9FFFFFFF  }
0xca: {  	(tm) =	ssettm $0x7FFFFFFF  }
0xcb: {  	_ =	shalt  }
tec
execute0_lowered:
.L_overlay_start_1:
0x0: {  	(tag) =	ssettag $0x1  }
0x1: {  	s0 =	rddreg [dreg:$0x0]  }
0x2: {  	s1 =	rddreg [dreg:$0x2]  }
0x3: {  	s3 =	rddreg [dreg:$0x3]  }
0x4: {  	s2 =	stileid.u32;
	s5 =	srdreg.scid  }
0x5: {  	s4 =	simm.s32 $0x0;
	s20 =	simm.s32 $0x5;
	s21 =	simm.s32 $0x1400  }
0x6: {  	s22 =	simm.s32 $0x80;
	s23 =	simm.s32 $0x6800;
	s28 =	simm.s32 $0x4  }
0x7: {  	s29 =	simm.s32 $0x2700;
	s30 =	simm.s32 $0x2780;
	s6 =	smul.u32 $0x1400, s2  }
0x8: {  	s31 =	simm.s32 $0x0;
	s8 =	sand.u32 $0x1, s5;
	s24 =	smul.u32 $0x50000, s2  }
0x9: {  	[smem:$0x7FF] =	sst s4;
	s12 =	smul.u32 $0x14000, s2;
	p0 =	seq.s32 s8, $0x0  }
0xa: {  	_ =	strace $0x8000004A;
	s7 =	ssub.s32 $0x2, s8;
	s18 =	smul.u32 $0x140000, s8  }
0xb: {  	s5 =	sadd.s32 $0x14000, s6;
	s25 =	sshrl.u32 s7, $0x1;
	s14 =	sadd.s32 $0x4000, s12  }
0xc: {  	s15 =	sadd.s32 $0x8000, s12;
	s16 =	sadd.s32 $0xC000, s12;
	s17 =	sadd.s32 $0x10000, s12  }
0xd: {  	s5 =	smov.u32 @p0 s6;
	s6 =	sshrl.u32 s24, $0x2;
	s8 =	sadd.s32 s15, s3  }
0xe: {  	s9 =	sadd.s32 s16, s3;
	s10 =	sadd.s32 s17, s3;
	s19 =	sadd.s32 s12, s18  }
0xf: {  	s15 =	sadd.s32 s18, s15;
	s16 =	sadd.s32 s18, s16;
	s17 =	sadd.s32 s18, s17  }
0x10: {  	s24 =	simm.s32 $0x1;
	s5 =	sshrl.u32 s5, $0x3;
	s6 =	sadd.s32 s6, s3  }
0x11: {  	s26 =	sshrl.u32 s19, $0x3;
	s15 =	sshrl.u32 s15, $0x3;
	s16 =	sshrl.u32 s16, $0x3  }
0x12: {  	s17 =	sshrl.u32 s17, $0x3;
	s19 =	simm.s32 $0x2800;
	s13 =	sadd.s32 s5, s0  }
0x13: {  	s5 =	sadd.s32 $0xFA00, s0;
	s0 =	ssub.s32 s7, s25;
	s7 =	sadd.s32 s14, s3  }
0x14: {  	s14 =	sadd.s32 s18, s14;
	s15 =	sadd.s32 s1, s15;
	s16 =	sadd.s32 s1, s16  }
0x15: {  	s17 =	sadd.s32 s1, s17;
	s25 =	simm.s32 $0x2;
	s11 =	sadd.s32 $0xA200, s13  }
0x16: {  	s12 =	sadd.s32 $0x4200, s13;
	s14 =	sshrl.u32 s14, $0x3;
	s13 =	sadd.s32 s1, s26  }
0x17: {  	s18 =	smax.u32 s0, $0x1;
	s26 =	simm.s32 $0x3;
	s14 =	sadd.s32 s1, s14  }
.LBB2_1:
0x18: {  	s0 =	rddreg [dreg:$0x1]  }
0x19: {  	[tilespmem:s19], [sflag:$0x5] =	stream.linear.gather [hbm4b:s0+s4], $0x4000, $0x38;
	[tilespmem:$0x1E800] =	vst v63  }
0x1a: {  	_ =	swait.ge [sflag:s20], $0x4000  }
0x1b: {  	[sflag:s20] =	ssyncset.done $0x0  }
0x1c: {  	[sflag:s20] =	ssyncadd.s32 $0xFFFFC000  }
0x1d: {  	[spmem:s6] =	stream.linear.scatter [tilespmem:s19], [sflag:$0x5], $0x4000, $0x38;
	[tilespmem:$0x1E800] =	vst v63  }
0x1e: {  	_ =	swait.ge [sflag:s20], $0x4000  }
0x1f: {  	[sflag:s20] =	ssyncset.done $0x0  }
0x20: {  	[sflag:s20] =	ssyncadd.s32 $0xFFFFC000  }
0x21: {  	[spmem:s7] =	stream.linear.scatter [tilespmem:s19], [sflag:$0x5], $0x4000, $0x38;
	[tilespmem:$0x1E800] =	vst v63  }
0x22: {  	_ =	swait.ge [sflag:s20], $0x4000  }
0x23: {  	[sflag:s20] =	ssyncset.done $0x0  }
0x24: {  	[sflag:s20] =	ssyncadd.s32 $0xFFFFC000  }
0x25: {  	[spmem:s8] =	stream.linear.scatter [tilespmem:s19], [sflag:$0x5], $0x4000, $0x38;
	[tilespmem:$0x1E800] =	vst v63  }
0x26: {  	_ =	swait.ge [sflag:s20], $0x4000  }
0x27: {  	[sflag:s20] =	ssyncset.done $0x0  }
0x28: {  	[sflag:s20] =	ssyncadd.s32 $0xFFFFC000  }
0x29: {  	[spmem:s9] =	stream.linear.scatter [tilespmem:s19], [sflag:$0x5], $0x4000, $0x38;
	[tilespmem:$0x1E800] =	vst v63  }
0x2a: {  	_ =	swait.ge [sflag:s20], $0x4000  }
0x2b: {  	[sflag:s20] =	ssyncset.done $0x0  }
0x2c: {  	[sflag:s20] =	ssyncadd.s32 $0xFFFFC000  }
0x2d: {  	[spmem:s10] =	stream.linear.scatter [tilespmem:s19], [sflag:$0x5], $0x4000, $0x38;
	[tilespmem:$0x1E800] =	vst v63  }
0x2e: {  	_ =	swait.ge [sflag:s20], $0x4000  }
0x2f: {  	[sflag:s20] =	ssyncset.done $0x0  }
0x30: {  	[sflag:s20] =	ssyncadd.s32 $0xFFFFC000  }
0x31: {  	[tilespmem:s4], [sflag:$0x5] =	stream.linear.gather [hbm4b:s11+s4], $0x1400, $0x38;
	[tilespmem:$0x1E800] =	vst v63  }
0x32: {  	_ =	swait.ge [sflag:s20], $0x1400  }
0x33: {  	[sflag:s20] =	ssyncset.done $0x0  }
0x34: {  	[sflag:s20] =	ssyncadd.s32 $0xFFFFEC00  }
0x35: {  	[tilespmem:s21], [sflag:$0x5] =	stream.linear.gather [hbm4b:s12+s4], $0x1400, $0x38;
	[tilespmem:$0x1E800] =	vst v63  }
0x36: {  	_ =	swait.ge [sflag:s20], $0x1400  }
0x37: {  	[sflag:s20] =	ssyncset.done $0x0  }
0x38: {  	[sflag:s20] =	ssyncadd.s32 $0xFFFFEC00  }
0x39: {  	[bflag:$0x0] =	sbarrier.arrive $0xFFFF  }
0x3a: {  	[tilespmem:s19], [sflag:$0x1] =	stream.indirect.gather [hbm4b:s5+s22], $0x80, s4, s22, $0xb8;
	[tilespmem:$0x1E800] =	vst v63  }
0x3b: {  	_ = 	snop  }
0x3c: {  	[tilespmem:s23], [sflag:$0x2] =	stream.indirect.gather [hbm4b:s5+s22], $0x80, s22, s22, $0xb8;
	[tilespmem:$0x1E800] =	vst v63  }
0x3d: {  	_ =	swait.ge [sflag:s24], $0x4000  }
0x3e: {  	[sflag:s24] =	ssyncset.done $0x0  }
0x3f: {  	s2 =	simm.s32 $0x1400;
	[sflag:s24] =	ssyncadd.s32 $0xFFFFC000  }
0x40: {  	[spmem:s3] =	stream.indirect.scatter.add.f32 [tilespmem:s19], [sflag:$0x3], $0x80, s2, s22, $0xb8;
	[tilespmem:$0x1E800] =	vst v63  }
0x41: {  	_ =	swait.ge [sflag:s25], $0x4000  }
0x42: {  	[sflag:s25] =	ssyncset.done $0x0  }
0x43: {  	s1 =	simm.s32 $0x1480;
	[sflag:s25] =	ssyncadd.s32 $0xFFFFC000  }
0x44: {  	[spmem:s3] =	stream.indirect.scatter.add.f32 [tilespmem:s23], [sflag:$0x4], $0x80, s1, s22, $0xb8;
	[tilespmem:$0x1E800] =	vst v63  }
0x45: {  	_ =	swait.ge [sflag:s26], $0x4000  }
0x46: {  	[sflag:s26] =	ssyncset.done $0x0  }
0x47: {  	s2 =	simm.s32 $0x100;
	[sflag:s26] =	ssyncadd.s32 $0xFFFFC000  }
0x48: {  	[tilespmem:s19], [sflag:$0x1] =	stream.indirect.gather [hbm4b:s5+s22], $0x80, s2, s22, $0xb8;
	[tilespmem:$0x1E800] =	vst v63  }
0x49: {  	_ =	swait.ge [sflag:s28], $0x4000  }
0x4a: {  	[sflag:s28] =	ssyncset.done $0x0  }
0x4b: {  	s0 =	simm.s32 $0x180;
	s1 =	simm.s32 $0x400;
	[sflag:s28] =	ssyncadd.s32 $0xFFFFC000  }
.LBB2_2:
0x4c: {  	[tilespmem:s23], [sflag:$0x2] =	stream.indirect.gather [hbm4b:s5+s22], $0x80, s0, s22, $0xb8;
	[tilespmem:$0x1E800] =	vst v63  }
0x4d: {  	s0 =	smov.u32 s1  }
0x4e: {  	p0 =	sne.s32 s1, $0x4800;
	s1 =	sadd.s32 $0x400, s1;
	_ =	swait.ge [sflag:s24], $0x4000  }
0x4f: {  	s0 =	sshra.s32 s0, $0x2;
	[sflag:s24] =	ssyncset.done $0x0  }
0x50: {  	s2 =	sadd.s32 $0x1400, s0;
	[sflag:s24] =	ssyncadd.s32 $0xFFFFC000  }
0x51: {  	[spmem:s3] =	stream.indirect.scatter.add.f32 [tilespmem:s19], [sflag:$0x3], $0x80, s2, s22, $0xb8;
	[tilespmem:$0x1E800] =	vst v63  }
0x52: {  	_ =	swait.ge [sflag:s25], $0x4000  }
0x53: {  	[sflag:s25] =	ssyncset.done $0x0  }
0x54: {  	s2 =	sadd.s32 $0x1480, s0;
	[sflag:s25] =	ssyncadd.s32 $0xFFFFC000  }
0x55: {  	[spmem:s3] =	stream.indirect.scatter.add.f32 [tilespmem:s23], [sflag:$0x4], $0x80, s2, s22, $0xb8;
	[tilespmem:$0x1E800] =	vst v63  }
0x56: {  	_ =	swait.ge [sflag:s26], $0x4000  }
0x57: {  	[sflag:s26] =	ssyncset.done $0x0  }
.Ltmp0:
0x58: {  	s2 =	sadd.s32 $0x100, s0;
	[sflag:s26] =	ssyncadd.s32 $0xFFFFC000;
	(pc) =	sbr.rel @p0 .LBB2_2-.Ltmp0, $4  }
0x59: {  	[tilespmem:s19], [sflag:$0x1] =	stream.indirect.gather [hbm4b:s5+s22], $0x80, s2, s22, $0xb8;
	[tilespmem:$0x1E800] =	vst v63  }
0x5a: {  	_ =	swait.ge [sflag:s28], $0x4000  }
0x5b: {  	[sflag:s28] =	ssyncset.done $0x0  }
0x5c: {  	s0 =	sadd.s32 $0x180, s0;
	[sflag:s28] =	ssyncadd.s32 $0xFFFFC000  }
0x5d: {  	[tilespmem:s23], [sflag:$0x2] =	stream.indirect.gather [hbm4b:s5+s22], $0x80, s0, s22, $0xb8;
	[tilespmem:$0x1E800] =	vst v63  }
0x5e: {  	_ =	swait.ge [sflag:s24], $0x4000  }
0x5f: {  	[sflag:s24] =	ssyncset.done $0x0  }
0x60: {  	[sflag:s24] =	ssyncadd.s32 $0xFFFFC000  }
0x61: {  	[spmem:s3] =	stream.indirect.scatter.add.f32 [tilespmem:s19], [sflag:$0x3], $0x80, s29, s22, $0xb8;
	[tilespmem:$0x1E800] =	vst v63  }
0x62: {  	_ =	swait.ge [sflag:s25], $0x4000  }
0x63: {  	[sflag:s25] =	ssyncset.done $0x0  }
0x64: {  	[sflag:s25] =	ssyncadd.s32 $0xFFFFC000  }
0x65: {  	[spmem:s3] =	stream.indirect.scatter.add.f32 [tilespmem:s23], [sflag:$0x4], $0x80, s30, s22, $0xb8;
	[tilespmem:$0x1E800] =	vst v63  }
0x66: {  	_ =	swait.ge [sflag:s26], $0x4000  }
0x67: {  	[sflag:s26] =	ssyncset.done $0x0  }
0x68: {  	[sflag:s26] =	ssyncadd.s32 $0xFFFFC000  }
0x69: {  	_ =	swait.ge [sflag:s28], $0x4000  }
0x6a: {  	[sflag:s28] =	ssyncset.done $0x0  }
0x6b: {  	[sflag:s28] =	ssyncadd.s32 $0xFFFFC000  }
0x6c: {  	[bflag:$0x0] =	sbarrier.arrive $0xFFFF  }
0x6d: {  	[tilespmem:s19], [sflag:$0x5] =	stream.linear.gather [spmem:s6], $0x4000, $0x38;
	[tilespmem:$0x1E800] =	vst v63  }
0x6e: {  	_ =	swait.ge [sflag:s20], $0x4000  }
0x6f: {  	[sflag:s20] =	ssyncset.done $0x0  }
0x70: {  	[sflag:s20] =	ssyncadd.s32 $0xFFFFC000  }
0x71: {  	[hbm4b:s13+s4] =	stream.linear.scatter [tilespmem:s19], [sflag:$0x5], $0x4000, $0x38;
	[tilespmem:$0x1E800] =	vst v63  }
0x72: {  	_ =	swait.ge [sflag:s20], $0x4000  }
0x73: {  	[sflag:s20] =	ssyncset.done $0x0  }
0x74: {  	[sflag:s20] =	ssyncadd.s32 $0xFFFFC000  }
0x75: {  	[tilespmem:s19], [sflag:$0x5] =	stream.linear.gather [spmem:s7], $0x4000, $0x38;
	[tilespmem:$0x1E800] =	vst v63  }
0x76: {  	_ =	swait.ge [sflag:s20], $0x4000  }
0x77: {  	[sflag:s20] =	ssyncset.done $0x0  }
0x78: {  	[sflag:s20] =	ssyncadd.s32 $0xFFFFC000  }
0x79: {  	[hbm4b:s14+s4] =	stream.linear.scatter [tilespmem:s19], [sflag:$0x5], $0x4000, $0x38;
	[tilespmem:$0x1E800] =	vst v63  }
0x7a: {  	_ =	swait.ge [sflag:s20], $0x4000  }
0x7b: {  	[sflag:s20] =	ssyncset.done $0x0  }
0x7c: {  	[sflag:s20] =	ssyncadd.s32 $0xFFFFC000  }
0x7d: {  	[tilespmem:s19], [sflag:$0x5] =	stream.linear.gather [spmem:s8], $0x4000, $0x38;
	[tilespmem:$0x1E800] =	vst v63  }
0x7e: {  	_ =	swait.ge [sflag:s20], $0x4000  }
0x7f: {  	[sflag:s20] =	ssyncset.done $0x0  }
0x80: {  	[sflag:s20] =	ssyncadd.s32 $0xFFFFC000  }
0x81: {  	[hbm4b:s15+s4] =	stream.linear.scatter [tilespmem:s19], [sflag:$0x5], $0x4000, $0x38;
	[tilespmem:$0x1E800] =	vst v63  }
0x82: {  	_ =	swait.ge [sflag:s20], $0x4000  }
0x83: {  	[sflag:s20] =	ssyncset.done $0x0  }
0x84: {  	[sflag:s20] =	ssyncadd.s32 $0xFFFFC000  }
0x85: {  	[tilespmem:s19], [sflag:$0x5] =	stream.linear.gather [spmem:s9], $0x4000, $0x38;
	[tilespmem:$0x1E800] =	vst v63  }
0x86: {  	_ =	swait.ge [sflag:s20], $0x4000  }
0x87: {  	[sflag:s20] =	ssyncset.done $0x0  }
0x88: {  	[sflag:s20] =	ssyncadd.s32 $0xFFFFC000  }
0x89: {  	[hbm4b:s16+s4] =	stream.linear.scatter [tilespmem:s19], [sflag:$0x5], $0x4000, $0x38;
	[tilespmem:$0x1E800] =	vst v63  }
0x8a: {  	_ =	swait.ge [sflag:s20], $0x4000  }
0x8b: {  	[sflag:s20] =	ssyncset.done $0x0  }
0x8c: {  	[sflag:s20] =	ssyncadd.s32 $0xFFFFC000  }
0x8d: {  	[tilespmem:s19], [sflag:$0x5] =	stream.linear.gather [spmem:s10], $0x4000, $0x38;
	[tilespmem:$0x1E800] =	vst v63  }
0x8e: {  	s31 =	sadd.s32 $0x1, s31;
	_ =	swait.ge [sflag:s20], $0x4000  }
0x8f: {  	p0 =	sne.s32 s31, s18;
	[sflag:s20] =	ssyncset.done $0x0  }
.Ltmp1:
0x90: {  	[sflag:s20] =	ssyncadd.s32 $0xFFFFC000;
	(pc) =	sbr.rel @p0 .LBB2_1-.Ltmp1, $4  }
0x91: {  	[hbm4b:s17+s4] =	stream.linear.scatter [tilespmem:s19], [sflag:$0x5], $0x4000, $0x38;
	[tilespmem:$0x1E800] =	vst v63  }
0x92: {  	_ =	swait.ge [sflag:s20], $0x4000  }
0x93: {  	[sflag:s20] =	ssyncset.done $0x0  }
0x94: {  	[sflag:s20] =	ssyncadd.s32 $0xFFFFC000  }
0x95: {  	_ =	sfence.sel $0x180000  }
0x96: {  	[bflag:$0x0] =	sbarrier.arrive $0xFFFF  }
0x97: {  	_ =	strace $0x9000004A  }
0x98: {  	s0 =	stileid.u32;
	[bflag:$0x2] =	sbarrier.arrive $0xFFFF  }
0x99: {  	p0 =	sne.s32 s0, $0x0;
	s0 =	rddreg [dreg:$0x4]  }
0x9a: {  	s0 =	sadd.s32 @!p0 $0x100000, s0  }
0x9b: {  	[sflag:s0] =	ssyncadd.tile.s32 @!p0 $0x1;
	_ =	shalt  }
.Lfunc_end2:
_tile_overlayer_lowered:
.L_overlay_start_2:
0x9c: {  	(tag) =	ssettag $0x2  }
0x9d: {  	s0 =	rddreg [dreg:$0x0];
	s2 =	stileid.u32  }
0x9e: {  	s1 =	rddreg [dreg:$0x1];
	p0 =	sne.s32 s2, $0x0  }
0x9f: {  	s3 =	rddreg [dreg:$0x2];
	[bflag:$0x3] =	sbarrier.arrive $0xFFFF;
	s2 =	simm.s32 @!p0 $0x1C05  }
0xa0: {  	[timem:s3], [sflag:s2] =	dma.local @!p0 [hbm:s0], s1  }
0xa1: {  	s0 =	simm.s32 @!p0 $0x5  }
0xa2: {  	_ =	swait.ge @!p0 [sflag:s0], s1  }
0xa3: {  	s1 =	ssub.s32 @!p0 $0x0, s1;
	[sflag:s0] =	ssyncset.done @!p0 $0x0  }
0xa4: {  	[sflag:s0] =	ssyncadd.s32 @!p0 s1  }
0xa5: {  	[bflag:$0x3] =	sbarrier.arrive $0xFFFF  }
0xa6: {  	_ =	shalt  }

// kernel: kernel.15.cloned.1.call-start
scs
__scs_entry_jumppad:
0x0: {  	(pc) =	sbr.rel $0x88, $3  }
0x1: {  	(tag) =	ssettag $0x0;
	lr =	simm.s32 $0x1  }
0x2: {  	[smem:$0x3F8E] =	sst lr;
	_ =	strace $0xD0000000  }
0x3: {  	_ = 	snop  }
0x4: {  	_ = 	snop  }
0x5: {  	_ = 	snop  }
0x6: {  	_ = 	snop  }
0x7: {  	_ = 	snop  }
__scs_overlays_trampoline_lowered:
0x8: {  	[smem:$0x3F9D] =	sst s0  }
0x9: {  	[smem:$0x3F9E] =	sst s1  }
0xa: {  	[smem:$0x3F9F] =	sst s2  }
0xb: {  	[smem:$0x3FA0] =	sst s3  }
0xc: {  	[smem:$0x3FA1] =	sst s4  }
0xd: {  	[smem:$0x3FA2] =	sst s5  }
0xe: {  	[smem:$0x3FA3] =	sst s6  }
0xf: {  	[smem:$0x3FA4] =	sst s7  }
0x10: {  	[smem:$0x3FA5] =	sst s8  }
0x11: {  	[smem:$0x3FA6] =	sst s9;
	s0 =	simm.s32 @!p0 $0x0  }
0x12: {  	s1 =	sld [smem:$0x3F8C];
	s0 =	simm.s32 @p0 $0x1  }
0x13: {  	[smem:$0x3FA7] =	sst s0;
	s0 =	simm.s32 @!p1 $0x0  }
0x14: {  	s2 =	sld [smem:$0x3F8B];
	s0 =	simm.s32 @p1 $0x1  }
0x15: {  	[smem:$0x3FA8] =	sst s0;
	s0 =	simm.s32 @!p2 $0x0  }
0x16: {  	s3 =	sld [smem:$0x3FDB];
	s0 =	simm.s32 @p2 $0x1  }
0x17: {  	s4 =	simm.s32 $0x1BF5;
	[smem:$0x3FAA] =	sst s0  }
0x18: {  	s0 =	sld [smem:$0x3F8D];
	_ =	swait.ge [sflag:s4], $0x0  }
0x19: {  	s7 =	sld [smem:$0x3F8E]  }
0x1a: {  	s8 =	sadd.s32 $0xFFFFE003, lr  }
0x1b: {  	s9 =	sadd.s32 $0xFFFFFEF7, lr;
	s5 =	simm.s32 $0xFFFFFFFF;
	p2 =	slt.u32 s8, $0xFFFFF086  }
0x1c: {  	p1 =	slt.u32 s9, $0xF7A;
	s5 =	simm.s32 @!p2 $0x0  }
0x1d: {  	s5 =	simm.s32 @p1 $0x1;
	p0 =	seq.s32 s7, s2  }
0x1e: {  	s7 =	smul.u32 @!p0 $0xF7A, s2;
	p2 =	seq.s32 @!p0 s5, $0x0  }
0x1f: {  	s9 =	smul.u32 $0xF7A, s1;
	s8 =	simm.s32 @!p0 $0x1BF5;
	p2 =	por !p2, p0  }
0x20: {  	[sflag:s8] =	ssyncset.s32 @!p0 $0xFFFFF086;
	s6 =	sadd.s32 @!p0 s3, s7;
	s7 =	simm.s32 @!p0 $0x108  }
0x21: {  	s3 =	sadd.s32 s3, s9;
	s6 =	sadd.s32 @!p0 $0x88, s6;
	s7 =	simm.s32 @p2 $0x1082  }
0x22: {  	[simem:s7], [sflag:s8] =	dma.local @!p0 [hbm:s6], $0xF7A  }
0x23: {  	s9 =	sor.u32 $0xD0000000, s2;
	s6 =	simm.s32 $0x108;
	_ =	swait.ge @!p0 [sflag:s8], $0x0  }
0x24: {  	s3 =	sadd.s32 $0x88, s3;
	s6 =	simm.s32 @!p1 $0x1082;
	[sflag:s4] =	ssyncset.s32 $0xFFFFF086  }
0x25: {  	[simem:s6], [sflag:s4] =	dma.local [hbm:s3], $0xF7A  }
0x26: {  	[smem:$0x3F8E] =	sst s1;
	(tag) =	ssettag s2;
	_ =	strace s9  }
0x27: {  	s1 =	sld [smem:$0x3F9E]  }
0x28: {  	s2 =	sld [smem:$0x3F9F]  }
0x29: {  	s4 =	sld [smem:$0x3FA1]  }
0x2a: {  	p0 =	seq.s32 s5, $0x0;
	s5 =	sld [smem:$0x3FA2]  }
0x2b: {  	s6 =	sld [smem:$0x3FA3]  }
0x2c: {  	s7 =	sld [smem:$0x3FA4]  }
0x2d: {  	s3 =	simm.s32 $0x108;
	s8 =	sld [smem:$0x3FA5]  }
0x2e: {  	s3 =	simm.s32 @!p0 $0x1082;
	s9 =	sld [smem:$0x3FA6]  }
0x2f: {  	lr =	sadd.s32 s0, s3;
	s0 =	sld [smem:$0x3F9D]  }
0x30: {  	s3 =	sld [smem:$0x3FA0]  }
0x31: {  	[smem:$0x3FA9] =	sst s10  }
0x32: {  	s10 =	sld [smem:$0x3FA7];
	_ =	sdelay $0x3  }
0x33: {  	p0 =	seq.s32 s10, $0x1;
	s10 =	sld [smem:$0x3FA9];
	_ =	sdelay $0x3  }
0x34: {  	[smem:$0x3FA9] =	sst s10  }
0x35: {  	s10 =	sld [smem:$0x3FA8];
	_ =	sdelay $0x3  }
0x36: {  	p1 =	seq.s32 s10, $0x1;
	s10 =	sld [smem:$0x3FA9];
	_ =	sdelay $0x3  }
0x37: {  	[smem:$0x3FA9] =	sst s10  }
0x38: {  	s10 =	sld [smem:$0x3FAA]  }
0x39: {  	_ = 	snop;
	(pc) =	sbr.ind lr, $3  }
0x3a: {  	_ = 	snop  }
0x3b: {  	_ = 	snop  }
0x3c: {  	p2 =	seq.s32 s10, $0x1;
	s10 =	sld [smem:$0x3FA9]  }
0x3d: {  	_ =	shalt  }
0x3e: {  	_ =	shalt  }
0x3f: {  	_ =	shalt  }
0x40: {  	_ =	shalt  }
0x41: {  	_ =	shalt  }
0x42: {  	_ =	shalt  }
0x43: {  	_ =	shalt  }
0x44: {  	_ =	shalt  }
0x45: {  	_ =	shalt  }
0x46: {  	_ =	shalt  }
0x47: {  	_ =	shalt  }
0x48: {  	_ =	shalt  }
0x49: {  	_ =	shalt  }
0x4a: {  	_ =	shalt  }
0x4b: {  	_ =	shalt  }
0x4c: {  	_ =	shalt  }
0x4d: {  	_ =	shalt  }
0x4e: {  	_ =	shalt  }
0x4f: {  	_ =	shalt  }
0x50: {  	_ =	shalt  }
0x51: {  	_ =	shalt  }
0x52: {  	_ =	shalt  }
0x53: {  	_ =	shalt  }
0x54: {  	_ =	shalt  }
0x55: {  	_ =	shalt  }
0x56: {  	_ =	shalt  }
0x57: {  	_ =	shalt  }
0x58: {  	_ =	shalt  }
0x59: {  	_ =	shalt  }
0x5a: {  	_ =	shalt  }
0x5b: {  	_ =	shalt  }
0x5c: {  	_ =	shalt  }
0x5d: {  	_ =	shalt  }
0x5e: {  	_ =	shalt  }
0x5f: {  	_ =	shalt  }
0x60: {  	_ =	shalt  }
0x61: {  	_ =	shalt  }
0x62: {  	_ =	shalt  }
0x63: {  	_ =	shalt  }
0x64: {  	_ =	shalt  }
0x65: {  	_ =	shalt  }
0x66: {  	_ =	shalt  }
0x67: {  	_ =	shalt  }
0x68: {  	_ =	shalt  }
0x69: {  	_ =	shalt  }
0x6a: {  	_ =	shalt  }
0x6b: {  	_ =	shalt  }
0x6c: {  	_ =	shalt  }
0x6d: {  	_ =	shalt  }
0x6e: {  	_ =	shalt  }
0x6f: {  	_ =	shalt  }
0x70: {  	_ =	shalt  }
0x71: {  	_ =	shalt  }
0x72: {  	_ =	shalt  }
0x73: {  	_ =	shalt  }
0x74: {  	_ =	shalt  }
0x75: {  	_ =	shalt  }
0x76: {  	_ =	shalt  }
0x77: {  	_ =	shalt  }
0x78: {  	_ =	shalt  }
0x79: {  	_ =	shalt  }
0x7a: {  	_ =	shalt  }
0x7b: {  	_ =	shalt  }
0x7c: {  	_ =	shalt  }
0x7d: {  	_ =	shalt  }
0x7e: {  	_ =	shalt  }
0x7f: {  	_ =	shalt  }
0x80: {  	_ =	shalt  }
0x81: {  	_ =	shalt  }
0x82: {  	_ =	shalt  }
0x83: {  	_ =	shalt  }
0x84: {  	_ =	shalt  }
0x85: {  	_ =	shalt  }
0x86: {  	_ =	shalt  }
0x87: {  	_ =	shalt  }
.Lfunc_end0:
.L_simem_size_0:
called_computation.2_lowered:
.L_overlay_start_0:
0x88: {  	s2 =	sld [smem:$0x3FD9]  }
0x89: {  	s3 =	sld [smem:$0x3FFE];
	_ =	sdelay $0x1  }
0x8a: {  	s1 =	srdreg.scid  }
0x8b: {  	s0 =	sand.u32 $0x1, s1  }
0x8c: {  	s14 =	sshll.u32 s0, $0xA;
	s2 =	sadd.s32 s3, s2  }
0x8d: {  	s2 =	sadd.s32 s2, s14  }
0x8e: {  	[smem:$0x3FB5] =	sst s2  }
0x8f: {  	_ = 	snop  }
0x90: {  	s2 =	sld [smem:$0x3FD0];
	_ =	sdelay $0x2  }
0x91: {  	s15 =	simm.s32 $0xA;
	s4 =	simm.s32 $0x10  }
0x92: {  	[smem:s4], [sflag:s15] =	dma.local [hbm:s2], $0x1  }
0x93: {  	_ =	swait.eq [sflag:s15], $0x1  }
0x94: {  	[sflag:s15] =	ssyncset.done $0x0  }
0x95: {  	s16 =	sld [smem:$0x11];
	[sflag:s15] =	ssyncadd.s32 $0xFFFFFFFF  }
0x96: {  	s17 =	sld [smem:$0x12];
	(tm) =	ssettm $0x1  }
0x97: {  	s18 =	sld [smem:$0x3FFB];
	_ =	sdelay $0x3  }
0x98: {  	_ =	strace s18  }
0x99: {  	s4 =	sld [smem:$0x3FFC];
	_ =	sdelay $0x3  }
0x9a: {  	_ =	strace s4  }
0x9b: {  	s4 =	sld [smem:$0x3FFD];
	_ =	sdelay $0x3  }
0x9c: {  	_ =	strace s4  }
0x9d: {  	_ =	strace $0x8FFFFFFF  }
0x9e: {  	s19 =	sld [smem:$0x3FDB];
	_ =	sdelay $0x1  }
0x9f: {  	s5 =	simm.s32 $_scs_section_size  }
0xa0: {  	s6 =	simm.s32 $_size__tile_overlayer_lowered;
	s7 =	simm.s32 $_tile_overlayer_lowered  }
0xa1: {  	s22 =	simm.s32 $0x1BFF;
	s21 =	sshll.u32 s7, $0x1;
	s4 =	sadd.s32 s5, s19  }
0xa2: {  	s8 =	simm.s32 $0x0;
	s20 =	sshll.u32 s6, $0x1;
	s6 =	sadd.s32 s21, s4  }
0xa3: {  	[timem:s8], [sflag:s22] =	dma.local [hbm:s6], s20  }
0xa4: {  	_ =	swait.ge [sflag:s22], s20  }
0xa5: {  	s5 =	ssub.s32 $0x0, s20;
	[sflag:s22] =	ssyncset.done $0x0  }
0xa6: {  	[sflag:s22] =	ssyncadd.s32 s5;
	_ =	sdelay $0x1  }
0xa7: {  	s23 =	simm.s32 $0x1B8B  }
0xa8: {  	_ =	swait.ge [sflag:s23], $0x1  }
0xa9: {  	[sflag:s23] =	ssyncset.done $0x0  }
0xaa: {  	s25 =	simm.s32 $0x1B8E;
	s24 =	sld [smem:$0x3FFE];
	[sflag:s23] =	ssyncadd.s32 $0xFFFFFFFF  }
0xab: {  	s26 =	simm.s32 $execute0_lowered;
	[smem:$0x3FD2] =	sst s25  }
0xac: {  	s6 =	sshll.u32 s26, $0x1;
	_ =	strace $0x8000004C;
	[dreg:$0x1] =	wrdreg $0xFFFFFFFF  }
0xad: {  	s28 =	simm.s32 $_size_execute0_lowered;
	s4 =	sadd.s32 s4, s6;
	[dreg:$0x0] =	wrdreg $0x0  }
0xae: {  	s6 =	sshll.u32 s28, $0x1;
	[dreg:$0x2] =	wrdreg s4  }
0xaf: {  	[dreg:$0x3] =	wrdreg s6  }
0xb0: {  	[dreg:$0x4] =	wrdreg $0xC0  }
0xb1: {  	_ =	task [dreg:s8], $0x5FFFF  }
0xb2: {  	[dreg:$0x1] =	wrdreg $0xFFFFFFFF  }
0xb3: {  	[dreg:$0x0] =	wrdreg $0x60  }
0xb4: {  	[dreg:$0x2] =	wrdreg s24  }
0xb5: {  	[dreg:$0x3] =	wrdreg s17  }
0xb6: {  	[dreg:$0x4] =	wrdreg s16  }
0xb7: {  	[dreg:$0x5] =	wrdreg $0xA8000  }
0xb8: {  	[dreg:$0x6] =	wrdreg $0x9  }
0xb9: {  	_ =	task.clear_ibuf [dreg:s8], $0x7FFFF;
	_ =	strace $0x9000004C  }
0xba: {  	s29 =	simm.s32 $0x9;
	_ =	strace $0x8000004E  }
0xbb: {  	_ =	swait.ge [sflag:s29], $0x1  }
0xbc: {  	[sflag:s29] =	ssyncadd.s32 $0xFFFFFFFF  }
0xbd: {  	_ =	strace $0x9000004E  }
0xbe: {  	_ =	sfence  }
0xbf: {  	s30 =	sld [smem:$0x0];
	_ =	sdelay $0x2  }
0xc0: {  	s31 =	sshll.u32 s1, $0xD;
	s1 =	sshrl.u32 s1, $0x2  }
0xc1: {  	s3 =	sand.u32 $0x4000, s31;
	s1 =	sadd.s32 s1, s30  }
0xc2: {  	s0 =	sor.u32 s3, s0;
	s1 =	sshll.u32 s1, $0x11  }
0xc3: {  	s0 =	sor.u32 s1, s0  }
0xc4: {  	s0 =	sadd.s32 $0x8F2B, s0  }
0xc5: {  	[sflag:s0] =	ssyncadd.remote.s32 $0x1  }
0xc6: {  	_ =	sfence.sel $0xFFFF  }
0xc7: {  	[dreg:$0x0] =	wrdreg $0xFFFFFFFF;
	(pc) =	sbr.abs _section_cstart, $3  }
0xc8: {  	[dreg:$0x1] =	wrdreg $0xFFFFFFFF  }
0xc9: {  	_ =	task.clear_ibuf [dreg:s8], $0x2FFFF;
	_ =	strace $0x9FFFFFFF  }
0xca: {  	(tm) =	ssettm $0x7FFFFFFF  }
0xcb: {  	_ =	shalt  }
tec
execute0_lowered:
.L_overlay_start_1:
0x0: {  	(tag) =	ssettag $0x1  }
0x1: {  	s0 =	rddreg [dreg:$0x0]  }
0x2: {  	s1 =	rddreg [dreg:$0x2]  }
0x3: {  	s3 =	rddreg [dreg:$0x3]  }
0x4: {  	s2 =	stileid.u32;
	s5 =	srdreg.scid  }
0x5: {  	s4 =	simm.s32 $0x0;
	s20 =	simm.s32 $0x5;
	s21 =	simm.s32 $0x1400  }
0x6: {  	s22 =	simm.s32 $0x80;
	s23 =	simm.s32 $0x6800;
	s28 =	simm.s32 $0x4  }
0x7: {  	s29 =	simm.s32 $0x2700;
	s30 =	simm.s32 $0x2780;
	s6 =	smul.u32 $0x1400, s2  }
0x8: {  	s31 =	simm.s32 $0x0;
	s8 =	sand.u32 $0x1, s5;
	s24 =	smul.u32 $0x50000, s2  }
0x9: {  	[smem:$0x7FF] =	sst s4;
	s12 =	smul.u32 $0x14000, s2;
	p0 =	seq.s32 s8, $0x0  }
0xa: {  	_ =	strace $0x8000004D;
	s7 =	ssub.s32 $0x2, s8;
	s18 =	smul.u32 $0x140000, s8  }
0xb: {  	s5 =	sadd.s32 $0x14000, s6;
	s25 =	sshrl.u32 s7, $0x1;
	s14 =	sadd.s32 $0x4000, s12  }
0xc: {  	s15 =	sadd.s32 $0x8000, s12;
	s16 =	sadd.s32 $0xC000, s12;
	s17 =	sadd.s32 $0x10000, s12  }
0xd: {  	s5 =	smov.u32 @p0 s6;
	s6 =	sshrl.u32 s24, $0x2;
	s8 =	sadd.s32 s15, s3  }
0xe: {  	s9 =	sadd.s32 s16, s3;
	s10 =	sadd.s32 s17, s3;
	s19 =	sadd.s32 s12, s18  }
0xf: {  	s15 =	sadd.s32 s18, s15;
	s16 =	sadd.s32 s18, s16;
	s17 =	sadd.s32 s18, s17  }
0x10: {  	s24 =	simm.s32 $0x1;
	s5 =	sshrl.u32 s5, $0x3;
	s6 =	sadd.s32 s6, s3  }
0x11: {  	s26 =	sshrl.u32 s19, $0x3;
	s15 =	sshrl.u32 s15, $0x3;
	s16 =	sshrl.u32 s16, $0x3  }
0x12: {  	s17 =	sshrl.u32 s17, $0x3;
	s19 =	simm.s32 $0x2800;
	s13 =	sadd.s32 s5, s0  }
0x13: {  	s5 =	sadd.s32 $0xFA00, s0;
	s0 =	ssub.s32 s7, s25;
	s7 =	sadd.s32 s14, s3  }
0x14: {  	s14 =	sadd.s32 s18, s14;
	s15 =	sadd.s32 s1, s15;
	s16 =	sadd.s32 s1, s16  }
0x15: {  	s17 =	sadd.s32 s1, s17;
	s25 =	simm.s32 $0x2;
	s11 =	sadd.s32 $0xA200, s13  }
0x16: {  	s12 =	sadd.s32 $0x4200, s13;
	s14 =	sshrl.u32 s14, $0x3;
	s13 =	sadd.s32 s1, s26  }
0x17: {  	s18 =	smax.u32 s0, $0x1;
	s26 =	simm.s32 $0x3;
	s14 =	sadd.s32 s1, s14  }
.LBB2_1:
0x18: {  	s0 =	rddreg [dreg:$0x1]  }
0x19: {  	[tilespmem:s19], [sflag:$0x5] =	stream.linear.gather [hbm4b:s0+s4], $0x4000, $0x38;
	[tilespmem:$0x1E800] =	vst v63  }
0x1a: {  	_ =	swait.ge [sflag:s20], $0x4000  }
0x1b: {  	[sflag:s20] =	ssyncset.done $0x0  }
0x1c: {  	[sflag:s20] =	ssyncadd.s32 $0xFFFFC000  }
0x1d: {  	[spmem:s6] =	stream.linear.scatter [tilespmem:s19], [sflag:$0x5], $0x4000, $0x38;
	[tilespmem:$0x1E800] =	vst v63  }
0x1e: {  	_ =	swait.ge [sflag:s20], $0x4000  }
0x1f: {  	[sflag:s20] =	ssyncset.done $0x0  }
0x20: {  	[sflag:s20] =	ssyncadd.s32 $0xFFFFC000  }
0x21: {  	[spmem:s7] =	stream.linear.scatter [tilespmem:s19], [sflag:$0x5], $0x4000, $0x38;
	[tilespmem:$0x1E800] =	vst v63  }
0x22: {  	_ =	swait.ge [sflag:s20], $0x4000  }
0x23: {  	[sflag:s20] =	ssyncset.done $0x0  }
0x24: {  	[sflag:s20] =	ssyncadd.s32 $0xFFFFC000  }
0x25: {  	[spmem:s8] =	stream.linear.scatter [tilespmem:s19], [sflag:$0x5], $0x4000, $0x38;
	[tilespmem:$0x1E800] =	vst v63  }
0x26: {  	_ =	swait.ge [sflag:s20], $0x4000  }
0x27: {  	[sflag:s20] =	ssyncset.done $0x0  }
0x28: {  	[sflag:s20] =	ssyncadd.s32 $0xFFFFC000  }
0x29: {  	[spmem:s9] =	stream.linear.scatter [tilespmem:s19], [sflag:$0x5], $0x4000, $0x38;
	[tilespmem:$0x1E800] =	vst v63  }
0x2a: {  	_ =	swait.ge [sflag:s20], $0x4000  }
0x2b: {  	[sflag:s20] =	ssyncset.done $0x0  }
0x2c: {  	[sflag:s20] =	ssyncadd.s32 $0xFFFFC000  }
0x2d: {  	[spmem:s10] =	stream.linear.scatter [tilespmem:s19], [sflag:$0x5], $0x4000, $0x38;
	[tilespmem:$0x1E800] =	vst v63  }
0x2e: {  	_ =	swait.ge [sflag:s20], $0x4000  }
0x2f: {  	[sflag:s20] =	ssyncset.done $0x0  }
0x30: {  	[sflag:s20] =	ssyncadd.s32 $0xFFFFC000  }
0x31: {  	[tilespmem:s4], [sflag:$0x5] =	stream.linear.gather [hbm4b:s11+s4], $0x1400, $0x38;
	[tilespmem:$0x1E800] =	vst v63  }
0x32: {  	_ =	swait.ge [sflag:s20], $0x1400  }
0x33: {  	[sflag:s20] =	ssyncset.done $0x0  }
0x34: {  	[sflag:s20] =	ssyncadd.s32 $0xFFFFEC00  }
0x35: {  	[tilespmem:s21], [sflag:$0x5] =	stream.linear.gather [hbm4b:s12+s4], $0x1400, $0x38;
	[tilespmem:$0x1E800] =	vst v63  }
0x36: {  	_ =	swait.ge [sflag:s20], $0x1400  }
0x37: {  	[sflag:s20] =	ssyncset.done $0x0  }
0x38: {  	[sflag:s20] =	ssyncadd.s32 $0xFFFFEC00  }
0x39: {  	[bflag:$0x0] =	sbarrier.arrive $0xFFFF  }
0x3a: {  	[tilespmem:s19], [sflag:$0x1] =	stream.indirect.gather [hbm4b:s5+s22], $0x80, s4, s22, $0xb8;
	[tilespmem:$0x1E800] =	vst v63  }
0x3b: {  	_ = 	snop  }
0x3c: {  	[tilespmem:s23], [sflag:$0x2] =	stream.indirect.gather [hbm4b:s5+s22], $0x80, s22, s22, $0xb8;
	[tilespmem:$0x1E800] =	vst v63  }
0x3d: {  	_ =	swait.ge [sflag:s24], $0x4000  }
0x3e: {  	[sflag:s24] =	ssyncset.done $0x0  }
0x3f: {  	s2 =	simm.s32 $0x1400;
	[sflag:s24] =	ssyncadd.s32 $0xFFFFC000  }
0x40: {  	[spmem:s3] =	stream.indirect.scatter.add.f32 [tilespmem:s19], [sflag:$0x3], $0x80, s2, s22, $0xb8;
	[tilespmem:$0x1E800] =	vst v63  }
0x41: {  	_ =	swait.ge [sflag:s25], $0x4000  }
0x42: {  	[sflag:s25] =	ssyncset.done $0x0  }
0x43: {  	s1 =	simm.s32 $0x1480;
	[sflag:s25] =	ssyncadd.s32 $0xFFFFC000  }
0x44: {  	[spmem:s3] =	stream.indirect.scatter.add.f32 [tilespmem:s23], [sflag:$0x4], $0x80, s1, s22, $0xb8;
	[tilespmem:$0x1E800] =	vst v63  }
0x45: {  	_ =	swait.ge [sflag:s26], $0x4000  }
0x46: {  	[sflag:s26] =	ssyncset.done $0x0  }
0x47: {  	s2 =	simm.s32 $0x100;
	[sflag:s26] =	ssyncadd.s32 $0xFFFFC000  }
0x48: {  	[tilespmem:s19], [sflag:$0x1] =	stream.indirect.gather [hbm4b:s5+s22], $0x80, s2, s22, $0xb8;
	[tilespmem:$0x1E800] =	vst v63  }
0x49: {  	_ =	swait.ge [sflag:s28], $0x4000  }
0x4a: {  	[sflag:s28] =	ssyncset.done $0x0  }
0x4b: {  	s0 =	simm.s32 $0x180;
	s1 =	simm.s32 $0x400;
	[sflag:s28] =	ssyncadd.s32 $0xFFFFC000  }
.LBB2_2:
0x4c: {  	[tilespmem:s23], [sflag:$0x2] =	stream.indirect.gather [hbm4b:s5+s22], $0x80, s0, s22, $0xb8;
	[tilespmem:$0x1E800] =	vst v63  }
0x4d: {  	s0 =	smov.u32 s1  }
0x4e: {  	p0 =	sne.s32 s1, $0x4800;
	s1 =	sadd.s32 $0x400, s1;
	_ =	swait.ge [sflag:s24], $0x4000  }
0x4f: {  	s0 =	sshra.s32 s0, $0x2;
	[sflag:s24] =	ssyncset.done $0x0  }
0x50: {  	s2 =	sadd.s32 $0x1400, s0;
	[sflag:s24] =	ssyncadd.s32 $0xFFFFC000  }
0x51: {  	[spmem:s3] =	stream.indirect.scatter.add.f32 [tilespmem:s19], [sflag:$0x3], $0x80, s2, s22, $0xb8;
	[tilespmem:$0x1E800] =	vst v63  }
0x52: {  	_ =	swait.ge [sflag:s25], $0x4000  }
0x53: {  	[sflag:s25] =	ssyncset.done $0x0  }
0x54: {  	s2 =	sadd.s32 $0x1480, s0;
	[sflag:s25] =	ssyncadd.s32 $0xFFFFC000  }
0x55: {  	[spmem:s3] =	stream.indirect.scatter.add.f32 [tilespmem:s23], [sflag:$0x4], $0x80, s2, s22, $0xb8;
	[tilespmem:$0x1E800] =	vst v63  }
0x56: {  	_ =	swait.ge [sflag:s26], $0x4000  }
0x57: {  	[sflag:s26] =	ssyncset.done $0x0  }
.Ltmp0:
0x58: {  	s2 =	sadd.s32 $0x100, s0;
	[sflag:s26] =	ssyncadd.s32 $0xFFFFC000;
	(pc) =	sbr.rel @p0 .LBB2_2-.Ltmp0, $4  }
0x59: {  	[tilespmem:s19], [sflag:$0x1] =	stream.indirect.gather [hbm4b:s5+s22], $0x80, s2, s22, $0xb8;
	[tilespmem:$0x1E800] =	vst v63  }
0x5a: {  	_ =	swait.ge [sflag:s28], $0x4000  }
0x5b: {  	[sflag:s28] =	ssyncset.done $0x0  }
0x5c: {  	s0 =	sadd.s32 $0x180, s0;
	[sflag:s28] =	ssyncadd.s32 $0xFFFFC000  }
0x5d: {  	[tilespmem:s23], [sflag:$0x2] =	stream.indirect.gather [hbm4b:s5+s22], $0x80, s0, s22, $0xb8;
	[tilespmem:$0x1E800] =	vst v63  }
0x5e: {  	_ =	swait.ge [sflag:s24], $0x4000  }
0x5f: {  	[sflag:s24] =	ssyncset.done $0x0  }
0x60: {  	[sflag:s24] =	ssyncadd.s32 $0xFFFFC000  }
0x61: {  	[spmem:s3] =	stream.indirect.scatter.add.f32 [tilespmem:s19], [sflag:$0x3], $0x80, s29, s22, $0xb8;
	[tilespmem:$0x1E800] =	vst v63  }
0x62: {  	_ =	swait.ge [sflag:s25], $0x4000  }
0x63: {  	[sflag:s25] =	ssyncset.done $0x0  }
0x64: {  	[sflag:s25] =	ssyncadd.s32 $0xFFFFC000  }
0x65: {  	[spmem:s3] =	stream.indirect.scatter.add.f32 [tilespmem:s23], [sflag:$0x4], $0x80, s30, s22, $0xb8;
	[tilespmem:$0x1E800] =	vst v63  }
0x66: {  	_ =	swait.ge [sflag:s26], $0x4000  }
0x67: {  	[sflag:s26] =	ssyncset.done $0x0  }
0x68: {  	[sflag:s26] =	ssyncadd.s32 $0xFFFFC000  }
0x69: {  	_ =	swait.ge [sflag:s28], $0x4000  }
0x6a: {  	[sflag:s28] =	ssyncset.done $0x0  }
0x6b: {  	[sflag:s28] =	ssyncadd.s32 $0xFFFFC000  }
0x6c: {  	[bflag:$0x0] =	sbarrier.arrive $0xFFFF  }
0x6d: {  	[tilespmem:s19], [sflag:$0x5] =	stream.linear.gather [spmem:s6], $0x4000, $0x38;
	[tilespmem:$0x1E800] =	vst v63  }
0x6e: {  	_ =	swait.ge [sflag:s20], $0x4000  }
0x6f: {  	[sflag:s20] =	ssyncset.done $0x0  }
0x70: {  	[sflag:s20] =	ssyncadd.s32 $0xFFFFC000  }
0x71: {  	[hbm4b:s13+s4] =	stream.linear.scatter [tilespmem:s19], [sflag:$0x5], $0x4000, $0x38;
	[tilespmem:$0x1E800] =	vst v63  }
0x72: {  	_ =	swait.ge [sflag:s20], $0x4000  }
0x73: {  	[sflag:s20] =	ssyncset.done $0x0  }
0x74: {  	[sflag:s20] =	ssyncadd.s32 $0xFFFFC000  }
0x75: {  	[tilespmem:s19], [sflag:$0x5] =	stream.linear.gather [spmem:s7], $0x4000, $0x38;
	[tilespmem:$0x1E800] =	vst v63  }
0x76: {  	_ =	swait.ge [sflag:s20], $0x4000  }
0x77: {  	[sflag:s20] =	ssyncset.done $0x0  }
0x78: {  	[sflag:s20] =	ssyncadd.s32 $0xFFFFC000  }
0x79: {  	[hbm4b:s14+s4] =	stream.linear.scatter [tilespmem:s19], [sflag:$0x5], $0x4000, $0x38;
	[tilespmem:$0x1E800] =	vst v63  }
0x7a: {  	_ =	swait.ge [sflag:s20], $0x4000  }
0x7b: {  	[sflag:s20] =	ssyncset.done $0x0  }
0x7c: {  	[sflag:s20] =	ssyncadd.s32 $0xFFFFC000  }
0x7d: {  	[tilespmem:s19], [sflag:$0x5] =	stream.linear.gather [spmem:s8], $0x4000, $0x38;
	[tilespmem:$0x1E800] =	vst v63  }
0x7e: {  	_ =	swait.ge [sflag:s20], $0x4000  }
0x7f: {  	[sflag:s20] =	ssyncset.done $0x0  }
0x80: {  	[sflag:s20] =	ssyncadd.s32 $0xFFFFC000  }
0x81: {  	[hbm4b:s15+s4] =	stream.linear.scatter [tilespmem:s19], [sflag:$0x5], $0x4000, $0x38;
	[tilespmem:$0x1E800] =	vst v63  }
0x82: {  	_ =	swait.ge [sflag:s20], $0x4000  }
0x83: {  	[sflag:s20] =	ssyncset.done $0x0  }
0x84: {  	[sflag:s20] =	ssyncadd.s32 $0xFFFFC000  }
0x85: {  	[tilespmem:s19], [sflag:$0x5] =	stream.linear.gather [spmem:s9], $0x4000, $0x38;
	[tilespmem:$0x1E800] =	vst v63  }
0x86: {  	_ =	swait.ge [sflag:s20], $0x4000  }
0x87: {  	[sflag:s20] =	ssyncset.done $0x0  }
0x88: {  	[sflag:s20] =	ssyncadd.s32 $0xFFFFC000  }
0x89: {  	[hbm4b:s16+s4] =	stream.linear.scatter [tilespmem:s19], [sflag:$0x5], $0x4000, $0x38;
	[tilespmem:$0x1E800] =	vst v63  }
0x8a: {  	_ =	swait.ge [sflag:s20], $0x4000  }
0x8b: {  	[sflag:s20] =	ssyncset.done $0x0  }
0x8c: {  	[sflag:s20] =	ssyncadd.s32 $0xFFFFC000  }
0x8d: {  	[tilespmem:s19], [sflag:$0x5] =	stream.linear.gather [spmem:s10], $0x4000, $0x38;
	[tilespmem:$0x1E800] =	vst v63  }
0x8e: {  	s31 =	sadd.s32 $0x1, s31;
	_ =	swait.ge [sflag:s20], $0x4000  }
0x8f: {  	p0 =	sne.s32 s31, s18;
	[sflag:s20] =	ssyncset.done $0x0  }
.Ltmp1:
0x90: {  	[sflag:s20] =	ssyncadd.s32 $0xFFFFC000;
	(pc) =	sbr.rel @p0 .LBB2_1-.Ltmp1, $4  }
0x91: {  	[hbm4b:s17+s4] =	stream.linear.scatter [tilespmem:s19], [sflag:$0x5], $0x4000, $0x38;
	[tilespmem:$0x1E800] =	vst v63  }
0x92: {  	_ =	swait.ge [sflag:s20], $0x4000  }
0x93: {  	[sflag:s20] =	ssyncset.done $0x0  }
0x94: {  	[sflag:s20] =	ssyncadd.s32 $0xFFFFC000  }
0x95: {  	_ =	sfence.sel $0x180000  }
0x96: {  	[bflag:$0x0] =	sbarrier.arrive $0xFFFF  }
0x97: {  	_ =	strace $0x9000004D  }
0x98: {  	s0 =	stileid.u32;
	[bflag:$0x2] =	sbarrier.arrive $0xFFFF  }
0x99: {  	p0 =	sne.s32 s0, $0x0;
	s0 =	rddreg [dreg:$0x4]  }
0x9a: {  	s0 =	sadd.s32 @!p0 $0x100000, s0  }
0x9b: {  	[sflag:s0] =	ssyncadd.tile.s32 @!p0 $0x1;
	_ =	shalt  }
.Lfunc_end2:
_tile_overlayer_lowered:
.L_overlay_start_2:
0x9c: {  	(tag) =	ssettag $0x2  }
0x9d: {  	s0 =	rddreg [dreg:$0x0];
	s2 =	stileid.u32  }
0x9e: {  	s1 =	rddreg [dreg:$0x1];
	p0 =	sne.s32 s2, $0x0  }
0x9f: {  	s3 =	rddreg [dreg:$0x2];
	[bflag:$0x3] =	sbarrier.arrive $0xFFFF;
	s2 =	simm.s32 @!p0 $0x1C05  }
0xa0: {  	[timem:s3], [sflag:s2] =	dma.local @!p0 [hbm:s0], s1  }
0xa1: {  	s0 =	simm.s32 @!p0 $0x5  }
0xa2: {  	_ =	swait.ge @!p0 [sflag:s0], s1  }
0xa3: {  	s1 =	ssub.s32 @!p0 $0x0, s1;
	[sflag:s0] =	ssyncset.done @!p0 $0x0  }
0xa4: {  	[sflag:s0] =	ssyncadd.s32 @!p0 s1  }
0xa5: {  	[bflag:$0x3] =	sbarrier.arrive $0xFFFF  }
0xa6: {  	_ =	shalt  }

// kernel: kernel.9.cloned.1.call-start
scs
__scs_entry_jumppad:
0x0: {  	(pc) =	sbr.rel $0x88, $3  }
0x1: {  	(tag) =	ssettag $0x0;
	lr =	simm.s32 $0x1  }
0x2: {  	[smem:$0x3F8E] =	sst lr;
	_ =	strace $0xD0000000  }
0x3: {  	_ = 	snop  }
0x4: {  	_ = 	snop  }
0x5: {  	_ = 	snop  }
0x6: {  	_ = 	snop  }
0x7: {  	_ = 	snop  }
__scs_overlays_trampoline_lowered:
0x8: {  	[smem:$0x3F9D] =	sst s0  }
0x9: {  	[smem:$0x3F9E] =	sst s1  }
0xa: {  	[smem:$0x3F9F] =	sst s2  }
0xb: {  	[smem:$0x3FA0] =	sst s3  }
0xc: {  	[smem:$0x3FA1] =	sst s4  }
0xd: {  	[smem:$0x3FA2] =	sst s5  }
0xe: {  	[smem:$0x3FA3] =	sst s6  }
0xf: {  	[smem:$0x3FA4] =	sst s7  }
0x10: {  	[smem:$0x3FA5] =	sst s8  }
0x11: {  	[smem:$0x3FA6] =	sst s9;
	s0 =	simm.s32 @!p0 $0x0  }
0x12: {  	s1 =	sld [smem:$0x3F8C];
	s0 =	simm.s32 @p0 $0x1  }
0x13: {  	[smem:$0x3FA7] =	sst s0;
	s0 =	simm.s32 @!p1 $0x0  }
0x14: {  	s2 =	sld [smem:$0x3F8B];
	s0 =	simm.s32 @p1 $0x1  }
0x15: {  	[smem:$0x3FA8] =	sst s0;
	s0 =	simm.s32 @!p2 $0x0  }
0x16: {  	s3 =	sld [smem:$0x3FDB];
	s0 =	simm.s32 @p2 $0x1  }
0x17: {  	s4 =	simm.s32 $0x1BF5;
	[smem:$0x3FAA] =	sst s0  }
0x18: {  	s0 =	sld [smem:$0x3F8D];
	_ =	swait.ge [sflag:s4], $0x0  }
0x19: {  	s7 =	sld [smem:$0x3F8E]  }
0x1a: {  	s8 =	sadd.s32 $0xFFFFE003, lr  }
0x1b: {  	s9 =	sadd.s32 $0xFFFFFEF7, lr;
	s5 =	simm.s32 $0xFFFFFFFF;
	p2 =	slt.u32 s8, $0xFFFFF086  }
0x1c: {  	p1 =	slt.u32 s9, $0xF7A;
	s5 =	simm.s32 @!p2 $0x0  }
0x1d: {  	s5 =	simm.s32 @p1 $0x1;
	p0 =	seq.s32 s7, s2  }
0x1e: {  	s7 =	smul.u32 @!p0 $0xF7A, s2;
	p2 =	seq.s32 @!p0 s5, $0x0  }
0x1f: {  	s9 =	smul.u32 $0xF7A, s1;
	s8 =	simm.s32 @!p0 $0x1BF5;
	p2 =	por !p2, p0  }
0x20: {  	[sflag:s8] =	ssyncset.s32 @!p0 $0xFFFFF086;
	s6 =	sadd.s32 @!p0 s3, s7;
	s7 =	simm.s32 @!p0 $0x108  }
0x21: {  	s3 =	sadd.s32 s3, s9;
	s6 =	sadd.s32 @!p0 $0x88, s6;
	s7 =	simm.s32 @p2 $0x1082  }
0x22: {  	[simem:s7], [sflag:s8] =	dma.local @!p0 [hbm:s6], $0xF7A  }
0x23: {  	s9 =	sor.u32 $0xD0000000, s2;
	s6 =	simm.s32 $0x108;
	_ =	swait.ge @!p0 [sflag:s8], $0x0  }
0x24: {  	s3 =	sadd.s32 $0x88, s3;
	s6 =	simm.s32 @!p1 $0x1082;
	[sflag:s4] =	ssyncset.s32 $0xFFFFF086  }
0x25: {  	[simem:s6], [sflag:s4] =	dma.local [hbm:s3], $0xF7A  }
0x26: {  	[smem:$0x3F8E] =	sst s1;
	(tag) =	ssettag s2;
	_ =	strace s9  }
0x27: {  	s1 =	sld [smem:$0x3F9E]  }
0x28: {  	s2 =	sld [smem:$0x3F9F]  }
0x29: {  	s4 =	sld [smem:$0x3FA1]  }
0x2a: {  	p0 =	seq.s32 s5, $0x0;
	s5 =	sld [smem:$0x3FA2]  }
0x2b: {  	s6 =	sld [smem:$0x3FA3]  }
0x2c: {  	s7 =	sld [smem:$0x3FA4]  }
0x2d: {  	s3 =	simm.s32 $0x108;
	s8 =	sld [smem:$0x3FA5]  }
0x2e: {  	s3 =	simm.s32 @!p0 $0x1082;
	s9 =	sld [smem:$0x3FA6]  }
0x2f: {  	lr =	sadd.s32 s0, s3;
	s0 =	sld [smem:$0x3F9D]  }
0x30: {  	s3 =	sld [smem:$0x3FA0]  }
0x31: {  	[smem:$0x3FA9] =	sst s10  }
0x32: {  	s10 =	sld [smem:$0x3FA7];
	_ =	sdelay $0x3  }
0x33: {  	p0 =	seq.s32 s10, $0x1;
	s10 =	sld [smem:$0x3FA9];
	_ =	sdelay $0x3  }
0x34: {  	[smem:$0x3FA9] =	sst s10  }
0x35: {  	s10 =	sld [smem:$0x3FA8];
	_ =	sdelay $0x3  }
0x36: {  	p1 =	seq.s32 s10, $0x1;
	s10 =	sld [smem:$0x3FA9];
	_ =	sdelay $0x3  }
0x37: {  	[smem:$0x3FA9] =	sst s10  }
0x38: {  	s10 =	sld [smem:$0x3FAA]  }
0x39: {  	_ = 	snop;
	(pc) =	sbr.ind lr, $3  }
0x3a: {  	_ = 	snop  }
0x3b: {  	_ = 	snop  }
0x3c: {  	p2 =	seq.s32 s10, $0x1;
	s10 =	sld [smem:$0x3FA9]  }
0x3d: {  	_ =	shalt  }
0x3e: {  	_ =	shalt  }
0x3f: {  	_ =	shalt  }
0x40: {  	_ =	shalt  }
0x41: {  	_ =	shalt  }
0x42: {  	_ =	shalt  }
0x43: {  	_ =	shalt  }
0x44: {  	_ =	shalt  }
0x45: {  	_ =	shalt  }
0x46: {  	_ =	shalt  }
0x47: {  	_ =	shalt  }
0x48: {  	_ =	shalt  }
0x49: {  	_ =	shalt  }
0x4a: {  	_ =	shalt  }
0x4b: {  	_ =	shalt  }
0x4c: {  	_ =	shalt  }
0x4d: {  	_ =	shalt  }
0x4e: {  	_ =	shalt  }
0x4f: {  	_ =	shalt  }
0x50: {  	_ =	shalt  }
0x51: {  	_ =	shalt  }
0x52: {  	_ =	shalt  }
0x53: {  	_ =	shalt  }
0x54: {  	_ =	shalt  }
0x55: {  	_ =	shalt  }
0x56: {  	_ =	shalt  }
0x57: {  	_ =	shalt  }
0x58: {  	_ =	shalt  }
0x59: {  	_ =	shalt  }
0x5a: {  	_ =	shalt  }
0x5b: {  	_ =	shalt  }
0x5c: {  	_ =	shalt  }
0x5d: {  	_ =	shalt  }
0x5e: {  	_ =	shalt  }
0x5f: {  	_ =	shalt  }
0x60: {  	_ =	shalt  }
0x61: {  	_ =	shalt  }
0x62: {  	_ =	shalt  }
0x63: {  	_ =	shalt  }
0x64: {  	_ =	shalt  }
0x65: {  	_ =	shalt  }
0x66: {  	_ =	shalt  }
0x67: {  	_ =	shalt  }
0x68: {  	_ =	shalt  }
0x69: {  	_ =	shalt  }
0x6a: {  	_ =	shalt  }
0x6b: {  	_ =	shalt  }
0x6c: {  	_ =	shalt  }
0x6d: {  	_ =	shalt  }
0x6e: {  	_ =	shalt  }
0x6f: {  	_ =	shalt  }
0x70: {  	_ =	shalt  }
0x71: {  	_ =	shalt  }
0x72: {  	_ =	shalt  }
0x73: {  	_ =	shalt  }
0x74: {  	_ =	shalt  }
0x75: {  	_ =	shalt  }
0x76: {  	_ =	shalt  }
0x77: {  	_ =	shalt  }
0x78: {  	_ =	shalt  }
0x79: {  	_ =	shalt  }
0x7a: {  	_ =	shalt  }
0x7b: {  	_ =	shalt  }
0x7c: {  	_ =	shalt  }
0x7d: {  	_ =	shalt  }
0x7e: {  	_ =	shalt  }
0x7f: {  	_ =	shalt  }
0x80: {  	_ =	shalt  }
0x81: {  	_ =	shalt  }
0x82: {  	_ =	shalt  }
0x83: {  	_ =	shalt  }
0x84: {  	_ =	shalt  }
0x85: {  	_ =	shalt  }
0x86: {  	_ =	shalt  }
0x87: {  	_ =	shalt  }
.Lfunc_end0:
.L_simem_size_0:
called_computation_lowered:
.L_overlay_start_0:
0x88: {  	s2 =	sld [smem:$0x3FD9]  }
0x89: {  	s3 =	sld [smem:$0x3FFE];
	_ =	sdelay $0x1  }
0x8a: {  	s1 =	srdreg.scid  }
0x8b: {  	s0 =	sand.u32 $0x1, s1  }
0x8c: {  	s14 =	sshll.u32 s0, $0xA;
	s2 =	sadd.s32 s3, s2  }
0x8d: {  	s2 =	sadd.s32 s2, s14  }
0x8e: {  	[smem:$0x3FB5] =	sst s2  }
0x8f: {  	_ = 	snop  }
0x90: {  	s2 =	sld [smem:$0x3FD0];
	_ =	sdelay $0x2  }
0x91: {  	s15 =	simm.s32 $0xA;
	s4 =	simm.s32 $0x10  }
0x92: {  	[smem:s4], [sflag:s15] =	dma.local [hbm:s2], $0x1  }
0x93: {  	_ =	swait.eq [sflag:s15], $0x1  }
0x94: {  	[sflag:s15] =	ssyncset.done $0x0  }
0x95: {  	s16 =	sld [smem:$0x11];
	[sflag:s15] =	ssyncadd.s32 $0xFFFFFFFF  }
0x96: {  	s17 =	sld [smem:$0x12];
	(tm) =	ssettm $0x1  }
0x97: {  	s18 =	sld [smem:$0x3FFB];
	_ =	sdelay $0x3  }
0x98: {  	_ =	strace s18  }
0x99: {  	s4 =	sld [smem:$0x3FFC];
	_ =	sdelay $0x3  }
0x9a: {  	_ =	strace s4  }
0x9b: {  	s4 =	sld [smem:$0x3FFD];
	_ =	sdelay $0x3  }
0x9c: {  	_ =	strace s4  }
0x9d: {  	_ =	strace $0x8FFFFFFF  }
0x9e: {  	s19 =	sld [smem:$0x3FDB];
	_ =	sdelay $0x1  }
0x9f: {  	s5 =	simm.s32 $_scs_section_size  }
0xa0: {  	s6 =	simm.s32 $_size__tile_overlayer_lowered;
	s7 =	simm.s32 $_tile_overlayer_lowered  }
0xa1: {  	s22 =	simm.s32 $0x1BFF;
	s21 =	sshll.u32 s7, $0x1;
	s4 =	sadd.s32 s5, s19  }
0xa2: {  	s8 =	simm.s32 $0x0;
	s20 =	sshll.u32 s6, $0x1;
	s6 =	sadd.s32 s21, s4  }
0xa3: {  	[timem:s8], [sflag:s22] =	dma.local [hbm:s6], s20  }
0xa4: {  	_ =	swait.ge [sflag:s22], s20  }
0xa5: {  	s5 =	ssub.s32 $0x0, s20;
	[sflag:s22] =	ssyncset.done $0x0  }
0xa6: {  	[sflag:s22] =	ssyncadd.s32 s5;
	_ =	sdelay $0x1  }
0xa7: {  	s23 =	simm.s32 $0x1B8B  }
0xa8: {  	_ =	swait.ge [sflag:s23], $0x1  }
0xa9: {  	[sflag:s23] =	ssyncset.done $0x0  }
0xaa: {  	s25 =	simm.s32 $0x1B8E;
	s24 =	sld [smem:$0x3FFE];
	[sflag:s23] =	ssyncadd.s32 $0xFFFFFFFF  }
0xab: {  	s26 =	simm.s32 $execute0_lowered;
	[smem:$0x3FD2] =	sst s25  }
0xac: {  	s6 =	sshll.u32 s26, $0x1;
	_ =	strace $0x80000046;
	[dreg:$0x1] =	wrdreg $0xFFFFFFFF  }
0xad: {  	s28 =	simm.s32 $_size_execute0_lowered;
	s4 =	sadd.s32 s4, s6;
	[dreg:$0x0] =	wrdreg $0x0  }
0xae: {  	s6 =	sshll.u32 s28, $0x1;
	[dreg:$0x2] =	wrdreg s4  }
0xaf: {  	[dreg:$0x3] =	wrdreg s6  }
0xb0: {  	[dreg:$0x4] =	wrdreg $0xC0  }
0xb1: {  	_ =	task [dreg:s8], $0x5FFFF  }
0xb2: {  	[dreg:$0x1] =	wrdreg $0xFFFFFFFF  }
0xb3: {  	[dreg:$0x0] =	wrdreg $0x60  }
0xb4: {  	[dreg:$0x2] =	wrdreg s24  }
0xb5: {  	[dreg:$0x3] =	wrdreg s17  }
0xb6: {  	[dreg:$0x4] =	wrdreg s16  }
0xb7: {  	[dreg:$0x5] =	wrdreg $0x94000  }
0xb8: {  	[dreg:$0x6] =	wrdreg $0x9  }
0xb9: {  	_ =	task.clear_ibuf [dreg:s8], $0x7FFFF;
	_ =	strace $0x90000046  }
0xba: {  	s29 =	simm.s32 $0x9;
	_ =	strace $0x80000048  }
0xbb: {  	_ =	swait.ge [sflag:s29], $0x1  }
0xbc: {  	[sflag:s29] =	ssyncadd.s32 $0xFFFFFFFF  }
0xbd: {  	_ =	strace $0x90000048  }
0xbe: {  	_ =	sfence  }
0xbf: {  	s30 =	sld [smem:$0x0];
	_ =	sdelay $0x2  }
0xc0: {  	s31 =	sshll.u32 s1, $0xD;
	s1 =	sshrl.u32 s1, $0x2  }
0xc1: {  	s3 =	sand.u32 $0x4000, s31;
	s1 =	sadd.s32 s1, s30  }
0xc2: {  	s0 =	sor.u32 s3, s0;
	s1 =	sshll.u32 s1, $0x11  }
0xc3: {  	s0 =	sor.u32 s1, s0  }
0xc4: {  	s0 =	sadd.s32 $0x8F2B, s0  }
0xc5: {  	[sflag:s0] =	ssyncadd.remote.s32 $0x1  }
0xc6: {  	_ =	sfence.sel $0xFFFF  }
0xc7: {  	[dreg:$0x0] =	wrdreg $0xFFFFFFFF;
	(pc) =	sbr.abs _section_cstart, $3  }
0xc8: {  	[dreg:$0x1] =	wrdreg $0xFFFFFFFF  }
0xc9: {  	_ =	task.clear_ibuf [dreg:s8], $0x2FFFF;
	_ =	strace $0x9FFFFFFF  }
0xca: {  	(tm) =	ssettm $0x7FFFFFFF  }
0xcb: {  	_ =	shalt  }
tec
execute0_lowered:
.L_overlay_start_1:
0x0: {  	(tag) =	ssettag $0x1  }
0x1: {  	s0 =	rddreg [dreg:$0x0]  }
0x2: {  	s1 =	rddreg [dreg:$0x2]  }
0x3: {  	s3 =	rddreg [dreg:$0x3];
	s8 =	stileid.u32  }
0x4: {  	s2 =	srdreg.scid;
	s4 =	simm.s32 $0x0;
	s18 =	simm.s32 $0x5400  }
0x5: {  	s19 =	simm.s32 $0x2;
	s20 =	simm.s32 $0x1400;
	s21 =	simm.s32 $0x80  }
0x6: {  	s28 =	simm.s32 $0xF80;
	s29 =	simm.s32 $0x1000;
	s30 =	simm.s32 $0x1080  }
0x7: {  	s31 =	simm.s32 $0x1100;
	s22 =	simm.s32 $0x1300;
	s5 =	smul.u32 $0x1400, s8  }
0x8: {  	s23 =	simm.s32 $0x1380;
	s24 =	simm.s32 $0x1;
	s25 =	smul.u32 $0x50000, s8  }
0x9: {  	s2 =	sand.u32 $0x1, s2;
	[smem:$0x7FF] =	sst s4;
	s10 =	smul.u32 $0x14000, s8  }
0xa: {  	p0 =	seq.s32 s2, $0x0;
	_ =	strace $0x80000047;
	s7 =	ssub.s32 $0x2, s2  }
0xb: {  	s2 =	smul.u32 $0x140000, s2;
	s6 =	sadd.s32 $0x14000, s5;
	s26 =	sshrl.u32 s7, $0x1  }
0xc: {  	s12 =	sadd.s32 $0x4000, s10;
	s14 =	sadd.s32 $0x8000, s10;
	s15 =	sadd.s32 $0xC000, s10  }
0xd: {  	s16 =	sadd.s32 $0x10000, s10;
	s6 =	smov.u32 @p0 s5;
	s8 =	sadd.s32 s14, s3  }
0xe: {  	s9 =	sadd.s32 s15, s3;
	s13 =	sadd.s32 s10, s2;
	s10 =	sadd.s32 s16, s3  }
0xf: {  	s14 =	sadd.s32 s2, s14;
	s15 =	sadd.s32 s2, s15;
	s5 =	sshrl.u32 s6, $0x3  }
0x10: {  	s6 =	sshrl.u32 s25, $0x2;
	s13 =	sshrl.u32 s13, $0x3;
	s14 =	sshrl.u32 s14, $0x3  }
0x11: {  	s15 =	sshrl.u32 s15, $0x3;
	s25 =	simm.s32 $0x0;
	s11 =	sadd.s32 s5, s0  }
0x12: {  	s5 =	sadd.s32 $0x9A00, s0;
	s0 =	ssub.s32 s7, s26;
	s6 =	sadd.s32 s6, s3  }
0x13: {  	s7 =	sadd.s32 s12, s3;
	s12 =	sadd.s32 s2, s12;
	s2 =	sadd.s32 s2, s16  }
0x14: {  	s14 =	sadd.s32 s1, s14;
	s15 =	sadd.s32 s1, s15;
	s17 =	sshrl.u32 s12, $0x3  }
0x15: {  	s11 =	sadd.s32 $0x4200, s11;
	s12 =	sadd.s32 s1, s13;
	s2 =	sshrl.u32 s2, $0x3  }
0x16: {  	s13 =	sadd.s32 s1, s17;
	s16 =	sadd.s32 s1, s2;
	s17 =	smax.u32 s0, $0x1  }
0x17: {  	s1 =	simm.s32 $0x1180;
	s0 =	simm.s32 $0x1200;
	s2 =	simm.s32 $0x1280  }
.LBB2_1:
0x18: {  	s26 =	rddreg [dreg:$0x1]  }
0x19: {  	[tilespmem:s18], [sflag:$0x2] =	stream.linear.gather [hbm4b:s26+s4], $0x4000, $0x38;
	[tilespmem:$0x1D400] =	vst v63  }
0x1a: {  	_ =	swait.ge [sflag:s19], $0x4000  }
0x1b: {  	[sflag:s19] =	ssyncset.done $0x0  }
0x1c: {  	[sflag:s19] =	ssyncadd.s32 $0xFFFFC000  }
0x1d: {  	[spmem:s6] =	stream.linear.scatter [tilespmem:s18], [sflag:$0x2], $0x4000, $0x38;
	[tilespmem:$0x1D400] =	vst v63  }
0x1e: {  	_ =	swait.ge [sflag:s19], $0x4000  }
0x1f: {  	[sflag:s19] =	ssyncset.done $0x0  }
0x20: {  	[sflag:s19] =	ssyncadd.s32 $0xFFFFC000  }
0x21: {  	[spmem:s7] =	stream.linear.scatter [tilespmem:s18], [sflag:$0x2], $0x4000, $0x38;
	[tilespmem:$0x1D400] =	vst v63  }
0x22: {  	_ =	swait.ge [sflag:s19], $0x4000  }
0x23: {  	[sflag:s19] =	ssyncset.done $0x0  }
0x24: {  	[sflag:s19] =	ssyncadd.s32 $0xFFFFC000  }
0x25: {  	[spmem:s8] =	stream.linear.scatter [tilespmem:s18], [sflag:$0x2], $0x4000, $0x38;
	[tilespmem:$0x1D400] =	vst v63  }
0x26: {  	_ =	swait.ge [sflag:s19], $0x4000  }
0x27: {  	[sflag:s19] =	ssyncset.done $0x0  }
0x28: {  	[sflag:s19] =	ssyncadd.s32 $0xFFFFC000  }
0x29: {  	[spmem:s9] =	stream.linear.scatter [tilespmem:s18], [sflag:$0x2], $0x4000, $0x38;
	[tilespmem:$0x1D400] =	vst v63  }
0x2a: {  	_ =	swait.ge [sflag:s19], $0x4000  }
0x2b: {  	[sflag:s19] =	ssyncset.done $0x0  }
0x2c: {  	[sflag:s19] =	ssyncadd.s32 $0xFFFFC000  }
0x2d: {  	[spmem:s10] =	stream.linear.scatter [tilespmem:s18], [sflag:$0x2], $0x4000, $0x38;
	[tilespmem:$0x1D400] =	vst v63  }
0x2e: {  	_ =	swait.ge [sflag:s19], $0x4000  }
0x2f: {  	[sflag:s19] =	ssyncset.done $0x0  }
0x30: {  	[sflag:s19] =	ssyncadd.s32 $0xFFFFC000  }
0x31: {  	[tilespmem:s4], [sflag:$0x2] =	stream.linear.gather [hbm4b:s11+s4], $0x1400, $0x38;
	[tilespmem:$0x1D400] =	vst v63  }
0x32: {  	_ =	swait.ge [sflag:s19], $0x1400  }
0x33: {  	[sflag:s19] =	ssyncset.done $0x0  }
0x34: {  	[sflag:s19] =	ssyncadd.s32 $0xFFFFEC00  }
0x35: {  	[tilespmem:s20], [sflag:$0x2] =	stream.linear.gather [hbm4b:s5+s4], $0x4000, $0x38;
	[tilespmem:$0x1D400] =	vst v63  }
0x36: {  	_ =	swait.ge [sflag:s19], $0x4000  }
0x37: {  	[sflag:s19] =	ssyncset.done $0x0  }
0x38: {  	[sflag:s19] =	ssyncadd.s32 $0xFFFFC000  }
0x39: {  	[bflag:$0x0] =	sbarrier.arrive $0xFFFF  }
0x3a: {  	[spmem:s3] =	stream.indirect.scatter.add.f32 [tilespmem:s20], [sflag:$0x1], $0x80, s4, s21, $0xb8;
	[tilespmem:$0x1D400] =	vst v63  }
0x3b: {  	_ = 	snop  }
0x3c: {  	[spmem:s3] =	stream.indirect.scatter.add.f32 [tilespmem:s20], [sflag:$0x1], $0x80, s21, s21, $0xb8;
	[tilespmem:$0x1D400] =	vst v63  }
0x3d: {  	s26 =	simm.s32 $0x100  }
0x3e: {  	[spmem:s3] =	stream.indirect.scatter.add.f32 [tilespmem:s20], [sflag:$0x1], $0x80, s26, s21, $0xb8;
	[tilespmem:$0x1D400] =	vst v63  }
0x3f: {  	s26 =	simm.s32 $0x180  }
0x40: {  	[spmem:s3] =	stream.indirect.scatter.add.f32 [tilespmem:s20], [sflag:$0x1], $0x80, s26, s21, $0xb8;
	[tilespmem:$0x1D400] =	vst v63  }
0x41: {  	s26 =	simm.s32 $0x200  }
0x42: {  	[spmem:s3] =	stream.indirect.scatter.add.f32 [tilespmem:s20], [sflag:$0x1], $0x80, s26, s21, $0xb8;
	[tilespmem:$0x1D400] =	vst v63  }
0x43: {  	s26 =	simm.s32 $0x280  }
0x44: {  	[spmem:s3] =	stream.indirect.scatter.add.f32 [tilespmem:s20], [sflag:$0x1], $0x80, s26, s21, $0xb8;
	[tilespmem:$0x1D400] =	vst v63  }
0x45: {  	s26 =	simm.s32 $0x300  }
0x46: {  	[spmem:s3] =	stream.indirect.scatter.add.f32 [tilespmem:s20], [sflag:$0x1], $0x80, s26, s21, $0xb8;
	[tilespmem:$0x1D400] =	vst v63  }
0x47: {  	s26 =	simm.s32 $0x380  }
0x48: {  	[spmem:s3] =	stream.indirect.scatter.add.f32 [tilespmem:s20], [sflag:$0x1], $0x80, s26, s21, $0xb8;
	[tilespmem:$0x1D400] =	vst v63  }
0x49: {  	s26 =	simm.s32 $0x400  }
0x4a: {  	[spmem:s3] =	stream.indirect.scatter.add.f32 [tilespmem:s20], [sflag:$0x1], $0x80, s26, s21, $0xb8;
	[tilespmem:$0x1D400] =	vst v63  }
0x4b: {  	s26 =	simm.s32 $0x480  }
0x4c: {  	[spmem:s3] =	stream.indirect.scatter.add.f32 [tilespmem:s20], [sflag:$0x1], $0x80, s26, s21, $0xb8;
	[tilespmem:$0x1D400] =	vst v63  }
0x4d: {  	s26 =	simm.s32 $0x500  }
0x4e: {  	[spmem:s3] =	stream.indirect.scatter.add.f32 [tilespmem:s20], [sflag:$0x1], $0x80, s26, s21, $0xb8;
	[tilespmem:$0x1D400] =	vst v63  }
0x4f: {  	s26 =	simm.s32 $0x580  }
0x50: {  	[spmem:s3] =	stream.indirect.scatter.add.f32 [tilespmem:s20], [sflag:$0x1], $0x80, s26, s21, $0xb8;
	[tilespmem:$0x1D400] =	vst v63  }
0x51: {  	s26 =	simm.s32 $0x600  }
0x52: {  	[spmem:s3] =	stream.indirect.scatter.add.f32 [tilespmem:s20], [sflag:$0x1], $0x80, s26, s21, $0xb8;
	[tilespmem:$0x1D400] =	vst v63  }
0x53: {  	s26 =	simm.s32 $0x680  }
0x54: {  	[spmem:s3] =	stream.indirect.scatter.add.f32 [tilespmem:s20], [sflag:$0x1], $0x80, s26, s21, $0xb8;
	[tilespmem:$0x1D400] =	vst v63  }
0x55: {  	s26 =	simm.s32 $0x700  }
0x56: {  	[spmem:s3] =	stream.indirect.scatter.add.f32 [tilespmem:s20], [sflag:$0x1], $0x80, s26, s21, $0xb8;
	[tilespmem:$0x1D400] =	vst v63  }
0x57: {  	s26 =	simm.s32 $0x780  }
0x58: {  	[spmem:s3] =	stream.indirect.scatter.add.f32 [tilespmem:s20], [sflag:$0x1], $0x80, s26, s21, $0xb8;
	[tilespmem:$0x1D400] =	vst v63  }
0x59: {  	s26 =	simm.s32 $0x800  }
0x5a: {  	[spmem:s3] =	stream.indirect.scatter.add.f32 [tilespmem:s20], [sflag:$0x1], $0x80, s26, s21, $0xb8;
	[tilespmem:$0x1D400] =	vst v63  }
0x5b: {  	s26 =	simm.s32 $0x880  }
0x5c: {  	[spmem:s3] =	stream.indirect.scatter.add.f32 [tilespmem:s20], [sflag:$0x1], $0x80, s26, s21, $0xb8;
	[tilespmem:$0x1D400] =	vst v63  }
0x5d: {  	s26 =	simm.s32 $0x900  }
0x5e: {  	[spmem:s3] =	stream.indirect.scatter.add.f32 [tilespmem:s20], [sflag:$0x1], $0x80, s26, s21, $0xb8;
	[tilespmem:$0x1D400] =	vst v63  }
0x5f: {  	s26 =	simm.s32 $0x980  }
0x60: {  	[spmem:s3] =	stream.indirect.scatter.add.f32 [tilespmem:s20], [sflag:$0x1], $0x80, s26, s21, $0xb8;
	[tilespmem:$0x1D400] =	vst v63  }
0x61: {  	s26 =	simm.s32 $0xA00  }
0x62: {  	[spmem:s3] =	stream.indirect.scatter.add.f32 [tilespmem:s20], [sflag:$0x1], $0x80, s26, s21, $0xb8;
	[tilespmem:$0x1D400] =	vst v63  }
0x63: {  	s26 =	simm.s32 $0xA80  }
0x64: {  	[spmem:s3] =	stream.indirect.scatter.add.f32 [tilespmem:s20], [sflag:$0x1], $0x80, s26, s21, $0xb8;
	[tilespmem:$0x1D400] =	vst v63  }
0x65: {  	s26 =	simm.s32 $0xB00  }
0x66: {  	[spmem:s3] =	stream.indirect.scatter.add.f32 [tilespmem:s20], [sflag:$0x1], $0x80, s26, s21, $0xb8;
	[tilespmem:$0x1D400] =	vst v63  }
0x67: {  	s26 =	simm.s32 $0xB80  }
0x68: {  	[spmem:s3] =	stream.indirect.scatter.add.f32 [tilespmem:s20], [sflag:$0x1], $0x80, s26, s21, $0xb8;
	[tilespmem:$0x1D400] =	vst v63  }
0x69: {  	s26 =	simm.s32 $0xC00  }
0x6a: {  	[spmem:s3] =	stream.indirect.scatter.add.f32 [tilespmem:s20], [sflag:$0x1], $0x80, s26, s21, $0xb8;
	[tilespmem:$0x1D400] =	vst v63  }
0x6b: {  	s26 =	simm.s32 $0xC80  }
0x6c: {  	[spmem:s3] =	stream.indirect.scatter.add.f32 [tilespmem:s20], [sflag:$0x1], $0x80, s26, s21, $0xb8;
	[tilespmem:$0x1D400] =	vst v63  }
0x6d: {  	s26 =	simm.s32 $0xD00  }
0x6e: {  	[spmem:s3] =	stream.indirect.scatter.add.f32 [tilespmem:s20], [sflag:$0x1], $0x80, s26, s21, $0xb8;
	[tilespmem:$0x1D400] =	vst v63  }
0x6f: {  	s26 =	simm.s32 $0xD80  }
0x70: {  	[spmem:s3] =	stream.indirect.scatter.add.f32 [tilespmem:s20], [sflag:$0x1], $0x80, s26, s21, $0xb8;
	[tilespmem:$0x1D400] =	vst v63  }
0x71: {  	s26 =	simm.s32 $0xE00  }
0x72: {  	[spmem:s3] =	stream.indirect.scatter.add.f32 [tilespmem:s20], [sflag:$0x1], $0x80, s26, s21, $0xb8;
	[tilespmem:$0x1D400] =	vst v63  }
0x73: {  	s26 =	simm.s32 $0xE80  }
0x74: {  	[spmem:s3] =	stream.indirect.scatter.add.f32 [tilespmem:s20], [sflag:$0x1], $0x80, s26, s21, $0xb8;
	[tilespmem:$0x1D400] =	vst v63  }
0x75: {  	s26 =	simm.s32 $0xF00  }
0x76: {  	[spmem:s3] =	stream.indirect.scatter.add.f32 [tilespmem:s20], [sflag:$0x1], $0x80, s26, s21, $0xb8;
	[tilespmem:$0x1D400] =	vst v63  }
0x77: {  	_ = 	snop  }
0x78: {  	[spmem:s3] =	stream.indirect.scatter.add.f32 [tilespmem:s20], [sflag:$0x1], $0x80, s28, s21, $0xb8;
	[tilespmem:$0x1D400] =	vst v63  }
0x79: {  	_ = 	snop  }
0x7a: {  	[spmem:s3] =	stream.indirect.scatter.add.f32 [tilespmem:s20], [sflag:$0x1], $0x80, s29, s21, $0xb8;
	[tilespmem:$0x1D400] =	vst v63  }
0x7b: {  	_ = 	snop  }
0x7c: {  	[spmem:s3] =	stream.indirect.scatter.add.f32 [tilespmem:s20], [sflag:$0x1], $0x80, s30, s21, $0xb8;
	[tilespmem:$0x1D400] =	vst v63  }
0x7d: {  	_ = 	snop  }
0x7e: {  	[spmem:s3] =	stream.indirect.scatter.add.f32 [tilespmem:s20], [sflag:$0x1], $0x80, s31, s21, $0xb8;
	[tilespmem:$0x1D400] =	vst v63  }
0x7f: {  	_ = 	snop  }
0x80: {  	[spmem:s3] =	stream.indirect.scatter.add.f32 [tilespmem:s20], [sflag:$0x1], $0x80, s1, s21, $0xb8;
	[tilespmem:$0x1D400] =	vst v63  }
0x81: {  	_ = 	snop  }
0x82: {  	[spmem:s3] =	stream.indirect.scatter.add.f32 [tilespmem:s20], [sflag:$0x1], $0x80, s0, s21, $0xb8;
	[tilespmem:$0x1D400] =	vst v63  }
0x83: {  	_ = 	snop  }
0x84: {  	[spmem:s3] =	stream.indirect.scatter.add.f32 [tilespmem:s20], [sflag:$0x1], $0x80, s2, s21, $0xb8;
	[tilespmem:$0x1D400] =	vst v63  }
0x85: {  	_ = 	snop  }
0x86: {  	[spmem:s3] =	stream.indirect.scatter.add.f32 [tilespmem:s20], [sflag:$0x1], $0x80, s22, s21, $0xb8;
	[tilespmem:$0x1D400] =	vst v63  }
0x87: {  	_ = 	snop  }
0x88: {  	[spmem:s3] =	stream.indirect.scatter.add.f32 [tilespmem:s20], [sflag:$0x1], $0x80, s23, s21, $0xb8;
	[tilespmem:$0x1D400] =	vst v63  }
0x89: {  	_ =	swait.ge [sflag:s24], $0x4000  }
0x8a: {  	s26 =	simm.s32 $0x27;
	[sflag:s24] =	ssyncset.done $0x0  }
.LBB2_2:
0x8b: {  	p0 =	sne.s32 s26, $0x1;
	s26 =	sadd.s32 $0xFFFFFFFF, s26;
	[sflag:s24] =	ssyncadd.s32 $0xFFFFC000  }
.Ltmp0:
0x8c: {  	(pc) =	sbr.rel @p0 .LBB2_2-.Ltmp0, $3  }
0x8d: {  	_ =	sdelay $0x1  }
0x8e: {  	_ =	swait.ge [sflag:s24], $0x4000  }
0x8f: {  	[sflag:s24] =	ssyncset.done $0x0  }
0x90: {  	[sflag:s24] =	ssyncadd.s32 $0xFFFFC000  }
0x91: {  	[bflag:$0x0] =	sbarrier.arrive $0xFFFF  }
0x92: {  	[tilespmem:s18], [sflag:$0x2] =	stream.linear.gather [spmem:s6], $0x4000, $0x38;
	[tilespmem:$0x1D400] =	vst v63  }
0x93: {  	_ =	swait.ge [sflag:s19], $0x4000  }
0x94: {  	[sflag:s19] =	ssyncset.done $0x0  }
0x95: {  	[sflag:s19] =	ssyncadd.s32 $0xFFFFC000  }
0x96: {  	[hbm4b:s12+s4] =	stream.linear.scatter [tilespmem:s18], [sflag:$0x2], $0x4000, $0x38;
	[tilespmem:$0x1D400] =	vst v63  }
0x97: {  	_ =	swait.ge [sflag:s19], $0x4000  }
0x98: {  	[sflag:s19] =	ssyncset.done $0x0  }
0x99: {  	[sflag:s19] =	ssyncadd.s32 $0xFFFFC000  }
0x9a: {  	[tilespmem:s18], [sflag:$0x2] =	stream.linear.gather [spmem:s7], $0x4000, $0x38;
	[tilespmem:$0x1D400] =	vst v63  }
0x9b: {  	_ =	swait.ge [sflag:s19], $0x4000  }
0x9c: {  	[sflag:s19] =	ssyncset.done $0x0  }
0x9d: {  	[sflag:s19] =	ssyncadd.s32 $0xFFFFC000  }
0x9e: {  	[hbm4b:s13+s4] =	stream.linear.scatter [tilespmem:s18], [sflag:$0x2], $0x4000, $0x38;
	[tilespmem:$0x1D400] =	vst v63  }
0x9f: {  	_ =	swait.ge [sflag:s19], $0x4000  }
0xa0: {  	[sflag:s19] =	ssyncset.done $0x0  }
0xa1: {  	[sflag:s19] =	ssyncadd.s32 $0xFFFFC000  }
0xa2: {  	[tilespmem:s18], [sflag:$0x2] =	stream.linear.gather [spmem:s8], $0x4000, $0x38;
	[tilespmem:$0x1D400] =	vst v63  }
0xa3: {  	_ =	swait.ge [sflag:s19], $0x4000  }
0xa4: {  	[sflag:s19] =	ssyncset.done $0x0  }
0xa5: {  	[sflag:s19] =	ssyncadd.s32 $0xFFFFC000  }
0xa6: {  	[hbm4b:s14+s4] =	stream.linear.scatter [tilespmem:s18], [sflag:$0x2], $0x4000, $0x38;
	[tilespmem:$0x1D400] =	vst v63  }
0xa7: {  	_ =	swait.ge [sflag:s19], $0x4000  }
0xa8: {  	[sflag:s19] =	ssyncset.done $0x0  }
0xa9: {  	[sflag:s19] =	ssyncadd.s32 $0xFFFFC000  }
0xaa: {  	[tilespmem:s18], [sflag:$0x2] =	stream.linear.gather [spmem:s9], $0x4000, $0x38;
	[tilespmem:$0x1D400] =	vst v63  }
0xab: {  	_ =	swait.ge [sflag:s19], $0x4000  }
0xac: {  	[sflag:s19] =	ssyncset.done $0x0  }
0xad: {  	[sflag:s19] =	ssyncadd.s32 $0xFFFFC000  }
0xae: {  	[hbm4b:s15+s4] =	stream.linear.scatter [tilespmem:s18], [sflag:$0x2], $0x4000, $0x38;
	[tilespmem:$0x1D400] =	vst v63  }
0xaf: {  	_ =	swait.ge [sflag:s19], $0x4000  }
0xb0: {  	[sflag:s19] =	ssyncset.done $0x0  }
0xb1: {  	[sflag:s19] =	ssyncadd.s32 $0xFFFFC000  }
0xb2: {  	[tilespmem:s18], [sflag:$0x2] =	stream.linear.gather [spmem:s10], $0x4000, $0x38;
	[tilespmem:$0x1D400] =	vst v63  }
0xb3: {  	s25 =	sadd.s32 $0x1, s25;
	_ =	swait.ge [sflag:s19], $0x4000  }
0xb4: {  	p0 =	sne.s32 s25, s17;
	[sflag:s19] =	ssyncset.done $0x0  }
.Ltmp1:
0xb5: {  	[sflag:s19] =	ssyncadd.s32 $0xFFFFC000;
	(pc) =	sbr.rel @p0 .LBB2_1-.Ltmp1, $4  }
0xb6: {  	[hbm4b:s16+s4] =	stream.linear.scatter [tilespmem:s18], [sflag:$0x2], $0x4000, $0x38;
	[tilespmem:$0x1D400] =	vst v63  }
0xb7: {  	_ =	swait.ge [sflag:s19], $0x4000  }
0xb8: {  	[sflag:s19] =	ssyncset.done $0x0  }
0xb9: {  	[sflag:s19] =	ssyncadd.s32 $0xFFFFC000  }
0xba: {  	_ =	sfence.sel $0x180000  }
0xbb: {  	[bflag:$0x0] =	sbarrier.arrive $0xFFFF  }
0xbc: {  	_ =	strace $0x90000047  }
0xbd: {  	s0 =	stileid.u32;
	[bflag:$0x2] =	sbarrier.arrive $0xFFFF  }
0xbe: {  	p0 =	sne.s32 s0, $0x0;
	s0 =	rddreg [dreg:$0x4]  }
0xbf: {  	s0 =	sadd.s32 @!p0 $0x100000, s0  }
0xc0: {  	[sflag:s0] =	ssyncadd.tile.s32 @!p0 $0x1;
	_ =	shalt  }
.Lfunc_end2:
_tile_overlayer_lowered:
.L_overlay_start_2:
0xc1: {  	(tag) =	ssettag $0x2  }
0xc2: {  	s0 =	rddreg [dreg:$0x0];
	s2 =	stileid.u32  }
0xc3: {  	s1 =	rddreg [dreg:$0x1];
	p0 =	sne.s32 s2, $0x0  }
0xc4: {  	s3 =	rddreg [dreg:$0x2];
	[bflag:$0x3] =	sbarrier.arrive $0xFFFF;
	s2 =	simm.s32 @!p0 $0x1C02  }
0xc5: {  	[timem:s3], [sflag:s2] =	dma.local @!p0 [hbm:s0], s1  }
0xc6: {  	s0 =	simm.s32 @!p0 $0x2  }
0xc7: {  	_ =	swait.ge @!p0 [sflag:s0], s1  }
0xc8: {  	s1 =	ssub.s32 @!p0 $0x0, s1;
	[sflag:s0] =	ssyncset.done @!p0 $0x0  }
0xc9: {  	[sflag:s0] =	ssyncadd.s32 @!p0 s1  }
0xca: {  	[bflag:$0x3] =	sbarrier.arrive $0xFFFF  }
0xcb: {  	_ =	shalt  }

</sc_bundles>
